<compile_context>
chip_gen: v7x
topology: tpu7x:2x2x1
jax: 0.10.2.dev20260603
libtpu: 0.0.44.dev20260713+nightly
codegen_flags: <defaults>
</compile_context>

<pallas_src>
import jax
import jax.numpy as jnp
from jax import lax
from jax.experimental import pallas as pl
from jax.experimental.pallas import tpu as pltpu
from jax.experimental.pallas import tpu_sc as plsc

B = 4096
D = 64
S = 200
LANES = 16
NC, NS = 2, 16
NW = NC * NS
BPW = B // NW
NBLK = (S + LANES - 1) // LANES
C0, C1 = 104, 96
NBUF = 4


def _body(input_hbm, shorty_hbm, table_hbm, out_hbm,
          idx_v, in_v, rows0, rows1, rows2, rows3, out_v,
          sem0, sem1, sem2, sem3):
    wid = lax.axis_index("c") * NS + lax.axis_index("s")
    bufs = (rows0, rows1, rows2, rows3)
    sems = (sem0, sem1, sem2, sem3)

    pltpu.sync_copy(shorty_hbm.at[wid], idx_v)
    pltpu.sync_copy(input_hbm.at[wid], in_v)

    def start_gather(i, rows, sem):
        pltpu.async_copy(table_hbm.at[idx_v.at[pl.ds(i * S, C0)]],
                         rows.at[pl.ds(0, C0)], sem)
        pltpu.async_copy(table_hbm.at[idx_v.at[pl.ds(i * S + C0, C1)]],
                         rows.at[pl.ds(C0, C1)], sem)

    def wait_gather(rows, sem):
        pltpu.make_async_copy(table_hbm.at[pl.ds(0, S)], rows, sem).wait()

    iota = lax.iota(jnp.int32, LANES)
    shuf_idx = {g: iota ^ (g // 2) for g in (16, 8, 4, 2)}
    shuf_msk = {g: (iota & (g - 1)) < g // 2 for g in (16, 8, 4, 2)}
    bitrev = (((iota & 1) << 3) | ((iota & 2) << 1) |
              ((iota & 4) >> 1) | ((iota & 8) >> 3))

    def shuffle(v, ix):
        return v.at[ix].get(mode=lax.GatherScatterMode.PROMISE_IN_BOUNDS)

    def compute(i, rows):
        xs = [in_v[pl.ds(i * D + c * LANES, LANES)] for c in range(D // LANES)]

        def blk(kb, carry):
            sb = jnp.minimum(kb * LANES, S - LANES)
            vecs = []
            for j in range(LANES):
                acc = rows[sb + j, pl.ds(0, LANES)] * xs[0]
                for c in range(1, D // LANES):
                    acc = acc + rows[sb + j, pl.ds(c * LANES, LANES)] * xs[c]
                vecs.append(acc)
            for g in (16, 8, 4, 2):
                m, ix = shuf_msk[g], shuf_idx[g]
                vecs = [jnp.where(m, a, b) +
                        jnp.where(m, shuffle(a, ix), shuffle(b, ix))
                        for a, b in zip(vecs[0::2], vecs[1::2])]
            out_v[pl.ds(i * S + sb, LANES)] = shuffle(vecs[0], bitrev)
            return carry

        lax.fori_loop(0, NBLK, blk, 0)

    for p in range(NBUF - 1):
        start_gather(jnp.int32(p), bufs[p], sems[p])

    def step(it, carry):
        g = it * NBUF
        for b in range(NBUF):
            i = g + b

            @pl.when(i + NBUF - 1 < BPW)
            def _():
                start_gather(i + NBUF - 1, bufs[(b + NBUF - 1) % NBUF],
                             sems[(b + NBUF - 1) % NBUF])

            wait_gather(bufs[b], sems[b])
            compute(i, bufs[b])
        return carry

    lax.fori_loop(0, BPW // NBUF, step, 0)
    pltpu.sync_copy(out_v, out_hbm.at[wid])


def kernel(input, lbl_ft, shorty, attn_w):
    w = jax.nn.softmax(attn_w)
    x = (input * w[0]).reshape(NW, BPW * D)
    idx = shorty.astype(jnp.int32).reshape(NW, BPW * S)
    mesh = plsc.VectorSubcoreMesh(core_axis_name="c", subcore_axis_name="s")
    run = pl.kernel(
        _body,
        out_type=jax.ShapeDtypeStruct((NW, BPW * S), jnp.float32),
        mesh=mesh,
        scratch_types=[
            pltpu.VMEM((BPW * S,), jnp.int32),
            pltpu.VMEM((BPW * D,), jnp.float32),
            pltpu.VMEM((S, D), jnp.float32),
            pltpu.VMEM((S, D), jnp.float32),
            pltpu.VMEM((S, D), jnp.float32),
            pltpu.VMEM((S, D), jnp.float32),
            pltpu.VMEM((BPW * S,), jnp.float32),
            pltpu.SemaphoreType.DMA,
            pltpu.SemaphoreType.DMA,
            pltpu.SemaphoreType.DMA,
            pltpu.SemaphoreType.DMA,
        ],
        compiler_params=pltpu.CompilerParams(use_tc_tiling_on_sc=False,
                                             needs_layout_passes=False),
    )
    return run(x, idx, lbl_ft).reshape(B, S)

# --- scband reference (transcript-rebuilt; emitter-appended) ---
"""Pipeline reference for scband-graph-combine-35828617183381 (READ-ONLY COPY).

The authoritative reference and input builder live on the scoring server;
editing this copy changes nothing except your own understanding.
"""

import jax, jax.numpy as jnp
import numpy as np

B = 4096
L = 1000000
D = 64
S = 200
DEGREE = 1


def setup_inputs(seed: int = 0) -> dict:
    key = jax.random.key(seed)
    k1, k2, k3, k4 = jax.random.split(key, 4)
    inputs = {}
    inputs["input"] = jax.random.normal(k1, (B, D), dtype=jnp.float32)
    # lbl_ft is the (single, degree=1) precomputed label-feature matrix; the
    # torch forward receives it as a list [lbl_ft] which is stacked on dim=1.
    inputs["lbl_ft"] = jax.random.normal(k2, (L, D), dtype=jnp.float32)
    inputs["shorty"] = jax.random.randint(k3, (B, S), 0, L, dtype=jnp.int64)
    # spectral_attention learned mixing weights over the `degree` hops
    inputs["attn_w"] = jax.random.normal(k4, (DEGREE,), dtype=jnp.float32) * 0.02
    return inputs


def reference(input, lbl_ft, shorty, attn_w):
    # _rebuild: lclf = stack([lbl_ft], dim=1) -> [L, degree, D]
    lclf = jnp.stack([lbl_ft], axis=1)
    # spectral attention: softmax-weighted combination over the degree axis
    w = jax.nn.softmax(attn_w)
    lclf = jnp.einsum("lkd,k->ld", lclf, w)
    # use_classifier_wts=False -> bias is None
    # shorty path: gather shortlisted label classifiers (embedding lookup)
    gathered = jnp.take(lclf, shorty, axis=0)  # [B, S, D]
    # input.unsqueeze(1).bmm(lclf.permute(0, 2, 1)).squeeze() -> [B, S]
    out = jnp.einsum("bd,bsd->bs", input, gathered)
    return out

if __name__ == "__main__":
    import jax
    _d = setup_inputs()
    print(jax.jit(kernel)(*tuple(_d.values())))

</pallas_src>

<mosaic_0001>
#map = affine_map<(d0, d1) -> (0, 0)>
module attributes {stable_mosaic.version = 14 : i64} {
  func.func @_body(%arg0: i32, %arg1: i32, %arg2: memref<32x8192xf32, #tpu.memory_space<hbm>>, %arg3: memref<32x25600xi32, #tpu.memory_space<hbm>>, %arg4: memref<1000000x64xf32, #tpu.memory_space<hbm>>, %arg5: memref<32x25600xf32, #tpu.memory_space<hbm>>, %arg6: memref<25600xi32, #tpu.memory_space<vmem>>, %arg7: memref<8192xf32, #tpu.memory_space<vmem>>, %arg8: memref<200x64xf32, #tpu.memory_space<vmem>>, %arg9: memref<200x64xf32, #tpu.memory_space<vmem>>, %arg10: memref<200x64xf32, #tpu.memory_space<vmem>>, %arg11: memref<200x64xf32, #tpu.memory_space<vmem>>, %arg12: memref<25600xf32, #tpu.memory_space<vmem>>, %arg13: memref<!tpu.dma_semaphore, #tpu.memory_space<semaphore_mem>>, %arg14: memref<!tpu.dma_semaphore, #tpu.memory_space<semaphore_mem>>, %arg15: memref<!tpu.dma_semaphore, #tpu.memory_space<semaphore_mem>>, %arg16: memref<!tpu.dma_semaphore, #tpu.memory_space<semaphore_mem>>) attributes {dimension_semantics = [#tpu.dimension_semantics<core_parallel>, #tpu.dimension_semantics<subcore_parallel>], iteration_bounds = array<i64: 2, 16>, scalar_prefetch = 0 : i64, scratch_operands = 11 : i64, tpu.core_type = #tpu.core_type<sc_vector_subcore>, window_params = [{transform_indices = #map}, {transform_indices = #map}, {transform_indices = #map}, {transform_indices = #map}]} {
    %mul3A = arith.constant 16 : i32
    %mul3A_0 = arith.muli %arg0, %mul3A : i32
    %add3A = arith.addi %mul3A_0, %arg1 : i32
    "tpu.region"() ({
      %run_scoped3A = tpu.sem_alloc : memref<!tpu.dma_semaphore, #tpu.memory_space<semaphore_mem>>
      %dma_start3A_128 = arith.constant 0 : i32
      %dma_start3A_129 = tpu.memref_slice %arg3[%add3A, %dma_start3A_128] : memref<32x25600xi32, #tpu.memory_space<hbm>> -> memref<1x25600xi32, #tpu.memory_space<hbm>>
      %dma_start3A_130 = tpu.memref_squeeze %dma_start3A_129 : memref<1x25600xi32, #tpu.memory_space<hbm>> -> memref<25600xi32, #tpu.memory_space<hbm>>
      %dma_start3A_131 = arith.constant 0 : i32
      %dma_start3A_132 = tpu.memref_slice %arg3[%add3A, %dma_start3A_131] : memref<32x25600xi32, #tpu.memory_space<hbm>> -> memref<1x25600xi32, #tpu.memory_space<hbm>>
      %dma_start3A_133 = tpu.memref_squeeze %dma_start3A_132 : memref<1x25600xi32, #tpu.memory_space<hbm>> -> memref<25600xi32, #tpu.memory_space<hbm>>
      tpu.enqueue_dma source(%dma_start3A_133 : memref<25600xi32, #tpu.memory_space<hbm>>) target(%arg6 : memref<25600xi32, #tpu.memory_space<vmem>>) target_semaphore(%run_scoped3A : memref<!tpu.dma_semaphore, #tpu.memory_space<semaphore_mem>>)
      %dma_wait3A = arith.constant 0 : i32
      %dma_wait3A_134 = tpu.memref_slice %arg3[%add3A, %dma_wait3A] : memref<32x25600xi32, #tpu.memory_space<hbm>> -> memref<1x25600xi32, #tpu.memory_space<hbm>>
      %dma_wait3A_135 = tpu.memref_squeeze %dma_wait3A_134 : memref<1x25600xi32, #tpu.memory_space<hbm>> -> memref<25600xi32, #tpu.memory_space<hbm>>
      %dma_wait3A_136 = arith.constant 0 : i32
      %dma_wait3A_137 = tpu.memref_slice %arg3[%add3A, %dma_wait3A_136] : memref<32x25600xi32, #tpu.memory_space<hbm>> -> memref<1x25600xi32, #tpu.memory_space<hbm>>
      %dma_wait3A_138 = tpu.memref_squeeze %dma_wait3A_137 : memref<1x25600xi32, #tpu.memory_space<hbm>> -> memref<25600xi32, #tpu.memory_space<hbm>>
      tpu.wait_dma2 semaphore(%run_scoped3A : memref<!tpu.dma_semaphore, #tpu.memory_space<semaphore_mem>>) src(%dma_wait3A_138 : memref<25600xi32, #tpu.memory_space<hbm>>) dst(%arg6 : memref<25600xi32, #tpu.memory_space<vmem>>)
      tpu.yield
    }) : () -> ()
    "tpu.region"() ({
      %run_scoped3A = tpu.sem_alloc : memref<!tpu.dma_semaphore, #tpu.memory_space<semaphore_mem>>
      %dma_start3A_128 = arith.constant 0 : i32
      %dma_start3A_129 = tpu.memref_slice %arg2[%add3A, %dma_start3A_128] : memref<32x8192xf32, #tpu.memory_space<hbm>> -> memref<1x8192xf32, #tpu.memory_space<hbm>>
      %dma_start3A_130 = tpu.memref_squeeze %dma_start3A_129 : memref<1x8192xf32, #tpu.memory_space<hbm>> -> memref<8192xf32, #tpu.memory_space<hbm>>
      %dma_start3A_131 = arith.constant 0 : i32
      %dma_start3A_132 = tpu.memref_slice %arg2[%add3A, %dma_start3A_131] : memref<32x8192xf32, #tpu.memory_space<hbm>> -> memref<1x8192xf32, #tpu.memory_space<hbm>>
      %dma_start3A_133 = tpu.memref_squeeze %dma_start3A_132 : memref<1x8192xf32, #tpu.memory_space<hbm>> -> memref<8192xf32, #tpu.memory_space<hbm>>
      tpu.enqueue_dma source(%dma_start3A_133 : memref<8192xf32, #tpu.memory_space<hbm>>) target(%arg7 : memref<8192xf32, #tpu.memory_space<vmem>>) target_semaphore(%run_scoped3A : memref<!tpu.dma_semaphore, #tpu.memory_space<semaphore_mem>>)
      %dma_wait3A = arith.constant 0 : i32
      %dma_wait3A_134 = tpu.memref_slice %arg2[%add3A, %dma_wait3A] : memref<32x8192xf32, #tpu.memory_space<hbm>> -> memref<1x8192xf32, #tpu.memory_space<hbm>>
      %dma_wait3A_135 = tpu.memref_squeeze %dma_wait3A_134 : memref<1x8192xf32, #tpu.memory_space<hbm>> -> memref<8192xf32, #tpu.memory_space<hbm>>
      %dma_wait3A_136 = arith.constant 0 : i32
      %dma_wait3A_137 = tpu.memref_slice %arg2[%add3A, %dma_wait3A_136] : memref<32x8192xf32, #tpu.memory_space<hbm>> -> memref<1x8192xf32, #tpu.memory_space<hbm>>
      %dma_wait3A_138 = tpu.memref_squeeze %dma_wait3A_137 : memref<1x8192xf32, #tpu.memory_space<hbm>> -> memref<8192xf32, #tpu.memory_space<hbm>>
      tpu.wait_dma2 semaphore(%run_scoped3A : memref<!tpu.dma_semaphore, #tpu.memory_space<semaphore_mem>>) src(%dma_wait3A_138 : memref<8192xf32, #tpu.memory_space<hbm>>) dst(%arg7 : memref<8192xf32, #tpu.memory_space<vmem>>)
      tpu.yield
    }) : () -> ()
    %iota3A = tpu.iota {dimensions = array<i32: 0>} : vector<16xi32>
    %xor3A = arith.constant 8 : i32
    %xor3A_1 = vector.broadcast %xor3A : i32 to vector<16xi32>
    %xor3A_2 = arith.xori %iota3A, %xor3A_1 : vector<16xi32>
    %xor3A_3 = arith.constant 4 : i32
    %xor3A_4 = vector.broadcast %xor3A_3 : i32 to vector<16xi32>
    %xor3A_5 = arith.xori %iota3A, %xor3A_4 : vector<16xi32>
    %xor3A_6 = arith.constant 2 : i32
    %xor3A_7 = vector.broadcast %xor3A_6 : i32 to vector<16xi32>
    %xor3A_8 = arith.xori %iota3A, %xor3A_7 : vector<16xi32>
    %xor3A_9 = arith.constant 1 : i32
    %xor3A_10 = vector.broadcast %xor3A_9 : i32 to vector<16xi32>
    %xor3A_11 = arith.xori %iota3A, %xor3A_10 : vector<16xi32>
    %and3A = arith.constant 15 : i32
    %and3A_12 = vector.broadcast %and3A : i32 to vector<16xi32>
    %and3A_13 = arith.andi %iota3A, %and3A_12 : vector<16xi32>
    %lt3A = arith.constant 8 : i32
    %lt3A_14 = vector.broadcast %lt3A : i32 to vector<16xi32>
    %lt3A_15 = arith.cmpi slt, %and3A_13, %lt3A_14 : vector<16xi32>
    %and3A_16 = arith.constant 7 : i32
    %and3A_17 = vector.broadcast %and3A_16 : i32 to vector<16xi32>
    %and3A_18 = arith.andi %iota3A, %and3A_17 : vector<16xi32>
    %lt3A_19 = arith.constant 4 : i32
    %lt3A_20 = vector.broadcast %lt3A_19 : i32 to vector<16xi32>
    %lt3A_21 = arith.cmpi slt, %and3A_18, %lt3A_20 : vector<16xi32>
    %and3A_22 = arith.constant 3 : i32
    %and3A_23 = vector.broadcast %and3A_22 : i32 to vector<16xi32>
    %and3A_24 = arith.andi %iota3A, %and3A_23 : vector<16xi32>
    %lt3A_25 = arith.constant 2 : i32
    %lt3A_26 = vector.broadcast %lt3A_25 : i32 to vector<16xi32>
    %lt3A_27 = arith.cmpi slt, %and3A_24, %lt3A_26 : vector<16xi32>
    %and3A_28 = arith.constant 1 : i32
    %and3A_29 = vector.broadcast %and3A_28 : i32 to vector<16xi32>
    %and3A_30 = arith.andi %iota3A, %and3A_29 : vector<16xi32>
    %lt3A_31 = arith.constant 1 : i32
    %lt3A_32 = vector.broadcast %lt3A_31 : i32 to vector<16xi32>
    %lt3A_33 = arith.cmpi slt, %and3A_30, %lt3A_32 : vector<16xi32>
    %and3A_34 = arith.constant 1 : i32
    %and3A_35 = vector.broadcast %and3A_34 : i32 to vector<16xi32>
    %and3A_36 = arith.andi %iota3A, %and3A_35 : vector<16xi32>
    %shift_left3A = arith.constant 3 : i32
    %shift_left3A_37 = vector.broadcast %shift_left3A : i32 to vector<16xi32>
    %shift_left3A_38 = arith.shli %and3A_36, %shift_left3A_37 : vector<16xi32>
    %and3A_39 = arith.constant 2 : i32
    %and3A_40 = vector.broadcast %and3A_39 : i32 to vector<16xi32>
    %and3A_41 = arith.andi %iota3A, %and3A_40 : vector<16xi32>
    %shift_left3A_42 = arith.constant 1 : i32
    %shift_left3A_43 = vector.broadcast %shift_left3A_42 : i32 to vector<16xi32>
    %shift_left3A_44 = arith.shli %and3A_41, %shift_left3A_43 : vector<16xi32>
    %or3A = arith.ori %shift_left3A_38, %shift_left3A_44 : vector<16xi32>
    %and3A_45 = arith.constant 4 : i32
    %and3A_46 = vector.broadcast %and3A_45 : i32 to vector<16xi32>
    %and3A_47 = arith.andi %iota3A, %and3A_46 : vector<16xi32>
    %shift_right_arithmetic3A = arith.constant 1 : i32
    %shift_right_arithmetic3A_48 = vector.broadcast %shift_right_arithmetic3A : i32 to vector<16xi32>
    %shift_right_arithmetic3A_49 = arith.shrsi %and3A_47, %shift_right_arithmetic3A_48 : vector<16xi32>
    %or3A_50 = arith.ori %or3A, %shift_right_arithmetic3A_49 : vector<16xi32>
    %and3A_51 = arith.constant 8 : i32
    %and3A_52 = vector.broadcast %and3A_51 : i32 to vector<16xi32>
    %and3A_53 = arith.andi %iota3A, %and3A_52 : vector<16xi32>
    %shift_right_arithmetic3A_54 = arith.constant 3 : i32
    %shift_right_arithmetic3A_55 = vector.broadcast %shift_right_arithmetic3A_54 : i32 to vector<16xi32>
    %shift_right_arithmetic3A_56 = arith.shrsi %and3A_53, %shift_right_arithmetic3A_55 : vector<16xi32>
    %or3A_57 = arith.ori %or3A_50, %shift_right_arithmetic3A_56 : vector<16xi32>
    %mul3A_58 = arith.constant 0 : i32
    %mul3A_59 = arith.constant 200 : i32
    %mul3A_60 = arith.muli %mul3A_58, %mul3A_59 : i32
    %dma_start3A = arith.constant 0 : i32
    %dma_start3A_61 = arith.constant 0 : i32
    %dma_start3A_62 = tpu.memref_slice %arg8[%dma_start3A, %dma_start3A_61] : memref<200x64xf32, #tpu.memory_space<vmem>> -> memref<104x64xf32, #tpu.memory_space<vmem>>
    %dma_start3A_63 = tpu.memref_slice %arg6[%mul3A_60] : memref<25600xi32, #tpu.memory_space<vmem>> -> memref<104xi32, #tpu.memory_space<vmem>>
    %dma_start3A_64 = arith.constant 0 : i32
    %dma_start3A_65 = arith.constant 0 : i32
    %dma_start3A_66 = tpu.memref_slice %arg4[%dma_start3A_64, %dma_start3A_65] : memref<1000000x64xf32, #tpu.memory_space<hbm>> -> memref<1000000x64xf32, #tpu.memory_space<hbm>>
    tpu.enqueue_indirect_dma source(%dma_start3A_66 : memref<1000000x64xf32, #tpu.memory_space<hbm>>) target(%dma_start3A_62 : memref<104x64xf32, #tpu.memory_space<vmem>>) offsets(%dma_start3A_63 : memref<104xi32, #tpu.memory_space<vmem>>) semaphore(%arg13 : memref<!tpu.dma_semaphore, #tpu.memory_space<semaphore_mem>>)
    %mul3A_67 = arith.constant 0 : i32
    %mul3A_68 = arith.constant 200 : i32
    %mul3A_69 = arith.muli %mul3A_67, %mul3A_68 : i32
    %add3A_70 = arith.constant 104 : i32
    %add3A_71 = arith.addi %mul3A_69, %add3A_70 : i32
    %dma_start3A_72 = arith.constant 104 : i32
    %dma_start3A_73 = arith.constant 0 : i32
    %dma_start3A_74 = tpu.memref_slice %arg8[%dma_start3A_72, %dma_start3A_73] : memref<200x64xf32, #tpu.memory_space<vmem>> -> memref<96x64xf32, #tpu.memory_space<vmem>>
    %dma_start3A_75 = tpu.memref_slice %arg6[%add3A_71] : memref<25600xi32, #tpu.memory_space<vmem>> -> memref<96xi32, #tpu.memory_space<vmem>>
    %dma_start3A_76 = arith.constant 0 : i32
    %dma_start3A_77 = arith.constant 0 : i32
    %dma_start3A_78 = tpu.memref_slice %arg4[%dma_start3A_76, %dma_start3A_77] : memref<1000000x64xf32, #tpu.memory_space<hbm>> -> memref<1000000x64xf32, #tpu.memory_space<hbm>>
    tpu.enqueue_indirect_dma source(%dma_start3A_78 : memref<1000000x64xf32, #tpu.memory_space<hbm>>) target(%dma_start3A_74 : memref<96x64xf32, #tpu.memory_space<vmem>>) offsets(%dma_start3A_75 : memref<96xi32, #tpu.memory_space<vmem>>) semaphore(%arg13 : memref<!tpu.dma_semaphore, #tpu.memory_space<semaphore_mem>>)
    %mul3A_79 = arith.constant 1 : i32
    %mul3A_80 = arith.constant 200 : i32
    %mul3A_81 = arith.muli %mul3A_79, %mul3A_80 : i32
    %dma_start3A_82 = arith.constant 0 : i32
    %dma_start3A_83 = arith.constant 0 : i32
    %dma_start3A_84 = tpu.memref_slice %arg9[%dma_start3A_82, %dma_start3A_83] : memref<200x64xf32, #tpu.memory_space<vmem>> -> memref<104x64xf32, #tpu.memory_space<vmem>>
    %dma_start3A_85 = tpu.memref_slice %arg6[%mul3A_81] : memref<25600xi32, #tpu.memory_space<vmem>> -> memref<104xi32, #tpu.memory_space<vmem>>
    %dma_start3A_86 = arith.constant 0 : i32
    %dma_start3A_87 = arith.constant 0 : i32
    %dma_start3A_88 = tpu.memref_slice %arg4[%dma_start3A_86, %dma_start3A_87] : memref<1000000x64xf32, #tpu.memory_space<hbm>> -> memref<1000000x64xf32, #tpu.memory_space<hbm>>
    tpu.enqueue_indirect_dma source(%dma_start3A_88 : memref<1000000x64xf32, #tpu.memory_space<hbm>>) target(%dma_start3A_84 : memref<104x64xf32, #tpu.memory_space<vmem>>) offsets(%dma_start3A_85 : memref<104xi32, #tpu.memory_space<vmem>>) semaphore(%arg14 : memref<!tpu.dma_semaphore, #tpu.memory_space<semaphore_mem>>)
    %mul3A_89 = arith.constant 1 : i32
    %mul3A_90 = arith.constant 200 : i32
    %mul3A_91 = arith.muli %mul3A_89, %mul3A_90 : i32
    %add3A_92 = arith.constant 104 : i32
    %add3A_93 = arith.addi %mul3A_91, %add3A_92 : i32
    %dma_start3A_94 = arith.constant 104 : i32
    %dma_start3A_95 = arith.constant 0 : i32
    %dma_start3A_96 = tpu.memref_slice %arg9[%dma_start3A_94, %dma_start3A_95] : memref<200x64xf32, #tpu.memory_space<vmem>> -> memref<96x64xf32, #tpu.memory_space<vmem>>
    %dma_start3A_97 = tpu.memref_slice %arg6[%add3A_93] : memref<25600xi32, #tpu.memory_space<vmem>> -> memref<96xi32, #tpu.memory_space<vmem>>
    %dma_start3A_98 = arith.constant 0 : i32
    %dma_start3A_99 = arith.constant 0 : i32
    %dma_start3A_100 = tpu.memref_slice %arg4[%dma_start3A_98, %dma_start3A_99] : memref<1000000x64xf32, #tpu.memory_space<hbm>> -> memref<1000000x64xf32, #tpu.memory_space<hbm>>
    tpu.enqueue_indirect_dma source(%dma_start3A_100 : memref<1000000x64xf32, #tpu.memory_space<hbm>>) target(%dma_start3A_96 : memref<96x64xf32, #tpu.memory_space<vmem>>) offsets(%dma_start3A_97 : memref<96xi32, #tpu.memory_space<vmem>>) semaphore(%arg14 : memref<!tpu.dma_semaphore, #tpu.memory_space<semaphore_mem>>)
    %mul3A_101 = arith.constant 2 : i32
    %mul3A_102 = arith.constant 200 : i32
    %mul3A_103 = arith.muli %mul3A_101, %mul3A_102 : i32
    %dma_start3A_104 = arith.constant 0 : i32
    %dma_start3A_105 = arith.constant 0 : i32
    %dma_start3A_106 = tpu.memref_slice %arg10[%dma_start3A_104, %dma_start3A_105] : memref<200x64xf32, #tpu.memory_space<vmem>> -> memref<104x64xf32, #tpu.memory_space<vmem>>
    %dma_start3A_107 = tpu.memref_slice %arg6[%mul3A_103] : memref<25600xi32, #tpu.memory_space<vmem>> -> memref<104xi32, #tpu.memory_space<vmem>>
    %dma_start3A_108 = arith.constant 0 : i32
    %dma_start3A_109 = arith.constant 0 : i32
    %dma_start3A_110 = tpu.memref_slice %arg4[%dma_start3A_108, %dma_start3A_109] : memref<1000000x64xf32, #tpu.memory_space<hbm>> -> memref<1000000x64xf32, #tpu.memory_space<hbm>>
    tpu.enqueue_indirect_dma source(%dma_start3A_110 : memref<1000000x64xf32, #tpu.memory_space<hbm>>) target(%dma_start3A_106 : memref<104x64xf32, #tpu.memory_space<vmem>>) offsets(%dma_start3A_107 : memref<104xi32, #tpu.memory_space<vmem>>) semaphore(%arg15 : memref<!tpu.dma_semaphore, #tpu.memory_space<semaphore_mem>>)
    %mul3A_111 = arith.constant 2 : i32
    %mul3A_112 = arith.constant 200 : i32
    %mul3A_113 = arith.muli %mul3A_111, %mul3A_112 : i32
    %add3A_114 = arith.constant 104 : i32
    %add3A_115 = arith.addi %mul3A_113, %add3A_114 : i32
    %dma_start3A_116 = arith.constant 104 : i32
    %dma_start3A_117 = arith.constant 0 : i32
    %dma_start3A_118 = tpu.memref_slice %arg10[%dma_start3A_116, %dma_start3A_117] : memref<200x64xf32, #tpu.memory_space<vmem>> -> memref<96x64xf32, #tpu.memory_space<vmem>>
    %dma_start3A_119 = tpu.memref_slice %arg6[%add3A_115] : memref<25600xi32, #tpu.memory_space<vmem>> -> memref<96xi32, #tpu.memory_space<vmem>>
    %dma_start3A_120 = arith.constant 0 : i32
    %dma_start3A_121 = arith.constant 0 : i32
    %dma_start3A_122 = tpu.memref_slice %arg4[%dma_start3A_120, %dma_start3A_121] : memref<1000000x64xf32, #tpu.memory_space<hbm>> -> memref<1000000x64xf32, #tpu.memory_space<hbm>>
    tpu.enqueue_indirect_dma source(%dma_start3A_122 : memref<1000000x64xf32, #tpu.memory_space<hbm>>) target(%dma_start3A_118 : memref<96x64xf32, #tpu.memory_space<vmem>>) offsets(%dma_start3A_119 : memref<96xi32, #tpu.memory_space<vmem>>) semaphore(%arg15 : memref<!tpu.dma_semaphore, #tpu.memory_space<semaphore_mem>>)
    %scan3A = arith.constant 0 : i32
    %scan3A_123 = arith.constant 0 : i32
    %scan3A_124 = arith.constant 32 : i32
    %scan3A_125 = arith.addi %scan3A_123, %scan3A_124 : i32
    %scan3A_126 = arith.constant 1 : i32
    scf.for %scan3A_128 = %scan3A_123 to %scan3A_125 step %scan3A_126  : i32 {
      %mul3A_129 = arith.constant 4 : i32
      %mul3A_130 = arith.muli %scan3A_128, %mul3A_129 : i32
      %add3A_131 = arith.constant 0 : i32
      %add3A_132 = arith.addi %mul3A_130, %add3A_131 : i32
      %add3A_133 = arith.constant 4 : i32
      %add3A_134 = arith.addi %add3A_132, %add3A_133 : i32
      %sub3A = arith.constant 1 : i32
      %sub3A_135 = arith.subi %add3A_134, %sub3A : i32
      %lt3A_136 = arith.constant 128 : i32
      %lt3A_137 = arith.cmpi slt, %sub3A_135, %lt3A_136 : i32
      %convert_element_type3A = arith.extui %lt3A_137 : i1 to i32
      %cond3A = arith.constant 0 : i32
      %cond3A_138 = arith.cmpi ne, %convert_element_type3A, %cond3A : i32
      scf.if %cond3A_138 {
        %add3A_314 = arith.constant 4 : i32
        %add3A_315 = arith.addi %add3A_132, %add3A_314 : i32
        %sub3A_316 = arith.constant 1 : i32
        %sub3A_317 = arith.subi %add3A_315, %sub3A_316 : i32
        %mul3A_318 = arith.constant 200 : i32
        %mul3A_319 = arith.muli %sub3A_317, %mul3A_318 : i32
        %dma_start3A_320 = arith.constant 0 : i32
        %dma_start3A_321 = arith.constant 0 : i32
        %dma_start3A_322 = tpu.memref_slice %arg11[%dma_start3A_320, %dma_start3A_321] : memref<200x64xf32, #tpu.memory_space<vmem>> -> memref<104x64xf32, #tpu.memory_space<vmem>>
        %dma_start3A_323 = tpu.memref_slice %arg6[%mul3A_319] : memref<25600xi32, #tpu.memory_space<vmem>> -> memref<104xi32, #tpu.memory_space<vmem>>
        %dma_start3A_324 = arith.constant 0 : i32
        %dma_start3A_325 = arith.constant 0 : i32
        %dma_start3A_326 = tpu.memref_slice %arg4[%dma_start3A_324, %dma_start3A_325] : memref<1000000x64xf32, #tpu.memory_space<hbm>> -> memref<1000000x64xf32, #tpu.memory_space<hbm>>
        tpu.enqueue_indirect_dma source(%dma_start3A_326 : memref<1000000x64xf32, #tpu.memory_space<hbm>>) target(%dma_start3A_322 : memref<104x64xf32, #tpu.memory_space<vmem>>) offsets(%dma_start3A_323 : memref<104xi32, #tpu.memory_space<vmem>>) semaphore(%arg16 : memref<!tpu.dma_semaphore, #tpu.memory_space<semaphore_mem>>)
        %mul3A_327 = arith.constant 200 : i32
        %mul3A_328 = arith.muli %sub3A_317, %mul3A_327 : i32
        %add3A_329 = arith.constant 104 : i32
        %add3A_330 = arith.addi %mul3A_328, %add3A_329 : i32
        %dma_start3A_331 = arith.constant 104 : i32
        %dma_start3A_332 = arith.constant 0 : i32
        %dma_start3A_333 = tpu.memref_slice %arg11[%dma_start3A_331, %dma_start3A_332] : memref<200x64xf32, #tpu.memory_space<vmem>> -> memref<96x64xf32, #tpu.memory_space<vmem>>
        %dma_start3A_334 = tpu.memref_slice %arg6[%add3A_330] : memref<25600xi32, #tpu.memory_space<vmem>> -> memref<96xi32, #tpu.memory_space<vmem>>
        %dma_start3A_335 = arith.constant 0 : i32
        %dma_start3A_336 = arith.constant 0 : i32
        %dma_start3A_337 = tpu.memref_slice %arg4[%dma_start3A_335, %dma_start3A_336] : memref<1000000x64xf32, #tpu.memory_space<hbm>> -> memref<1000000x64xf32, #tpu.memory_space<hbm>>
        tpu.enqueue_indirect_dma source(%dma_start3A_337 : memref<1000000x64xf32, #tpu.memory_space<hbm>>) target(%dma_start3A_333 : memref<96x64xf32, #tpu.memory_space<vmem>>) offsets(%dma_start3A_334 : memref<96xi32, #tpu.memory_space<vmem>>) semaphore(%arg16 : memref<!tpu.dma_semaphore, #tpu.memory_space<semaphore_mem>>)
      } else {
      }
      %dma_wait3A = arith.constant 0 : i32
      %dma_wait3A_139 = arith.constant 0 : i32
      %dma_wait3A_140 = tpu.memref_slice %arg4[%dma_wait3A, %dma_wait3A_139] : memref<1000000x64xf32, #tpu.memory_space<hbm>> -> memref<200x64xf32, #tpu.memory_space<hbm>>
      %dma_wait3A_141 = arith.constant 0 : i32
      %dma_wait3A_142 = arith.constant 0 : i32
      %dma_wait3A_143 = tpu.memref_slice %arg4[%dma_wait3A_141, %dma_wait3A_142] : memref<1000000x64xf32, #tpu.memory_space<hbm>> -> memref<200x64xf32, #tpu.memory_space<hbm>>
      tpu.wait_dma2 semaphore(%arg13 : memref<!tpu.dma_semaphore, #tpu.memory_space<semaphore_mem>>) src(%dma_wait3A_143 : memref<200x64xf32, #tpu.memory_space<hbm>>) dst(%arg8 : memref<200x64xf32, #tpu.memory_space<vmem>>)
      %mul3A_144 = arith.constant 64 : i32
      %mul3A_145 = arith.muli %add3A_132, %mul3A_144 : i32
      %add3A_146 = arith.constant 0 : i32
      %add3A_147 = arith.addi %mul3A_145, %add3A_146 : i32
      %get3A = arith.index_cast %add3A_147 : i32 to index
      %get3A_148 = tpu.vector_load %arg7[%get3A] {strides = array<i32>} : memref<8192xf32, #tpu.memory_space<vmem>>, vector<16xf32>,
      %mul3A_149 = arith.constant 64 : i32
      %mul3A_150 = arith.muli %add3A_132, %mul3A_149 : i32
      %add3A_151 = arith.constant 16 : i32
      %add3A_152 = arith.addi %mul3A_150, %add3A_151 : i32
      %get3A_153 = arith.index_cast %add3A_152 : i32 to index
      %get3A_154 = tpu.vector_load %arg7[%get3A_153] {strides = array<i32>} : memref<8192xf32, #tpu.memory_space<vmem>>, vector<16xf32>,
      %mul3A_155 = arith.constant 64 : i32
      %mul3A_156 = arith.muli %add3A_132, %mul3A_155 : i32
      %add3A_157 = arith.constant 32 : i32
      %add3A_158 = arith.addi %mul3A_156, %add3A_157 : i32
      %get3A_159 = arith.index_cast %add3A_158 : i32 to index
      %get3A_160 = tpu.vector_load %arg7[%get3A_159] {strides = array<i32>} : memref<8192xf32, #tpu.memory_space<vmem>>, vector<16xf32>,
      %mul3A_161 = arith.constant 64 : i32
      %mul3A_162 = arith.muli %add3A_132, %mul3A_161 : i32
      %add3A_163 = arith.constant 48 : i32
      %add3A_164 = arith.addi %mul3A_162, %add3A_163 : i32
      %get3A_165 = arith.index_cast %add3A_164 : i32 to index
      %get3A_166 = tpu.vector_load %arg7[%get3A_165] {strides = array<i32>} : memref<8192xf32, #tpu.memory_space<vmem>>, vector<16xf32>,
      %scan3A_167 = arith.constant 0 : i32
      %scan3A_168 = arith.constant 0 : i32
      %scan3A_169 = arith.constant 13 : i32
      %scan3A_170 = arith.addi %scan3A_168, %scan3A_169 : i32
      %scan3A_171 = arith.constant 1 : i32
      scf.for %scan3A_314 = %scan3A_168 to %scan3A_170 step %scan3A_171  : i32 {
        %mul3A_315 = arith.constant 16 : i32
        %mul3A_316 = arith.muli %scan3A_314, %mul3A_315 : i32
        %min3A = arith.constant 184 : i32
        %min3A_317 = arith.minsi %mul3A_316, %min3A : i32
        %add3A_318 = arith.constant 0 : i32
        %add3A_319 = arith.addi %min3A_317, %add3A_318 : i32
        %get3A_320 = arith.index_cast %add3A_319 : i32 to index
        %get3A_321 = arith.constant 0 : index
        %get3A_322 = tpu.vector_load %arg8[%get3A_320, %get3A_321] {strides = array<i32>} : memref<200x64xf32, #tpu.memory_space<vmem>>, vector<16xf32>,
        %mul3A_323 = arith.mulf %get3A_322, %get3A_148 : vector<16xf32>
        %add3A_324 = arith.constant 0 : i32
        %add3A_325 = arith.addi %min3A_317, %add3A_324 : i32
        %get3A_326 = arith.index_cast %add3A_325 : i32 to index
        %get3A_327 = arith.constant 16 : index
        %get3A_328 = tpu.vector_load %arg8[%get3A_326, %get3A_327] {strides = array<i32>} : memref<200x64xf32, #tpu.memory_space<vmem>>, vector<16xf32>,
        %mul3A_329 = arith.mulf %get3A_328, %get3A_154 : vector<16xf32>
        %add3A_330 = arith.addf %mul3A_323, %mul3A_329 : vector<16xf32>
        %add3A_331 = arith.constant 0 : i32
        %add3A_332 = arith.addi %min3A_317, %add3A_331 : i32
        %get3A_333 = arith.index_cast %add3A_332 : i32 to index
        %get3A_334 = arith.constant 32 : index
        %get3A_335 = tpu.vector_load %arg8[%get3A_333, %get3A_334] {strides = array<i32>} : memref<200x64xf32, #tpu.memory_space<vmem>>, vector<16xf32>,
        %mul3A_336 = arith.mulf %get3A_335, %get3A_160 : vector<16xf32>
        %add3A_337 = arith.addf %add3A_330, %mul3A_336 : vector<16xf32>
        %add3A_338 = arith.constant 0 : i32
        %add3A_339 = arith.addi %min3A_317, %add3A_338 : i32
        %get3A_340 = arith.index_cast %add3A_339 : i32 to index
        %get3A_341 = arith.constant 48 : index
        %get3A_342 = tpu.vector_load %arg8[%get3A_340, %get3A_341] {strides = array<i32>} : memref<200x64xf32, #tpu.memory_space<vmem>>, vector<16xf32>,
        %mul3A_343 = arith.mulf %get3A_342, %get3A_166 : vector<16xf32>
        %add3A_344 = arith.addf %add3A_337, %mul3A_343 : vector<16xf32>
        %add3A_345 = arith.constant 1 : i32
        %add3A_346 = arith.addi %min3A_317, %add3A_345 : i32
        %get3A_347 = arith.index_cast %add3A_346 : i32 to index
        %get3A_348 = arith.constant 0 : index
        %get3A_349 = tpu.vector_load %arg8[%get3A_347, %get3A_348] {strides = array<i32>} : memref<200x64xf32, #tpu.memory_space<vmem>>, vector<16xf32>,
        %mul3A_350 = arith.mulf %get3A_349, %get3A_148 : vector<16xf32>
        %add3A_351 = arith.constant 1 : i32
        %add3A_352 = arith.addi %min3A_317, %add3A_351 : i32
        %get3A_353 = arith.index_cast %add3A_352 : i32 to index
        %get3A_354 = arith.constant 16 : index
        %get3A_355 = tpu.vector_load %arg8[%get3A_353, %get3A_354] {strides = array<i32>} : memref<200x64xf32, #tpu.memory_space<vmem>>, vector<16xf32>,
        %mul3A_356 = arith.mulf %get3A_355, %get3A_154 : vector<16xf32>
        %add3A_357 = arith.addf %mul3A_350, %mul3A_356 : vector<16xf32>
        %add3A_358 = arith.constant 1 : i32
        %add3A_359 = arith.addi %min3A_317, %add3A_358 : i32
        %get3A_360 = arith.index_cast %add3A_359 : i32 to index
        %get3A_361 = arith.constant 32 : index
        %get3A_362 = tpu.vector_load %arg8[%get3A_360, %get3A_361] {strides = array<i32>} : memref<200x64xf32, #tpu.memory_space<vmem>>, vector<16xf32>,
        %mul3A_363 = arith.mulf %get3A_362, %get3A_160 : vector<16xf32>
        %add3A_364 = arith.addf %add3A_357, %mul3A_363 : vector<16xf32>
        %add3A_365 = arith.constant 1 : i32
        %add3A_366 = arith.addi %min3A_317, %add3A_365 : i32
        %get3A_367 = arith.index_cast %add3A_366 : i32 to index
        %get3A_368 = arith.constant 48 : index
        %get3A_369 = tpu.vector_load %arg8[%get3A_367, %get3A_368] {strides = array<i32>} : memref<200x64xf32, #tpu.memory_space<vmem>>, vector<16xf32>,
        %mul3A_370 = arith.mulf %get3A_369, %get3A_166 : vector<16xf32>
        %add3A_371 = arith.addf %add3A_364, %mul3A_370 : vector<16xf32>
        %add3A_372 = arith.constant 2 : i32
        %add3A_373 = arith.addi %min3A_317, %add3A_372 : i32
        %get3A_374 = arith.index_cast %add3A_373 : i32 to index
        %get3A_375 = arith.constant 0 : index
        %get3A_376 = tpu.vector_load %arg8[%get3A_374, %get3A_375] {strides = array<i32>} : memref<200x64xf32, #tpu.memory_space<vmem>>, vector<16xf32>,
        %mul3A_377 = arith.mulf %get3A_376, %get3A_148 : vector<16xf32>
        %add3A_378 = arith.constant 2 : i32
        %add3A_379 = arith.addi %min3A_317, %add3A_378 : i32
        %get3A_380 = arith.index_cast %add3A_379 : i32 to index
        %get3A_381 = arith.constant 16 : index
        %get3A_382 = tpu.vector_load %arg8[%get3A_380, %get3A_381] {strides = array<i32>} : memref<200x64xf32, #tpu.memory_space<vmem>>, vector<16xf32>,
        %mul3A_383 = arith.mulf %get3A_382, %get3A_154 : vector<16xf32>
        %add3A_384 = arith.addf %mul3A_377, %mul3A_383 : vector<16xf32>
        %add3A_385 = arith.constant 2 : i32
        %add3A_386 = arith.addi %min3A_317, %add3A_385 : i32
        %get3A_387 = arith.index_cast %add3A_386 : i32 to index
        %get3A_388 = arith.constant 32 : index
        %get3A_389 = tpu.vector_load %arg8[%get3A_387, %get3A_388] {strides = array<i32>} : memref<200x64xf32, #tpu.memory_space<vmem>>, vector<16xf32>,
        %mul3A_390 = arith.mulf %get3A_389, %get3A_160 : vector<16xf32>
        %add3A_391 = arith.addf %add3A_384, %mul3A_390 : vector<16xf32>
        %add3A_392 = arith.constant 2 : i32
        %add3A_393 = arith.addi %min3A_317, %add3A_392 : i32
        %get3A_394 = arith.index_cast %add3A_393 : i32 to index
        %get3A_395 = arith.constant 48 : index
        %get3A_396 = tpu.vector_load %arg8[%get3A_394, %get3A_395] {strides = array<i32>} : memref<200x64xf32, #tpu.memory_space<vmem>>, vector<16xf32>,
        %mul3A_397 = arith.mulf %get3A_396, %get3A_166 : vector<16xf32>
        %add3A_398 = arith.addf %add3A_391, %mul3A_397 : vector<16xf32>
        %add3A_399 = arith.constant 3 : i32
        %add3A_400 = arith.addi %min3A_317, %add3A_399 : i32
        %get3A_401 = arith.index_cast %add3A_400 : i32 to index
        %get3A_402 = arith.constant 0 : index
        %get3A_403 = tpu.vector_load %arg8[%get3A_401, %get3A_402] {strides = array<i32>} : memref<200x64xf32, #tpu.memory_space<vmem>>, vector<16xf32>,
        %mul3A_404 = arith.mulf %get3A_403, %get3A_148 : vector<16xf32>
        %add3A_405 = arith.constant 3 : i32
        %add3A_406 = arith.addi %min3A_317, %add3A_405 : i32
        %get3A_407 = arith.index_cast %add3A_406 : i32 to index
        %get3A_408 = arith.constant 16 : index
        %get3A_409 = tpu.vector_load %arg8[%get3A_407, %get3A_408] {strides = array<i32>} : memref<200x64xf32, #tpu.memory_space<vmem>>, vector<16xf32>,
        %mul3A_410 = arith.mulf %get3A_409, %get3A_154 : vector<16xf32>
        %add3A_411 = arith.addf %mul3A_404, %mul3A_410 : vector<16xf32>
        %add3A_412 = arith.constant 3 : i32
        %add3A_413 = arith.addi %min3A_317, %add3A_412 : i32
        %get3A_414 = arith.index_cast %add3A_413 : i32 to index
        %get3A_415 = arith.constant 32 : index
        %get3A_416 = tpu.vector_load %arg8[%get3A_414, %get3A_415] {strides = array<i32>} : memref<200x64xf32, #tpu.memory_space<vmem>>, vector<16xf32>,
        %mul3A_417 = arith.mulf %get3A_416, %get3A_160 : vector<16xf32>
        %add3A_418 = arith.addf %add3A_411, %mul3A_417 : vector<16xf32>
        %add3A_419 = arith.constant 3 : i32
        %add3A_420 = arith.addi %min3A_317, %add3A_419 : i32
        %get3A_421 = arith.index_cast %add3A_420 : i32 to index
        %get3A_422 = arith.constant 48 : index
        %get3A_423 = tpu.vector_load %arg8[%get3A_421, %get3A_422] {strides = array<i32>} : memref<200x64xf32, #tpu.memory_space<vmem>>, vector<16xf32>,
        %mul3A_424 = arith.mulf %get3A_423, %get3A_166 : vector<16xf32>
        %add3A_425 = arith.addf %add3A_418, %mul3A_424 : vector<16xf32>
        %add3A_426 = arith.constant 4 : i32
        %add3A_427 = arith.addi %min3A_317, %add3A_426 : i32
        %get3A_428 = arith.index_cast %add3A_427 : i32 to index
        %get3A_429 = arith.constant 0 : index
        %get3A_430 = tpu.vector_load %arg8[%get3A_428, %get3A_429] {strides = array<i32>} : memref<200x64xf32, #tpu.memory_space<vmem>>, vector<16xf32>,
        %mul3A_431 = arith.mulf %get3A_430, %get3A_148 : vector<16xf32>
        %add3A_432 = arith.constant 4 : i32
        %add3A_433 = arith.addi %min3A_317, %add3A_432 : i32
        %get3A_434 = arith.index_cast %add3A_433 : i32 to index
        %get3A_435 = arith.constant 16 : index
        %get3A_436 = tpu.vector_load %arg8[%get3A_434, %get3A_435] {strides = array<i32>} : memref<200x64xf32, #tpu.memory_space<vmem>>, vector<16xf32>,
        %mul3A_437 = arith.mulf %get3A_436, %get3A_154 : vector<16xf32>
        %add3A_438 = arith.addf %mul3A_431, %mul3A_437 : vector<16xf32>
        %add3A_439 = arith.constant 4 : i32
        %add3A_440 = arith.addi %min3A_317, %add3A_439 : i32
        %get3A_441 = arith.index_cast %add3A_440 : i32 to index
        %get3A_442 = arith.constant 32 : index
        %get3A_443 = tpu.vector_load %arg8[%get3A_441, %get3A_442] {strides = array<i32>} : memref<200x64xf32, #tpu.memory_space<vmem>>, vector<16xf32>,
        %mul3A_444 = arith.mulf %get3A_443, %get3A_160 : vector<16xf32>
        %add3A_445 = arith.addf %add3A_438, %mul3A_444 : vector<16xf32>
        %add3A_446 = arith.constant 4 : i32
        %add3A_447 = arith.addi %min3A_317, %add3A_446 : i32
        %get3A_448 = arith.index_cast %add3A_447 : i32 to index
        %get3A_449 = arith.constant 48 : index
        %get3A_450 = tpu.vector_load %arg8[%get3A_448, %get3A_449] {strides = array<i32>} : memref<200x64xf32, #tpu.memory_space<vmem>>, vector<16xf32>,
        %mul3A_451 = arith.mulf %get3A_450, %get3A_166 : vector<16xf32>
        %add3A_452 = arith.addf %add3A_445, %mul3A_451 : vector<16xf32>
        %add3A_453 = arith.constant 5 : i32
        %add3A_454 = arith.addi %min3A_317, %add3A_453 : i32
        %get3A_455 = arith.index_cast %add3A_454 : i32 to index
        %get3A_456 = arith.constant 0 : index
        %get3A_457 = tpu.vector_load %arg8[%get3A_455, %get3A_456] {strides = array<i32>} : memref<200x64xf32, #tpu.memory_space<vmem>>, vector<16xf32>,
        %mul3A_458 = arith.mulf %get3A_457, %get3A_148 : vector<16xf32>
        %add3A_459 = arith.constant 5 : i32
        %add3A_460 = arith.addi %min3A_317, %add3A_459 : i32
        %get3A_461 = arith.index_cast %add3A_460 : i32 to index
        %get3A_462 = arith.constant 16 : index
        %get3A_463 = tpu.vector_load %arg8[%get3A_461, %get3A_462] {strides = array<i32>} : memref<200x64xf32, #tpu.memory_space<vmem>>, vector<16xf32>,
        %mul3A_464 = arith.mulf %get3A_463, %get3A_154 : vector<16xf32>
        %add3A_465 = arith.addf %mul3A_458, %mul3A_464 : vector<16xf32>
        %add3A_466 = arith.constant 5 : i32
        %add3A_467 = arith.addi %min3A_317, %add3A_466 : i32
        %get3A_468 = arith.index_cast %add3A_467 : i32 to index
        %get3A_469 = arith.constant 32 : index
        %get3A_470 = tpu.vector_load %arg8[%get3A_468, %get3A_469] {strides = array<i32>} : memref<200x64xf32, #tpu.memory_space<vmem>>, vector<16xf32>,
        %mul3A_471 = arith.mulf %get3A_470, %get3A_160 : vector<16xf32>
        %add3A_472 = arith.addf %add3A_465, %mul3A_471 : vector<16xf32>
        %add3A_473 = arith.constant 5 : i32
        %add3A_474 = arith.addi %min3A_317, %add3A_473 : i32
        %get3A_475 = arith.index_cast %add3A_474 : i32 to index
        %get3A_476 = arith.constant 48 : index
        %get3A_477 = tpu.vector_load %arg8[%get3A_475, %get3A_476] {strides = array<i32>} : memref<200x64xf32, #tpu.memory_space<vmem>>, vector<16xf32>,
        %mul3A_478 = arith.mulf %get3A_477, %get3A_166 : vector<16xf32>
        %add3A_479 = arith.addf %add3A_472, %mul3A_478 : vector<16xf32>
        %add3A_480 = arith.constant 6 : i32
        %add3A_481 = arith.addi %min3A_317, %add3A_480 : i32
        %get3A_482 = arith.index_cast %add3A_481 : i32 to index
        %get3A_483 = arith.constant 0 : index
        %get3A_484 = tpu.vector_load %arg8[%get3A_482, %get3A_483] {strides = array<i32>} : memref<200x64xf32, #tpu.memory_space<vmem>>, vector<16xf32>,
        %mul3A_485 = arith.mulf %get3A_484, %get3A_148 : vector<16xf32>
        %add3A_486 = arith.constant 6 : i32
        %add3A_487 = arith.addi %min3A_317, %add3A_486 : i32
        %get3A_488 = arith.index_cast %add3A_487 : i32 to index
        %get3A_489 = arith.constant 16 : index
        %get3A_490 = tpu.vector_load %arg8[%get3A_488, %get3A_489] {strides = array<i32>} : memref<200x64xf32, #tpu.memory_space<vmem>>, vector<16xf32>,
        %mul3A_491 = arith.mulf %get3A_490, %get3A_154 : vector<16xf32>
        %add3A_492 = arith.addf %mul3A_485, %mul3A_491 : vector<16xf32>
        %add3A_493 = arith.constant 6 : i32
        %add3A_494 = arith.addi %min3A_317, %add3A_493 : i32
        %get3A_495 = arith.index_cast %add3A_494 : i32 to index
        %get3A_496 = arith.constant 32 : index
        %get3A_497 = tpu.vector_load %arg8[%get3A_495, %get3A_496] {strides = array<i32>} : memref<200x64xf32, #tpu.memory_space<vmem>>, vector<16xf32>,
        %mul3A_498 = arith.mulf %get3A_497, %get3A_160 : vector<16xf32>
        %add3A_499 = arith.addf %add3A_492, %mul3A_498 : vector<16xf32>
        %add3A_500 = arith.constant 6 : i32
        %add3A_501 = arith.addi %min3A_317, %add3A_500 : i32
        %get3A_502 = arith.index_cast %add3A_501 : i32 to index
        %get3A_503 = arith.constant 48 : index
        %get3A_504 = tpu.vector_load %arg8[%get3A_502, %get3A_503] {strides = array<i32>} : memref<200x64xf32, #tpu.memory_space<vmem>>, vector<16xf32>,
        %mul3A_505 = arith.mulf %get3A_504, %get3A_166 : vector<16xf32>
        %add3A_506 = arith.addf %add3A_499, %mul3A_505 : vector<16xf32>
        %add3A_507 = arith.constant 7 : i32
        %add3A_508 = arith.addi %min3A_317, %add3A_507 : i32
        %get3A_509 = arith.index_cast %add3A_508 : i32 to index
        %get3A_510 = arith.constant 0 : index
        %get3A_511 = tpu.vector_load %arg8[%get3A_509, %get3A_510] {strides = array<i32>} : memref<200x64xf32, #tpu.memory_space<vmem>>, vector<16xf32>,
        %mul3A_512 = arith.mulf %get3A_511, %get3A_148 : vector<16xf32>
        %add3A_513 = arith.constant 7 : i32
        %add3A_514 = arith.addi %min3A_317, %add3A_513 : i32
        %get3A_515 = arith.index_cast %add3A_514 : i32 to index
        %get3A_516 = arith.constant 16 : index
        %get3A_517 = tpu.vector_load %arg8[%get3A_515, %get3A_516] {strides = array<i32>} : memref<200x64xf32, #tpu.memory_space<vmem>>, vector<16xf32>,
        %mul3A_518 = arith.mulf %get3A_517, %get3A_154 : vector<16xf32>
        %add3A_519 = arith.addf %mul3A_512, %mul3A_518 : vector<16xf32>
        %add3A_520 = arith.constant 7 : i32
        %add3A_521 = arith.addi %min3A_317, %add3A_520 : i32
        %get3A_522 = arith.index_cast %add3A_521 : i32 to index
        %get3A_523 = arith.constant 32 : index
        %get3A_524 = tpu.vector_load %arg8[%get3A_522, %get3A_523] {strides = array<i32>} : memref<200x64xf32, #tpu.memory_space<vmem>>, vector<16xf32>,
        %mul3A_525 = arith.mulf %get3A_524, %get3A_160 : vector<16xf32>
        %add3A_526 = arith.addf %add3A_519, %mul3A_525 : vector<16xf32>
        %add3A_527 = arith.constant 7 : i32
        %add3A_528 = arith.addi %min3A_317, %add3A_527 : i32
        %get3A_529 = arith.index_cast %add3A_528 : i32 to index
        %get3A_530 = arith.constant 48 : index
        %get3A_531 = tpu.vector_load %arg8[%get3A_529, %get3A_530] {strides = array<i32>} : memref<200x64xf32, #tpu.memory_space<vmem>>, vector<16xf32>,
        %mul3A_532 = arith.mulf %get3A_531, %get3A_166 : vector<16xf32>
        %add3A_533 = arith.addf %add3A_526, %mul3A_532 : vector<16xf32>
        %add3A_534 = arith.constant 8 : i32
        %add3A_535 = arith.addi %min3A_317, %add3A_534 : i32
        %get3A_536 = arith.index_cast %add3A_535 : i32 to index
        %get3A_537 = arith.constant 0 : index
        %get3A_538 = tpu.vector_load %arg8[%get3A_536, %get3A_537] {strides = array<i32>} : memref<200x64xf32, #tpu.memory_space<vmem>>, vector<16xf32>,
        %mul3A_539 = arith.mulf %get3A_538, %get3A_148 : vector<16xf32>
        %add3A_540 = arith.constant 8 : i32
        %add3A_541 = arith.addi %min3A_317, %add3A_540 : i32
        %get3A_542 = arith.index_cast %add3A_541 : i32 to index
        %get3A_543 = arith.constant 16 : index
        %get3A_544 = tpu.vector_load %arg8[%get3A_542, %get3A_543] {strides = array<i32>} : memref<200x64xf32, #tpu.memory_space<vmem>>, vector<16xf32>,
        %mul3A_545 = arith.mulf %get3A_544, %get3A_154 : vector<16xf32>
        %add3A_546 = arith.addf %mul3A_539, %mul3A_545 : vector<16xf32>
        %add3A_547 = arith.constant 8 : i32
        %add3A_548 = arith.addi %min3A_317, %add3A_547 : i32
        %get3A_549 = arith.index_cast %add3A_548 : i32 to index
        %get3A_550 = arith.constant 32 : index
        %get3A_551 = tpu.vector_load %arg8[%get3A_549, %get3A_550] {strides = array<i32>} : memref<200x64xf32, #tpu.memory_space<vmem>>, vector<16xf32>,
        %mul3A_552 = arith.mulf %get3A_551, %get3A_160 : vector<16xf32>
        %add3A_553 = arith.addf %add3A_546, %mul3A_552 : vector<16xf32>
        %add3A_554 = arith.constant 8 : i32
        %add3A_555 = arith.addi %min3A_317, %add3A_554 : i32
        %get3A_556 = arith.index_cast %add3A_555 : i32 to index
        %get3A_557 = arith.constant 48 : index
        %get3A_558 = tpu.vector_load %arg8[%get3A_556, %get3A_557] {strides = array<i32>} : memref<200x64xf32, #tpu.memory_space<vmem>>, vector<16xf32>,
        %mul3A_559 = arith.mulf %get3A_558, %get3A_166 : vector<16xf32>
        %add3A_560 = arith.addf %add3A_553, %mul3A_559 : vector<16xf32>
        %add3A_561 = arith.constant 9 : i32
        %add3A_562 = arith.addi %min3A_317, %add3A_561 : i32
        %get3A_563 = arith.index_cast %add3A_562 : i32 to index
        %get3A_564 = arith.constant 0 : index
        %get3A_565 = tpu.vector_load %arg8[%get3A_563, %get3A_564] {strides = array<i32>} : memref<200x64xf32, #tpu.memory_space<vmem>>, vector<16xf32>,
        %mul3A_566 = arith.mulf %get3A_565, %get3A_148 : vector<16xf32>
        %add3A_567 = arith.constant 9 : i32
        %add3A_568 = arith.addi %min3A_317, %add3A_567 : i32
        %get3A_569 = arith.index_cast %add3A_568 : i32 to index
        %get3A_570 = arith.constant 16 : index
        %get3A_571 = tpu.vector_load %arg8[%get3A_569, %get3A_570] {strides = array<i32>} : memref<200x64xf32, #tpu.memory_space<vmem>>, vector<16xf32>,
        %mul3A_572 = arith.mulf %get3A_571, %get3A_154 : vector<16xf32>
        %add3A_573 = arith.addf %mul3A_566, %mul3A_572 : vector<16xf32>
        %add3A_574 = arith.constant 9 : i32
        %add3A_575 = arith.addi %min3A_317, %add3A_574 : i32
        %get3A_576 = arith.index_cast %add3A_575 : i32 to index
        %get3A_577 = arith.constant 32 : index
        %get3A_578 = tpu.vector_load %arg8[%get3A_576, %get3A_577] {strides = array<i32>} : memref<200x64xf32, #tpu.memory_space<vmem>>, vector<16xf32>,
        %mul3A_579 = arith.mulf %get3A_578, %get3A_160 : vector<16xf32>
        %add3A_580 = arith.addf %add3A_573, %mul3A_579 : vector<16xf32>
        %add3A_581 = arith.constant 9 : i32
        %add3A_582 = arith.addi %min3A_317, %add3A_581 : i32
        %get3A_583 = arith.index_cast %add3A_582 : i32 to index
        %get3A_584 = arith.constant 48 : index
        %get3A_585 = tpu.vector_load %arg8[%get3A_583, %get3A_584] {strides = array<i32>} : memref<200x64xf32, #tpu.memory_space<vmem>>, vector<16xf32>,
        %mul3A_586 = arith.mulf %get3A_585, %get3A_166 : vector<16xf32>
        %add3A_587 = arith.addf %add3A_580, %mul3A_586 : vector<16xf32>
        %add3A_588 = arith.constant 10 : i32
        %add3A_589 = arith.addi %min3A_317, %add3A_588 : i32
        %get3A_590 = arith.index_cast %add3A_589 : i32 to index
        %get3A_591 = arith.constant 0 : index
        %get3A_592 = tpu.vector_load %arg8[%get3A_590, %get3A_591] {strides = array<i32>} : memref<200x64xf32, #tpu.memory_space<vmem>>, vector<16xf32>,
        %mul3A_593 = arith.mulf %get3A_592, %get3A_148 : vector<16xf32>
        %add3A_594 = arith.constant 10 : i32
        %add3A_595 = arith.addi %min3A_317, %add3A_594 : i32
        %get3A_596 = arith.index_cast %add3A_595 : i32 to index
        %get3A_597 = arith.constant 16 : index
        %get3A_598 = tpu.vector_load %arg8[%get3A_596, %get3A_597] {strides = array<i32>} : memref<200x64xf32, #tpu.memory_space<vmem>>, vector<16xf32>,
        %mul3A_599 = arith.mulf %get3A_598, %get3A_154 : vector<16xf32>
        %add3A_600 = arith.addf %mul3A_593, %mul3A_599 : vector<16xf32>
        %add3A_601 = arith.constant 10 : i32
        %add3A_602 = arith.addi %min3A_317, %add3A_601 : i32
        %get3A_603 = arith.index_cast %add3A_602 : i32 to index
        %get3A_604 = arith.constant 32 : index
        %get3A_605 = tpu.vector_load %arg8[%get3A_603, %get3A_604] {strides = array<i32>} : memref<200x64xf32, #tpu.memory_space<vmem>>, vector<16xf32>,
        %mul3A_606 = arith.mulf %get3A_605, %get3A_160 : vector<16xf32>
        %add3A_607 = arith.addf %add3A_600, %mul3A_606 : vector<16xf32>
        %add3A_608 = arith.constant 10 : i32
        %add3A_609 = arith.addi %min3A_317, %add3A_608 : i32
        %get3A_610 = arith.index_cast %add3A_609 : i32 to index
        %get3A_611 = arith.constant 48 : index
        %get3A_612 = tpu.vector_load %arg8[%get3A_610, %get3A_611] {strides = array<i32>} : memref<200x64xf32, #tpu.memory_space<vmem>>, vector<16xf32>,
        %mul3A_613 = arith.mulf %get3A_612, %get3A_166 : vector<16xf32>
        %add3A_614 = arith.addf %add3A_607, %mul3A_613 : vector<16xf32>
        %add3A_615 = arith.constant 11 : i32
        %add3A_616 = arith.addi %min3A_317, %add3A_615 : i32
        %get3A_617 = arith.index_cast %add3A_616 : i32 to index
        %get3A_618 = arith.constant 0 : index
        %get3A_619 = tpu.vector_load %arg8[%get3A_617, %get3A_618] {strides = array<i32>} : memref<200x64xf32, #tpu.memory_space<vmem>>, vector<16xf32>,
        %mul3A_620 = arith.mulf %get3A_619, %get3A_148 : vector<16xf32>
        %add3A_621 = arith.constant 11 : i32
        %add3A_622 = arith.addi %min3A_317, %add3A_621 : i32
        %get3A_623 = arith.index_cast %add3A_622 : i32 to index
        %get3A_624 = arith.constant 16 : index
        %get3A_625 = tpu.vector_load %arg8[%get3A_623, %get3A_624] {strides = array<i32>} : memref<200x64xf32, #tpu.memory_space<vmem>>, vector<16xf32>,
        %mul3A_626 = arith.mulf %get3A_625, %get3A_154 : vector<16xf32>
        %add3A_627 = arith.addf %mul3A_620, %mul3A_626 : vector<16xf32>
        %add3A_628 = arith.constant 11 : i32
        %add3A_629 = arith.addi %min3A_317, %add3A_628 : i32
        %get3A_630 = arith.index_cast %add3A_629 : i32 to index
        %get3A_631 = arith.constant 32 : index
        %get3A_632 = tpu.vector_load %arg8[%get3A_630, %get3A_631] {strides = array<i32>} : memref<200x64xf32, #tpu.memory_space<vmem>>, vector<16xf32>,
        %mul3A_633 = arith.mulf %get3A_632, %get3A_160 : vector<16xf32>
        %add3A_634 = arith.addf %add3A_627, %mul3A_633 : vector<16xf32>
        %add3A_635 = arith.constant 11 : i32
        %add3A_636 = arith.addi %min3A_317, %add3A_635 : i32
        %get3A_637 = arith.index_cast %add3A_636 : i32 to index
        %get3A_638 = arith.constant 48 : index
        %get3A_639 = tpu.vector_load %arg8[%get3A_637, %get3A_638] {strides = array<i32>} : memref<200x64xf32, #tpu.memory_space<vmem>>, vector<16xf32>,
        %mul3A_640 = arith.mulf %get3A_639, %get3A_166 : vector<16xf32>
        %add3A_641 = arith.addf %add3A_634, %mul3A_640 : vector<16xf32>
        %add3A_642 = arith.constant 12 : i32
        %add3A_643 = arith.addi %min3A_317, %add3A_642 : i32
        %get3A_644 = arith.index_cast %add3A_643 : i32 to index
        %get3A_645 = arith.constant 0 : index
        %get3A_646 = tpu.vector_load %arg8[%get3A_644, %get3A_645] {strides = array<i32>} : memref<200x64xf32, #tpu.memory_space<vmem>>, vector<16xf32>,
        %mul3A_647 = arith.mulf %get3A_646, %get3A_148 : vector<16xf32>
        %add3A_648 = arith.constant 12 : i32
        %add3A_649 = arith.addi %min3A_317, %add3A_648 : i32
        %get3A_650 = arith.index_cast %add3A_649 : i32 to index
        %get3A_651 = arith.constant 16 : index
        %get3A_652 = tpu.vector_load %arg8[%get3A_650, %get3A_651] {strides = array<i32>} : memref<200x64xf32, #tpu.memory_space<vmem>>, vector<16xf32>,
        %mul3A_653 = arith.mulf %get3A_652, %get3A_154 : vector<16xf32>
        %add3A_654 = arith.addf %mul3A_647, %mul3A_653 : vector<16xf32>
        %add3A_655 = arith.constant 12 : i32
        %add3A_656 = arith.addi %min3A_317, %add3A_655 : i32
        %get3A_657 = arith.index_cast %add3A_656 : i32 to index
        %get3A_658 = arith.constant 32 : index
        %get3A_659 = tpu.vector_load %arg8[%get3A_657, %get3A_658] {strides = array<i32>} : memref<200x64xf32, #tpu.memory_space<vmem>>, vector<16xf32>,
        %mul3A_660 = arith.mulf %get3A_659, %get3A_160 : vector<16xf32>
        %add3A_661 = arith.addf %add3A_654, %mul3A_660 : vector<16xf32>
        %add3A_662 = arith.constant 12 : i32
        %add3A_663 = arith.addi %min3A_317, %add3A_662 : i32
        %get3A_664 = arith.index_cast %add3A_663 : i32 to index
        %get3A_665 = arith.constant 48 : index
        %get3A_666 = tpu.vector_load %arg8[%get3A_664, %get3A_665] {strides = array<i32>} : memref<200x64xf32, #tpu.memory_space<vmem>>, vector<16xf32>,
        %mul3A_667 = arith.mulf %get3A_666, %get3A_166 : vector<16xf32>
        %add3A_668 = arith.addf %add3A_661, %mul3A_667 : vector<16xf32>
        %add3A_669 = arith.constant 13 : i32
        %add3A_670 = arith.addi %min3A_317, %add3A_669 : i32
        %get3A_671 = arith.index_cast %add3A_670 : i32 to index
        %get3A_672 = arith.constant 0 : index
        %get3A_673 = tpu.vector_load %arg8[%get3A_671, %get3A_672] {strides = array<i32>} : memref<200x64xf32, #tpu.memory_space<vmem>>, vector<16xf32>,
        %mul3A_674 = arith.mulf %get3A_673, %get3A_148 : vector<16xf32>
        %add3A_675 = arith.constant 13 : i32
        %add3A_676 = arith.addi %min3A_317, %add3A_675 : i32
        %get3A_677 = arith.index_cast %add3A_676 : i32 to index
        %get3A_678 = arith.constant 16 : index
        %get3A_679 = tpu.vector_load %arg8[%get3A_677, %get3A_678] {strides = array<i32>} : memref<200x64xf32, #tpu.memory_space<vmem>>, vector<16xf32>,
        %mul3A_680 = arith.mulf %get3A_679, %get3A_154 : vector<16xf32>
        %add3A_681 = arith.addf %mul3A_674, %mul3A_680 : vector<16xf32>
        %add3A_682 = arith.constant 13 : i32
        %add3A_683 = arith.addi %min3A_317, %add3A_682 : i32
        %get3A_684 = arith.index_cast %add3A_683 : i32 to index
        %get3A_685 = arith.constant 32 : index
        %get3A_686 = tpu.vector_load %arg8[%get3A_684, %get3A_685] {strides = array<i32>} : memref<200x64xf32, #tpu.memory_space<vmem>>, vector<16xf32>,
        %mul3A_687 = arith.mulf %get3A_686, %get3A_160 : vector<16xf32>
        %add3A_688 = arith.addf %add3A_681, %mul3A_687 : vector<16xf32>
        %add3A_689 = arith.constant 13 : i32
        %add3A_690 = arith.addi %min3A_317, %add3A_689 : i32
        %get3A_691 = arith.index_cast %add3A_690 : i32 to index
        %get3A_692 = arith.constant 48 : index
        %get3A_693 = tpu.vector_load %arg8[%get3A_691, %get3A_692] {strides = array<i32>} : memref<200x64xf32, #tpu.memory_space<vmem>>, vector<16xf32>,
        %mul3A_694 = arith.mulf %get3A_693, %get3A_166 : vector<16xf32>
        %add3A_695 = arith.addf %add3A_688, %mul3A_694 : vector<16xf32>
        %add3A_696 = arith.constant 14 : i32
        %add3A_697 = arith.addi %min3A_317, %add3A_696 : i32
        %get3A_698 = arith.index_cast %add3A_697 : i32 to index
        %get3A_699 = arith.constant 0 : index
        %get3A_700 = tpu.vector_load %arg8[%get3A_698, %get3A_699] {strides = array<i32>} : memref<200x64xf32, #tpu.memory_space<vmem>>, vector<16xf32>,
        %mul3A_701 = arith.mulf %get3A_700, %get3A_148 : vector<16xf32>
        %add3A_702 = arith.constant 14 : i32
        %add3A_703 = arith.addi %min3A_317, %add3A_702 : i32
        %get3A_704 = arith.index_cast %add3A_703 : i32 to index
        %get3A_705 = arith.constant 16 : index
        %get3A_706 = tpu.vector_load %arg8[%get3A_704, %get3A_705] {strides = array<i32>} : memref<200x64xf32, #tpu.memory_space<vmem>>, vector<16xf32>,
        %mul3A_707 = arith.mulf %get3A_706, %get3A_154 : vector<16xf32>
        %add3A_708 = arith.addf %mul3A_701, %mul3A_707 : vector<16xf32>
        %add3A_709 = arith.constant 14 : i32
        %add3A_710 = arith.addi %min3A_317, %add3A_709 : i32
        %get3A_711 = arith.index_cast %add3A_710 : i32 to index
        %get3A_712 = arith.constant 32 : index
        %get3A_713 = tpu.vector_load %arg8[%get3A_711, %get3A_712] {strides = array<i32>} : memref<200x64xf32, #tpu.memory_space<vmem>>, vector<16xf32>,
        %mul3A_714 = arith.mulf %get3A_713, %get3A_160 : vector<16xf32>
        %add3A_715 = arith.addf %add3A_708, %mul3A_714 : vector<16xf32>
        %add3A_716 = arith.constant 14 : i32
        %add3A_717 = arith.addi %min3A_317, %add3A_716 : i32
        %get3A_718 = arith.index_cast %add3A_717 : i32 to index
        %get3A_719 = arith.constant 48 : index
        %get3A_720 = tpu.vector_load %arg8[%get3A_718, %get3A_719] {strides = array<i32>} : memref<200x64xf32, #tpu.memory_space<vmem>>, vector<16xf32>,
        %mul3A_721 = arith.mulf %get3A_720, %get3A_166 : vector<16xf32>
        %add3A_722 = arith.addf %add3A_715, %mul3A_721 : vector<16xf32>
        %add3A_723 = arith.constant 15 : i32
        %add3A_724 = arith.addi %min3A_317, %add3A_723 : i32
        %get3A_725 = arith.index_cast %add3A_724 : i32 to index
        %get3A_726 = arith.constant 0 : index
        %get3A_727 = tpu.vector_load %arg8[%get3A_725, %get3A_726] {strides = array<i32>} : memref<200x64xf32, #tpu.memory_space<vmem>>, vector<16xf32>,
        %mul3A_728 = arith.mulf %get3A_727, %get3A_148 : vector<16xf32>
        %add3A_729 = arith.constant 15 : i32
        %add3A_730 = arith.addi %min3A_317, %add3A_729 : i32
        %get3A_731 = arith.index_cast %add3A_730 : i32 to index
        %get3A_732 = arith.constant 16 : index
        %get3A_733 = tpu.vector_load %arg8[%get3A_731, %get3A_732] {strides = array<i32>} : memref<200x64xf32, #tpu.memory_space<vmem>>, vector<16xf32>,
        %mul3A_734 = arith.mulf %get3A_733, %get3A_154 : vector<16xf32>
        %add3A_735 = arith.addf %mul3A_728, %mul3A_734 : vector<16xf32>
        %add3A_736 = arith.constant 15 : i32
        %add3A_737 = arith.addi %min3A_317, %add3A_736 : i32
        %get3A_738 = arith.index_cast %add3A_737 : i32 to index
        %get3A_739 = arith.constant 32 : index
        %get3A_740 = tpu.vector_load %arg8[%get3A_738, %get3A_739] {strides = array<i32>} : memref<200x64xf32, #tpu.memory_space<vmem>>, vector<16xf32>,
        %mul3A_741 = arith.mulf %get3A_740, %get3A_160 : vector<16xf32>
        %add3A_742 = arith.addf %add3A_735, %mul3A_741 : vector<16xf32>
        %add3A_743 = arith.constant 15 : i32
        %add3A_744 = arith.addi %min3A_317, %add3A_743 : i32
        %get3A_745 = arith.index_cast %add3A_744 : i32 to index
        %get3A_746 = arith.constant 48 : index
        %get3A_747 = tpu.vector_load %arg8[%get3A_745, %get3A_746] {strides = array<i32>} : memref<200x64xf32, #tpu.memory_space<vmem>>, vector<16xf32>,
        %mul3A_748 = arith.mulf %get3A_747, %get3A_166 : vector<16xf32>
        %add3A_749 = arith.addf %add3A_742, %mul3A_748 : vector<16xf32>
        %select_n3A = arith.select %lt3A_15, %add3A_344, %add3A_371 : vector<16xi1>, vector<16xf32>
        %lt3A_750 = arith.constant 0 : i32
        %lt3A_751 = vector.broadcast %lt3A_750 : i32 to vector<16xi32>
        %lt3A_752 = arith.cmpi slt, %xor3A_2, %lt3A_751 : vector<16xi32>
        %add3A_753 = arith.constant 16 : i32
        %add3A_754 = vector.broadcast %add3A_753 : i32 to vector<16xi32>
        %add3A_755 = arith.addi %xor3A_2, %add3A_754 : vector<16xi32>
        %select_n3A_756 = arith.select %lt3A_752, %add3A_755, %xor3A_2 : vector<16xi1>, vector<16xi32>
        %broadcast_in_dim3A = vector.shape_cast %select_n3A_756 : vector<16xi32> to vector<16x1xi32>
        %gather3A = vector.shape_cast %broadcast_in_dim3A : vector<16x1xi32> to vector<16xi32>
        %gather3A_757 = tpu.dynamic_gather %add3A_344[%gather3A] in [0] : vector<16xf32>, vector<16xi32> -> vector<16xf32>
        %lt3A_758 = arith.constant 0 : i32
        %lt3A_759 = vector.broadcast %lt3A_758 : i32 to vector<16xi32>
        %lt3A_760 = arith.cmpi slt, %xor3A_2, %lt3A_759 : vector<16xi32>
        %add3A_761 = arith.constant 16 : i32
        %add3A_762 = vector.broadcast %add3A_761 : i32 to vector<16xi32>
        %add3A_763 = arith.addi %xor3A_2, %add3A_762 : vector<16xi32>
        %select_n3A_764 = arith.select %lt3A_760, %add3A_763, %xor3A_2 : vector<16xi1>, vector<16xi32>
        %broadcast_in_dim3A_765 = vector.shape_cast %select_n3A_764 : vector<16xi32> to vector<16x1xi32>
        %gather3A_766 = vector.shape_cast %broadcast_in_dim3A_765 : vector<16x1xi32> to vector<16xi32>
        %gather3A_767 = tpu.dynamic_gather %add3A_371[%gather3A_766] in [0] : vector<16xf32>, vector<16xi32> -> vector<16xf32>
        %select_n3A_768 = arith.select %lt3A_15, %gather3A_757, %gather3A_767 : vector<16xi1>, vector<16xf32>
        %add3A_769 = arith.addf %select_n3A, %select_n3A_768 : vector<16xf32>
        %select_n3A_770 = arith.select %lt3A_15, %add3A_398, %add3A_425 : vector<16xi1>, vector<16xf32>
        %lt3A_771 = arith.constant 0 : i32
        %lt3A_772 = vector.broadcast %lt3A_771 : i32 to vector<16xi32>
        %lt3A_773 = arith.cmpi slt, %xor3A_2, %lt3A_772 : vector<16xi32>
        %add3A_774 = arith.constant 16 : i32
        %add3A_775 = vector.broadcast %add3A_774 : i32 to vector<16xi32>
        %add3A_776 = arith.addi %xor3A_2, %add3A_775 : vector<16xi32>
        %select_n3A_777 = arith.select %lt3A_773, %add3A_776, %xor3A_2 : vector<16xi1>, vector<16xi32>
        %broadcast_in_dim3A_778 = vector.shape_cast %select_n3A_777 : vector<16xi32> to vector<16x1xi32>
        %gather3A_779 = vector.shape_cast %broadcast_in_dim3A_778 : vector<16x1xi32> to vector<16xi32>
        %gather3A_780 = tpu.dynamic_gather %add3A_398[%gather3A_779] in [0] : vector<16xf32>, vector<16xi32> -> vector<16xf32>
        %lt3A_781 = arith.constant 0 : i32
        %lt3A_782 = vector.broadcast %lt3A_781 : i32 to vector<16xi32>
        %lt3A_783 = arith.cmpi slt, %xor3A_2, %lt3A_782 : vector<16xi32>
        %add3A_784 = arith.constant 16 : i32
        %add3A_785 = vector.broadcast %add3A_784 : i32 to vector<16xi32>
        %add3A_786 = arith.addi %xor3A_2, %add3A_785 : vector<16xi32>
        %select_n3A_787 = arith.select %lt3A_783, %add3A_786, %xor3A_2 : vector<16xi1>, vector<16xi32>
        %broadcast_in_dim3A_788 = vector.shape_cast %select_n3A_787 : vector<16xi32> to vector<16x1xi32>
        %gather3A_789 = vector.shape_cast %broadcast_in_dim3A_788 : vector<16x1xi32> to vector<16xi32>
        %gather3A_790 = tpu.dynamic_gather %add3A_425[%gather3A_789] in [0] : vector<16xf32>, vector<16xi32> -> vector<16xf32>
        %select_n3A_791 = arith.select %lt3A_15, %gather3A_780, %gather3A_790 : vector<16xi1>, vector<16xf32>
        %add3A_792 = arith.addf %select_n3A_770, %select_n3A_791 : vector<16xf32>
        %select_n3A_793 = arith.select %lt3A_15, %add3A_452, %add3A_479 : vector<16xi1>, vector<16xf32>
        %lt3A_794 = arith.constant 0 : i32
        %lt3A_795 = vector.broadcast %lt3A_794 : i32 to vector<16xi32>
        %lt3A_796 = arith.cmpi slt, %xor3A_2, %lt3A_795 : vector<16xi32>
        %add3A_797 = arith.constant 16 : i32
        %add3A_798 = vector.broadcast %add3A_797 : i32 to vector<16xi32>
        %add3A_799 = arith.addi %xor3A_2, %add3A_798 : vector<16xi32>
        %select_n3A_800 = arith.select %lt3A_796, %add3A_799, %xor3A_2 : vector<16xi1>, vector<16xi32>
        %broadcast_in_dim3A_801 = vector.shape_cast %select_n3A_800 : vector<16xi32> to vector<16x1xi32>
        %gather3A_802 = vector.shape_cast %broadcast_in_dim3A_801 : vector<16x1xi32> to vector<16xi32>
        %gather3A_803 = tpu.dynamic_gather %add3A_452[%gather3A_802] in [0] : vector<16xf32>, vector<16xi32> -> vector<16xf32>
        %lt3A_804 = arith.constant 0 : i32
        %lt3A_805 = vector.broadcast %lt3A_804 : i32 to vector<16xi32>
        %lt3A_806 = arith.cmpi slt, %xor3A_2, %lt3A_805 : vector<16xi32>
        %add3A_807 = arith.constant 16 : i32
        %add3A_808 = vector.broadcast %add3A_807 : i32 to vector<16xi32>
        %add3A_809 = arith.addi %xor3A_2, %add3A_808 : vector<16xi32>
        %select_n3A_810 = arith.select %lt3A_806, %add3A_809, %xor3A_2 : vector<16xi1>, vector<16xi32>
        %broadcast_in_dim3A_811 = vector.shape_cast %select_n3A_810 : vector<16xi32> to vector<16x1xi32>
        %gather3A_812 = vector.shape_cast %broadcast_in_dim3A_811 : vector<16x1xi32> to vector<16xi32>
        %gather3A_813 = tpu.dynamic_gather %add3A_479[%gather3A_812] in [0] : vector<16xf32>, vector<16xi32> -> vector<16xf32>
        %select_n3A_814 = arith.select %lt3A_15, %gather3A_803, %gather3A_813 : vector<16xi1>, vector<16xf32>
        %add3A_815 = arith.addf %select_n3A_793, %select_n3A_814 : vector<16xf32>
        %select_n3A_816 = arith.select %lt3A_15, %add3A_506, %add3A_533 : vector<16xi1>, vector<16xf32>
        %lt3A_817 = arith.constant 0 : i32
        %lt3A_818 = vector.broadcast %lt3A_817 : i32 to vector<16xi32>
        %lt3A_819 = arith.cmpi slt, %xor3A_2, %lt3A_818 : vector<16xi32>
        %add3A_820 = arith.constant 16 : i32
        %add3A_821 = vector.broadcast %add3A_820 : i32 to vector<16xi32>
        %add3A_822 = arith.addi %xor3A_2, %add3A_821 : vector<16xi32>
        %select_n3A_823 = arith.select %lt3A_819, %add3A_822, %xor3A_2 : vector<16xi1>, vector<16xi32>
        %broadcast_in_dim3A_824 = vector.shape_cast %select_n3A_823 : vector<16xi32> to vector<16x1xi32>
        %gather3A_825 = vector.shape_cast %broadcast_in_dim3A_824 : vector<16x1xi32> to vector<16xi32>
        %gather3A_826 = tpu.dynamic_gather %add3A_506[%gather3A_825] in [0] : vector<16xf32>, vector<16xi32> -> vector<16xf32>
        %lt3A_827 = arith.constant 0 : i32
        %lt3A_828 = vector.broadcast %lt3A_827 : i32 to vector<16xi32>
        %lt3A_829 = arith.cmpi slt, %xor3A_2, %lt3A_828 : vector<16xi32>
        %add3A_830 = arith.constant 16 : i32
        %add3A_831 = vector.broadcast %add3A_830 : i32 to vector<16xi32>
        %add3A_832 = arith.addi %xor3A_2, %add3A_831 : vector<16xi32>
        %select_n3A_833 = arith.select %lt3A_829, %add3A_832, %xor3A_2 : vector<16xi1>, vector<16xi32>
        %broadcast_in_dim3A_834 = vector.shape_cast %select_n3A_833 : vector<16xi32> to vector<16x1xi32>
        %gather3A_835 = vector.shape_cast %broadcast_in_dim3A_834 : vector<16x1xi32> to vector<16xi32>
        %gather3A_836 = tpu.dynamic_gather %add3A_533[%gather3A_835] in [0] : vector<16xf32>, vector<16xi32> -> vector<16xf32>
        %select_n3A_837 = arith.select %lt3A_15, %gather3A_826, %gather3A_836 : vector<16xi1>, vector<16xf32>
        %add3A_838 = arith.addf %select_n3A_816, %select_n3A_837 : vector<16xf32>
        %select_n3A_839 = arith.select %lt3A_15, %add3A_560, %add3A_587 : vector<16xi1>, vector<16xf32>
        %lt3A_840 = arith.constant 0 : i32
        %lt3A_841 = vector.broadcast %lt3A_840 : i32 to vector<16xi32>
        %lt3A_842 = arith.cmpi slt, %xor3A_2, %lt3A_841 : vector<16xi32>
        %add3A_843 = arith.constant 16 : i32
        %add3A_844 = vector.broadcast %add3A_843 : i32 to vector<16xi32>
        %add3A_845 = arith.addi %xor3A_2, %add3A_844 : vector<16xi32>
        %select_n3A_846 = arith.select %lt3A_842, %add3A_845, %xor3A_2 : vector<16xi1>, vector<16xi32>
        %broadcast_in_dim3A_847 = vector.shape_cast %select_n3A_846 : vector<16xi32> to vector<16x1xi32>
        %gather3A_848 = vector.shape_cast %broadcast_in_dim3A_847 : vector<16x1xi32> to vector<16xi32>
        %gather3A_849 = tpu.dynamic_gather %add3A_560[%gather3A_848] in [0] : vector<16xf32>, vector<16xi32> -> vector<16xf32>
        %lt3A_850 = arith.constant 0 : i32
        %lt3A_851 = vector.broadcast %lt3A_850 : i32 to vector<16xi32>
        %lt3A_852 = arith.cmpi slt, %xor3A_2, %lt3A_851 : vector<16xi32>
        %add3A_853 = arith.constant 16 : i32
        %add3A_854 = vector.broadcast %add3A_853 : i32 to vector<16xi32>
        %add3A_855 = arith.addi %xor3A_2, %add3A_854 : vector<16xi32>
        %select_n3A_856 = arith.select %lt3A_852, %add3A_855, %xor3A_2 : vector<16xi1>, vector<16xi32>
        %broadcast_in_dim3A_857 = vector.shape_cast %select_n3A_856 : vector<16xi32> to vector<16x1xi32>
        %gather3A_858 = vector.shape_cast %broadcast_in_dim3A_857 : vector<16x1xi32> to vector<16xi32>
        %gather3A_859 = tpu.dynamic_gather %add3A_587[%gather3A_858] in [0] : vector<16xf32>, vector<16xi32> -> vector<16xf32>
        %select_n3A_860 = arith.select %lt3A_15, %gather3A_849, %gather3A_859 : vector<16xi1>, vector<16xf32>
        %add3A_861 = arith.addf %select_n3A_839, %select_n3A_860 : vector<16xf32>
        %select_n3A_862 = arith.select %lt3A_15, %add3A_614, %add3A_641 : vector<16xi1>, vector<16xf32>
        %lt3A_863 = arith.constant 0 : i32
        %lt3A_864 = vector.broadcast %lt3A_863 : i32 to vector<16xi32>
        %lt3A_865 = arith.cmpi slt, %xor3A_2, %lt3A_864 : vector<16xi32>
        %add3A_866 = arith.constant 16 : i32
        %add3A_867 = vector.broadcast %add3A_866 : i32 to vector<16xi32>
        %add3A_868 = arith.addi %xor3A_2, %add3A_867 : vector<16xi32>
        %select_n3A_869 = arith.select %lt3A_865, %add3A_868, %xor3A_2 : vector<16xi1>, vector<16xi32>
        %broadcast_in_dim3A_870 = vector.shape_cast %select_n3A_869 : vector<16xi32> to vector<16x1xi32>
        %gather3A_871 = vector.shape_cast %broadcast_in_dim3A_870 : vector<16x1xi32> to vector<16xi32>
        %gather3A_872 = tpu.dynamic_gather %add3A_614[%gather3A_871] in [0] : vector<16xf32>, vector<16xi32> -> vector<16xf32>
        %lt3A_873 = arith.constant 0 : i32
        %lt3A_874 = vector.broadcast %lt3A_873 : i32 to vector<16xi32>
        %lt3A_875 = arith.cmpi slt, %xor3A_2, %lt3A_874 : vector<16xi32>
        %add3A_876 = arith.constant 16 : i32
        %add3A_877 = vector.broadcast %add3A_876 : i32 to vector<16xi32>
        %add3A_878 = arith.addi %xor3A_2, %add3A_877 : vector<16xi32>
        %select_n3A_879 = arith.select %lt3A_875, %add3A_878, %xor3A_2 : vector<16xi1>, vector<16xi32>
        %broadcast_in_dim3A_880 = vector.shape_cast %select_n3A_879 : vector<16xi32> to vector<16x1xi32>
        %gather3A_881 = vector.shape_cast %broadcast_in_dim3A_880 : vector<16x1xi32> to vector<16xi32>
        %gather3A_882 = tpu.dynamic_gather %add3A_641[%gather3A_881] in [0] : vector<16xf32>, vector<16xi32> -> vector<16xf32>
        %select_n3A_883 = arith.select %lt3A_15, %gather3A_872, %gather3A_882 : vector<16xi1>, vector<16xf32>
        %add3A_884 = arith.addf %select_n3A_862, %select_n3A_883 : vector<16xf32>
        %select_n3A_885 = arith.select %lt3A_15, %add3A_668, %add3A_695 : vector<16xi1>, vector<16xf32>
        %lt3A_886 = arith.constant 0 : i32
        %lt3A_887 = vector.broadcast %lt3A_886 : i32 to vector<16xi32>
        %lt3A_888 = arith.cmpi slt, %xor3A_2, %lt3A_887 : vector<16xi32>
        %add3A_889 = arith.constant 16 : i32
        %add3A_890 = vector.broadcast %add3A_889 : i32 to vector<16xi32>
        %add3A_891 = arith.addi %xor3A_2, %add3A_890 : vector<16xi32>
        %select_n3A_892 = arith.select %lt3A_888, %add3A_891, %xor3A_2 : vector<16xi1>, vector<16xi32>
        %broadcast_in_dim3A_893 = vector.shape_cast %select_n3A_892 : vector<16xi32> to vector<16x1xi32>
        %gather3A_894 = vector.shape_cast %broadcast_in_dim3A_893 : vector<16x1xi32> to vector<16xi32>
        %gather3A_895 = tpu.dynamic_gather %add3A_668[%gather3A_894] in [0] : vector<16xf32>, vector<16xi32> -> vector<16xf32>
        %lt3A_896 = arith.constant 0 : i32
        %lt3A_897 = vector.broadcast %lt3A_896 : i32 to vector<16xi32>
        %lt3A_898 = arith.cmpi slt, %xor3A_2, %lt3A_897 : vector<16xi32>
        %add3A_899 = arith.constant 16 : i32
        %add3A_900 = vector.broadcast %add3A_899 : i32 to vector<16xi32>
        %add3A_901 = arith.addi %xor3A_2, %add3A_900 : vector<16xi32>
        %select_n3A_902 = arith.select %lt3A_898, %add3A_901, %xor3A_2 : vector<16xi1>, vector<16xi32>
        %broadcast_in_dim3A_903 = vector.shape_cast %select_n3A_902 : vector<16xi32> to vector<16x1xi32>
        %gather3A_904 = vector.shape_cast %broadcast_in_dim3A_903 : vector<16x1xi32> to vector<16xi32>
        %gather3A_905 = tpu.dynamic_gather %add3A_695[%gather3A_904] in [0] : vector<16xf32>, vector<16xi32> -> vector<16xf32>
        %select_n3A_906 = arith.select %lt3A_15, %gather3A_895, %gather3A_905 : vector<16xi1>, vector<16xf32>
        %add3A_907 = arith.addf %select_n3A_885, %select_n3A_906 : vector<16xf32>
        %select_n3A_908 = arith.select %lt3A_15, %add3A_722, %add3A_749 : vector<16xi1>, vector<16xf32>
        %lt3A_909 = arith.constant 0 : i32
        %lt3A_910 = vector.broadcast %lt3A_909 : i32 to vector<16xi32>
        %lt3A_911 = arith.cmpi slt, %xor3A_2, %lt3A_910 : vector<16xi32>
        %add3A_912 = arith.constant 16 : i32
        %add3A_913 = vector.broadcast %add3A_912 : i32 to vector<16xi32>
        %add3A_914 = arith.addi %xor3A_2, %add3A_913 : vector<16xi32>
        %select_n3A_915 = arith.select %lt3A_911, %add3A_914, %xor3A_2 : vector<16xi1>, vector<16xi32>
        %broadcast_in_dim3A_916 = vector.shape_cast %select_n3A_915 : vector<16xi32> to vector<16x1xi32>
        %gather3A_917 = vector.shape_cast %broadcast_in_dim3A_916 : vector<16x1xi32> to vector<16xi32>
        %gather3A_918 = tpu.dynamic_gather %add3A_722[%gather3A_917] in [0] : vector<16xf32>, vector<16xi32> -> vector<16xf32>
        %lt3A_919 = arith.constant 0 : i32
        %lt3A_920 = vector.broadcast %lt3A_919 : i32 to vector<16xi32>
        %lt3A_921 = arith.cmpi slt, %xor3A_2, %lt3A_920 : vector<16xi32>
        %add3A_922 = arith.constant 16 : i32
        %add3A_923 = vector.broadcast %add3A_922 : i32 to vector<16xi32>
        %add3A_924 = arith.addi %xor3A_2, %add3A_923 : vector<16xi32>
        %select_n3A_925 = arith.select %lt3A_921, %add3A_924, %xor3A_2 : vector<16xi1>, vector<16xi32>
        %broadcast_in_dim3A_926 = vector.shape_cast %select_n3A_925 : vector<16xi32> to vector<16x1xi32>
        %gather3A_927 = vector.shape_cast %broadcast_in_dim3A_926 : vector<16x1xi32> to vector<16xi32>
        %gather3A_928 = tpu.dynamic_gather %add3A_749[%gather3A_927] in [0] : vector<16xf32>, vector<16xi32> -> vector<16xf32>
        %select_n3A_929 = arith.select %lt3A_15, %gather3A_918, %gather3A_928 : vector<16xi1>, vector<16xf32>
        %add3A_930 = arith.addf %select_n3A_908, %select_n3A_929 : vector<16xf32>
        %select_n3A_931 = arith.select %lt3A_21, %add3A_769, %add3A_792 : vector<16xi1>, vector<16xf32>
        %lt3A_932 = arith.constant 0 : i32
        %lt3A_933 = vector.broadcast %lt3A_932 : i32 to vector<16xi32>
        %lt3A_934 = arith.cmpi slt, %xor3A_5, %lt3A_933 : vector<16xi32>
        %add3A_935 = arith.constant 16 : i32
        %add3A_936 = vector.broadcast %add3A_935 : i32 to vector<16xi32>
        %add3A_937 = arith.addi %xor3A_5, %add3A_936 : vector<16xi32>
        %select_n3A_938 = arith.select %lt3A_934, %add3A_937, %xor3A_5 : vector<16xi1>, vector<16xi32>
        %broadcast_in_dim3A_939 = vector.shape_cast %select_n3A_938 : vector<16xi32> to vector<16x1xi32>
        %gather3A_940 = vector.shape_cast %broadcast_in_dim3A_939 : vector<16x1xi32> to vector<16xi32>
        %gather3A_941 = tpu.dynamic_gather %add3A_769[%gather3A_940] in [0] : vector<16xf32>, vector<16xi32> -> vector<16xf32>
        %lt3A_942 = arith.constant 0 : i32
        %lt3A_943 = vector.broadcast %lt3A_942 : i32 to vector<16xi32>
        %lt3A_944 = arith.cmpi slt, %xor3A_5, %lt3A_943 : vector<16xi32>
        %add3A_945 = arith.constant 16 : i32
        %add3A_946 = vector.broadcast %add3A_945 : i32 to vector<16xi32>
        %add3A_947 = arith.addi %xor3A_5, %add3A_946 : vector<16xi32>
        %select_n3A_948 = arith.select %lt3A_944, %add3A_947, %xor3A_5 : vector<16xi1>, vector<16xi32>
        %broadcast_in_dim3A_949 = vector.shape_cast %select_n3A_948 : vector<16xi32> to vector<16x1xi32>
        %gather3A_950 = vector.shape_cast %broadcast_in_dim3A_949 : vector<16x1xi32> to vector<16xi32>
        %gather3A_951 = tpu.dynamic_gather %add3A_792[%gather3A_950] in [0] : vector<16xf32>, vector<16xi32> -> vector<16xf32>
        %select_n3A_952 = arith.select %lt3A_21, %gather3A_941, %gather3A_951 : vector<16xi1>, vector<16xf32>
        %add3A_953 = arith.addf %select_n3A_931, %select_n3A_952 : vector<16xf32>
        %select_n3A_954 = arith.select %lt3A_21, %add3A_815, %add3A_838 : vector<16xi1>, vector<16xf32>
        %lt3A_955 = arith.constant 0 : i32
        %lt3A_956 = vector.broadcast %lt3A_955 : i32 to vector<16xi32>
        %lt3A_957 = arith.cmpi slt, %xor3A_5, %lt3A_956 : vector<16xi32>
        %add3A_958 = arith.constant 16 : i32
        %add3A_959 = vector.broadcast %add3A_958 : i32 to vector<16xi32>
        %add3A_960 = arith.addi %xor3A_5, %add3A_959 : vector<16xi32>
        %select_n3A_961 = arith.select %lt3A_957, %add3A_960, %xor3A_5 : vector<16xi1>, vector<16xi32>
        %broadcast_in_dim3A_962 = vector.shape_cast %select_n3A_961 : vector<16xi32> to vector<16x1xi32>
        %gather3A_963 = vector.shape_cast %broadcast_in_dim3A_962 : vector<16x1xi32> to vector<16xi32>
        %gather3A_964 = tpu.dynamic_gather %add3A_815[%gather3A_963] in [0] : vector<16xf32>, vector<16xi32> -> vector<16xf32>
        %lt3A_965 = arith.constant 0 : i32
        %lt3A_966 = vector.broadcast %lt3A_965 : i32 to vector<16xi32>
        %lt3A_967 = arith.cmpi slt, %xor3A_5, %lt3A_966 : vector<16xi32>
        %add3A_968 = arith.constant 16 : i32
        %add3A_969 = vector.broadcast %add3A_968 : i32 to vector<16xi32>
        %add3A_970 = arith.addi %xor3A_5, %add3A_969 : vector<16xi32>
        %select_n3A_971 = arith.select %lt3A_967, %add3A_970, %xor3A_5 : vector<16xi1>, vector<16xi32>
        %broadcast_in_dim3A_972 = vector.shape_cast %select_n3A_971 : vector<16xi32> to vector<16x1xi32>
        %gather3A_973 = vector.shape_cast %broadcast_in_dim3A_972 : vector<16x1xi32> to vector<16xi32>
        %gather3A_974 = tpu.dynamic_gather %add3A_838[%gather3A_973] in [0] : vector<16xf32>, vector<16xi32> -> vector<16xf32>
        %select_n3A_975 = arith.select %lt3A_21, %gather3A_964, %gather3A_974 : vector<16xi1>, vector<16xf32>
        %add3A_976 = arith.addf %select_n3A_954, %select_n3A_975 : vector<16xf32>
        %select_n3A_977 = arith.select %lt3A_21, %add3A_861, %add3A_884 : vector<16xi1>, vector<16xf32>
        %lt3A_978 = arith.constant 0 : i32
        %lt3A_979 = vector.broadcast %lt3A_978 : i32 to vector<16xi32>
        %lt3A_980 = arith.cmpi slt, %xor3A_5, %lt3A_979 : vector<16xi32>
        %add3A_981 = arith.constant 16 : i32
        %add3A_982 = vector.broadcast %add3A_981 : i32 to vector<16xi32>
        %add3A_983 = arith.addi %xor3A_5, %add3A_982 : vector<16xi32>
        %select_n3A_984 = arith.select %lt3A_980, %add3A_983, %xor3A_5 : vector<16xi1>, vector<16xi32>
        %broadcast_in_dim3A_985 = vector.shape_cast %select_n3A_984 : vector<16xi32> to vector<16x1xi32>
        %gather3A_986 = vector.shape_cast %broadcast_in_dim3A_985 : vector<16x1xi32> to vector<16xi32>
        %gather3A_987 = tpu.dynamic_gather %add3A_861[%gather3A_986] in [0] : vector<16xf32>, vector<16xi32> -> vector<16xf32>
        %lt3A_988 = arith.constant 0 : i32
        %lt3A_989 = vector.broadcast %lt3A_988 : i32 to vector<16xi32>
        %lt3A_990 = arith.cmpi slt, %xor3A_5, %lt3A_989 : vector<16xi32>
        %add3A_991 = arith.constant 16 : i32
        %add3A_992 = vector.broadcast %add3A_991 : i32 to vector<16xi32>
        %add3A_993 = arith.addi %xor3A_5, %add3A_992 : vector<16xi32>
        %select_n3A_994 = arith.select %lt3A_990, %add3A_993, %xor3A_5 : vector<16xi1>, vector<16xi32>
        %broadcast_in_dim3A_995 = vector.shape_cast %select_n3A_994 : vector<16xi32> to vector<16x1xi32>
        %gather3A_996 = vector.shape_cast %broadcast_in_dim3A_995 : vector<16x1xi32> to vector<16xi32>
        %gather3A_997 = tpu.dynamic_gather %add3A_884[%gather3A_996] in [0] : vector<16xf32>, vector<16xi32> -> vector<16xf32>
        %select_n3A_998 = arith.select %lt3A_21, %gather3A_987, %gather3A_997 : vector<16xi1>, vector<16xf32>
        %add3A_999 = arith.addf %select_n3A_977, %select_n3A_998 : vector<16xf32>
        %select_n3A_1000 = arith.select %lt3A_21, %add3A_907, %add3A_930 : vector<16xi1>, vector<16xf32>
        %lt3A_1001 = arith.constant 0 : i32
        %lt3A_1002 = vector.broadcast %lt3A_1001 : i32 to vector<16xi32>
        %lt3A_1003 = arith.cmpi slt, %xor3A_5, %lt3A_1002 : vector<16xi32>
        %add3A_1004 = arith.constant 16 : i32
        %add3A_1005 = vector.broadcast %add3A_1004 : i32 to vector<16xi32>
        %add3A_1006 = arith.addi %xor3A_5, %add3A_1005 : vector<16xi32>
        %select_n3A_1007 = arith.select %lt3A_1003, %add3A_1006, %xor3A_5 : vector<16xi1>, vector<16xi32>
        %broadcast_in_dim3A_1008 = vector.shape_cast %select_n3A_1007 : vector<16xi32> to vector<16x1xi32>
        %gather3A_1009 = vector.shape_cast %broadcast_in_dim3A_1008 : vector<16x1xi32> to vector<16xi32>
        %gather3A_1010 = tpu.dynamic_gather %add3A_907[%gather3A_1009] in [0] : vector<16xf32>, vector<16xi32> -> vector<16xf32>
        %lt3A_1011 = arith.constant 0 : i32
        %lt3A_1012 = vector.broadcast %lt3A_1011 : i32 to vector<16xi32>
        %lt3A_1013 = arith.cmpi slt, %xor3A_5, %lt3A_1012 : vector<16xi32>
        %add3A_1014 = arith.constant 16 : i32
        %add3A_1015 = vector.broadcast %add3A_1014 : i32 to vector<16xi32>
        %add3A_1016 = arith.addi %xor3A_5, %add3A_1015 : vector<16xi32>
        %select_n3A_1017 = arith.select %lt3A_1013, %add3A_1016, %xor3A_5 : vector<16xi1>, vector<16xi32>
        %broadcast_in_dim3A_1018 = vector.shape_cast %select_n3A_1017 : vector<16xi32> to vector<16x1xi32>
        %gather3A_1019 = vector.shape_cast %broadcast_in_dim3A_1018 : vector<16x1xi32> to vector<16xi32>
        %gather3A_1020 = tpu.dynamic_gather %add3A_930[%gather3A_1019] in [0] : vector<16xf32>, vector<16xi32> -> vector<16xf32>
        %select_n3A_1021 = arith.select %lt3A_21, %gather3A_1010, %gather3A_1020 : vector<16xi1>, vector<16xf32>
        %add3A_1022 = arith.addf %select_n3A_1000, %select_n3A_1021 : vector<16xf32>
        %select_n3A_1023 = arith.select %lt3A_27, %add3A_953, %add3A_976 : vector<16xi1>, vector<16xf32>
        %lt3A_1024 = arith.constant 0 : i32
        %lt3A_1025 = vector.broadcast %lt3A_1024 : i32 to vector<16xi32>
        %lt3A_1026 = arith.cmpi slt, %xor3A_8, %lt3A_1025 : vector<16xi32>
        %add3A_1027 = arith.constant 16 : i32
        %add3A_1028 = vector.broadcast %add3A_1027 : i32 to vector<16xi32>
        %add3A_1029 = arith.addi %xor3A_8, %add3A_1028 : vector<16xi32>
        %select_n3A_1030 = arith.select %lt3A_1026, %add3A_1029, %xor3A_8 : vector<16xi1>, vector<16xi32>
        %broadcast_in_dim3A_1031 = vector.shape_cast %select_n3A_1030 : vector<16xi32> to vector<16x1xi32>
        %gather3A_1032 = vector.shape_cast %broadcast_in_dim3A_1031 : vector<16x1xi32> to vector<16xi32>
        %gather3A_1033 = tpu.dynamic_gather %add3A_953[%gather3A_1032] in [0] : vector<16xf32>, vector<16xi32> -> vector<16xf32>
        %lt3A_1034 = arith.constant 0 : i32
        %lt3A_1035 = vector.broadcast %lt3A_1034 : i32 to vector<16xi32>
        %lt3A_1036 = arith.cmpi slt, %xor3A_8, %lt3A_1035 : vector<16xi32>
        %add3A_1037 = arith.constant 16 : i32
        %add3A_1038 = vector.broadcast %add3A_1037 : i32 to vector<16xi32>
        %add3A_1039 = arith.addi %xor3A_8, %add3A_1038 : vector<16xi32>
        %select_n3A_1040 = arith.select %lt3A_1036, %add3A_1039, %xor3A_8 : vector<16xi1>, vector<16xi32>
        %broadcast_in_dim3A_1041 = vector.shape_cast %select_n3A_1040 : vector<16xi32> to vector<16x1xi32>
        %gather3A_1042 = vector.shape_cast %broadcast_in_dim3A_1041 : vector<16x1xi32> to vector<16xi32>
        %gather3A_1043 = tpu.dynamic_gather %add3A_976[%gather3A_1042] in [0] : vector<16xf32>, vector<16xi32> -> vector<16xf32>
        %select_n3A_1044 = arith.select %lt3A_27, %gather3A_1033, %gather3A_1043 : vector<16xi1>, vector<16xf32>
        %add3A_1045 = arith.addf %select_n3A_1023, %select_n3A_1044 : vector<16xf32>
        %select_n3A_1046 = arith.select %lt3A_27, %add3A_999, %add3A_1022 : vector<16xi1>, vector<16xf32>
        %lt3A_1047 = arith.constant 0 : i32
        %lt3A_1048 = vector.broadcast %lt3A_1047 : i32 to vector<16xi32>
        %lt3A_1049 = arith.cmpi slt, %xor3A_8, %lt3A_1048 : vector<16xi32>
        %add3A_1050 = arith.constant 16 : i32
        %add3A_1051 = vector.broadcast %add3A_1050 : i32 to vector<16xi32>
        %add3A_1052 = arith.addi %xor3A_8, %add3A_1051 : vector<16xi32>
        %select_n3A_1053 = arith.select %lt3A_1049, %add3A_1052, %xor3A_8 : vector<16xi1>, vector<16xi32>
        %broadcast_in_dim3A_1054 = vector.shape_cast %select_n3A_1053 : vector<16xi32> to vector<16x1xi32>
        %gather3A_1055 = vector.shape_cast %broadcast_in_dim3A_1054 : vector<16x1xi32> to vector<16xi32>
        %gather3A_1056 = tpu.dynamic_gather %add3A_999[%gather3A_1055] in [0] : vector<16xf32>, vector<16xi32> -> vector<16xf32>
        %lt3A_1057 = arith.constant 0 : i32
        %lt3A_1058 = vector.broadcast %lt3A_1057 : i32 to vector<16xi32>
        %lt3A_1059 = arith.cmpi slt, %xor3A_8, %lt3A_1058 : vector<16xi32>
        %add3A_1060 = arith.constant 16 : i32
        %add3A_1061 = vector.broadcast %add3A_1060 : i32 to vector<16xi32>
        %add3A_1062 = arith.addi %xor3A_8, %add3A_1061 : vector<16xi32>
        %select_n3A_1063 = arith.select %lt3A_1059, %add3A_1062, %xor3A_8 : vector<16xi1>, vector<16xi32>
        %broadcast_in_dim3A_1064 = vector.shape_cast %select_n3A_1063 : vector<16xi32> to vector<16x1xi32>
        %gather3A_1065 = vector.shape_cast %broadcast_in_dim3A_1064 : vector<16x1xi32> to vector<16xi32>
        %gather3A_1066 = tpu.dynamic_gather %add3A_1022[%gather3A_1065] in [0] : vector<16xf32>, vector<16xi32> -> vector<16xf32>
        %select_n3A_1067 = arith.select %lt3A_27, %gather3A_1056, %gather3A_1066 : vector<16xi1>, vector<16xf32>
        %add3A_1068 = arith.addf %select_n3A_1046, %select_n3A_1067 : vector<16xf32>
        %select_n3A_1069 = arith.select %lt3A_33, %add3A_1045, %add3A_1068 : vector<16xi1>, vector<16xf32>
        %lt3A_1070 = arith.constant 0 : i32
        %lt3A_1071 = vector.broadcast %lt3A_1070 : i32 to vector<16xi32>
        %lt3A_1072 = arith.cmpi slt, %xor3A_11, %lt3A_1071 : vector<16xi32>
        %add3A_1073 = arith.constant 16 : i32
        %add3A_1074 = vector.broadcast %add3A_1073 : i32 to vector<16xi32>
        %add3A_1075 = arith.addi %xor3A_11, %add3A_1074 : vector<16xi32>
        %select_n3A_1076 = arith.select %lt3A_1072, %add3A_1075, %xor3A_11 : vector<16xi1>, vector<16xi32>
        %broadcast_in_dim3A_1077 = vector.shape_cast %select_n3A_1076 : vector<16xi32> to vector<16x1xi32>
        %gather3A_1078 = vector.shape_cast %broadcast_in_dim3A_1077 : vector<16x1xi32> to vector<16xi32>
        %gather3A_1079 = tpu.dynamic_gather %add3A_1045[%gather3A_1078] in [0] : vector<16xf32>, vector<16xi32> -> vector<16xf32>
        %lt3A_1080 = arith.constant 0 : i32
        %lt3A_1081 = vector.broadcast %lt3A_1080 : i32 to vector<16xi32>
        %lt3A_1082 = arith.cmpi slt, %xor3A_11, %lt3A_1081 : vector<16xi32>
        %add3A_1083 = arith.constant 16 : i32
        %add3A_1084 = vector.broadcast %add3A_1083 : i32 to vector<16xi32>
        %add3A_1085 = arith.addi %xor3A_11, %add3A_1084 : vector<16xi32>
        %select_n3A_1086 = arith.select %lt3A_1082, %add3A_1085, %xor3A_11 : vector<16xi1>, vector<16xi32>
        %broadcast_in_dim3A_1087 = vector.shape_cast %select_n3A_1086 : vector<16xi32> to vector<16x1xi32>
        %gather3A_1088 = vector.shape_cast %broadcast_in_dim3A_1087 : vector<16x1xi32> to vector<16xi32>
        %gather3A_1089 = tpu.dynamic_gather %add3A_1068[%gather3A_1088] in [0] : vector<16xf32>, vector<16xi32> -> vector<16xf32>
        %select_n3A_1090 = arith.select %lt3A_33, %gather3A_1079, %gather3A_1089 : vector<16xi1>, vector<16xf32>
        %add3A_1091 = arith.addf %select_n3A_1069, %select_n3A_1090 : vector<16xf32>
        %lt3A_1092 = arith.constant 0 : i32
        %lt3A_1093 = vector.broadcast %lt3A_1092 : i32 to vector<16xi32>
        %lt3A_1094 = arith.cmpi slt, %or3A_57, %lt3A_1093 : vector<16xi32>
        %add3A_1095 = arith.constant 16 : i32
        %add3A_1096 = vector.broadcast %add3A_1095 : i32 to vector<16xi32>
        %add3A_1097 = arith.addi %or3A_57, %add3A_1096 : vector<16xi32>
        %select_n3A_1098 = arith.select %lt3A_1094, %add3A_1097, %or3A_57 : vector<16xi1>, vector<16xi32>
        %broadcast_in_dim3A_1099 = vector.shape_cast %select_n3A_1098 : vector<16xi32> to vector<16x1xi32>
        %gather3A_1100 = vector.shape_cast %broadcast_in_dim3A_1099 : vector<16x1xi32> to vector<16xi32>
        %gather3A_1101 = tpu.dynamic_gather %add3A_1091[%gather3A_1100] in [0] : vector<16xf32>, vector<16xi32> -> vector<16xf32>
        %mul3A_1102 = arith.constant 200 : i32
        %mul3A_1103 = arith.muli %add3A_132, %mul3A_1102 : i32
        %add3A_1104 = arith.addi %mul3A_1103, %min3A_317 : i32
        %swap3A = arith.index_cast %add3A_1104 : i32 to index
        %swap3A_1105 = tpu.vector_load %arg12[%swap3A] {strides = array<i32>} : memref<25600xf32, #tpu.memory_space<vmem>>, vector<16xf32>,
        tpu.vector_store %arg12[%swap3A], %gather3A_1101 {strides = array<i32>} : memref<25600xf32, #tpu.memory_space<vmem>>, vector<16xf32>,
      }
      %scan3A_172 = arith.constant 13 : i32
      %add3A_173 = arith.constant 1 : i32
      %add3A_174 = arith.addi %mul3A_130, %add3A_173 : i32
      %add3A_175 = arith.constant 4 : i32
      %add3A_176 = arith.addi %add3A_174, %add3A_175 : i32
      %sub3A_177 = arith.constant 1 : i32
      %sub3A_178 = arith.subi %add3A_176, %sub3A_177 : i32
      %lt3A_179 = arith.constant 128 : i32
      %lt3A_180 = arith.cmpi slt, %sub3A_178, %lt3A_179 : i32
      %convert_element_type3A_181 = arith.extui %lt3A_180 : i1 to i32
      %cond3A_182 = arith.constant 0 : i32
      %cond3A_183 = arith.cmpi ne, %convert_element_type3A_181, %cond3A_182 : i32
      scf.if %cond3A_183 {
        %add3A_314 = arith.constant 4 : i32
        %add3A_315 = arith.addi %add3A_174, %add3A_314 : i32
        %sub3A_316 = arith.constant 1 : i32
        %sub3A_317 = arith.subi %add3A_315, %sub3A_316 : i32
        %mul3A_318 = arith.constant 200 : i32
        %mul3A_319 = arith.muli %sub3A_317, %mul3A_318 : i32
        %dma_start3A_320 = arith.constant 0 : i32
        %dma_start3A_321 = arith.constant 0 : i32
        %dma_start3A_322 = tpu.memref_slice %arg8[%dma_start3A_320, %dma_start3A_321] : memref<200x64xf32, #tpu.memory_space<vmem>> -> memref<104x64xf32, #tpu.memory_space<vmem>>
        %dma_start3A_323 = tpu.memref_slice %arg6[%mul3A_319] : memref<25600xi32, #tpu.memory_space<vmem>> -> memref<104xi32, #tpu.memory_space<vmem>>
        %dma_start3A_324 = arith.constant 0 : i32
        %dma_start3A_325 = arith.constant 0 : i32
        %dma_start3A_326 = tpu.memref_slice %arg4[%dma_start3A_324, %dma_start3A_325] : memref<1000000x64xf32, #tpu.memory_space<hbm>> -> memref<1000000x64xf32, #tpu.memory_space<hbm>>
        tpu.enqueue_indirect_dma source(%dma_start3A_326 : memref<1000000x64xf32, #tpu.memory_space<hbm>>) target(%dma_start3A_322 : memref<104x64xf32, #tpu.memory_space<vmem>>) offsets(%dma_start3A_323 : memref<104xi32, #tpu.memory_space<vmem>>) semaphore(%arg13 : memref<!tpu.dma_semaphore, #tpu.memory_space<semaphore_mem>>)
        %mul3A_327 = arith.constant 200 : i32
        %mul3A_328 = arith.muli %sub3A_317, %mul3A_327 : i32
        %add3A_329 = arith.constant 104 : i32
        %add3A_330 = arith.addi %mul3A_328, %add3A_329 : i32
        %dma_start3A_331 = arith.constant 104 : i32
        %dma_start3A_332 = arith.constant 0 : i32
        %dma_start3A_333 = tpu.memref_slice %arg8[%dma_start3A_331, %dma_start3A_332] : memref<200x64xf32, #tpu.memory_space<vmem>> -> memref<96x64xf32, #tpu.memory_space<vmem>>
        %dma_start3A_334 = tpu.memref_slice %arg6[%add3A_330] : memref<25600xi32, #tpu.memory_space<vmem>> -> memref<96xi32, #tpu.memory_space<vmem>>
        %dma_start3A_335 = arith.constant 0 : i32
        %dma_start3A_336 = arith.constant 0 : i32
        %dma_start3A_337 = tpu.memref_slice %arg4[%dma_start3A_335, %dma_start3A_336] : memref<1000000x64xf32, #tpu.memory_space<hbm>> -> memref<1000000x64xf32, #tpu.memory_space<hbm>>
        tpu.enqueue_indirect_dma source(%dma_start3A_337 : memref<1000000x64xf32, #tpu.memory_space<hbm>>) target(%dma_start3A_333 : memref<96x64xf32, #tpu.memory_space<vmem>>) offsets(%dma_start3A_334 : memref<96xi32, #tpu.memory_space<vmem>>) semaphore(%arg13 : memref<!tpu.dma_semaphore, #tpu.memory_space<semaphore_mem>>)
      } else {
      }
      %dma_wait3A_184 = arith.constant 0 : i32
      %dma_wait3A_185 = arith.constant 0 : i32
      %dma_wait3A_186 = tpu.memref_slice %arg4[%dma_wait3A_184, %dma_wait3A_185] : memref<1000000x64xf32, #tpu.memory_space<hbm>> -> memref<200x64xf32, #tpu.memory_space<hbm>>
      %dma_wait3A_187 = arith.constant 0 : i32
      %dma_wait3A_188 = arith.constant 0 : i32
      %dma_wait3A_189 = tpu.memref_slice %arg4[%dma_wait3A_187, %dma_wait3A_188] : memref<1000000x64xf32, #tpu.memory_space<hbm>> -> memref<200x64xf32, #tpu.memory_space<hbm>>
      tpu.wait_dma2 semaphore(%arg14 : memref<!tpu.dma_semaphore, #tpu.memory_space<semaphore_mem>>) src(%dma_wait3A_189 : memref<200x64xf32, #tpu.memory_space<hbm>>) dst(%arg9 : memref<200x64xf32, #tpu.memory_space<vmem>>)
      %mul3A_190 = arith.constant 64 : i32
      %mul3A_191 = arith.muli %add3A_174, %mul3A_190 : i32
      %add3A_192 = arith.constant 0 : i32
      %add3A_193 = arith.addi %mul3A_191, %add3A_192 : i32
      %get3A_194 = arith.index_cast %add3A_193 : i32 to index
      %get3A_195 = tpu.vector_load %arg7[%get3A_194] {strides = array<i32>} : memref<8192xf32, #tpu.memory_space<vmem>>, vector<16xf32>,
      %mul3A_196 = arith.constant 64 : i32
      %mul3A_197 = arith.muli %add3A_174, %mul3A_196 : i32
      %add3A_198 = arith.constant 16 : i32
      %add3A_199 = arith.addi %mul3A_197, %add3A_198 : i32
      %get3A_200 = arith.index_cast %add3A_199 : i32 to index
      %get3A_201 = tpu.vector_load %arg7[%get3A_200] {strides = array<i32>} : memref<8192xf32, #tpu.memory_space<vmem>>, vector<16xf32>,
      %mul3A_202 = arith.constant 64 : i32
      %mul3A_203 = arith.muli %add3A_174, %mul3A_202 : i32
      %add3A_204 = arith.constant 32 : i32
      %add3A_205 = arith.addi %mul3A_203, %add3A_204 : i32
      %get3A_206 = arith.index_cast %add3A_205 : i32 to index
      %get3A_207 = tpu.vector_load %arg7[%get3A_206] {strides = array<i32>} : memref<8192xf32, #tpu.memory_space<vmem>>, vector<16xf32>,
      %mul3A_208 = arith.constant 64 : i32
      %mul3A_209 = arith.muli %add3A_174, %mul3A_208 : i32
      %add3A_210 = arith.constant 48 : i32
      %add3A_211 = arith.addi %mul3A_209, %add3A_210 : i32
      %get3A_212 = arith.index_cast %add3A_211 : i32 to index
      %get3A_213 = tpu.vector_load %arg7[%get3A_212] {strides = array<i32>} : memref<8192xf32, #tpu.memory_space<vmem>>, vector<16xf32>,
      %scan3A_214 = arith.constant 0 : i32
      %scan3A_215 = arith.constant 0 : i32
      %scan3A_216 = arith.constant 13 : i32
      %scan3A_217 = arith.addi %scan3A_215, %scan3A_216 : i32
      %scan3A_218 = arith.constant 1 : i32
      scf.for %scan3A_314 = %scan3A_215 to %scan3A_217 step %scan3A_218  : i32 {
        %mul3A_315 = arith.constant 16 : i32
        %mul3A_316 = arith.muli %scan3A_314, %mul3A_315 : i32
        %min3A = arith.constant 184 : i32
        %min3A_317 = arith.minsi %mul3A_316, %min3A : i32
        %add3A_318 = arith.constant 0 : i32
        %add3A_319 = arith.addi %min3A_317, %add3A_318 : i32
        %get3A_320 = arith.index_cast %add3A_319 : i32 to index
        %get3A_321 = arith.constant 0 : index
        %get3A_322 = tpu.vector_load %arg9[%get3A_320, %get3A_321] {strides = array<i32>} : memref<200x64xf32, #tpu.memory_space<vmem>>, vector<16xf32>,
        %mul3A_323 = arith.mulf %get3A_322, %get3A_195 : vector<16xf32>
        %add3A_324 = arith.constant 0 : i32
        %add3A_325 = arith.addi %min3A_317, %add3A_324 : i32
        %get3A_326 = arith.index_cast %add3A_325 : i32 to index
        %get3A_327 = arith.constant 16 : index
        %get3A_328 = tpu.vector_load %arg9[%get3A_326, %get3A_327] {strides = array<i32>} : memref<200x64xf32, #tpu.memory_space<vmem>>, vector<16xf32>,
        %mul3A_329 = arith.mulf %get3A_328, %get3A_201 : vector<16xf32>
        %add3A_330 = arith.addf %mul3A_323, %mul3A_329 : vector<16xf32>
        %add3A_331 = arith.constant 0 : i32
        %add3A_332 = arith.addi %min3A_317, %add3A_331 : i32
        %get3A_333 = arith.index_cast %add3A_332 : i32 to index
        %get3A_334 = arith.constant 32 : index
        %get3A_335 = tpu.vector_load %arg9[%get3A_333, %get3A_334] {strides = array<i32>} : memref<200x64xf32, #tpu.memory_space<vmem>>, vector<16xf32>,
        %mul3A_336 = arith.mulf %get3A_335, %get3A_207 : vector<16xf32>
        %add3A_337 = arith.addf %add3A_330, %mul3A_336 : vector<16xf32>
        %add3A_338 = arith.constant 0 : i32
        %add3A_339 = arith.addi %min3A_317, %add3A_338 : i32
        %get3A_340 = arith.index_cast %add3A_339 : i32 to index
        %get3A_341 = arith.constant 48 : index
        %get3A_342 = tpu.vector_load %arg9[%get3A_340, %get3A_341] {strides = array<i32>} : memref<200x64xf32, #tpu.memory_space<vmem>>, vector<16xf32>,
        %mul3A_343 = arith.mulf %get3A_342, %get3A_213 : vector<16xf32>
        %add3A_344 = arith.addf %add3A_337, %mul3A_343 : vector<16xf32>
        %add3A_345 = arith.constant 1 : i32
        %add3A_346 = arith.addi %min3A_317, %add3A_345 : i32
        %get3A_347 = arith.index_cast %add3A_346 : i32 to index
        %get3A_348 = arith.constant 0 : index
        %get3A_349 = tpu.vector_load %arg9[%get3A_347, %get3A_348] {strides = array<i32>} : memref<200x64xf32, #tpu.memory_space<vmem>>, vector<16xf32>,
        %mul3A_350 = arith.mulf %get3A_349, %get3A_195 : vector<16xf32>
        %add3A_351 = arith.constant 1 : i32
        %add3A_352 = arith.addi %min3A_317, %add3A_351 : i32
        %get3A_353 = arith.index_cast %add3A_352 : i32 to index
        %get3A_354 = arith.constant 16 : index
        %get3A_355 = tpu.vector_load %arg9[%get3A_353, %get3A_354] {strides = array<i32>} : memref<200x64xf32, #tpu.memory_space<vmem>>, vector<16xf32>,
        %mul3A_356 = arith.mulf %get3A_355, %get3A_201 : vector<16xf32>
        %add3A_357 = arith.addf %mul3A_350, %mul3A_356 : vector<16xf32>
        %add3A_358 = arith.constant 1 : i32
        %add3A_359 = arith.addi %min3A_317, %add3A_358 : i32
        %get3A_360 = arith.index_cast %add3A_359 : i32 to index
        %get3A_361 = arith.constant 32 : index
        %get3A_362 = tpu.vector_load %arg9[%get3A_360, %get3A_361] {strides = array<i32>} : memref<200x64xf32, #tpu.memory_space<vmem>>, vector<16xf32>,
        %mul3A_363 = arith.mulf %get3A_362, %get3A_207 : vector<16xf32>
        %add3A_364 = arith.addf %add3A_357, %mul3A_363 : vector<16xf32>
        %add3A_365 = arith.constant 1 : i32
        %add3A_366 = arith.addi %min3A_317, %add3A_365 : i32
        %get3A_367 = arith.index_cast %add3A_366 : i32 to index
        %get3A_368 = arith.constant 48 : index
        %get3A_369 = tpu.vector_load %arg9[%get3A_367, %get3A_368] {strides = array<i32>} : memref<200x64xf32, #tpu.memory_space<vmem>>, vector<16xf32>,
        %mul3A_370 = arith.mulf %get3A_369, %get3A_213 : vector<16xf32>
        %add3A_371 = arith.addf %add3A_364, %mul3A_370 : vector<16xf32>
        %add3A_372 = arith.constant 2 : i32
        %add3A_373 = arith.addi %min3A_317, %add3A_372 : i32
        %get3A_374 = arith.index_cast %add3A_373 : i32 to index
        %get3A_375 = arith.constant 0 : index
        %get3A_376 = tpu.vector_load %arg9[%get3A_374, %get3A_375] {strides = array<i32>} : memref<200x64xf32, #tpu.memory_space<vmem>>, vector<16xf32>,
        %mul3A_377 = arith.mulf %get3A_376, %get3A_195 : vector<16xf32>
        %add3A_378 = arith.constant 2 : i32
        %add3A_379 = arith.addi %min3A_317, %add3A_378 : i32
        %get3A_380 = arith.index_cast %add3A_379 : i32 to index
        %get3A_381 = arith.constant 16 : index
        %get3A_382 = tpu.vector_load %arg9[%get3A_380, %get3A_381] {strides = array<i32>} : memref<200x64xf32, #tpu.memory_space<vmem>>, vector<16xf32>,
        %mul3A_383 = arith.mulf %get3A_382, %get3A_201 : vector<16xf32>
        %add3A_384 = arith.addf %mul3A_377, %mul3A_383 : vector<16xf32>
        %add3A_385 = arith.constant 2 : i32
        %add3A_386 = arith.addi %min3A_317, %add3A_385 : i32
        %get3A_387 = arith.index_cast %add3A_386 : i32 to index
        %get3A_388 = arith.constant 32 : index
        %get3A_389 = tpu.vector_load %arg9[%get3A_387, %get3A_388] {strides = array<i32>} : memref<200x64xf32, #tpu.memory_space<vmem>>, vector<16xf32>,
        %mul3A_390 = arith.mulf %get3A_389, %get3A_207 : vector<16xf32>
        %add3A_391 = arith.addf %add3A_384, %mul3A_390 : vector<16xf32>
        %add3A_392 = arith.constant 2 : i32
        %add3A_393 = arith.addi %min3A_317, %add3A_392 : i32
        %get3A_394 = arith.index_cast %add3A_393 : i32 to index
        %get3A_395 = arith.constant 48 : index
        %get3A_396 = tpu.vector_load %arg9[%get3A_394, %get3A_395] {strides = array<i32>} : memref<200x64xf32, #tpu.memory_space<vmem>>, vector<16xf32>,
        %mul3A_397 = arith.mulf %get3A_396, %get3A_213 : vector<16xf32>
        %add3A_398 = arith.addf %add3A_391, %mul3A_397 : vector<16xf32>
        %add3A_399 = arith.constant 3 : i32
        %add3A_400 = arith.addi %min3A_317, %add3A_399 : i32
        %get3A_401 = arith.index_cast %add3A_400 : i32 to index
        %get3A_402 = arith.constant 0 : index
        %get3A_403 = tpu.vector_load %arg9[%get3A_401, %get3A_402] {strides = array<i32>} : memref<200x64xf32, #tpu.memory_space<vmem>>, vector<16xf32>,
        %mul3A_404 = arith.mulf %get3A_403, %get3A_195 : vector<16xf32>
        %add3A_405 = arith.constant 3 : i32
        %add3A_406 = arith.addi %min3A_317, %add3A_405 : i32
        %get3A_407 = arith.index_cast %add3A_406 : i32 to index
        %get3A_408 = arith.constant 16 : index
        %get3A_409 = tpu.vector_load %arg9[%get3A_407, %get3A_408] {strides = array<i32>} : memref<200x64xf32, #tpu.memory_space<vmem>>, vector<16xf32>,
        %mul3A_410 = arith.mulf %get3A_409, %get3A_201 : vector<16xf32>
        %add3A_411 = arith.addf %mul3A_404, %mul3A_410 : vector<16xf32>
        %add3A_412 = arith.constant 3 : i32
        %add3A_413 = arith.addi %min3A_317, %add3A_412 : i32
        %get3A_414 = arith.index_cast %add3A_413 : i32 to index
        %get3A_415 = arith.constant 32 : index
        %get3A_416 = tpu.vector_load %arg9[%get3A_414, %get3A_415] {strides = array<i32>} : memref<200x64xf32, #tpu.memory_space<vmem>>, vector<16xf32>,
        %mul3A_417 = arith.mulf %get3A_416, %get3A_207 : vector<16xf32>
        %add3A_418 = arith.addf %add3A_411, %mul3A_417 : vector<16xf32>
        %add3A_419 = arith.constant 3 : i32
        %add3A_420 = arith.addi %min3A_317, %add3A_419 : i32
        %get3A_421 = arith.index_cast %add3A_420 : i32 to index
        %get3A_422 = arith.constant 48 : index
        %get3A_423 = tpu.vector_load %arg9[%get3A_421, %get3A_422] {strides = array<i32>} : memref<200x64xf32, #tpu.memory_space<vmem>>, vector<16xf32>,
        %mul3A_424 = arith.mulf %get3A_423, %get3A_213 : vector<16xf32>
        %add3A_425 = arith.addf %add3A_418, %mul3A_424 : vector<16xf32>
        %add3A_426 = arith.constant 4 : i32
        %add3A_427 = arith.addi %min3A_317, %add3A_426 : i32
        %get3A_428 = arith.index_cast %add3A_427 : i32 to index
        %get3A_429 = arith.constant 0 : index
        %get3A_430 = tpu.vector_load %arg9[%get3A_428, %get3A_429] {strides = array<i32>} : memref<200x64xf32, #tpu.memory_space<vmem>>, vector<16xf32>,
        %mul3A_431 = arith.mulf %get3A_430, %get3A_195 : vector<16xf32>
        %add3A_432 = arith.constant 4 : i32
        %add3A_433 = arith.addi %min3A_317, %add3A_432 : i32
        %get3A_434 = arith.index_cast %add3A_433 : i32 to index
        %get3A_435 = arith.constant 16 : index
        %get3A_436 = tpu.vector_load %arg9[%get3A_434, %get3A_435] {strides = array<i32>} : memref<200x64xf32, #tpu.memory_space<vmem>>, vector<16xf32>,
        %mul3A_437 = arith.mulf %get3A_436, %get3A_201 : vector<16xf32>
        %add3A_438 = arith.addf %mul3A_431, %mul3A_437 : vector<16xf32>
        %add3A_439 = arith.constant 4 : i32
        %add3A_440 = arith.addi %min3A_317, %add3A_439 : i32
        %get3A_441 = arith.index_cast %add3A_440 : i32 to index
        %get3A_442 = arith.constant 32 : index
        %get3A_443 = tpu.vector_load %arg9[%get3A_441, %get3A_442] {strides = array<i32>} : memref<200x64xf32, #tpu.memory_space<vmem>>, vector<16xf32>,
        %mul3A_444 = arith.mulf %get3A_443, %get3A_207 : vector<16xf32>
        %add3A_445 = arith.addf %add3A_438, %mul3A_444 : vector<16xf32>
        %add3A_446 = arith.constant 4 : i32
        %add3A_447 = arith.addi %min3A_317, %add3A_446 : i32
        %get3A_448 = arith.index_cast %add3A_447 : i32 to index
        %get3A_449 = arith.constant 48 : index
        %get3A_450 = tpu.vector_load %arg9[%get3A_448, %get3A_449] {strides = array<i32>} : memref<200x64xf32, #tpu.memory_space<vmem>>, vector<16xf32>,
        %mul3A_451 = arith.mulf %get3A_450, %get3A_213 : vector<16xf32>
        %add3A_452 = arith.addf %add3A_445, %mul3A_451 : vector<16xf32>
        %add3A_453 = arith.constant 5 : i32
        %add3A_454 = arith.addi %min3A_317, %add3A_453 : i32
        %get3A_455 = arith.index_cast %add3A_454 : i32 to index
        %get3A_456 = arith.constant 0 : index
        %get3A_457 = tpu.vector_load %arg9[%get3A_455, %get3A_456] {strides = array<i32>} : memref<200x64xf32, #tpu.memory_space<vmem>>, vector<16xf32>,
        %mul3A_458 = arith.mulf %get3A_457, %get3A_195 : vector<16xf32>
        %add3A_459 = arith.constant 5 : i32
        %add3A_460 = arith.addi %min3A_317, %add3A_459 : i32
        %get3A_461 = arith.index_cast %add3A_460 : i32 to index
        %get3A_462 = arith.constant 16 : index
        %get3A_463 = tpu.vector_load %arg9[%get3A_461, %get3A_462] {strides = array<i32>} : memref<200x64xf32, #tpu.memory_space<vmem>>, vector<16xf32>,
        %mul3A_464 = arith.mulf %get3A_463, %get3A_201 : vector<16xf32>
        %add3A_465 = arith.addf %mul3A_458, %mul3A_464 : vector<16xf32>
        %add3A_466 = arith.constant 5 : i32
        %add3A_467 = arith.addi %min3A_317, %add3A_466 : i32
        %get3A_468 = arith.index_cast %add3A_467 : i32 to index
        %get3A_469 = arith.constant 32 : index
        %get3A_470 = tpu.vector_load %arg9[%get3A_468, %get3A_469] {strides = array<i32>} : memref<200x64xf32, #tpu.memory_space<vmem>>, vector<16xf32>,
        %mul3A_471 = arith.mulf %get3A_470, %get3A_207 : vector<16xf32>
        %add3A_472 = arith.addf %add3A_465, %mul3A_471 : vector<16xf32>
        %add3A_473 = arith.constant 5 : i32
        %add3A_474 = arith.addi %min3A_317, %add3A_473 : i32
        %get3A_475 = arith.index_cast %add3A_474 : i32 to index
        %get3A_476 = arith.constant 48 : index
        %get3A_477 = tpu.vector_load %arg9[%get3A_475, %get3A_476] {strides = array<i32>} : memref<200x64xf32, #tpu.memory_space<vmem>>, vector<16xf32>,
        %mul3A_478 = arith.mulf %get3A_477, %get3A_213 : vector<16xf32>
        %add3A_479 = arith.addf %add3A_472, %mul3A_478 : vector<16xf32>
        %add3A_480 = arith.constant 6 : i32
        %add3A_481 = arith.addi %min3A_317, %add3A_480 : i32
        %get3A_482 = arith.index_cast %add3A_481 : i32 to index
        %get3A_483 = arith.constant 0 : index
        %get3A_484 = tpu.vector_load %arg9[%get3A_482, %get3A_483] {strides = array<i32>} : memref<200x64xf32, #tpu.memory_space<vmem>>, vector<16xf32>,
        %mul3A_485 = arith.mulf %get3A_484, %get3A_195 : vector<16xf32>
        %add3A_486 = arith.constant 6 : i32
        %add3A_487 = arith.addi %min3A_317, %add3A_486 : i32
        %get3A_488 = arith.index_cast %add3A_487 : i32 to index
        %get3A_489 = arith.constant 16 : index
        %get3A_490 = tpu.vector_load %arg9[%get3A_488, %get3A_489] {strides = array<i32>} : memref<200x64xf32, #tpu.memory_space<vmem>>, vector<16xf32>,
        %mul3A_491 = arith.mulf %get3A_490, %get3A_201 : vector<16xf32>
        %add3A_492 = arith.addf %mul3A_485, %mul3A_491 : vector<16xf32>
        %add3A_493 = arith.constant 6 : i32
        %add3A_494 = arith.addi %min3A_317, %add3A_493 : i32
        %get3A_495 = arith.index_cast %add3A_494 : i32 to index
        %get3A_496 = arith.constant 32 : index
        %get3A_497 = tpu.vector_load %arg9[%get3A_495, %get3A_496] {strides = array<i32>} : memref<200x64xf32, #tpu.memory_space<vmem>>, vector<16xf32>,
        %mul3A_498 = arith.mulf %get3A_497, %get3A_207 : vector<16xf32>
        %add3A_499 = arith.addf %add3A_492, %mul3A_498 : vector<16xf32>
        %add3A_500 = arith.constant 6 : i32
        %add3A_501 = arith.addi %min3A_317, %add3A_500 : i32
        %get3A_502 = arith.index_cast %add3A_501 : i32 to index
        %get3A_503 = arith.constant 48 : index
        %get3A_504 = tpu.vector_load %arg9[%get3A_502, %get3A_503] {strides = array<i32>} : memref<200x64xf32, #tpu.memory_space<vmem>>, vector<16xf32>,
        %mul3A_505 = arith.mulf %get3A_504, %get3A_213 : vector<16xf32>
        %add3A_506 = arith.addf %add3A_499, %mul3A_505 : vector<16xf32>
        %add3A_507 = arith.constant 7 : i32
        %add3A_508 = arith.addi %min3A_317, %add3A_507 : i32
        %get3A_509 = arith.index_cast %add3A_508 : i32 to index
        %get3A_510 = arith.constant 0 : index
        %get3A_511 = tpu.vector_load %arg9[%get3A_509, %get3A_510] {strides = array<i32>} : memref<200x64xf32, #tpu.memory_space<vmem>>, vector<16xf32>,
        %mul3A_512 = arith.mulf %get3A_511, %get3A_195 : vector<16xf32>
        %add3A_513 = arith.constant 7 : i32
        %add3A_514 = arith.addi %min3A_317, %add3A_513 : i32
        %get3A_515 = arith.index_cast %add3A_514 : i32 to index
        %get3A_516 = arith.constant 16 : index
        %get3A_517 = tpu.vector_load %arg9[%get3A_515, %get3A_516] {strides = array<i32>} : memref<200x64xf32, #tpu.memory_space<vmem>>, vector<16xf32>,
        %mul3A_518 = arith.mulf %get3A_517, %get3A_201 : vector<16xf32>
        %add3A_519 = arith.addf %mul3A_512, %mul3A_518 : vector<16xf32>
        %add3A_520 = arith.constant 7 : i32
        %add3A_521 = arith.addi %min3A_317, %add3A_520 : i32
        %get3A_522 = arith.index_cast %add3A_521 : i32 to index
        %get3A_523 = arith.constant 32 : index
        %get3A_524 = tpu.vector_load %arg9[%get3A_522, %get3A_523] {strides = array<i32>} : memref<200x64xf32, #tpu.memory_space<vmem>>, vector<16xf32>,
        %mul3A_525 = arith.mulf %get3A_524, %get3A_207 : vector<16xf32>
        %add3A_526 = arith.addf %add3A_519, %mul3A_525 : vector<16xf32>
        %add3A_527 = arith.constant 7 : i32
        %add3A_528 = arith.addi %min3A_317, %add3A_527 : i32
        %get3A_529 = arith.index_cast %add3A_528 : i32 to index
        %get3A_530 = arith.constant 48 : index
        %get3A_531 = tpu.vector_load %arg9[%get3A_529, %get3A_530] {strides = array<i32>} : memref<200x64xf32, #tpu.memory_space<vmem>>, vector<16xf32>,
        %mul3A_532 = arith.mulf %get3A_531, %get3A_213 : vector<16xf32>
        %add3A_533 = arith.addf %add3A_526, %mul3A_532 : vector<16xf32>
        %add3A_534 = arith.constant 8 : i32
        %add3A_535 = arith.addi %min3A_317, %add3A_534 : i32
        %get3A_536 = arith.index_cast %add3A_535 : i32 to index
        %get3A_537 = arith.constant 0 : index
        %get3A_538 = tpu.vector_load %arg9[%get3A_536, %get3A_537] {strides = array<i32>} : memref<200x64xf32, #tpu.memory_space<vmem>>, vector<16xf32>,
        %mul3A_539 = arith.mulf %get3A_538, %get3A_195 : vector<16xf32>
        %add3A_540 = arith.constant 8 : i32
        %add3A_541 = arith.addi %min3A_317, %add3A_540 : i32
        %get3A_542 = arith.index_cast %add3A_541 : i32 to index
        %get3A_543 = arith.constant 16 : index
        %get3A_544 = tpu.vector_load %arg9[%get3A_542, %get3A_543] {strides = array<i32>} : memref<200x64xf32, #tpu.memory_space<vmem>>, vector<16xf32>,
        %mul3A_545 = arith.mulf %get3A_544, %get3A_201 : vector<16xf32>
        %add3A_546 = arith.addf %mul3A_539, %mul3A_545 : vector<16xf32>
        %add3A_547 = arith.constant 8 : i32
        %add3A_548 = arith.addi %min3A_317, %add3A_547 : i32
        %get3A_549 = arith.index_cast %add3A_548 : i32 to index
        %get3A_550 = arith.constant 32 : index
        %get3A_551 = tpu.vector_load %arg9[%get3A_549, %get3A_550] {strides = array<i32>} : memref<200x64xf32, #tpu.memory_space<vmem>>, vector<16xf32>,
        %mul3A_552 = arith.mulf %get3A_551, %get3A_207 : vector<16xf32>
        %add3A_553 = arith.addf %add3A_546, %mul3A_552 : vector<16xf32>
        %add3A_554 = arith.constant 8 : i32
        %add3A_555 = arith.addi %min3A_317, %add3A_554 : i32
        %get3A_556 = arith.index_cast %add3A_555 : i32 to index
        %get3A_557 = arith.constant 48 : index
        %get3A_558 = tpu.vector_load %arg9[%get3A_556, %get3A_557] {strides = array<i32>} : memref<200x64xf32, #tpu.memory_space<vmem>>, vector<16xf32>,
        %mul3A_559 = arith.mulf %get3A_558, %get3A_213 : vector<16xf32>
        %add3A_560 = arith.addf %add3A_553, %mul3A_559 : vector<16xf32>
        %add3A_561 = arith.constant 9 : i32
        %add3A_562 = arith.addi %min3A_317, %add3A_561 : i32
        %get3A_563 = arith.index_cast %add3A_562 : i32 to index
        %get3A_564 = arith.constant 0 : index
        %get3A_565 = tpu.vector_load %arg9[%get3A_563, %get3A_564] {strides = array<i32>} : memref<200x64xf32, #tpu.memory_space<vmem>>, vector<16xf32>,
        %mul3A_566 = arith.mulf %get3A_565, %get3A_195 : vector<16xf32>
        %add3A_567 = arith.constant 9 : i32
        %add3A_568 = arith.addi %min3A_317, %add3A_567 : i32
        %get3A_569 = arith.index_cast %add3A_568 : i32 to index
        %get3A_570 = arith.constant 16 : index
        %get3A_571 = tpu.vector_load %arg9[%get3A_569, %get3A_570] {strides = array<i32>} : memref<200x64xf32, #tpu.memory_space<vmem>>, vector<16xf32>,
        %mul3A_572 = arith.mulf %get3A_571, %get3A_201 : vector<16xf32>
        %add3A_573 = arith.addf %mul3A_566, %mul3A_572 : vector<16xf32>
        %add3A_574 = arith.constant 9 : i32
        %add3A_575 = arith.addi %min3A_317, %add3A_574 : i32
        %get3A_576 = arith.index_cast %add3A_575 : i32 to index
        %get3A_577 = arith.constant 32 : index
        %get3A_578 = tpu.vector_load %arg9[%get3A_576, %get3A_577] {strides = array<i32>} : memref<200x64xf32, #tpu.memory_space<vmem>>, vector<16xf32>,
        %mul3A_579 = arith.mulf %get3A_578, %get3A_207 : vector<16xf32>
        %add3A_580 = arith.addf %add3A_573, %mul3A_579 : vector<16xf32>
        %add3A_581 = arith.constant 9 : i32
        %add3A_582 = arith.addi %min3A_317, %add3A_581 : i32
        %get3A_583 = arith.index_cast %add3A_582 : i32 to index
        %get3A_584 = arith.constant 48 : index
        %get3A_585 = tpu.vector_load %arg9[%get3A_583, %get3A_584] {strides = array<i32>} : memref<200x64xf32, #tpu.memory_space<vmem>>, vector<16xf32>,
        %mul3A_586 = arith.mulf %get3A_585, %get3A_213 : vector<16xf32>
        %add3A_587 = arith.addf %add3A_580, %mul3A_586 : vector<16xf32>
        %add3A_588 = arith.constant 10 : i32
        %add3A_589 = arith.addi %min3A_317, %add3A_588 : i32
        %get3A_590 = arith.index_cast %add3A_589 : i32 to index
        %get3A_591 = arith.constant 0 : index
        %get3A_592 = tpu.vector_load %arg9[%get3A_590, %get3A_591] {strides = array<i32>} : memref<200x64xf32, #tpu.memory_space<vmem>>, vector<16xf32>,
        %mul3A_593 = arith.mulf %get3A_592, %get3A_195 : vector<16xf32>
        %add3A_594 = arith.constant 10 : i32
        %add3A_595 = arith.addi %min3A_317, %add3A_594 : i32
        %get3A_596 = arith.index_cast %add3A_595 : i32 to index
        %get3A_597 = arith.constant 16 : index
        %get3A_598 = tpu.vector_load %arg9[%get3A_596, %get3A_597] {strides = array<i32>} : memref<200x64xf32, #tpu.memory_space<vmem>>, vector<16xf32>,
        %mul3A_599 = arith.mulf %get3A_598, %get3A_201 : vector<16xf32>
        %add3A_600 = arith.addf %mul3A_593, %mul3A_599 : vector<16xf32>
        %add3A_601 = arith.constant 10 : i32
        %add3A_602 = arith.addi %min3A_317, %add3A_601 : i32
        %get3A_603 = arith.index_cast %add3A_602 : i32 to index
        %get3A_604 = arith.constant 32 : index
        %get3A_605 = tpu.vector_load %arg9[%get3A_603, %get3A_604] {strides = array<i32>} : memref<200x64xf32, #tpu.memory_space<vmem>>, vector<16xf32>,
        %mul3A_606 = arith.mulf %get3A_605, %get3A_207 : vector<16xf32>
        %add3A_607 = arith.addf %add3A_600, %mul3A_606 : vector<16xf32>
        %add3A_608 = arith.constant 10 : i32
        %add3A_609 = arith.addi %min3A_317, %add3A_608 : i32
        %get3A_610 = arith.index_cast %add3A_609 : i32 to index
        %get3A_611 = arith.constant 48 : index
        %get3A_612 = tpu.vector_load %arg9[%get3A_610, %get3A_611] {strides = array<i32>} : memref<200x64xf32, #tpu.memory_space<vmem>>, vector<16xf32>,
        %mul3A_613 = arith.mulf %get3A_612, %get3A_213 : vector<16xf32>
        %add3A_614 = arith.addf %add3A_607, %mul3A_613 : vector<16xf32>
        %add3A_615 = arith.constant 11 : i32
        %add3A_616 = arith.addi %min3A_317, %add3A_615 : i32
        %get3A_617 = arith.index_cast %add3A_616 : i32 to index
        %get3A_618 = arith.constant 0 : index
        %get3A_619 = tpu.vector_load %arg9[%get3A_617, %get3A_618] {strides = array<i32>} : memref<200x64xf32, #tpu.memory_space<vmem>>, vector<16xf32>,
        %mul3A_620 = arith.mulf %get3A_619, %get3A_195 : vector<16xf32>
        %add3A_621 = arith.constant 11 : i32
        %add3A_622 = arith.addi %min3A_317, %add3A_621 : i32
        %get3A_623 = arith.index_cast %add3A_622 : i32 to index
        %get3A_624 = arith.constant 16 : index
        %get3A_625 = tpu.vector_load %arg9[%get3A_623, %get3A_624] {strides = array<i32>} : memref<200x64xf32, #tpu.memory_space<vmem>>, vector<16xf32>,
        %mul3A_626 = arith.mulf %get3A_625, %get3A_201 : vector<16xf32>
        %add3A_627 = arith.addf %mul3A_620, %mul3A_626 : vector<16xf32>
        %add3A_628 = arith.constant 11 : i32
        %add3A_629 = arith.addi %min3A_317, %add3A_628 : i32
        %get3A_630 = arith.index_cast %add3A_629 : i32 to index
        %get3A_631 = arith.constant 32 : index
        %get3A_632 = tpu.vector_load %arg9[%get3A_630, %get3A_631] {strides = array<i32>} : memref<200x64xf32, #tpu.memory_space<vmem>>, vector<16xf32>,
        %mul3A_633 = arith.mulf %get3A_632, %get3A_207 : vector<16xf32>
        %add3A_634 = arith.addf %add3A_627, %mul3A_633 : vector<16xf32>
        %add3A_635 = arith.constant 11 : i32
        %add3A_636 = arith.addi %min3A_317, %add3A_635 : i32
        %get3A_637 = arith.index_cast %add3A_636 : i32 to index
        %get3A_638 = arith.constant 48 : index
        %get3A_639 = tpu.vector_load %arg9[%get3A_637, %get3A_638] {strides = array<i32>} : memref<200x64xf32, #tpu.memory_space<vmem>>, vector<16xf32>,
        %mul3A_640 = arith.mulf %get3A_639, %get3A_213 : vector<16xf32>
        %add3A_641 = arith.addf %add3A_634, %mul3A_640 : vector<16xf32>
        %add3A_642 = arith.constant 12 : i32
        %add3A_643 = arith.addi %min3A_317, %add3A_642 : i32
        %get3A_644 = arith.index_cast %add3A_643 : i32 to index
        %get3A_645 = arith.constant 0 : index
        %get3A_646 = tpu.vector_load %arg9[%get3A_644, %get3A_645] {strides = array<i32>} : memref<200x64xf32, #tpu.memory_space<vmem>>, vector<16xf32>,
        %mul3A_647 = arith.mulf %get3A_646, %get3A_195 : vector<16xf32>
        %add3A_648 = arith.constant 12 : i32
        %add3A_649 = arith.addi %min3A_317, %add3A_648 : i32
        %get3A_650 = arith.index_cast %add3A_649 : i32 to index
        %get3A_651 = arith.constant 16 : index
        %get3A_652 = tpu.vector_load %arg9[%get3A_650, %get3A_651] {strides = array<i32>} : memref<200x64xf32, #tpu.memory_space<vmem>>, vector<16xf32>,
        %mul3A_653 = arith.mulf %get3A_652, %get3A_201 : vector<16xf32>
        %add3A_654 = arith.addf %mul3A_647, %mul3A_653 : vector<16xf32>
        %add3A_655 = arith.constant 12 : i32
        %add3A_656 = arith.addi %min3A_317, %add3A_655 : i32
        %get3A_657 = arith.index_cast %add3A_656 : i32 to index
        %get3A_658 = arith.constant 32 : index
        %get3A_659 = tpu.vector_load %arg9[%get3A_657, %get3A_658] {strides = array<i32>} : memref<200x64xf32, #tpu.memory_space<vmem>>, vector<16xf32>,
        %mul3A_660 = arith.mulf %get3A_659, %get3A_207 : vector<16xf32>
        %add3A_661 = arith.addf %add3A_654, %mul3A_660 : vector<16xf32>
        %add3A_662 = arith.constant 12 : i32
        %add3A_663 = arith.addi %min3A_317, %add3A_662 : i32
        %get3A_664 = arith.index_cast %add3A_663 : i32 to index
        %get3A_665 = arith.constant 48 : index
        %get3A_666 = tpu.vector_load %arg9[%get3A_664, %get3A_665] {strides = array<i32>} : memref<200x64xf32, #tpu.memory_space<vmem>>, vector<16xf32>,
        %mul3A_667 = arith.mulf %get3A_666, %get3A_213 : vector<16xf32>
        %add3A_668 = arith.addf %add3A_661, %mul3A_667 : vector<16xf32>
        %add3A_669 = arith.constant 13 : i32
        %add3A_670 = arith.addi %min3A_317, %add3A_669 : i32
        %get3A_671 = arith.index_cast %add3A_670 : i32 to index
        %get3A_672 = arith.constant 0 : index
        %get3A_673 = tpu.vector_load %arg9[%get3A_671, %get3A_672] {strides = array<i32>} : memref<200x64xf32, #tpu.memory_space<vmem>>, vector<16xf32>,
        %mul3A_674 = arith.mulf %get3A_673, %get3A_195 : vector<16xf32>
        %add3A_675 = arith.constant 13 : i32
        %add3A_676 = arith.addi %min3A_317, %add3A_675 : i32
        %get3A_677 = arith.index_cast %add3A_676 : i32 to index
        %get3A_678 = arith.constant 16 : index
        %get3A_679 = tpu.vector_load %arg9[%get3A_677, %get3A_678] {strides = array<i32>} : memref<200x64xf32, #tpu.memory_space<vmem>>, vector<16xf32>,
        %mul3A_680 = arith.mulf %get3A_679, %get3A_201 : vector<16xf32>
        %add3A_681 = arith.addf %mul3A_674, %mul3A_680 : vector<16xf32>
        %add3A_682 = arith.constant 13 : i32
        %add3A_683 = arith.addi %min3A_317, %add3A_682 : i32
        %get3A_684 = arith.index_cast %add3A_683 : i32 to index
        %get3A_685 = arith.constant 32 : index
        %get3A_686 = tpu.vector_load %arg9[%get3A_684, %get3A_685] {strides = array<i32>} : memref<200x64xf32, #tpu.memory_space<vmem>>, vector<16xf32>,
        %mul3A_687 = arith.mulf %get3A_686, %get3A_207 : vector<16xf32>
        %add3A_688 = arith.addf %add3A_681, %mul3A_687 : vector<16xf32>
        %add3A_689 = arith.constant 13 : i32
        %add3A_690 = arith.addi %min3A_317, %add3A_689 : i32
        %get3A_691 = arith.index_cast %add3A_690 : i32 to index
        %get3A_692 = arith.constant 48 : index
        %get3A_693 = tpu.vector_load %arg9[%get3A_691, %get3A_692] {strides = array<i32>} : memref<200x64xf32, #tpu.memory_space<vmem>>, vector<16xf32>,
        %mul3A_694 = arith.mulf %get3A_693, %get3A_213 : vector<16xf32>
        %add3A_695 = arith.addf %add3A_688, %mul3A_694 : vector<16xf32>
        %add3A_696 = arith.constant 14 : i32
        %add3A_697 = arith.addi %min3A_317, %add3A_696 : i32
        %get3A_698 = arith.index_cast %add3A_697 : i32 to index
        %get3A_699 = arith.constant 0 : index
        %get3A_700 = tpu.vector_load %arg9[%get3A_698, %get3A_699] {strides = array<i32>} : memref<200x64xf32, #tpu.memory_space<vmem>>, vector<16xf32>,
        %mul3A_701 = arith.mulf %get3A_700, %get3A_195 : vector<16xf32>
        %add3A_702 = arith.constant 14 : i32
        %add3A_703 = arith.addi %min3A_317, %add3A_702 : i32
        %get3A_704 = arith.index_cast %add3A_703 : i32 to index
        %get3A_705 = arith.constant 16 : index
        %get3A_706 = tpu.vector_load %arg9[%get3A_704, %get3A_705] {strides = array<i32>} : memref<200x64xf32, #tpu.memory_space<vmem>>, vector<16xf32>,
        %mul3A_707 = arith.mulf %get3A_706, %get3A_201 : vector<16xf32>
        %add3A_708 = arith.addf %mul3A_701, %mul3A_707 : vector<16xf32>
        %add3A_709 = arith.constant 14 : i32
        %add3A_710 = arith.addi %min3A_317, %add3A_709 : i32
        %get3A_711 = arith.index_cast %add3A_710 : i32 to index
        %get3A_712 = arith.constant 32 : index
        %get3A_713 = tpu.vector_load %arg9[%get3A_711, %get3A_712] {strides = array<i32>} : memref<200x64xf32, #tpu.memory_space<vmem>>, vector<16xf32>,
        %mul3A_714 = arith.mulf %get3A_713, %get3A_207 : vector<16xf32>
        %add3A_715 = arith.addf %add3A_708, %mul3A_714 : vector<16xf32>
        %add3A_716 = arith.constant 14 : i32
        %add3A_717 = arith.addi %min3A_317, %add3A_716 : i32
        %get3A_718 = arith.index_cast %add3A_717 : i32 to index
        %get3A_719 = arith.constant 48 : index
        %get3A_720 = tpu.vector_load %arg9[%get3A_718, %get3A_719] {strides = array<i32>} : memref<200x64xf32, #tpu.memory_space<vmem>>, vector<16xf32>,
        %mul3A_721 = arith.mulf %get3A_720, %get3A_213 : vector<16xf32>
        %add3A_722 = arith.addf %add3A_715, %mul3A_721 : vector<16xf32>
        %add3A_723 = arith.constant 15 : i32
        %add3A_724 = arith.addi %min3A_317, %add3A_723 : i32
        %get3A_725 = arith.index_cast %add3A_724 : i32 to index
        %get3A_726 = arith.constant 0 : index
        %get3A_727 = tpu.vector_load %arg9[%get3A_725, %get3A_726] {strides = array<i32>} : memref<200x64xf32, #tpu.memory_space<vmem>>, vector<16xf32>,
        %mul3A_728 = arith.mulf %get3A_727, %get3A_195 : vector<16xf32>
        %add3A_729 = arith.constant 15 : i32
        %add3A_730 = arith.addi %min3A_317, %add3A_729 : i32
        %get3A_731 = arith.index_cast %add3A_730 : i32 to index
        %get3A_732 = arith.constant 16 : index
        %get3A_733 = tpu.vector_load %arg9[%get3A_731, %get3A_732] {strides = array<i32>} : memref<200x64xf32, #tpu.memory_space<vmem>>, vector<16xf32>,
        %mul3A_734 = arith.mulf %get3A_733, %get3A_201 : vector<16xf32>
        %add3A_735 = arith.addf %mul3A_728, %mul3A_734 : vector<16xf32>
        %add3A_736 = arith.constant 15 : i32
        %add3A_737 = arith.addi %min3A_317, %add3A_736 : i32
        %get3A_738 = arith.index_cast %add3A_737 : i32 to index
        %get3A_739 = arith.constant 32 : index
        %get3A_740 = tpu.vector_load %arg9[%get3A_738, %get3A_739] {strides = array<i32>} : memref<200x64xf32, #tpu.memory_space<vmem>>, vector<16xf32>,
        %mul3A_741 = arith.mulf %get3A_740, %get3A_207 : vector<16xf32>
        %add3A_742 = arith.addf %add3A_735, %mul3A_741 : vector<16xf32>
        %add3A_743 = arith.constant 15 : i32
        %add3A_744 = arith.addi %min3A_317, %add3A_743 : i32
        %get3A_745 = arith.index_cast %add3A_744 : i32 to index
        %get3A_746 = arith.constant 48 : index
        %get3A_747 = tpu.vector_load %arg9[%get3A_745, %get3A_746] {strides = array<i32>} : memref<200x64xf32, #tpu.memory_space<vmem>>, vector<16xf32>,
        %mul3A_748 = arith.mulf %get3A_747, %get3A_213 : vector<16xf32>
        %add3A_749 = arith.addf %add3A_742, %mul3A_748 : vector<16xf32>
        %select_n3A = arith.select %lt3A_15, %add3A_344, %add3A_371 : vector<16xi1>, vector<16xf32>
        %lt3A_750 = arith.constant 0 : i32
        %lt3A_751 = vector.broadcast %lt3A_750 : i32 to vector<16xi32>
        %lt3A_752 = arith.cmpi slt, %xor3A_2, %lt3A_751 : vector<16xi32>
        %add3A_753 = arith.constant 16 : i32
        %add3A_754 = vector.broadcast %add3A_753 : i32 to vector<16xi32>
        %add3A_755 = arith.addi %xor3A_2, %add3A_754 : vector<16xi32>
        %select_n3A_756 = arith.select %lt3A_752, %add3A_755, %xor3A_2 : vector<16xi1>, vector<16xi32>
        %broadcast_in_dim3A = vector.shape_cast %select_n3A_756 : vector<16xi32> to vector<16x1xi32>
        %gather3A = vector.shape_cast %broadcast_in_dim3A : vector<16x1xi32> to vector<16xi32>
        %gather3A_757 = tpu.dynamic_gather %add3A_344[%gather3A] in [0] : vector<16xf32>, vector<16xi32> -> vector<16xf32>
        %lt3A_758 = arith.constant 0 : i32
        %lt3A_759 = vector.broadcast %lt3A_758 : i32 to vector<16xi32>
        %lt3A_760 = arith.cmpi slt, %xor3A_2, %lt3A_759 : vector<16xi32>
        %add3A_761 = arith.constant 16 : i32
        %add3A_762 = vector.broadcast %add3A_761 : i32 to vector<16xi32>
        %add3A_763 = arith.addi %xor3A_2, %add3A_762 : vector<16xi32>
        %select_n3A_764 = arith.select %lt3A_760, %add3A_763, %xor3A_2 : vector<16xi1>, vector<16xi32>
        %broadcast_in_dim3A_765 = vector.shape_cast %select_n3A_764 : vector<16xi32> to vector<16x1xi32>
        %gather3A_766 = vector.shape_cast %broadcast_in_dim3A_765 : vector<16x1xi32> to vector<16xi32>
        %gather3A_767 = tpu.dynamic_gather %add3A_371[%gather3A_766] in [0] : vector<16xf32>, vector<16xi32> -> vector<16xf32>
        %select_n3A_768 = arith.select %lt3A_15, %gather3A_757, %gather3A_767 : vector<16xi1>, vector<16xf32>
        %add3A_769 = arith.addf %select_n3A, %select_n3A_768 : vector<16xf32>
        %select_n3A_770 = arith.select %lt3A_15, %add3A_398, %add3A_425 : vector<16xi1>, vector<16xf32>
        %lt3A_771 = arith.constant 0 : i32
        %lt3A_772 = vector.broadcast %lt3A_771 : i32 to vector<16xi32>
        %lt3A_773 = arith.cmpi slt, %xor3A_2, %lt3A_772 : vector<16xi32>
        %add3A_774 = arith.constant 16 : i32
        %add3A_775 = vector.broadcast %add3A_774 : i32 to vector<16xi32>
        %add3A_776 = arith.addi %xor3A_2, %add3A_775 : vector<16xi32>
        %select_n3A_777 = arith.select %lt3A_773, %add3A_776, %xor3A_2 : vector<16xi1>, vector<16xi32>
        %broadcast_in_dim3A_778 = vector.shape_cast %select_n3A_777 : vector<16xi32> to vector<16x1xi32>
        %gather3A_779 = vector.shape_cast %broadcast_in_dim3A_778 : vector<16x1xi32> to vector<16xi32>
        %gather3A_780 = tpu.dynamic_gather %add3A_398[%gather3A_779] in [0] : vector<16xf32>, vector<16xi32> -> vector<16xf32>
        %lt3A_781 = arith.constant 0 : i32
        %lt3A_782 = vector.broadcast %lt3A_781 : i32 to vector<16xi32>
        %lt3A_783 = arith.cmpi slt, %xor3A_2, %lt3A_782 : vector<16xi32>
        %add3A_784 = arith.constant 16 : i32
        %add3A_785 = vector.broadcast %add3A_784 : i32 to vector<16xi32>
        %add3A_786 = arith.addi %xor3A_2, %add3A_785 : vector<16xi32>
        %select_n3A_787 = arith.select %lt3A_783, %add3A_786, %xor3A_2 : vector<16xi1>, vector<16xi32>
        %broadcast_in_dim3A_788 = vector.shape_cast %select_n3A_787 : vector<16xi32> to vector<16x1xi32>
        %gather3A_789 = vector.shape_cast %broadcast_in_dim3A_788 : vector<16x1xi32> to vector<16xi32>
        %gather3A_790 = tpu.dynamic_gather %add3A_425[%gather3A_789] in [0] : vector<16xf32>, vector<16xi32> -> vector<16xf32>
        %select_n3A_791 = arith.select %lt3A_15, %gather3A_780, %gather3A_790 : vector<16xi1>, vector<16xf32>
        %add3A_792 = arith.addf %select_n3A_770, %select_n3A_791 : vector<16xf32>
        %select_n3A_793 = arith.select %lt3A_15, %add3A_452, %add3A_479 : vector<16xi1>, vector<16xf32>
        %lt3A_794 = arith.constant 0 : i32
        %lt3A_795 = vector.broadcast %lt3A_794 : i32 to vector<16xi32>
        %lt3A_796 = arith.cmpi slt, %xor3A_2, %lt3A_795 : vector<16xi32>
        %add3A_797 = arith.constant 16 : i32
        %add3A_798 = vector.broadcast %add3A_797 : i32 to vector<16xi32>
        %add3A_799 = arith.addi %xor3A_2, %add3A_798 : vector<16xi32>
        %select_n3A_800 = arith.select %lt3A_796, %add3A_799, %xor3A_2 : vector<16xi1>, vector<16xi32>
        %broadcast_in_dim3A_801 = vector.shape_cast %select_n3A_800 : vector<16xi32> to vector<16x1xi32>
        %gather3A_802 = vector.shape_cast %broadcast_in_dim3A_801 : vector<16x1xi32> to vector<16xi32>
        %gather3A_803 = tpu.dynamic_gather %add3A_452[%gather3A_802] in [0] : vector<16xf32>, vector<16xi32> -> vector<16xf32>
        %lt3A_804 = arith.constant 0 : i32
        %lt3A_805 = vector.broadcast %lt3A_804 : i32 to vector<16xi32>
        %lt3A_806 = arith.cmpi slt, %xor3A_2, %lt3A_805 : vector<16xi32>
        %add3A_807 = arith.constant 16 : i32
        %add3A_808 = vector.broadcast %add3A_807 : i32 to vector<16xi32>
        %add3A_809 = arith.addi %xor3A_2, %add3A_808 : vector<16xi32>
        %select_n3A_810 = arith.select %lt3A_806, %add3A_809, %xor3A_2 : vector<16xi1>, vector<16xi32>
        %broadcast_in_dim3A_811 = vector.shape_cast %select_n3A_810 : vector<16xi32> to vector<16x1xi32>
        %gather3A_812 = vector.shape_cast %broadcast_in_dim3A_811 : vector<16x1xi32> to vector<16xi32>
        %gather3A_813 = tpu.dynamic_gather %add3A_479[%gather3A_812] in [0] : vector<16xf32>, vector<16xi32> -> vector<16xf32>
        %select_n3A_814 = arith.select %lt3A_15, %gather3A_803, %gather3A_813 : vector<16xi1>, vector<16xf32>
        %add3A_815 = arith.addf %select_n3A_793, %select_n3A_814 : vector<16xf32>
        %select_n3A_816 = arith.select %lt3A_15, %add3A_506, %add3A_533 : vector<16xi1>, vector<16xf32>
        %lt3A_817 = arith.constant 0 : i32
        %lt3A_818 = vector.broadcast %lt3A_817 : i32 to vector<16xi32>
        %lt3A_819 = arith.cmpi slt, %xor3A_2, %lt3A_818 : vector<16xi32>
        %add3A_820 = arith.constant 16 : i32
        %add3A_821 = vector.broadcast %add3A_820 : i32 to vector<16xi32>
        %add3A_822 = arith.addi %xor3A_2, %add3A_821 : vector<16xi32>
        %select_n3A_823 = arith.select %lt3A_819, %add3A_822, %xor3A_2 : vector<16xi1>, vector<16xi32>
        %broadcast_in_dim3A_824 = vector.shape_cast %select_n3A_823 : vector<16xi32> to vector<16x1xi32>
        %gather3A_825 = vector.shape_cast %broadcast_in_dim3A_824 : vector<16x1xi32> to vector<16xi32>
        %gather3A_826 = tpu.dynamic_gather %add3A_506[%gather3A_825] in [0] : vector<16xf32>, vector<16xi32> -> vector<16xf32>
        %lt3A_827 = arith.constant 0 : i32
        %lt3A_828 = vector.broadcast %lt3A_827 : i32 to vector<16xi32>
        %lt3A_829 = arith.cmpi slt, %xor3A_2, %lt3A_828 : vector<16xi32>
        %add3A_830 = arith.constant 16 : i32
        %add3A_831 = vector.broadcast %add3A_830 : i32 to vector<16xi32>
        %add3A_832 = arith.addi %xor3A_2, %add3A_831 : vector<16xi32>
        %select_n3A_833 = arith.select %lt3A_829, %add3A_832, %xor3A_2 : vector<16xi1>, vector<16xi32>
        %broadcast_in_dim3A_834 = vector.shape_cast %select_n3A_833 : vector<16xi32> to vector<16x1xi32>
        %gather3A_835 = vector.shape_cast %broadcast_in_dim3A_834 : vector<16x1xi32> to vector<16xi32>
        %gather3A_836 = tpu.dynamic_gather %add3A_533[%gather3A_835] in [0] : vector<16xf32>, vector<16xi32> -> vector<16xf32>
        %select_n3A_837 = arith.select %lt3A_15, %gather3A_826, %gather3A_836 : vector<16xi1>, vector<16xf32>
        %add3A_838 = arith.addf %select_n3A_816, %select_n3A_837 : vector<16xf32>
        %select_n3A_839 = arith.select %lt3A_15, %add3A_560, %add3A_587 : vector<16xi1>, vector<16xf32>
        %lt3A_840 = arith.constant 0 : i32
        %lt3A_841 = vector.broadcast %lt3A_840 : i32 to vector<16xi32>
        %lt3A_842 = arith.cmpi slt, %xor3A_2, %lt3A_841 : vector<16xi32>
        %add3A_843 = arith.constant 16 : i32
        %add3A_844 = vector.broadcast %add3A_843 : i32 to vector<16xi32>
        %add3A_845 = arith.addi %xor3A_2, %add3A_844 : vector<16xi32>
        %select_n3A_846 = arith.select %lt3A_842, %add3A_845, %xor3A_2 : vector<16xi1>, vector<16xi32>
        %broadcast_in_dim3A_847 = vector.shape_cast %select_n3A_846 : vector<16xi32> to vector<16x1xi32>
        %gather3A_848 = vector.shape_cast %broadcast_in_dim3A_847 : vector<16x1xi32> to vector<16xi32>
        %gather3A_849 = tpu.dynamic_gather %add3A_560[%gather3A_848] in [0] : vector<16xf32>, vector<16xi32> -> vector<16xf32>
        %lt3A_850 = arith.constant 0 : i32
        %lt3A_851 = vector.broadcast %lt3A_850 : i32 to vector<16xi32>
        %lt3A_852 = arith.cmpi slt, %xor3A_2, %lt3A_851 : vector<16xi32>
        %add3A_853 = arith.constant 16 : i32
        %add3A_854 = vector.broadcast %add3A_853 : i32 to vector<16xi32>
        %add3A_855 = arith.addi %xor3A_2, %add3A_854 : vector<16xi32>
        %select_n3A_856 = arith.select %lt3A_852, %add3A_855, %xor3A_2 : vector<16xi1>, vector<16xi32>
        %broadcast_in_dim3A_857 = vector.shape_cast %select_n3A_856 : vector<16xi32> to vector<16x1xi32>
        %gather3A_858 = vector.shape_cast %broadcast_in_dim3A_857 : vector<16x1xi32> to vector<16xi32>
        %gather3A_859 = tpu.dynamic_gather %add3A_587[%gather3A_858] in [0] : vector<16xf32>, vector<16xi32> -> vector<16xf32>
        %select_n3A_860 = arith.select %lt3A_15, %gather3A_849, %gather3A_859 : vector<16xi1>, vector<16xf32>
        %add3A_861 = arith.addf %select_n3A_839, %select_n3A_860 : vector<16xf32>
        %select_n3A_862 = arith.select %lt3A_15, %add3A_614, %add3A_641 : vector<16xi1>, vector<16xf32>
        %lt3A_863 = arith.constant 0 : i32
        %lt3A_864 = vector.broadcast %lt3A_863 : i32 to vector<16xi32>
        %lt3A_865 = arith.cmpi slt, %xor3A_2, %lt3A_864 : vector<16xi32>
        %add3A_866 = arith.constant 16 : i32
        %add3A_867 = vector.broadcast %add3A_866 : i32 to vector<16xi32>
        %add3A_868 = arith.addi %xor3A_2, %add3A_867 : vector<16xi32>
        %select_n3A_869 = arith.select %lt3A_865, %add3A_868, %xor3A_2 : vector<16xi1>, vector<16xi32>
        %broadcast_in_dim3A_870 = vector.shape_cast %select_n3A_869 : vector<16xi32> to vector<16x1xi32>
        %gather3A_871 = vector.shape_cast %broadcast_in_dim3A_870 : vector<16x1xi32> to vector<16xi32>
        %gather3A_872 = tpu.dynamic_gather %add3A_614[%gather3A_871] in [0] : vector<16xf32>, vector<16xi32> -> vector<16xf32>
        %lt3A_873 = arith.constant 0 : i32
        %lt3A_874 = vector.broadcast %lt3A_873 : i32 to vector<16xi32>
        %lt3A_875 = arith.cmpi slt, %xor3A_2, %lt3A_874 : vector<16xi32>
        %add3A_876 = arith.constant 16 : i32
        %add3A_877 = vector.broadcast %add3A_876 : i32 to vector<16xi32>
        %add3A_878 = arith.addi %xor3A_2, %add3A_877 : vector<16xi32>
        %select_n3A_879 = arith.select %lt3A_875, %add3A_878, %xor3A_2 : vector<16xi1>, vector<16xi32>
        %broadcast_in_dim3A_880 = vector.shape_cast %select_n3A_879 : vector<16xi32> to vector<16x1xi32>
        %gather3A_881 = vector.shape_cast %broadcast_in_dim3A_880 : vector<16x1xi32> to vector<16xi32>
        %gather3A_882 = tpu.dynamic_gather %add3A_641[%gather3A_881] in [0] : vector<16xf32>, vector<16xi32> -> vector<16xf32>
        %select_n3A_883 = arith.select %lt3A_15, %gather3A_872, %gather3A_882 : vector<16xi1>, vector<16xf32>
        %add3A_884 = arith.addf %select_n3A_862, %select_n3A_883 : vector<16xf32>
        %select_n3A_885 = arith.select %lt3A_15, %add3A_668, %add3A_695 : vector<16xi1>, vector<16xf32>
        %lt3A_886 = arith.constant 0 : i32
        %lt3A_887 = vector.broadcast %lt3A_886 : i32 to vector<16xi32>
        %lt3A_888 = arith.cmpi slt, %xor3A_2, %lt3A_887 : vector<16xi32>
        %add3A_889 = arith.constant 16 : i32
        %add3A_890 = vector.broadcast %add3A_889 : i32 to vector<16xi32>
        %add3A_891 = arith.addi %xor3A_2, %add3A_890 : vector<16xi32>
        %select_n3A_892 = arith.select %lt3A_888, %add3A_891, %xor3A_2 : vector<16xi1>, vector<16xi32>
        %broadcast_in_dim3A_893 = vector.shape_cast %select_n3A_892 : vector<16xi32> to vector<16x1xi32>
        %gather3A_894 = vector.shape_cast %broadcast_in_dim3A_893 : vector<16x1xi32> to vector<16xi32>
        %gather3A_895 = tpu.dynamic_gather %add3A_668[%gather3A_894] in [0] : vector<16xf32>, vector<16xi32> -> vector<16xf32>
        %lt3A_896 = arith.constant 0 : i32
        %lt3A_897 = vector.broadcast %lt3A_896 : i32 to vector<16xi32>
        %lt3A_898 = arith.cmpi slt, %xor3A_2, %lt3A_897 : vector<16xi32>
        %add3A_899 = arith.constant 16 : i32
        %add3A_900 = vector.broadcast %add3A_899 : i32 to vector<16xi32>
        %add3A_901 = arith.addi %xor3A_2, %add3A_900 : vector<16xi32>
        %select_n3A_902 = arith.select %lt3A_898, %add3A_901, %xor3A_2 : vector<16xi1>, vector<16xi32>
        %broadcast_in_dim3A_903 = vector.shape_cast %select_n3A_902 : vector<16xi32> to vector<16x1xi32>
        %gather3A_904 = vector.shape_cast %broadcast_in_dim3A_903 : vector<16x1xi32> to vector<16xi32>
        %gather3A_905 = tpu.dynamic_gather %add3A_695[%gather3A_904] in [0] : vector<16xf32>, vector<16xi32> -> vector<16xf32>
        %select_n3A_906 = arith.select %lt3A_15, %gather3A_895, %gather3A_905 : vector<16xi1>, vector<16xf32>
        %add3A_907 = arith.addf %select_n3A_885, %select_n3A_906 : vector<16xf32>
        %select_n3A_908 = arith.select %lt3A_15, %add3A_722, %add3A_749 : vector<16xi1>, vector<16xf32>
        %lt3A_909 = arith.constant 0 : i32
        %lt3A_910 = vector.broadcast %lt3A_909 : i32 to vector<16xi32>
        %lt3A_911 = arith.cmpi slt, %xor3A_2, %lt3A_910 : vector<16xi32>
        %add3A_912 = arith.constant 16 : i32
        %add3A_913 = vector.broadcast %add3A_912 : i32 to vector<16xi32>
        %add3A_914 = arith.addi %xor3A_2, %add3A_913 : vector<16xi32>
        %select_n3A_915 = arith.select %lt3A_911, %add3A_914, %xor3A_2 : vector<16xi1>, vector<16xi32>
        %broadcast_in_dim3A_916 = vector.shape_cast %select_n3A_915 : vector<16xi32> to vector<16x1xi32>
        %gather3A_917 = vector.shape_cast %broadcast_in_dim3A_916 : vector<16x1xi32> to vector<16xi32>
        %gather3A_918 = tpu.dynamic_gather %add3A_722[%gather3A_917] in [0] : vector<16xf32>, vector<16xi32> -> vector<16xf32>
        %lt3A_919 = arith.constant 0 : i32
        %lt3A_920 = vector.broadcast %lt3A_919 : i32 to vector<16xi32>
        %lt3A_921 = arith.cmpi slt, %xor3A_2, %lt3A_920 : vector<16xi32>
        %add3A_922 = arith.constant 16 : i32
        %add3A_923 = vector.broadcast %add3A_922 : i32 to vector<16xi32>
        %add3A_924 = arith.addi %xor3A_2, %add3A_923 : vector<16xi32>
        %select_n3A_925 = arith.select %lt3A_921, %add3A_924, %xor3A_2 : vector<16xi1>, vector<16xi32>
        %broadcast_in_dim3A_926 = vector.shape_cast %select_n3A_925 : vector<16xi32> to vector<16x1xi32>
        %gather3A_927 = vector.shape_cast %broadcast_in_dim3A_926 : vector<16x1xi32> to vector<16xi32>
        %gather3A_928 = tpu.dynamic_gather %add3A_749[%gather3A_927] in [0] : vector<16xf32>, vector<16xi32> -> vector<16xf32>
        %select_n3A_929 = arith.select %lt3A_15, %gather3A_918, %gather3A_928 : vector<16xi1>, vector<16xf32>
        %add3A_930 = arith.addf %select_n3A_908, %select_n3A_929 : vector<16xf32>
        %select_n3A_931 = arith.select %lt3A_21, %add3A_769, %add3A_792 : vector<16xi1>, vector<16xf32>
        %lt3A_932 = arith.constant 0 : i32
        %lt3A_933 = vector.broadcast %lt3A_932 : i32 to vector<16xi32>
        %lt3A_934 = arith.cmpi slt, %xor3A_5, %lt3A_933 : vector<16xi32>
        %add3A_935 = arith.constant 16 : i32
        %add3A_936 = vector.broadcast %add3A_935 : i32 to vector<16xi32>
        %add3A_937 = arith.addi %xor3A_5, %add3A_936 : vector<16xi32>
        %select_n3A_938 = arith.select %lt3A_934, %add3A_937, %xor3A_5 : vector<16xi1>, vector<16xi32>
        %broadcast_in_dim3A_939 = vector.shape_cast %select_n3A_938 : vector<16xi32> to vector<16x1xi32>
        %gather3A_940 = vector.shape_cast %broadcast_in_dim3A_939 : vector<16x1xi32> to vector<16xi32>
        %gather3A_941 = tpu.dynamic_gather %add3A_769[%gather3A_940] in [0] : vector<16xf32>, vector<16xi32> -> vector<16xf32>
        %lt3A_942 = arith.constant 0 : i32
        %lt3A_943 = vector.broadcast %lt3A_942 : i32 to vector<16xi32>
        %lt3A_944 = arith.cmpi slt, %xor3A_5, %lt3A_943 : vector<16xi32>
        %add3A_945 = arith.constant 16 : i32
        %add3A_946 = vector.broadcast %add3A_945 : i32 to vector<16xi32>
        %add3A_947 = arith.addi %xor3A_5, %add3A_946 : vector<16xi32>
        %select_n3A_948 = arith.select %lt3A_944, %add3A_947, %xor3A_5 : vector<16xi1>, vector<16xi32>
        %broadcast_in_dim3A_949 = vector.shape_cast %select_n3A_948 : vector<16xi32> to vector<16x1xi32>
        %gather3A_950 = vector.shape_cast %broadcast_in_dim3A_949 : vector<16x1xi32> to vector<16xi32>
        %gather3A_951 = tpu.dynamic_gather %add3A_792[%gather3A_950] in [0] : vector<16xf32>, vector<16xi32> -> vector<16xf32>
        %select_n3A_952 = arith.select %lt3A_21, %gather3A_941, %gather3A_951 : vector<16xi1>, vector<16xf32>
        %add3A_953 = arith.addf %select_n3A_931, %select_n3A_952 : vector<16xf32>
        %select_n3A_954 = arith.select %lt3A_21, %add3A_815, %add3A_838 : vector<16xi1>, vector<16xf32>
        %lt3A_955 = arith.constant 0 : i32
        %lt3A_956 = vector.broadcast %lt3A_955 : i32 to vector<16xi32>
        %lt3A_957 = arith.cmpi slt, %xor3A_5, %lt3A_956 : vector<16xi32>
        %add3A_958 = arith.constant 16 : i32
        %add3A_959 = vector.broadcast %add3A_958 : i32 to vector<16xi32>
        %add3A_960 = arith.addi %xor3A_5, %add3A_959 : vector<16xi32>
        %select_n3A_961 = arith.select %lt3A_957, %add3A_960, %xor3A_5 : vector<16xi1>, vector<16xi32>
        %broadcast_in_dim3A_962 = vector.shape_cast %select_n3A_961 : vector<16xi32> to vector<16x1xi32>
        %gather3A_963 = vector.shape_cast %broadcast_in_dim3A_962 : vector<16x1xi32> to vector<16xi32>
        %gather3A_964 = tpu.dynamic_gather %add3A_815[%gather3A_963] in [0] : vector<16xf32>, vector<16xi32> -> vector<16xf32>
        %lt3A_965 = arith.constant 0 : i32
        %lt3A_966 = vector.broadcast %lt3A_965 : i32 to vector<16xi32>
        %lt3A_967 = arith.cmpi slt, %xor3A_5, %lt3A_966 : vector<16xi32>
        %add3A_968 = arith.constant 16 : i32
        %add3A_969 = vector.broadcast %add3A_968 : i32 to vector<16xi32>
        %add3A_970 = arith.addi %xor3A_5, %add3A_969 : vector<16xi32>
        %select_n3A_971 = arith.select %lt3A_967, %add3A_970, %xor3A_5 : vector<16xi1>, vector<16xi32>
        %broadcast_in_dim3A_972 = vector.shape_cast %select_n3A_971 : vector<16xi32> to vector<16x1xi32>
        %gather3A_973 = vector.shape_cast %broadcast_in_dim3A_972 : vector<16x1xi32> to vector<16xi32>
        %gather3A_974 = tpu.dynamic_gather %add3A_838[%gather3A_973] in [0] : vector<16xf32>, vector<16xi32> -> vector<16xf32>
        %select_n3A_975 = arith.select %lt3A_21, %gather3A_964, %gather3A_974 : vector<16xi1>, vector<16xf32>
        %add3A_976 = arith.addf %select_n3A_954, %select_n3A_975 : vector<16xf32>
        %select_n3A_977 = arith.select %lt3A_21, %add3A_861, %add3A_884 : vector<16xi1>, vector<16xf32>
        %lt3A_978 = arith.constant 0 : i32
        %lt3A_979 = vector.broadcast %lt3A_978 : i32 to vector<16xi32>
        %lt3A_980 = arith.cmpi slt, %xor3A_5, %lt3A_979 : vector<16xi32>
        %add3A_981 = arith.constant 16 : i32
        %add3A_982 = vector.broadcast %add3A_981 : i32 to vector<16xi32>
        %add3A_983 = arith.addi %xor3A_5, %add3A_982 : vector<16xi32>
        %select_n3A_984 = arith.select %lt3A_980, %add3A_983, %xor3A_5 : vector<16xi1>, vector<16xi32>
        %broadcast_in_dim3A_985 = vector.shape_cast %select_n3A_984 : vector<16xi32> to vector<16x1xi32>
        %gather3A_986 = vector.shape_cast %broadcast_in_dim3A_985 : vector<16x1xi32> to vector<16xi32>
        %gather3A_987 = tpu.dynamic_gather %add3A_861[%gather3A_986] in [0] : vector<16xf32>, vector<16xi32> -> vector<16xf32>
        %lt3A_988 = arith.constant 0 : i32
        %lt3A_989 = vector.broadcast %lt3A_988 : i32 to vector<16xi32>
        %lt3A_990 = arith.cmpi slt, %xor3A_5, %lt3A_989 : vector<16xi32>
        %add3A_991 = arith.constant 16 : i32
        %add3A_992 = vector.broadcast %add3A_991 : i32 to vector<16xi32>
        %add3A_993 = arith.addi %xor3A_5, %add3A_992 : vector<16xi32>
        %select_n3A_994 = arith.select %lt3A_990, %add3A_993, %xor3A_5 : vector<16xi1>, vector<16xi32>
        %broadcast_in_dim3A_995 = vector.shape_cast %select_n3A_994 : vector<16xi32> to vector<16x1xi32>
        %gather3A_996 = vector.shape_cast %broadcast_in_dim3A_995 : vector<16x1xi32> to vector<16xi32>
        %gather3A_997 = tpu.dynamic_gather %add3A_884[%gather3A_996] in [0] : vector<16xf32>, vector<16xi32> -> vector<16xf32>
        %select_n3A_998 = arith.select %lt3A_21, %gather3A_987, %gather3A_997 : vector<16xi1>, vector<16xf32>
        %add3A_999 = arith.addf %select_n3A_977, %select_n3A_998 : vector<16xf32>
        %select_n3A_1000 = arith.select %lt3A_21, %add3A_907, %add3A_930 : vector<16xi1>, vector<16xf32>
        %lt3A_1001 = arith.constant 0 : i32
        %lt3A_1002 = vector.broadcast %lt3A_1001 : i32 to vector<16xi32>
        %lt3A_1003 = arith.cmpi slt, %xor3A_5, %lt3A_1002 : vector<16xi32>
        %add3A_1004 = arith.constant 16 : i32
        %add3A_1005 = vector.broadcast %add3A_1004 : i32 to vector<16xi32>
        %add3A_1006 = arith.addi %xor3A_5, %add3A_1005 : vector<16xi32>
        %select_n3A_1007 = arith.select %lt3A_1003, %add3A_1006, %xor3A_5 : vector<16xi1>, vector<16xi32>
        %broadcast_in_dim3A_1008 = vector.shape_cast %select_n3A_1007 : vector<16xi32> to vector<16x1xi32>
        %gather3A_1009 = vector.shape_cast %broadcast_in_dim3A_1008 : vector<16x1xi32> to vector<16xi32>
        %gather3A_1010 = tpu.dynamic_gather %add3A_907[%gather3A_1009] in [0] : vector<16xf32>, vector<16xi32> -> vector<16xf32>
        %lt3A_1011 = arith.constant 0 : i32
        %lt3A_1012 = vector.broadcast %lt3A_1011 : i32 to vector<16xi32>
        %lt3A_1013 = arith.cmpi slt, %xor3A_5, %lt3A_1012 : vector<16xi32>
        %add3A_1014 = arith.constant 16 : i32
        %add3A_1015 = vector.broadcast %add3A_1014 : i32 to vector<16xi32>
        %add3A_1016 = arith.addi %xor3A_5, %add3A_1015 : vector<16xi32>
        %select_n3A_1017 = arith.select %lt3A_1013, %add3A_1016, %xor3A_5 : vector<16xi1>, vector<16xi32>
        %broadcast_in_dim3A_1018 = vector.shape_cast %select_n3A_1017 : vector<16xi32> to vector<16x1xi32>
        %gather3A_1019 = vector.shape_cast %broadcast_in_dim3A_1018 : vector<16x1xi32> to vector<16xi32>
        %gather3A_1020 = tpu.dynamic_gather %add3A_930[%gather3A_1019] in [0] : vector<16xf32>, vector<16xi32> -> vector<16xf32>
        %select_n3A_1021 = arith.select %lt3A_21, %gather3A_1010, %gather3A_1020 : vector<16xi1>, vector<16xf32>
        %add3A_1022 = arith.addf %select_n3A_1000, %select_n3A_1021 : vector<16xf32>
        %select_n3A_1023 = arith.select %lt3A_27, %add3A_953, %add3A_976 : vector<16xi1>, vector<16xf32>
        %lt3A_1024 = arith.constant 0 : i32
        %lt3A_1025 = vector.broadcast %lt3A_1024 : i32 to vector<16xi32>
        %lt3A_1026 = arith.cmpi slt, %xor3A_8, %lt3A_1025 : vector<16xi32>
        %add3A_1027 = arith.constant 16 : i32
        %add3A_1028 = vector.broadcast %add3A_1027 : i32 to vector<16xi32>
        %add3A_1029 = arith.addi %xor3A_8, %add3A_1028 : vector<16xi32>
        %select_n3A_1030 = arith.select %lt3A_1026, %add3A_1029, %xor3A_8 : vector<16xi1>, vector<16xi32>
        %broadcast_in_dim3A_1031 = vector.shape_cast %select_n3A_1030 : vector<16xi32> to vector<16x1xi32>
        %gather3A_1032 = vector.shape_cast %broadcast_in_dim3A_1031 : vector<16x1xi32> to vector<16xi32>
        %gather3A_1033 = tpu.dynamic_gather %add3A_953[%gather3A_1032] in [0] : vector<16xf32>, vector<16xi32> -> vector<16xf32>
        %lt3A_1034 = arith.constant 0 : i32
        %lt3A_1035 = vector.broadcast %lt3A_1034 : i32 to vector<16xi32>
        %lt3A_1036 = arith.cmpi slt, %xor3A_8, %lt3A_1035 : vector<16xi32>
        %add3A_1037 = arith.constant 16 : i32
        %add3A_1038 = vector.broadcast %add3A_1037 : i32 to vector<16xi32>
        %add3A_1039 = arith.addi %xor3A_8, %add3A_1038 : vector<16xi32>
        %select_n3A_1040 = arith.select %lt3A_1036, %add3A_1039, %xor3A_8 : vector<16xi1>, vector<16xi32>
        %broadcast_in_dim3A_1041 = vector.shape_cast %select_n3A_1040 : vector<16xi32> to vector<16x1xi32>
        %gather3A_1042 = vector.shape_cast %broadcast_in_dim3A_1041 : vector<16x1xi32> to vector<16xi32>
        %gather3A_1043 = tpu.dynamic_gather %add3A_976[%gather3A_1042] in [0] : vector<16xf32>, vector<16xi32> -> vector<16xf32>
        %select_n3A_1044 = arith.select %lt3A_27, %gather3A_1033, %gather3A_1043 : vector<16xi1>, vector<16xf32>
        %add3A_1045 = arith.addf %select_n3A_1023, %select_n3A_1044 : vector<16xf32>
        %select_n3A_1046 = arith.select %lt3A_27, %add3A_999, %add3A_1022 : vector<16xi1>, vector<16xf32>
        %lt3A_1047 = arith.constant 0 : i32
        %lt3A_1048 = vector.broadcast %lt3A_1047 : i32 to vector<16xi32>
        %lt3A_1049 = arith.cmpi slt, %xor3A_8, %lt3A_1048 : vector<16xi32>
        %add3A_1050 = arith.constant 16 : i32
        %add3A_1051 = vector.broadcast %add3A_1050 : i32 to vector<16xi32>
        %add3A_1052 = arith.addi %xor3A_8, %add3A_1051 : vector<16xi32>
        %select_n3A_1053 = arith.select %lt3A_1049, %add3A_1052, %xor3A_8 : vector<16xi1>, vector<16xi32>
        %broadcast_in_dim3A_1054 = vector.shape_cast %select_n3A_1053 : vector<16xi32> to vector<16x1xi32>
        %gather3A_1055 = vector.shape_cast %broadcast_in_dim3A_1054 : vector<16x1xi32> to vector<16xi32>
        %gather3A_1056 = tpu.dynamic_gather %add3A_999[%gather3A_1055] in [0] : vector<16xf32>, vector<16xi32> -> vector<16xf32>
        %lt3A_1057 = arith.constant 0 : i32
        %lt3A_1058 = vector.broadcast %lt3A_1057 : i32 to vector<16xi32>
        %lt3A_1059 = arith.cmpi slt, %xor3A_8, %lt3A_1058 : vector<16xi32>
        %add3A_1060 = arith.constant 16 : i32
        %add3A_1061 = vector.broadcast %add3A_1060 : i32 to vector<16xi32>
        %add3A_1062 = arith.addi %xor3A_8, %add3A_1061 : vector<16xi32>
        %select_n3A_1063 = arith.select %lt3A_1059, %add3A_1062, %xor3A_8 : vector<16xi1>, vector<16xi32>
        %broadcast_in_dim3A_1064 = vector.shape_cast %select_n3A_1063 : vector<16xi32> to vector<16x1xi32>
        %gather3A_1065 = vector.shape_cast %broadcast_in_dim3A_1064 : vector<16x1xi32> to vector<16xi32>
        %gather3A_1066 = tpu.dynamic_gather %add3A_1022[%gather3A_1065] in [0] : vector<16xf32>, vector<16xi32> -> vector<16xf32>
        %select_n3A_1067 = arith.select %lt3A_27, %gather3A_1056, %gather3A_1066 : vector<16xi1>, vector<16xf32>
        %add3A_1068 = arith.addf %select_n3A_1046, %select_n3A_1067 : vector<16xf32>
        %select_n3A_1069 = arith.select %lt3A_33, %add3A_1045, %add3A_1068 : vector<16xi1>, vector<16xf32>
        %lt3A_1070 = arith.constant 0 : i32
        %lt3A_1071 = vector.broadcast %lt3A_1070 : i32 to vector<16xi32>
        %lt3A_1072 = arith.cmpi slt, %xor3A_11, %lt3A_1071 : vector<16xi32>
        %add3A_1073 = arith.constant 16 : i32
        %add3A_1074 = vector.broadcast %add3A_1073 : i32 to vector<16xi32>
        %add3A_1075 = arith.addi %xor3A_11, %add3A_1074 : vector<16xi32>
        %select_n3A_1076 = arith.select %lt3A_1072, %add3A_1075, %xor3A_11 : vector<16xi1>, vector<16xi32>
        %broadcast_in_dim3A_1077 = vector.shape_cast %select_n3A_1076 : vector<16xi32> to vector<16x1xi32>
        %gather3A_1078 = vector.shape_cast %broadcast_in_dim3A_1077 : vector<16x1xi32> to vector<16xi32>
        %gather3A_1079 = tpu.dynamic_gather %add3A_1045[%gather3A_1078] in [0] : vector<16xf32>, vector<16xi32> -> vector<16xf32>
        %lt3A_1080 = arith.constant 0 : i32
        %lt3A_1081 = vector.broadcast %lt3A_1080 : i32 to vector<16xi32>
        %lt3A_1082 = arith.cmpi slt, %xor3A_11, %lt3A_1081 : vector<16xi32>
        %add3A_1083 = arith.constant 16 : i32
        %add3A_1084 = vector.broadcast %add3A_1083 : i32 to vector<16xi32>
        %add3A_1085 = arith.addi %xor3A_11, %add3A_1084 : vector<16xi32>
        %select_n3A_1086 = arith.select %lt3A_1082, %add3A_1085, %xor3A_11 : vector<16xi1>, vector<16xi32>
        %broadcast_in_dim3A_1087 = vector.shape_cast %select_n3A_1086 : vector<16xi32> to vector<16x1xi32>
        %gather3A_1088 = vector.shape_cast %broadcast_in_dim3A_1087 : vector<16x1xi32> to vector<16xi32>
        %gather3A_1089 = tpu.dynamic_gather %add3A_1068[%gather3A_1088] in [0] : vector<16xf32>, vector<16xi32> -> vector<16xf32>
        %select_n3A_1090 = arith.select %lt3A_33, %gather3A_1079, %gather3A_1089 : vector<16xi1>, vector<16xf32>
        %add3A_1091 = arith.addf %select_n3A_1069, %select_n3A_1090 : vector<16xf32>
        %lt3A_1092 = arith.constant 0 : i32
        %lt3A_1093 = vector.broadcast %lt3A_1092 : i32 to vector<16xi32>
        %lt3A_1094 = arith.cmpi slt, %or3A_57, %lt3A_1093 : vector<16xi32>
        %add3A_1095 = arith.constant 16 : i32
        %add3A_1096 = vector.broadcast %add3A_1095 : i32 to vector<16xi32>
        %add3A_1097 = arith.addi %or3A_57, %add3A_1096 : vector<16xi32>
        %select_n3A_1098 = arith.select %lt3A_1094, %add3A_1097, %or3A_57 : vector<16xi1>, vector<16xi32>
        %broadcast_in_dim3A_1099 = vector.shape_cast %select_n3A_1098 : vector<16xi32> to vector<16x1xi32>
        %gather3A_1100 = vector.shape_cast %broadcast_in_dim3A_1099 : vector<16x1xi32> to vector<16xi32>
        %gather3A_1101 = tpu.dynamic_gather %add3A_1091[%gather3A_1100] in [0] : vector<16xf32>, vector<16xi32> -> vector<16xf32>
        %mul3A_1102 = arith.constant 200 : i32
        %mul3A_1103 = arith.muli %add3A_174, %mul3A_1102 : i32
        %add3A_1104 = arith.addi %mul3A_1103, %min3A_317 : i32
        %swap3A = arith.index_cast %add3A_1104 : i32 to index
        %swap3A_1105 = tpu.vector_load %arg12[%swap3A] {strides = array<i32>} : memref<25600xf32, #tpu.memory_space<vmem>>, vector<16xf32>,
        tpu.vector_store %arg12[%swap3A], %gather3A_1101 {strides = array<i32>} : memref<25600xf32, #tpu.memory_space<vmem>>, vector<16xf32>,
      }
      %scan3A_219 = arith.constant 13 : i32
      %add3A_220 = arith.constant 2 : i32
      %add3A_221 = arith.addi %mul3A_130, %add3A_220 : i32
      %add3A_222 = arith.constant 4 : i32
      %add3A_223 = arith.addi %add3A_221, %add3A_222 : i32
      %sub3A_224 = arith.constant 1 : i32
      %sub3A_225 = arith.subi %add3A_223, %sub3A_224 : i32
      %lt3A_226 = arith.constant 128 : i32
      %lt3A_227 = arith.cmpi slt, %sub3A_225, %lt3A_226 : i32
      %convert_element_type3A_228 = arith.extui %lt3A_227 : i1 to i32
      %cond3A_229 = arith.constant 0 : i32
      %cond3A_230 = arith.cmpi ne, %convert_element_type3A_228, %cond3A_229 : i32
      scf.if %cond3A_230 {
        %add3A_314 = arith.constant 4 : i32
        %add3A_315 = arith.addi %add3A_221, %add3A_314 : i32
        %sub3A_316 = arith.constant 1 : i32
        %sub3A_317 = arith.subi %add3A_315, %sub3A_316 : i32
        %mul3A_318 = arith.constant 200 : i32
        %mul3A_319 = arith.muli %sub3A_317, %mul3A_318 : i32
        %dma_start3A_320 = arith.constant 0 : i32
        %dma_start3A_321 = arith.constant 0 : i32
        %dma_start3A_322 = tpu.memref_slice %arg9[%dma_start3A_320, %dma_start3A_321] : memref<200x64xf32, #tpu.memory_space<vmem>> -> memref<104x64xf32, #tpu.memory_space<vmem>>
        %dma_start3A_323 = tpu.memref_slice %arg6[%mul3A_319] : memref<25600xi32, #tpu.memory_space<vmem>> -> memref<104xi32, #tpu.memory_space<vmem>>
        %dma_start3A_324 = arith.constant 0 : i32
        %dma_start3A_325 = arith.constant 0 : i32
        %dma_start3A_326 = tpu.memref_slice %arg4[%dma_start3A_324, %dma_start3A_325] : memref<1000000x64xf32, #tpu.memory_space<hbm>> -> memref<1000000x64xf32, #tpu.memory_space<hbm>>
        tpu.enqueue_indirect_dma source(%dma_start3A_326 : memref<1000000x64xf32, #tpu.memory_space<hbm>>) target(%dma_start3A_322 : memref<104x64xf32, #tpu.memory_space<vmem>>) offsets(%dma_start3A_323 : memref<104xi32, #tpu.memory_space<vmem>>) semaphore(%arg14 : memref<!tpu.dma_semaphore, #tpu.memory_space<semaphore_mem>>)
        %mul3A_327 = arith.constant 200 : i32
        %mul3A_328 = arith.muli %sub3A_317, %mul3A_327 : i32
        %add3A_329 = arith.constant 104 : i32
        %add3A_330 = arith.addi %mul3A_328, %add3A_329 : i32
        %dma_start3A_331 = arith.constant 104 : i32
        %dma_start3A_332 = arith.constant 0 : i32
        %dma_start3A_333 = tpu.memref_slice %arg9[%dma_start3A_331, %dma_start3A_332] : memref<200x64xf32, #tpu.memory_space<vmem>> -> memref<96x64xf32, #tpu.memory_space<vmem>>
        %dma_start3A_334 = tpu.memref_slice %arg6[%add3A_330] : memref<25600xi32, #tpu.memory_space<vmem>> -> memref<96xi32, #tpu.memory_space<vmem>>
        %dma_start3A_335 = arith.constant 0 : i32
        %dma_start3A_336 = arith.constant 0 : i32
        %dma_start3A_337 = tpu.memref_slice %arg4[%dma_start3A_335, %dma_start3A_336] : memref<1000000x64xf32, #tpu.memory_space<hbm>> -> memref<1000000x64xf32, #tpu.memory_space<hbm>>
        tpu.enqueue_indirect_dma source(%dma_start3A_337 : memref<1000000x64xf32, #tpu.memory_space<hbm>>) target(%dma_start3A_333 : memref<96x64xf32, #tpu.memory_space<vmem>>) offsets(%dma_start3A_334 : memref<96xi32, #tpu.memory_space<vmem>>) semaphore(%arg14 : memref<!tpu.dma_semaphore, #tpu.memory_space<semaphore_mem>>)
      } else {
      }
      %dma_wait3A_231 = arith.constant 0 : i32
      %dma_wait3A_232 = arith.constant 0 : i32
      %dma_wait3A_233 = tpu.memref_slice %arg4[%dma_wait3A_231, %dma_wait3A_232] : memref<1000000x64xf32, #tpu.memory_space<hbm>> -> memref<200x64xf32, #tpu.memory_space<hbm>>
      %dma_wait3A_234 = arith.constant 0 : i32
      %dma_wait3A_235 = arith.constant 0 : i32
      %dma_wait3A_236 = tpu.memref_slice %arg4[%dma_wait3A_234, %dma_wait3A_235] : memref<1000000x64xf32, #tpu.memory_space<hbm>> -> memref<200x64xf32, #tpu.memory_space<hbm>>
      tpu.wait_dma2 semaphore(%arg15 : memref<!tpu.dma_semaphore, #tpu.memory_space<semaphore_mem>>) src(%dma_wait3A_236 : memref<200x64xf32, #tpu.memory_space<hbm>>) dst(%arg10 : memref<200x64xf32, #tpu.memory_space<vmem>>)
      %mul3A_237 = arith.constant 64 : i32
      %mul3A_238 = arith.muli %add3A_221, %mul3A_237 : i32
      %add3A_239 = arith.constant 0 : i32
      %add3A_240 = arith.addi %mul3A_238, %add3A_239 : i32
      %get3A_241 = arith.index_cast %add3A_240 : i32 to index
      %get3A_242 = tpu.vector_load %arg7[%get3A_241] {strides = array<i32>} : memref<8192xf32, #tpu.memory_space<vmem>>, vector<16xf32>,
      %mul3A_243 = arith.constant 64 : i32
      %mul3A_244 = arith.muli %add3A_221, %mul3A_243 : i32
      %add3A_245 = arith.constant 16 : i32
      %add3A_246 = arith.addi %mul3A_244, %add3A_245 : i32
      %get3A_247 = arith.index_cast %add3A_246 : i32 to index
      %get3A_248 = tpu.vector_load %arg7[%get3A_247] {strides = array<i32>} : memref<8192xf32, #tpu.memory_space<vmem>>, vector<16xf32>,
      %mul3A_249 = arith.constant 64 : i32
      %mul3A_250 = arith.muli %add3A_221, %mul3A_249 : i32
      %add3A_251 = arith.constant 32 : i32
      %add3A_252 = arith.addi %mul3A_250, %add3A_251 : i32
      %get3A_253 = arith.index_cast %add3A_252 : i32 to index
      %get3A_254 = tpu.vector_load %arg7[%get3A_253] {strides = array<i32>} : memref<8192xf32, #tpu.memory_space<vmem>>, vector<16xf32>,
      %mul3A_255 = arith.constant 64 : i32
      %mul3A_256 = arith.muli %add3A_221, %mul3A_255 : i32
      %add3A_257 = arith.constant 48 : i32
      %add3A_258 = arith.addi %mul3A_256, %add3A_257 : i32
      %get3A_259 = arith.index_cast %add3A_258 : i32 to index
      %get3A_260 = tpu.vector_load %arg7[%get3A_259] {strides = array<i32>} : memref<8192xf32, #tpu.memory_space<vmem>>, vector<16xf32>,
      %scan3A_261 = arith.constant 0 : i32
      %scan3A_262 = arith.constant 0 : i32
      %scan3A_263 = arith.constant 13 : i32
      %scan3A_264 = arith.addi %scan3A_262, %scan3A_263 : i32
      %scan3A_265 = arith.constant 1 : i32
      scf.for %scan3A_314 = %scan3A_262 to %scan3A_264 step %scan3A_265  : i32 {
        %mul3A_315 = arith.constant 16 : i32
        %mul3A_316 = arith.muli %scan3A_314, %mul3A_315 : i32
        %min3A = arith.constant 184 : i32
        %min3A_317 = arith.minsi %mul3A_316, %min3A : i32
        %add3A_318 = arith.constant 0 : i32
        %add3A_319 = arith.addi %min3A_317, %add3A_318 : i32
        %get3A_320 = arith.index_cast %add3A_319 : i32 to index
        %get3A_321 = arith.constant 0 : index
        %get3A_322 = tpu.vector_load %arg10[%get3A_320, %get3A_321] {strides = array<i32>} : memref<200x64xf32, #tpu.memory_space<vmem>>, vector<16xf32>,
        %mul3A_323 = arith.mulf %get3A_322, %get3A_242 : vector<16xf32>
        %add3A_324 = arith.constant 0 : i32
        %add3A_325 = arith.addi %min3A_317, %add3A_324 : i32
        %get3A_326 = arith.index_cast %add3A_325 : i32 to index
        %get3A_327 = arith.constant 16 : index
        %get3A_328 = tpu.vector_load %arg10[%get3A_326, %get3A_327] {strides = array<i32>} : memref<200x64xf32, #tpu.memory_space<vmem>>, vector<16xf32>,
        %mul3A_329 = arith.mulf %get3A_328, %get3A_248 : vector<16xf32>
        %add3A_330 = arith.addf %mul3A_323, %mul3A_329 : vector<16xf32>
        %add3A_331 = arith.constant 0 : i32
        %add3A_332 = arith.addi %min3A_317, %add3A_331 : i32
        %get3A_333 = arith.index_cast %add3A_332 : i32 to index
        %get3A_334 = arith.constant 32 : index
        %get3A_335 = tpu.vector_load %arg10[%get3A_333, %get3A_334] {strides = array<i32>} : memref<200x64xf32, #tpu.memory_space<vmem>>, vector<16xf32>,
        %mul3A_336 = arith.mulf %get3A_335, %get3A_254 : vector<16xf32>
        %add3A_337 = arith.addf %add3A_330, %mul3A_336 : vector<16xf32>
        %add3A_338 = arith.constant 0 : i32
        %add3A_339 = arith.addi %min3A_317, %add3A_338 : i32
        %get3A_340 = arith.index_cast %add3A_339 : i32 to index
        %get3A_341 = arith.constant 48 : index
        %get3A_342 = tpu.vector_load %arg10[%get3A_340, %get3A_341] {strides = array<i32>} : memref<200x64xf32, #tpu.memory_space<vmem>>, vector<16xf32>,
        %mul3A_343 = arith.mulf %get3A_342, %get3A_260 : vector<16xf32>
        %add3A_344 = arith.addf %add3A_337, %mul3A_343 : vector<16xf32>
        %add3A_345 = arith.constant 1 : i32
        %add3A_346 = arith.addi %min3A_317, %add3A_345 : i32
        %get3A_347 = arith.index_cast %add3A_346 : i32 to index
        %get3A_348 = arith.constant 0 : index
        %get3A_349 = tpu.vector_load %arg10[%get3A_347, %get3A_348] {strides = array<i32>} : memref<200x64xf32, #tpu.memory_space<vmem>>, vector<16xf32>,
        %mul3A_350 = arith.mulf %get3A_349, %get3A_242 : vector<16xf32>
        %add3A_351 = arith.constant 1 : i32
        %add3A_352 = arith.addi %min3A_317, %add3A_351 : i32
        %get3A_353 = arith.index_cast %add3A_352 : i32 to index
        %get3A_354 = arith.constant 16 : index
        %get3A_355 = tpu.vector_load %arg10[%get3A_353, %get3A_354] {strides = array<i32>} : memref<200x64xf32, #tpu.memory_space<vmem>>, vector<16xf32>,
        %mul3A_356 = arith.mulf %get3A_355, %get3A_248 : vector<16xf32>
        %add3A_357 = arith.addf %mul3A_350, %mul3A_356 : vector<16xf32>
        %add3A_358 = arith.constant 1 : i32
        %add3A_359 = arith.addi %min3A_317, %add3A_358 : i32
        %get3A_360 = arith.index_cast %add3A_359 : i32 to index
        %get3A_361 = arith.constant 32 : index
        %get3A_362 = tpu.vector_load %arg10[%get3A_360, %get3A_361] {strides = array<i32>} : memref<200x64xf32, #tpu.memory_space<vmem>>, vector<16xf32>,
        %mul3A_363 = arith.mulf %get3A_362, %get3A_254 : vector<16xf32>
        %add3A_364 = arith.addf %add3A_357, %mul3A_363 : vector<16xf32>
        %add3A_365 = arith.constant 1 : i32
        %add3A_366 = arith.addi %min3A_317, %add3A_365 : i32
        %get3A_367 = arith.index_cast %add3A_366 : i32 to index
        %get3A_368 = arith.constant 48 : index
        %get3A_369 = tpu.vector_load %arg10[%get3A_367, %get3A_368] {strides = array<i32>} : memref<200x64xf32, #tpu.memory_space<vmem>>, vector<16xf32>,
        %mul3A_370 = arith.mulf %get3A_369, %get3A_260 : vector<16xf32>
        %add3A_371 = arith.addf %add3A_364, %mul3A_370 : vector<16xf32>
        %add3A_372 = arith.constant 2 : i32
        %add3A_373 = arith.addi %min3A_317, %add3A_372 : i32
        %get3A_374 = arith.index_cast %add3A_373 : i32 to index
        %get3A_375 = arith.constant 0 : index
        %get3A_376 = tpu.vector_load %arg10[%get3A_374, %get3A_375] {strides = array<i32>} : memref<200x64xf32, #tpu.memory_space<vmem>>, vector<16xf32>,
        %mul3A_377 = arith.mulf %get3A_376, %get3A_242 : vector<16xf32>
        %add3A_378 = arith.constant 2 : i32
        %add3A_379 = arith.addi %min3A_317, %add3A_378 : i32
        %get3A_380 = arith.index_cast %add3A_379 : i32 to index
        %get3A_381 = arith.constant 16 : index
        %get3A_382 = tpu.vector_load %arg10[%get3A_380, %get3A_381] {strides = array<i32>} : memref<200x64xf32, #tpu.memory_space<vmem>>, vector<16xf32>,
        %mul3A_383 = arith.mulf %get3A_382, %get3A_248 : vector<16xf32>
        %add3A_384 = arith.addf %mul3A_377, %mul3A_383 : vector<16xf32>
        %add3A_385 = arith.constant 2 : i32
        %add3A_386 = arith.addi %min3A_317, %add3A_385 : i32
        %get3A_387 = arith.index_cast %add3A_386 : i32 to index
        %get3A_388 = arith.constant 32 : index
        %get3A_389 = tpu.vector_load %arg10[%get3A_387, %get3A_388] {strides = array<i32>} : memref<200x64xf32, #tpu.memory_space<vmem>>, vector<16xf32>,
        %mul3A_390 = arith.mulf %get3A_389, %get3A_254 : vector<16xf32>
        %add3A_391 = arith.addf %add3A_384, %mul3A_390 : vector<16xf32>
        %add3A_392 = arith.constant 2 : i32
        %add3A_393 = arith.addi %min3A_317, %add3A_392 : i32
        %get3A_394 = arith.index_cast %add3A_393 : i32 to index
        %get3A_395 = arith.constant 48 : index
        %get3A_396 = tpu.vector_load %arg10[%get3A_394, %get3A_395] {strides = array<i32>} : memref<200x64xf32, #tpu.memory_space<vmem>>, vector<16xf32>,
        %mul3A_397 = arith.mulf %get3A_396, %get3A_260 : vector<16xf32>
        %add3A_398 = arith.addf %add3A_391, %mul3A_397 : vector<16xf32>
        %add3A_399 = arith.constant 3 : i32
        %add3A_400 = arith.addi %min3A_317, %add3A_399 : i32
        %get3A_401 = arith.index_cast %add3A_400 : i32 to index
        %get3A_402 = arith.constant 0 : index
        %get3A_403 = tpu.vector_load %arg10[%get3A_401, %get3A_402] {strides = array<i32>} : memref<200x64xf32, #tpu.memory_space<vmem>>, vector<16xf32>,
        %mul3A_404 = arith.mulf %get3A_403, %get3A_242 : vector<16xf32>
        %add3A_405 = arith.constant 3 : i32
        %add3A_406 = arith.addi %min3A_317, %add3A_405 : i32
        %get3A_407 = arith.index_cast %add3A_406 : i32 to index
        %get3A_408 = arith.constant 16 : index
        %get3A_409 = tpu.vector_load %arg10[%get3A_407, %get3A_408] {strides = array<i32>} : memref<200x64xf32, #tpu.memory_space<vmem>>, vector<16xf32>,
        %mul3A_410 = arith.mulf %get3A_409, %get3A_248 : vector<16xf32>
        %add3A_411 = arith.addf %mul3A_404, %mul3A_410 : vector<16xf32>
        %add3A_412 = arith.constant 3 : i32
        %add3A_413 = arith.addi %min3A_317, %add3A_412 : i32
        %get3A_414 = arith.index_cast %add3A_413 : i32 to index
        %get3A_415 = arith.constant 32 : index
        %get3A_416 = tpu.vector_load %arg10[%get3A_414, %get3A_415] {strides = array<i32>} : memref<200x64xf32, #tpu.memory_space<vmem>>, vector<16xf32>,
        %mul3A_417 = arith.mulf %get3A_416, %get3A_254 : vector<16xf32>
        %add3A_418 = arith.addf %add3A_411, %mul3A_417 : vector<16xf32>
        %add3A_419 = arith.constant 3 : i32
        %add3A_420 = arith.addi %min3A_317, %add3A_419 : i32
        %get3A_421 = arith.index_cast %add3A_420 : i32 to index
        %get3A_422 = arith.constant 48 : index
        %get3A_423 = tpu.vector_load %arg10[%get3A_421, %get3A_422] {strides = array<i32>} : memref<200x64xf32, #tpu.memory_space<vmem>>, vector<16xf32>,
        %mul3A_424 = arith.mulf %get3A_423, %get3A_260 : vector<16xf32>
        %add3A_425 = arith.addf %add3A_418, %mul3A_424 : vector<16xf32>
        %add3A_426 = arith.constant 4 : i32
        %add3A_427 = arith.addi %min3A_317, %add3A_426 : i32
        %get3A_428 = arith.index_cast %add3A_427 : i32 to index
        %get3A_429 = arith.constant 0 : index
        %get3A_430 = tpu.vector_load %arg10[%get3A_428, %get3A_429] {strides = array<i32>} : memref<200x64xf32, #tpu.memory_space<vmem>>, vector<16xf32>,
        %mul3A_431 = arith.mulf %get3A_430, %get3A_242 : vector<16xf32>
        %add3A_432 = arith.constant 4 : i32
        %add3A_433 = arith.addi %min3A_317, %add3A_432 : i32
        %get3A_434 = arith.index_cast %add3A_433 : i32 to index
        %get3A_435 = arith.constant 16 : index
        %get3A_436 = tpu.vector_load %arg10[%get3A_434, %get3A_435] {strides = array<i32>} : memref<200x64xf32, #tpu.memory_space<vmem>>, vector<16xf32>,
        %mul3A_437 = arith.mulf %get3A_436, %get3A_248 : vector<16xf32>
        %add3A_438 = arith.addf %mul3A_431, %mul3A_437 : vector<16xf32>
        %add3A_439 = arith.constant 4 : i32
        %add3A_440 = arith.addi %min3A_317, %add3A_439 : i32
        %get3A_441 = arith.index_cast %add3A_440 : i32 to index
        %get3A_442 = arith.constant 32 : index
        %get3A_443 = tpu.vector_load %arg10[%get3A_441, %get3A_442] {strides = array<i32>} : memref<200x64xf32, #tpu.memory_space<vmem>>, vector<16xf32>,
        %mul3A_444 = arith.mulf %get3A_443, %get3A_254 : vector<16xf32>
        %add3A_445 = arith.addf %add3A_438, %mul3A_444 : vector<16xf32>
        %add3A_446 = arith.constant 4 : i32
        %add3A_447 = arith.addi %min3A_317, %add3A_446 : i32
        %get3A_448 = arith.index_cast %add3A_447 : i32 to index
        %get3A_449 = arith.constant 48 : index
        %get3A_450 = tpu.vector_load %arg10[%get3A_448, %get3A_449] {strides = array<i32>} : memref<200x64xf32, #tpu.memory_space<vmem>>, vector<16xf32>,
        %mul3A_451 = arith.mulf %get3A_450, %get3A_260 : vector<16xf32>
        %add3A_452 = arith.addf %add3A_445, %mul3A_451 : vector<16xf32>
        %add3A_453 = arith.constant 5 : i32
        %add3A_454 = arith.addi %min3A_317, %add3A_453 : i32
        %get3A_455 = arith.index_cast %add3A_454 : i32 to index
        %get3A_456 = arith.constant 0 : index
        %get3A_457 = tpu.vector_load %arg10[%get3A_455, %get3A_456] {strides = array<i32>} : memref<200x64xf32, #tpu.memory_space<vmem>>, vector<16xf32>,
        %mul3A_458 = arith.mulf %get3A_457, %get3A_242 : vector<16xf32>
        %add3A_459 = arith.constant 5 : i32
        %add3A_460 = arith.addi %min3A_317, %add3A_459 : i32
        %get3A_461 = arith.index_cast %add3A_460 : i32 to index
        %get3A_462 = arith.constant 16 : index
        %get3A_463 = tpu.vector_load %arg10[%get3A_461, %get3A_462] {strides = array<i32>} : memref<200x64xf32, #tpu.memory_space<vmem>>, vector<16xf32>,
        %mul3A_464 = arith.mulf %get3A_463, %get3A_248 : vector<16xf32>
        %add3A_465 = arith.addf %mul3A_458, %mul3A_464 : vector<16xf32>
        %add3A_466 = arith.constant 5 : i32
        %add3A_467 = arith.addi %min3A_317, %add3A_466 : i32
        %get3A_468 = arith.index_cast %add3A_467 : i32 to index
        %get3A_469 = arith.constant 32 : index
        %get3A_470 = tpu.vector_load %arg10[%get3A_468, %get3A_469] {strides = array<i32>} : memref<200x64xf32, #tpu.memory_space<vmem>>, vector<16xf32>,
        %mul3A_471 = arith.mulf %get3A_470, %get3A_254 : vector<16xf32>
        %add3A_472 = arith.addf %add3A_465, %mul3A_471 : vector<16xf32>
        %add3A_473 = arith.constant 5 : i32
        %add3A_474 = arith.addi %min3A_317, %add3A_473 : i32
        %get3A_475 = arith.index_cast %add3A_474 : i32 to index
        %get3A_476 = arith.constant 48 : index
        %get3A_477 = tpu.vector_load %arg10[%get3A_475, %get3A_476] {strides = array<i32>} : memref<200x64xf32, #tpu.memory_space<vmem>>, vector<16xf32>,
        %mul3A_478 = arith.mulf %get3A_477, %get3A_260 : vector<16xf32>
        %add3A_479 = arith.addf %add3A_472, %mul3A_478 : vector<16xf32>
        %add3A_480 = arith.constant 6 : i32
        %add3A_481 = arith.addi %min3A_317, %add3A_480 : i32
        %get3A_482 = arith.index_cast %add3A_481 : i32 to index
        %get3A_483 = arith.constant 0 : index
        %get3A_484 = tpu.vector_load %arg10[%get3A_482, %get3A_483] {strides = array<i32>} : memref<200x64xf32, #tpu.memory_space<vmem>>, vector<16xf32>,
        %mul3A_485 = arith.mulf %get3A_484, %get3A_242 : vector<16xf32>
        %add3A_486 = arith.constant 6 : i32
        %add3A_487 = arith.addi %min3A_317, %add3A_486 : i32
        %get3A_488 = arith.index_cast %add3A_487 : i32 to index
        %get3A_489 = arith.constant 16 : index
        %get3A_490 = tpu.vector_load %arg10[%get3A_488, %get3A_489] {strides = array<i32>} : memref<200x64xf32, #tpu.memory_space<vmem>>, vector<16xf32>,
        %mul3A_491 = arith.mulf %get3A_490, %get3A_248 : vector<16xf32>
        %add3A_492 = arith.addf %mul3A_485, %mul3A_491 : vector<16xf32>
        %add3A_493 = arith.constant 6 : i32
        %add3A_494 = arith.addi %min3A_317, %add3A_493 : i32
        %get3A_495 = arith.index_cast %add3A_494 : i32 to index
        %get3A_496 = arith.constant 32 : index
        %get3A_497 = tpu.vector_load %arg10[%get3A_495, %get3A_496] {strides = array<i32>} : memref<200x64xf32, #tpu.memory_space<vmem>>, vector<16xf32>,
        %mul3A_498 = arith.mulf %get3A_497, %get3A_254 : vector<16xf32>
        %add3A_499 = arith.addf %add3A_492, %mul3A_498 : vector<16xf32>
        %add3A_500 = arith.constant 6 : i32
        %add3A_501 = arith.addi %min3A_317, %add3A_500 : i32
        %get3A_502 = arith.index_cast %add3A_501 : i32 to index
        %get3A_503 = arith.constant 48 : index
        %get3A_504 = tpu.vector_load %arg10[%get3A_502, %get3A_503] {strides = array<i32>} : memref<200x64xf32, #tpu.memory_space<vmem>>, vector<16xf32>,
        %mul3A_505 = arith.mulf %get3A_504, %get3A_260 : vector<16xf32>
        %add3A_506 = arith.addf %add3A_499, %mul3A_505 : vector<16xf32>
        %add3A_507 = arith.constant 7 : i32
        %add3A_508 = arith.addi %min3A_317, %add3A_507 : i32
        %get3A_509 = arith.index_cast %add3A_508 : i32 to index
        %get3A_510 = arith.constant 0 : index
        %get3A_511 = tpu.vector_load %arg10[%get3A_509, %get3A_510] {strides = array<i32>} : memref<200x64xf32, #tpu.memory_space<vmem>>, vector<16xf32>,
        %mul3A_512 = arith.mulf %get3A_511, %get3A_242 : vector<16xf32>
        %add3A_513 = arith.constant 7 : i32
        %add3A_514 = arith.addi %min3A_317, %add3A_513 : i32
        %get3A_515 = arith.index_cast %add3A_514 : i32 to index
        %get3A_516 = arith.constant 16 : index
        %get3A_517 = tpu.vector_load %arg10[%get3A_515, %get3A_516] {strides = array<i32>} : memref<200x64xf32, #tpu.memory_space<vmem>>, vector<16xf32>,
        %mul3A_518 = arith.mulf %get3A_517, %get3A_248 : vector<16xf32>
        %add3A_519 = arith.addf %mul3A_512, %mul3A_518 : vector<16xf32>
        %add3A_520 = arith.constant 7 : i32
        %add3A_521 = arith.addi %min3A_317, %add3A_520 : i32
        %get3A_522 = arith.index_cast %add3A_521 : i32 to index
        %get3A_523 = arith.constant 32 : index
        %get3A_524 = tpu.vector_load %arg10[%get3A_522, %get3A_523] {strides = array<i32>} : memref<200x64xf32, #tpu.memory_space<vmem>>, vector<16xf32>,
        %mul3A_525 = arith.mulf %get3A_524, %get3A_254 : vector<16xf32>
        %add3A_526 = arith.addf %add3A_519, %mul3A_525 : vector<16xf32>
        %add3A_527 = arith.constant 7 : i32
        %add3A_528 = arith.addi %min3A_317, %add3A_527 : i32
        %get3A_529 = arith.index_cast %add3A_528 : i32 to index
        %get3A_530 = arith.constant 48 : index
        %get3A_531 = tpu.vector_load %arg10[%get3A_529, %get3A_530] {strides = array<i32>} : memref<200x64xf32, #tpu.memory_space<vmem>>, vector<16xf32>,
        %mul3A_532 = arith.mulf %get3A_531, %get3A_260 : vector<16xf32>
        %add3A_533 = arith.addf %add3A_526, %mul3A_532 : vector<16xf32>
        %add3A_534 = arith.constant 8 : i32
        %add3A_535 = arith.addi %min3A_317, %add3A_534 : i32
        %get3A_536 = arith.index_cast %add3A_535 : i32 to index
        %get3A_537 = arith.constant 0 : index
        %get3A_538 = tpu.vector_load %arg10[%get3A_536, %get3A_537] {strides = array<i32>} : memref<200x64xf32, #tpu.memory_space<vmem>>, vector<16xf32>,
        %mul3A_539 = arith.mulf %get3A_538, %get3A_242 : vector<16xf32>
        %add3A_540 = arith.constant 8 : i32
        %add3A_541 = arith.addi %min3A_317, %add3A_540 : i32
        %get3A_542 = arith.index_cast %add3A_541 : i32 to index
        %get3A_543 = arith.constant 16 : index
        %get3A_544 = tpu.vector_load %arg10[%get3A_542, %get3A_543] {strides = array<i32>} : memref<200x64xf32, #tpu.memory_space<vmem>>, vector<16xf32>,
        %mul3A_545 = arith.mulf %get3A_544, %get3A_248 : vector<16xf32>
        %add3A_546 = arith.addf %mul3A_539, %mul3A_545 : vector<16xf32>
        %add3A_547 = arith.constant 8 : i32
        %add3A_548 = arith.addi %min3A_317, %add3A_547 : i32
        %get3A_549 = arith.index_cast %add3A_548 : i32 to index
        %get3A_550 = arith.constant 32 : index
        %get3A_551 = tpu.vector_load %arg10[%get3A_549, %get3A_550] {strides = array<i32>} : memref<200x64xf32, #tpu.memory_space<vmem>>, vector<16xf32>,
        %mul3A_552 = arith.mulf %get3A_551, %get3A_254 : vector<16xf32>
        %add3A_553 = arith.addf %add3A_546, %mul3A_552 : vector<16xf32>
        %add3A_554 = arith.constant 8 : i32
        %add3A_555 = arith.addi %min3A_317, %add3A_554 : i32
        %get3A_556 = arith.index_cast %add3A_555 : i32 to index
        %get3A_557 = arith.constant 48 : index
        %get3A_558 = tpu.vector_load %arg10[%get3A_556, %get3A_557] {strides = array<i32>} : memref<200x64xf32, #tpu.memory_space<vmem>>, vector<16xf32>,
        %mul3A_559 = arith.mulf %get3A_558, %get3A_260 : vector<16xf32>
        %add3A_560 = arith.addf %add3A_553, %mul3A_559 : vector<16xf32>
        %add3A_561 = arith.constant 9 : i32
        %add3A_562 = arith.addi %min3A_317, %add3A_561 : i32
        %get3A_563 = arith.index_cast %add3A_562 : i32 to index
        %get3A_564 = arith.constant 0 : index
        %get3A_565 = tpu.vector_load %arg10[%get3A_563, %get3A_564] {strides = array<i32>} : memref<200x64xf32, #tpu.memory_space<vmem>>, vector<16xf32>,
        %mul3A_566 = arith.mulf %get3A_565, %get3A_242 : vector<16xf32>
        %add3A_567 = arith.constant 9 : i32
        %add3A_568 = arith.addi %min3A_317, %add3A_567 : i32
        %get3A_569 = arith.index_cast %add3A_568 : i32 to index
        %get3A_570 = arith.constant 16 : index
        %get3A_571 = tpu.vector_load %arg10[%get3A_569, %get3A_570] {strides = array<i32>} : memref<200x64xf32, #tpu.memory_space<vmem>>, vector<16xf32>,
        %mul3A_572 = arith.mulf %get3A_571, %get3A_248 : vector<16xf32>
        %add3A_573 = arith.addf %mul3A_566, %mul3A_572 : vector<16xf32>
        %add3A_574 = arith.constant 9 : i32
        %add3A_575 = arith.addi %min3A_317, %add3A_574 : i32
        %get3A_576 = arith.index_cast %add3A_575 : i32 to index
        %get3A_577 = arith.constant 32 : index
        %get3A_578 = tpu.vector_load %arg10[%get3A_576, %get3A_577] {strides = array<i32>} : memref<200x64xf32, #tpu.memory_space<vmem>>, vector<16xf32>,
        %mul3A_579 = arith.mulf %get3A_578, %get3A_254 : vector<16xf32>
        %add3A_580 = arith.addf %add3A_573, %mul3A_579 : vector<16xf32>
        %add3A_581 = arith.constant 9 : i32
        %add3A_582 = arith.addi %min3A_317, %add3A_581 : i32
        %get3A_583 = arith.index_cast %add3A_582 : i32 to index
        %get3A_584 = arith.constant 48 : index
        %get3A_585 = tpu.vector_load %arg10[%get3A_583, %get3A_584] {strides = array<i32>} : memref<200x64xf32, #tpu.memory_space<vmem>>, vector<16xf32>,
        %mul3A_586 = arith.mulf %get3A_585, %get3A_260 : vector<16xf32>
        %add3A_587 = arith.addf %add3A_580, %mul3A_586 : vector<16xf32>
        %add3A_588 = arith.constant 10 : i32
        %add3A_589 = arith.addi %min3A_317, %add3A_588 : i32
        %get3A_590 = arith.index_cast %add3A_589 : i32 to index
        %get3A_591 = arith.constant 0 : index
        %get3A_592 = tpu.vector_load %arg10[%get3A_590, %get3A_591] {strides = array<i32>} : memref<200x64xf32, #tpu.memory_space<vmem>>, vector<16xf32>,
        %mul3A_593 = arith.mulf %get3A_592, %get3A_242 : vector<16xf32>
        %add3A_594 = arith.constant 10 : i32
        %add3A_595 = arith.addi %min3A_317, %add3A_594 : i32
        %get3A_596 = arith.index_cast %add3A_595 : i32 to index
        %get3A_597 = arith.constant 16 : index
        %get3A_598 = tpu.vector_load %arg10[%get3A_596, %get3A_597] {strides = array<i32>} : memref<200x64xf32, #tpu.memory_space<vmem>>, vector<16xf32>,
        %mul3A_599 = arith.mulf %get3A_598, %get3A_248 : vector<16xf32>
        %add3A_600 = arith.addf %mul3A_593, %mul3A_599 : vector<16xf32>
        %add3A_601 = arith.constant 10 : i32
        %add3A_602 = arith.addi %min3A_317, %add3A_601 : i32
        %get3A_603 = arith.index_cast %add3A_602 : i32 to index
        %get3A_604 = arith.constant 32 : index
        %get3A_605 = tpu.vector_load %arg10[%get3A_603, %get3A_604] {strides = array<i32>} : memref<200x64xf32, #tpu.memory_space<vmem>>, vector<16xf32>,
        %mul3A_606 = arith.mulf %get3A_605, %get3A_254 : vector<16xf32>
        %add3A_607 = arith.addf %add3A_600, %mul3A_606 : vector<16xf32>
        %add3A_608 = arith.constant 10 : i32
        %add3A_609 = arith.addi %min3A_317, %add3A_608 : i32
        %get3A_610 = arith.index_cast %add3A_609 : i32 to index
        %get3A_611 = arith.constant 48 : index
        %get3A_612 = tpu.vector_load %arg10[%get3A_610, %get3A_611] {strides = array<i32>} : memref<200x64xf32, #tpu.memory_space<vmem>>, vector<16xf32>,
        %mul3A_613 = arith.mulf %get3A_612, %get3A_260 : vector<16xf32>
        %add3A_614 = arith.addf %add3A_607, %mul3A_613 : vector<16xf32>
        %add3A_615 = arith.constant 11 : i32
        %add3A_616 = arith.addi %min3A_317, %add3A_615 : i32
        %get3A_617 = arith.index_cast %add3A_616 : i32 to index
        %get3A_618 = arith.constant 0 : index
        %get3A_619 = tpu.vector_load %arg10[%get3A_617, %get3A_618] {strides = array<i32>} : memref<200x64xf32, #tpu.memory_space<vmem>>, vector<16xf32>,
        %mul3A_620 = arith.mulf %get3A_619, %get3A_242 : vector<16xf32>
        %add3A_621 = arith.constant 11 : i32
        %add3A_622 = arith.addi %min3A_317, %add3A_621 : i32
        %get3A_623 = arith.index_cast %add3A_622 : i32 to index
        %get3A_624 = arith.constant 16 : index
        %get3A_625 = tpu.vector_load %arg10[%get3A_623, %get3A_624] {strides = array<i32>} : memref<200x64xf32, #tpu.memory_space<vmem>>, vector<16xf32>,
        %mul3A_626 = arith.mulf %get3A_625, %get3A_248 : vector<16xf32>
        %add3A_627 = arith.addf %mul3A_620, %mul3A_626 : vector<16xf32>
        %add3A_628 = arith.constant 11 : i32
        %add3A_629 = arith.addi %min3A_317, %add3A_628 : i32
        %get3A_630 = arith.index_cast %add3A_629 : i32 to index
        %get3A_631 = arith.constant 32 : index
        %get3A_632 = tpu.vector_load %arg10[%get3A_630, %get3A_631] {strides = array<i32>} : memref<200x64xf32, #tpu.memory_space<vmem>>, vector<16xf32>,
        %mul3A_633 = arith.mulf %get3A_632, %get3A_254 : vector<16xf32>
        %add3A_634 = arith.addf %add3A_627, %mul3A_633 : vector<16xf32>
        %add3A_635 = arith.constant 11 : i32
        %add3A_636 = arith.addi %min3A_317, %add3A_635 : i32
        %get3A_637 = arith.index_cast %add3A_636 : i32 to index
        %get3A_638 = arith.constant 48 : index
        %get3A_639 = tpu.vector_load %arg10[%get3A_637, %get3A_638] {strides = array<i32>} : memref<200x64xf32, #tpu.memory_space<vmem>>, vector<16xf32>,
        %mul3A_640 = arith.mulf %get3A_639, %get3A_260 : vector<16xf32>
        %add3A_641 = arith.addf %add3A_634, %mul3A_640 : vector<16xf32>
        %add3A_642 = arith.constant 12 : i32
        %add3A_643 = arith.addi %min3A_317, %add3A_642 : i32
        %get3A_644 = arith.index_cast %add3A_643 : i32 to index
        %get3A_645 = arith.constant 0 : index
        %get3A_646 = tpu.vector_load %arg10[%get3A_644, %get3A_645] {strides = array<i32>} : memref<200x64xf32, #tpu.memory_space<vmem>>, vector<16xf32>,
        %mul3A_647 = arith.mulf %get3A_646, %get3A_242 : vector<16xf32>
        %add3A_648 = arith.constant 12 : i32
        %add3A_649 = arith.addi %min3A_317, %add3A_648 : i32
        %get3A_650 = arith.index_cast %add3A_649 : i32 to index
        %get3A_651 = arith.constant 16 : index
        %get3A_652 = tpu.vector_load %arg10[%get3A_650, %get3A_651] {strides = array<i32>} : memref<200x64xf32, #tpu.memory_space<vmem>>, vector<16xf32>,
        %mul3A_653 = arith.mulf %get3A_652, %get3A_248 : vector<16xf32>
        %add3A_654 = arith.addf %mul3A_647, %mul3A_653 : vector<16xf32>
        %add3A_655 = arith.constant 12 : i32
        %add3A_656 = arith.addi %min3A_317, %add3A_655 : i32
        %get3A_657 = arith.index_cast %add3A_656 : i32 to index
        %get3A_658 = arith.constant 32 : index
        %get3A_659 = tpu.vector_load %arg10[%get3A_657, %get3A_658] {strides = array<i32>} : memref<200x64xf32, #tpu.memory_space<vmem>>, vector<16xf32>,
        %mul3A_660 = arith.mulf %get3A_659, %get3A_254 : vector<16xf32>
        %add3A_661 = arith.addf %add3A_654, %mul3A_660 : vector<16xf32>
        %add3A_662 = arith.constant 12 : i32
        %add3A_663 = arith.addi %min3A_317, %add3A_662 : i32
        %get3A_664 = arith.index_cast %add3A_663 : i32 to index
        %get3A_665 = arith.constant 48 : index
        %get3A_666 = tpu.vector_load %arg10[%get3A_664, %get3A_665] {strides = array<i32>} : memref<200x64xf32, #tpu.memory_space<vmem>>, vector<16xf32>,
        %mul3A_667 = arith.mulf %get3A_666, %get3A_260 : vector<16xf32>
        %add3A_668 = arith.addf %add3A_661, %mul3A_667 : vector<16xf32>
        %add3A_669 = arith.constant 13 : i32
        %add3A_670 = arith.addi %min3A_317, %add3A_669 : i32
        %get3A_671 = arith.index_cast %add3A_670 : i32 to index
        %get3A_672 = arith.constant 0 : index
        %get3A_673 = tpu.vector_load %arg10[%get3A_671, %get3A_672] {strides = array<i32>} : memref<200x64xf32, #tpu.memory_space<vmem>>, vector<16xf32>,
        %mul3A_674 = arith.mulf %get3A_673, %get3A_242 : vector<16xf32>
        %add3A_675 = arith.constant 13 : i32
        %add3A_676 = arith.addi %min3A_317, %add3A_675 : i32
        %get3A_677 = arith.index_cast %add3A_676 : i32 to index
        %get3A_678 = arith.constant 16 : index
        %get3A_679 = tpu.vector_load %arg10[%get3A_677, %get3A_678] {strides = array<i32>} : memref<200x64xf32, #tpu.memory_space<vmem>>, vector<16xf32>,
        %mul3A_680 = arith.mulf %get3A_679, %get3A_248 : vector<16xf32>
        %add3A_681 = arith.addf %mul3A_674, %mul3A_680 : vector<16xf32>
        %add3A_682 = arith.constant 13 : i32
        %add3A_683 = arith.addi %min3A_317, %add3A_682 : i32
        %get3A_684 = arith.index_cast %add3A_683 : i32 to index
        %get3A_685 = arith.constant 32 : index
        %get3A_686 = tpu.vector_load %arg10[%get3A_684, %get3A_685] {strides = array<i32>} : memref<200x64xf32, #tpu.memory_space<vmem>>, vector<16xf32>,
        %mul3A_687 = arith.mulf %get3A_686, %get3A_254 : vector<16xf32>
        %add3A_688 = arith.addf %add3A_681, %mul3A_687 : vector<16xf32>
        %add3A_689 = arith.constant 13 : i32
        %add3A_690 = arith.addi %min3A_317, %add3A_689 : i32
        %get3A_691 = arith.index_cast %add3A_690 : i32 to index
        %get3A_692 = arith.constant 48 : index
        %get3A_693 = tpu.vector_load %arg10[%get3A_691, %get3A_692] {strides = array<i32>} : memref<200x64xf32, #tpu.memory_space<vmem>>, vector<16xf32>,
        %mul3A_694 = arith.mulf %get3A_693, %get3A_260 : vector<16xf32>
        %add3A_695 = arith.addf %add3A_688, %mul3A_694 : vector<16xf32>
        %add3A_696 = arith.constant 14 : i32
        %add3A_697 = arith.addi %min3A_317, %add3A_696 : i32
        %get3A_698 = arith.index_cast %add3A_697 : i32 to index
        %get3A_699 = arith.constant 0 : index
        %get3A_700 = tpu.vector_load %arg10[%get3A_698, %get3A_699] {strides = array<i32>} : memref<200x64xf32, #tpu.memory_space<vmem>>, vector<16xf32>,
        %mul3A_701 = arith.mulf %get3A_700, %get3A_242 : vector<16xf32>
        %add3A_702 = arith.constant 14 : i32
        %add3A_703 = arith.addi %min3A_317, %add3A_702 : i32
        %get3A_704 = arith.index_cast %add3A_703 : i32 to index
        %get3A_705 = arith.constant 16 : index
        %get3A_706 = tpu.vector_load %arg10[%get3A_704, %get3A_705] {strides = array<i32>} : memref<200x64xf32, #tpu.memory_space<vmem>>, vector<16xf32>,
        %mul3A_707 = arith.mulf %get3A_706, %get3A_248 : vector<16xf32>
        %add3A_708 = arith.addf %mul3A_701, %mul3A_707 : vector<16xf32>
        %add3A_709 = arith.constant 14 : i32
        %add3A_710 = arith.addi %min3A_317, %add3A_709 : i32
        %get3A_711 = arith.index_cast %add3A_710 : i32 to index
        %get3A_712 = arith.constant 32 : index
        %get3A_713 = tpu.vector_load %arg10[%get3A_711, %get3A_712] {strides = array<i32>} : memref<200x64xf32, #tpu.memory_space<vmem>>, vector<16xf32>,
        %mul3A_714 = arith.mulf %get3A_713, %get3A_254 : vector<16xf32>
        %add3A_715 = arith.addf %add3A_708, %mul3A_714 : vector<16xf32>
        %add3A_716 = arith.constant 14 : i32
        %add3A_717 = arith.addi %min3A_317, %add3A_716 : i32
        %get3A_718 = arith.index_cast %add3A_717 : i32 to index
        %get3A_719 = arith.constant 48 : index
        %get3A_720 = tpu.vector_load %arg10[%get3A_718, %get3A_719] {strides = array<i32>} : memref<200x64xf32, #tpu.memory_space<vmem>>, vector<16xf32>,
        %mul3A_721 = arith.mulf %get3A_720, %get3A_260 : vector<16xf32>
        %add3A_722 = arith.addf %add3A_715, %mul3A_721 : vector<16xf32>
        %add3A_723 = arith.constant 15 : i32
        %add3A_724 = arith.addi %min3A_317, %add3A_723 : i32
        %get3A_725 = arith.index_cast %add3A_724 : i32 to index
        %get3A_726 = arith.constant 0 : index
        %get3A_727 = tpu.vector_load %arg10[%get3A_725, %get3A_726] {strides = array<i32>} : memref<200x64xf32, #tpu.memory_space<vmem>>, vector<16xf32>,
        %mul3A_728 = arith.mulf %get3A_727, %get3A_242 : vector<16xf32>
        %add3A_729 = arith.constant 15 : i32
        %add3A_730 = arith.addi %min3A_317, %add3A_729 : i32
        %get3A_731 = arith.index_cast %add3A_730 : i32 to index
        %get3A_732 = arith.constant 16 : index
        %get3A_733 = tpu.vector_load %arg10[%get3A_731, %get3A_732] {strides = array<i32>} : memref<200x64xf32, #tpu.memory_space<vmem>>, vector<16xf32>,
        %mul3A_734 = arith.mulf %get3A_733, %get3A_248 : vector<16xf32>
        %add3A_735 = arith.addf %mul3A_728, %mul3A_734 : vector<16xf32>
        %add3A_736 = arith.constant 15 : i32
        %add3A_737 = arith.addi %min3A_317, %add3A_736 : i32
        %get3A_738 = arith.index_cast %add3A_737 : i32 to index
        %get3A_739 = arith.constant 32 : index
        %get3A_740 = tpu.vector_load %arg10[%get3A_738, %get3A_739] {strides = array<i32>} : memref<200x64xf32, #tpu.memory_space<vmem>>, vector<16xf32>,
        %mul3A_741 = arith.mulf %get3A_740, %get3A_254 : vector<16xf32>
        %add3A_742 = arith.addf %add3A_735, %mul3A_741 : vector<16xf32>
        %add3A_743 = arith.constant 15 : i32
        %add3A_744 = arith.addi %min3A_317, %add3A_743 : i32
        %get3A_745 = arith.index_cast %add3A_744 : i32 to index
        %get3A_746 = arith.constant 48 : index
        %get3A_747 = tpu.vector_load %arg10[%get3A_745, %get3A_746] {strides = array<i32>} : memref<200x64xf32, #tpu.memory_space<vmem>>, vector<16xf32>,
        %mul3A_748 = arith.mulf %get3A_747, %get3A_260 : vector<16xf32>
        %add3A_749 = arith.addf %add3A_742, %mul3A_748 : vector<16xf32>
        %select_n3A = arith.select %lt3A_15, %add3A_344, %add3A_371 : vector<16xi1>, vector<16xf32>
        %lt3A_750 = arith.constant 0 : i32
        %lt3A_751 = vector.broadcast %lt3A_750 : i32 to vector<16xi32>
        %lt3A_752 = arith.cmpi slt, %xor3A_2, %lt3A_751 : vector<16xi32>
        %add3A_753 = arith.constant 16 : i32
        %add3A_754 = vector.broadcast %add3A_753 : i32 to vector<16xi32>
        %add3A_755 = arith.addi %xor3A_2, %add3A_754 : vector<16xi32>
        %select_n3A_756 = arith.select %lt3A_752, %add3A_755, %xor3A_2 : vector<16xi1>, vector<16xi32>
        %broadcast_in_dim3A = vector.shape_cast %select_n3A_756 : vector<16xi32> to vector<16x1xi32>
        %gather3A = vector.shape_cast %broadcast_in_dim3A : vector<16x1xi32> to vector<16xi32>
        %gather3A_757 = tpu.dynamic_gather %add3A_344[%gather3A] in [0] : vector<16xf32>, vector<16xi32> -> vector<16xf32>
        %lt3A_758 = arith.constant 0 : i32
        %lt3A_759 = vector.broadcast %lt3A_758 : i32 to vector<16xi32>
        %lt3A_760 = arith.cmpi slt, %xor3A_2, %lt3A_759 : vector<16xi32>
        %add3A_761 = arith.constant 16 : i32
        %add3A_762 = vector.broadcast %add3A_761 : i32 to vector<16xi32>
        %add3A_763 = arith.addi %xor3A_2, %add3A_762 : vector<16xi32>
        %select_n3A_764 = arith.select %lt3A_760, %add3A_763, %xor3A_2 : vector<16xi1>, vector<16xi32>
        %broadcast_in_dim3A_765 = vector.shape_cast %select_n3A_764 : vector<16xi32> to vector<16x1xi32>
        %gather3A_766 = vector.shape_cast %broadcast_in_dim3A_765 : vector<16x1xi32> to vector<16xi32>
        %gather3A_767 = tpu.dynamic_gather %add3A_371[%gather3A_766] in [0] : vector<16xf32>, vector<16xi32> -> vector<16xf32>
        %select_n3A_768 = arith.select %lt3A_15, %gather3A_757, %gather3A_767 : vector<16xi1>, vector<16xf32>
        %add3A_769 = arith.addf %select_n3A, %select_n3A_768 : vector<16xf32>
        %select_n3A_770 = arith.select %lt3A_15, %add3A_398, %add3A_425 : vector<16xi1>, vector<16xf32>
        %lt3A_771 = arith.constant 0 : i32
        %lt3A_772 = vector.broadcast %lt3A_771 : i32 to vector<16xi32>
        %lt3A_773 = arith.cmpi slt, %xor3A_2, %lt3A_772 : vector<16xi32>
        %add3A_774 = arith.constant 16 : i32
        %add3A_775 = vector.broadcast %add3A_774 : i32 to vector<16xi32>
        %add3A_776 = arith.addi %xor3A_2, %add3A_775 : vector<16xi32>
        %select_n3A_777 = arith.select %lt3A_773, %add3A_776, %xor3A_2 : vector<16xi1>, vector<16xi32>
        %broadcast_in_dim3A_778 = vector.shape_cast %select_n3A_777 : vector<16xi32> to vector<16x1xi32>
        %gather3A_779 = vector.shape_cast %broadcast_in_dim3A_778 : vector<16x1xi32> to vector<16xi32>
        %gather3A_780 = tpu.dynamic_gather %add3A_398[%gather3A_779] in [0] : vector<16xf32>, vector<16xi32> -> vector<16xf32>
        %lt3A_781 = arith.constant 0 : i32
        %lt3A_782 = vector.broadcast %lt3A_781 : i32 to vector<16xi32>
        %lt3A_783 = arith.cmpi slt, %xor3A_2, %lt3A_782 : vector<16xi32>
        %add3A_784 = arith.constant 16 : i32
        %add3A_785 = vector.broadcast %add3A_784 : i32 to vector<16xi32>
        %add3A_786 = arith.addi %xor3A_2, %add3A_785 : vector<16xi32>
        %select_n3A_787 = arith.select %lt3A_783, %add3A_786, %xor3A_2 : vector<16xi1>, vector<16xi32>
        %broadcast_in_dim3A_788 = vector.shape_cast %select_n3A_787 : vector<16xi32> to vector<16x1xi32>
        %gather3A_789 = vector.shape_cast %broadcast_in_dim3A_788 : vector<16x1xi32> to vector<16xi32>
        %gather3A_790 = tpu.dynamic_gather %add3A_425[%gather3A_789] in [0] : vector<16xf32>, vector<16xi32> -> vector<16xf32>
        %select_n3A_791 = arith.select %lt3A_15, %gather3A_780, %gather3A_790 : vector<16xi1>, vector<16xf32>
        %add3A_792 = arith.addf %select_n3A_770, %select_n3A_791 : vector<16xf32>
        %select_n3A_793 = arith.select %lt3A_15, %add3A_452, %add3A_479 : vector<16xi1>, vector<16xf32>
        %lt3A_794 = arith.constant 0 : i32
        %lt3A_795 = vector.broadcast %lt3A_794 : i32 to vector<16xi32>
        %lt3A_796 = arith.cmpi slt, %xor3A_2, %lt3A_795 : vector<16xi32>
        %add3A_797 = arith.constant 16 : i32
        %add3A_798 = vector.broadcast %add3A_797 : i32 to vector<16xi32>
        %add3A_799 = arith.addi %xor3A_2, %add3A_798 : vector<16xi32>
        %select_n3A_800 = arith.select %lt3A_796, %add3A_799, %xor3A_2 : vector<16xi1>, vector<16xi32>
        %broadcast_in_dim3A_801 = vector.shape_cast %select_n3A_800 : vector<16xi32> to vector<16x1xi32>
        %gather3A_802 = vector.shape_cast %broadcast_in_dim3A_801 : vector<16x1xi32> to vector<16xi32>
        %gather3A_803 = tpu.dynamic_gather %add3A_452[%gather3A_802] in [0] : vector<16xf32>, vector<16xi32> -> vector<16xf32>
        %lt3A_804 = arith.constant 0 : i32
        %lt3A_805 = vector.broadcast %lt3A_804 : i32 to vector<16xi32>
        %lt3A_806 = arith.cmpi slt, %xor3A_2, %lt3A_805 : vector<16xi32>
        %add3A_807 = arith.constant 16 : i32
        %add3A_808 = vector.broadcast %add3A_807 : i32 to vector<16xi32>
        %add3A_809 = arith.addi %xor3A_2, %add3A_808 : vector<16xi32>
        %select_n3A_810 = arith.select %lt3A_806, %add3A_809, %xor3A_2 : vector<16xi1>, vector<16xi32>
        %broadcast_in_dim3A_811 = vector.shape_cast %select_n3A_810 : vector<16xi32> to vector<16x1xi32>
        %gather3A_812 = vector.shape_cast %broadcast_in_dim3A_811 : vector<16x1xi32> to vector<16xi32>
        %gather3A_813 = tpu.dynamic_gather %add3A_479[%gather3A_812] in [0] : vector<16xf32>, vector<16xi32> -> vector<16xf32>
        %select_n3A_814 = arith.select %lt3A_15, %gather3A_803, %gather3A_813 : vector<16xi1>, vector<16xf32>
        %add3A_815 = arith.addf %select_n3A_793, %select_n3A_814 : vector<16xf32>
        %select_n3A_816 = arith.select %lt3A_15, %add3A_506, %add3A_533 : vector<16xi1>, vector<16xf32>
        %lt3A_817 = arith.constant 0 : i32
        %lt3A_818 = vector.broadcast %lt3A_817 : i32 to vector<16xi32>
        %lt3A_819 = arith.cmpi slt, %xor3A_2, %lt3A_818 : vector<16xi32>
        %add3A_820 = arith.constant 16 : i32
        %add3A_821 = vector.broadcast %add3A_820 : i32 to vector<16xi32>
        %add3A_822 = arith.addi %xor3A_2, %add3A_821 : vector<16xi32>
        %select_n3A_823 = arith.select %lt3A_819, %add3A_822, %xor3A_2 : vector<16xi1>, vector<16xi32>
        %broadcast_in_dim3A_824 = vector.shape_cast %select_n3A_823 : vector<16xi32> to vector<16x1xi32>
        %gather3A_825 = vector.shape_cast %broadcast_in_dim3A_824 : vector<16x1xi32> to vector<16xi32>
        %gather3A_826 = tpu.dynamic_gather %add3A_506[%gather3A_825] in [0] : vector<16xf32>, vector<16xi32> -> vector<16xf32>
        %lt3A_827 = arith.constant 0 : i32
        %lt3A_828 = vector.broadcast %lt3A_827 : i32 to vector<16xi32>
        %lt3A_829 = arith.cmpi slt, %xor3A_2, %lt3A_828 : vector<16xi32>
        %add3A_830 = arith.constant 16 : i32
        %add3A_831 = vector.broadcast %add3A_830 : i32 to vector<16xi32>
        %add3A_832 = arith.addi %xor3A_2, %add3A_831 : vector<16xi32>
        %select_n3A_833 = arith.select %lt3A_829, %add3A_832, %xor3A_2 : vector<16xi1>, vector<16xi32>
        %broadcast_in_dim3A_834 = vector.shape_cast %select_n3A_833 : vector<16xi32> to vector<16x1xi32>
        %gather3A_835 = vector.shape_cast %broadcast_in_dim3A_834 : vector<16x1xi32> to vector<16xi32>
        %gather3A_836 = tpu.dynamic_gather %add3A_533[%gather3A_835] in [0] : vector<16xf32>, vector<16xi32> -> vector<16xf32>
        %select_n3A_837 = arith.select %lt3A_15, %gather3A_826, %gather3A_836 : vector<16xi1>, vector<16xf32>
        %add3A_838 = arith.addf %select_n3A_816, %select_n3A_837 : vector<16xf32>
        %select_n3A_839 = arith.select %lt3A_15, %add3A_560, %add3A_587 : vector<16xi1>, vector<16xf32>
        %lt3A_840 = arith.constant 0 : i32
        %lt3A_841 = vector.broadcast %lt3A_840 : i32 to vector<16xi32>
        %lt3A_842 = arith.cmpi slt, %xor3A_2, %lt3A_841 : vector<16xi32>
        %add3A_843 = arith.constant 16 : i32
        %add3A_844 = vector.broadcast %add3A_843 : i32 to vector<16xi32>
        %add3A_845 = arith.addi %xor3A_2, %add3A_844 : vector<16xi32>
        %select_n3A_846 = arith.select %lt3A_842, %add3A_845, %xor3A_2 : vector<16xi1>, vector<16xi32>
        %broadcast_in_dim3A_847 = vector.shape_cast %select_n3A_846 : vector<16xi32> to vector<16x1xi32>
        %gather3A_848 = vector.shape_cast %broadcast_in_dim3A_847 : vector<16x1xi32> to vector<16xi32>
        %gather3A_849 = tpu.dynamic_gather %add3A_560[%gather3A_848] in [0] : vector<16xf32>, vector<16xi32> -> vector<16xf32>
        %lt3A_850 = arith.constant 0 : i32
        %lt3A_851 = vector.broadcast %lt3A_850 : i32 to vector<16xi32>
        %lt3A_852 = arith.cmpi slt, %xor3A_2, %lt3A_851 : vector<16xi32>
        %add3A_853 = arith.constant 16 : i32
        %add3A_854 = vector.broadcast %add3A_853 : i32 to vector<16xi32>
        %add3A_855 = arith.addi %xor3A_2, %add3A_854 : vector<16xi32>
        %select_n3A_856 = arith.select %lt3A_852, %add3A_855, %xor3A_2 : vector<16xi1>, vector<16xi32>
        %broadcast_in_dim3A_857 = vector.shape_cast %select_n3A_856 : vector<16xi32> to vector<16x1xi32>
        %gather3A_858 = vector.shape_cast %broadcast_in_dim3A_857 : vector<16x1xi32> to vector<16xi32>
        %gather3A_859 = tpu.dynamic_gather %add3A_587[%gather3A_858] in [0] : vector<16xf32>, vector<16xi32> -> vector<16xf32>
        %select_n3A_860 = arith.select %lt3A_15, %gather3A_849, %gather3A_859 : vector<16xi1>, vector<16xf32>
        %add3A_861 = arith.addf %select_n3A_839, %select_n3A_860 : vector<16xf32>
        %select_n3A_862 = arith.select %lt3A_15, %add3A_614, %add3A_641 : vector<16xi1>, vector<16xf32>
        %lt3A_863 = arith.constant 0 : i32
        %lt3A_864 = vector.broadcast %lt3A_863 : i32 to vector<16xi32>
        %lt3A_865 = arith.cmpi slt, %xor3A_2, %lt3A_864 : vector<16xi32>
        %add3A_866 = arith.constant 16 : i32
        %add3A_867 = vector.broadcast %add3A_866 : i32 to vector<16xi32>
        %add3A_868 = arith.addi %xor3A_2, %add3A_867 : vector<16xi32>
        %select_n3A_869 = arith.select %lt3A_865, %add3A_868, %xor3A_2 : vector<16xi1>, vector<16xi32>
        %broadcast_in_dim3A_870 = vector.shape_cast %select_n3A_869 : vector<16xi32> to vector<16x1xi32>
        %gather3A_871 = vector.shape_cast %broadcast_in_dim3A_870 : vector<16x1xi32> to vector<16xi32>
        %gather3A_872 = tpu.dynamic_gather %add3A_614[%gather3A_871] in [0] : vector<16xf32>, vector<16xi32> -> vector<16xf32>
        %lt3A_873 = arith.constant 0 : i32
        %lt3A_874 = vector.broadcast %lt3A_873 : i32 to vector<16xi32>
        %lt3A_875 = arith.cmpi slt, %xor3A_2, %lt3A_874 : vector<16xi32>
        %add3A_876 = arith.constant 16 : i32
        %add3A_877 = vector.broadcast %add3A_876 : i32 to vector<16xi32>
        %add3A_878 = arith.addi %xor3A_2, %add3A_877 : vector<16xi32>
        %select_n3A_879 = arith.select %lt3A_875, %add3A_878, %xor3A_2 : vector<16xi1>, vector<16xi32>
        %broadcast_in_dim3A_880 = vector.shape_cast %select_n3A_879 : vector<16xi32> to vector<16x1xi32>
        %gather3A_881 = vector.shape_cast %broadcast_in_dim3A_880 : vector<16x1xi32> to vector<16xi32>
        %gather3A_882 = tpu.dynamic_gather %add3A_641[%gather3A_881] in [0] : vector<16xf32>, vector<16xi32> -> vector<16xf32>
        %select_n3A_883 = arith.select %lt3A_15, %gather3A_872, %gather3A_882 : vector<16xi1>, vector<16xf32>
        %add3A_884 = arith.addf %select_n3A_862, %select_n3A_883 : vector<16xf32>
        %select_n3A_885 = arith.select %lt3A_15, %add3A_668, %add3A_695 : vector<16xi1>, vector<16xf32>
        %lt3A_886 = arith.constant 0 : i32
        %lt3A_887 = vector.broadcast %lt3A_886 : i32 to vector<16xi32>
        %lt3A_888 = arith.cmpi slt, %xor3A_2, %lt3A_887 : vector<16xi32>
        %add3A_889 = arith.constant 16 : i32
        %add3A_890 = vector.broadcast %add3A_889 : i32 to vector<16xi32>
        %add3A_891 = arith.addi %xor3A_2, %add3A_890 : vector<16xi32>
        %select_n3A_892 = arith.select %lt3A_888, %add3A_891, %xor3A_2 : vector<16xi1>, vector<16xi32>
        %broadcast_in_dim3A_893 = vector.shape_cast %select_n3A_892 : vector<16xi32> to vector<16x1xi32>
        %gather3A_894 = vector.shape_cast %broadcast_in_dim3A_893 : vector<16x1xi32> to vector<16xi32>
        %gather3A_895 = tpu.dynamic_gather %add3A_668[%gather3A_894] in [0] : vector<16xf32>, vector<16xi32> -> vector<16xf32>
        %lt3A_896 = arith.constant 0 : i32
        %lt3A_897 = vector.broadcast %lt3A_896 : i32 to vector<16xi32>
        %lt3A_898 = arith.cmpi slt, %xor3A_2, %lt3A_897 : vector<16xi32>
        %add3A_899 = arith.constant 16 : i32
        %add3A_900 = vector.broadcast %add3A_899 : i32 to vector<16xi32>
        %add3A_901 = arith.addi %xor3A_2, %add3A_900 : vector<16xi32>
        %select_n3A_902 = arith.select %lt3A_898, %add3A_901, %xor3A_2 : vector<16xi1>, vector<16xi32>
        %broadcast_in_dim3A_903 = vector.shape_cast %select_n3A_902 : vector<16xi32> to vector<16x1xi32>
        %gather3A_904 = vector.shape_cast %broadcast_in_dim3A_903 : vector<16x1xi32> to vector<16xi32>
        %gather3A_905 = tpu.dynamic_gather %add3A_695[%gather3A_904] in [0] : vector<16xf32>, vector<16xi32> -> vector<16xf32>
        %select_n3A_906 = arith.select %lt3A_15, %gather3A_895, %gather3A_905 : vector<16xi1>, vector<16xf32>
        %add3A_907 = arith.addf %select_n3A_885, %select_n3A_906 : vector<16xf32>
        %select_n3A_908 = arith.select %lt3A_15, %add3A_722, %add3A_749 : vector<16xi1>, vector<16xf32>
        %lt3A_909 = arith.constant 0 : i32
        %lt3A_910 = vector.broadcast %lt3A_909 : i32 to vector<16xi32>
        %lt3A_911 = arith.cmpi slt, %xor3A_2, %lt3A_910 : vector<16xi32>
        %add3A_912 = arith.constant 16 : i32
        %add3A_913 = vector.broadcast %add3A_912 : i32 to vector<16xi32>
        %add3A_914 = arith.addi %xor3A_2, %add3A_913 : vector<16xi32>
        %select_n3A_915 = arith.select %lt3A_911, %add3A_914, %xor3A_2 : vector<16xi1>, vector<16xi32>
        %broadcast_in_dim3A_916 = vector.shape_cast %select_n3A_915 : vector<16xi32> to vector<16x1xi32>
        %gather3A_917 = vector.shape_cast %broadcast_in_dim3A_916 : vector<16x1xi32> to vector<16xi32>
        %gather3A_918 = tpu.dynamic_gather %add3A_722[%gather3A_917] in [0] : vector<16xf32>, vector<16xi32> -> vector<16xf32>
        %lt3A_919 = arith.constant 0 : i32
        %lt3A_920 = vector.broadcast %lt3A_919 : i32 to vector<16xi32>
        %lt3A_921 = arith.cmpi slt, %xor3A_2, %lt3A_920 : vector<16xi32>
        %add3A_922 = arith.constant 16 : i32
        %add3A_923 = vector.broadcast %add3A_922 : i32 to vector<16xi32>
        %add3A_924 = arith.addi %xor3A_2, %add3A_923 : vector<16xi32>
        %select_n3A_925 = arith.select %lt3A_921, %add3A_924, %xor3A_2 : vector<16xi1>, vector<16xi32>
        %broadcast_in_dim3A_926 = vector.shape_cast %select_n3A_925 : vector<16xi32> to vector<16x1xi32>
        %gather3A_927 = vector.shape_cast %broadcast_in_dim3A_926 : vector<16x1xi32> to vector<16xi32>
        %gather3A_928 = tpu.dynamic_gather %add3A_749[%gather3A_927] in [0] : vector<16xf32>, vector<16xi32> -> vector<16xf32>
        %select_n3A_929 = arith.select %lt3A_15, %gather3A_918, %gather3A_928 : vector<16xi1>, vector<16xf32>
        %add3A_930 = arith.addf %select_n3A_908, %select_n3A_929 : vector<16xf32>
        %select_n3A_931 = arith.select %lt3A_21, %add3A_769, %add3A_792 : vector<16xi1>, vector<16xf32>
        %lt3A_932 = arith.constant 0 : i32
        %lt3A_933 = vector.broadcast %lt3A_932 : i32 to vector<16xi32>
        %lt3A_934 = arith.cmpi slt, %xor3A_5, %lt3A_933 : vector<16xi32>
        %add3A_935 = arith.constant 16 : i32
        %add3A_936 = vector.broadcast %add3A_935 : i32 to vector<16xi32>
        %add3A_937 = arith.addi %xor3A_5, %add3A_936 : vector<16xi32>
        %select_n3A_938 = arith.select %lt3A_934, %add3A_937, %xor3A_5 : vector<16xi1>, vector<16xi32>
        %broadcast_in_dim3A_939 = vector.shape_cast %select_n3A_938 : vector<16xi32> to vector<16x1xi32>
        %gather3A_940 = vector.shape_cast %broadcast_in_dim3A_939 : vector<16x1xi32> to vector<16xi32>
        %gather3A_941 = tpu.dynamic_gather %add3A_769[%gather3A_940] in [0] : vector<16xf32>, vector<16xi32> -> vector<16xf32>
        %lt3A_942 = arith.constant 0 : i32
        %lt3A_943 = vector.broadcast %lt3A_942 : i32 to vector<16xi32>
        %lt3A_944 = arith.cmpi slt, %xor3A_5, %lt3A_943 : vector<16xi32>
        %add3A_945 = arith.constant 16 : i32
        %add3A_946 = vector.broadcast %add3A_945 : i32 to vector<16xi32>
        %add3A_947 = arith.addi %xor3A_5, %add3A_946 : vector<16xi32>
        %select_n3A_948 = arith.select %lt3A_944, %add3A_947, %xor3A_5 : vector<16xi1>, vector<16xi32>
        %broadcast_in_dim3A_949 = vector.shape_cast %select_n3A_948 : vector<16xi32> to vector<16x1xi32>
        %gather3A_950 = vector.shape_cast %broadcast_in_dim3A_949 : vector<16x1xi32> to vector<16xi32>
        %gather3A_951 = tpu.dynamic_gather %add3A_792[%gather3A_950] in [0] : vector<16xf32>, vector<16xi32> -> vector<16xf32>
        %select_n3A_952 = arith.select %lt3A_21, %gather3A_941, %gather3A_951 : vector<16xi1>, vector<16xf32>
        %add3A_953 = arith.addf %select_n3A_931, %select_n3A_952 : vector<16xf32>
        %select_n3A_954 = arith.select %lt3A_21, %add3A_815, %add3A_838 : vector<16xi1>, vector<16xf32>
        %lt3A_955 = arith.constant 0 : i32
        %lt3A_956 = vector.broadcast %lt3A_955 : i32 to vector<16xi32>
        %lt3A_957 = arith.cmpi slt, %xor3A_5, %lt3A_956 : vector<16xi32>
        %add3A_958 = arith.constant 16 : i32
        %add3A_959 = vector.broadcast %add3A_958 : i32 to vector<16xi32>
        %add3A_960 = arith.addi %xor3A_5, %add3A_959 : vector<16xi32>
        %select_n3A_961 = arith.select %lt3A_957, %add3A_960, %xor3A_5 : vector<16xi1>, vector<16xi32>
        %broadcast_in_dim3A_962 = vector.shape_cast %select_n3A_961 : vector<16xi32> to vector<16x1xi32>
        %gather3A_963 = vector.shape_cast %broadcast_in_dim3A_962 : vector<16x1xi32> to vector<16xi32>
        %gather3A_964 = tpu.dynamic_gather %add3A_815[%gather3A_963] in [0] : vector<16xf32>, vector<16xi32> -> vector<16xf32>
        %lt3A_965 = arith.constant 0 : i32
        %lt3A_966 = vector.broadcast %lt3A_965 : i32 to vector<16xi32>
        %lt3A_967 = arith.cmpi slt, %xor3A_5, %lt3A_966 : vector<16xi32>
        %add3A_968 = arith.constant 16 : i32
        %add3A_969 = vector.broadcast %add3A_968 : i32 to vector<16xi32>
        %add3A_970 = arith.addi %xor3A_5, %add3A_969 : vector<16xi32>
        %select_n3A_971 = arith.select %lt3A_967, %add3A_970, %xor3A_5 : vector<16xi1>, vector<16xi32>
        %broadcast_in_dim3A_972 = vector.shape_cast %select_n3A_971 : vector<16xi32> to vector<16x1xi32>
        %gather3A_973 = vector.shape_cast %broadcast_in_dim3A_972 : vector<16x1xi32> to vector<16xi32>
        %gather3A_974 = tpu.dynamic_gather %add3A_838[%gather3A_973] in [0] : vector<16xf32>, vector<16xi32> -> vector<16xf32>
        %select_n3A_975 = arith.select %lt3A_21, %gather3A_964, %gather3A_974 : vector<16xi1>, vector<16xf32>
        %add3A_976 = arith.addf %select_n3A_954, %select_n3A_975 : vector<16xf32>
        %select_n3A_977 = arith.select %lt3A_21, %add3A_861, %add3A_884 : vector<16xi1>, vector<16xf32>
        %lt3A_978 = arith.constant 0 : i32
        %lt3A_979 = vector.broadcast %lt3A_978 : i32 to vector<16xi32>
        %lt3A_980 = arith.cmpi slt, %xor3A_5, %lt3A_979 : vector<16xi32>
        %add3A_981 = arith.constant 16 : i32
        %add3A_982 = vector.broadcast %add3A_981 : i32 to vector<16xi32>
        %add3A_983 = arith.addi %xor3A_5, %add3A_982 : vector<16xi32>
        %select_n3A_984 = arith.select %lt3A_980, %add3A_983, %xor3A_5 : vector<16xi1>, vector<16xi32>
        %broadcast_in_dim3A_985 = vector.shape_cast %select_n3A_984 : vector<16xi32> to vector<16x1xi32>
        %gather3A_986 = vector.shape_cast %broadcast_in_dim3A_985 : vector<16x1xi32> to vector<16xi32>
        %gather3A_987 = tpu.dynamic_gather %add3A_861[%gather3A_986] in [0] : vector<16xf32>, vector<16xi32> -> vector<16xf32>
        %lt3A_988 = arith.constant 0 : i32
        %lt3A_989 = vector.broadcast %lt3A_988 : i32 to vector<16xi32>
        %lt3A_990 = arith.cmpi slt, %xor3A_5, %lt3A_989 : vector<16xi32>
        %add3A_991 = arith.constant 16 : i32
        %add3A_992 = vector.broadcast %add3A_991 : i32 to vector<16xi32>
        %add3A_993 = arith.addi %xor3A_5, %add3A_992 : vector<16xi32>
        %select_n3A_994 = arith.select %lt3A_990, %add3A_993, %xor3A_5 : vector<16xi1>, vector<16xi32>
        %broadcast_in_dim3A_995 = vector.shape_cast %select_n3A_994 : vector<16xi32> to vector<16x1xi32>
        %gather3A_996 = vector.shape_cast %broadcast_in_dim3A_995 : vector<16x1xi32> to vector<16xi32>
        %gather3A_997 = tpu.dynamic_gather %add3A_884[%gather3A_996] in [0] : vector<16xf32>, vector<16xi32> -> vector<16xf32>
        %select_n3A_998 = arith.select %lt3A_21, %gather3A_987, %gather3A_997 : vector<16xi1>, vector<16xf32>
        %add3A_999 = arith.addf %select_n3A_977, %select_n3A_998 : vector<16xf32>
        %select_n3A_1000 = arith.select %lt3A_21, %add3A_907, %add3A_930 : vector<16xi1>, vector<16xf32>
        %lt3A_1001 = arith.constant 0 : i32
        %lt3A_1002 = vector.broadcast %lt3A_1001 : i32 to vector<16xi32>
        %lt3A_1003 = arith.cmpi slt, %xor3A_5, %lt3A_1002 : vector<16xi32>
        %add3A_1004 = arith.constant 16 : i32
        %add3A_1005 = vector.broadcast %add3A_1004 : i32 to vector<16xi32>
        %add3A_1006 = arith.addi %xor3A_5, %add3A_1005 : vector<16xi32>
        %select_n3A_1007 = arith.select %lt3A_1003, %add3A_1006, %xor3A_5 : vector<16xi1>, vector<16xi32>
        %broadcast_in_dim3A_1008 = vector.shape_cast %select_n3A_1007 : vector<16xi32> to vector<16x1xi32>
        %gather3A_1009 = vector.shape_cast %broadcast_in_dim3A_1008 : vector<16x1xi32> to vector<16xi32>
        %gather3A_1010 = tpu.dynamic_gather %add3A_907[%gather3A_1009] in [0] : vector<16xf32>, vector<16xi32> -> vector<16xf32>
        %lt3A_1011 = arith.constant 0 : i32
        %lt3A_1012 = vector.broadcast %lt3A_1011 : i32 to vector<16xi32>
        %lt3A_1013 = arith.cmpi slt, %xor3A_5, %lt3A_1012 : vector<16xi32>
        %add3A_1014 = arith.constant 16 : i32
        %add3A_1015 = vector.broadcast %add3A_1014 : i32 to vector<16xi32>
        %add3A_1016 = arith.addi %xor3A_5, %add3A_1015 : vector<16xi32>
        %select_n3A_1017 = arith.select %lt3A_1013, %add3A_1016, %xor3A_5 : vector<16xi1>, vector<16xi32>
        %broadcast_in_dim3A_1018 = vector.shape_cast %select_n3A_1017 : vector<16xi32> to vector<16x1xi32>
        %gather3A_1019 = vector.shape_cast %broadcast_in_dim3A_1018 : vector<16x1xi32> to vector<16xi32>
        %gather3A_1020 = tpu.dynamic_gather %add3A_930[%gather3A_1019] in [0] : vector<16xf32>, vector<16xi32> -> vector<16xf32>
        %select_n3A_1021 = arith.select %lt3A_21, %gather3A_1010, %gather3A_1020 : vector<16xi1>, vector<16xf32>
        %add3A_1022 = arith.addf %select_n3A_1000, %select_n3A_1021 : vector<16xf32>
        %select_n3A_1023 = arith.select %lt3A_27, %add3A_953, %add3A_976 : vector<16xi1>, vector<16xf32>
        %lt3A_1024 = arith.constant 0 : i32
        %lt3A_1025 = vector.broadcast %lt3A_1024 : i32 to vector<16xi32>
        %lt3A_1026 = arith.cmpi slt, %xor3A_8, %lt3A_1025 : vector<16xi32>
        %add3A_1027 = arith.constant 16 : i32
        %add3A_1028 = vector.broadcast %add3A_1027 : i32 to vector<16xi32>
        %add3A_1029 = arith.addi %xor3A_8, %add3A_1028 : vector<16xi32>
        %select_n3A_1030 = arith.select %lt3A_1026, %add3A_1029, %xor3A_8 : vector<16xi1>, vector<16xi32>
        %broadcast_in_dim3A_1031 = vector.shape_cast %select_n3A_1030 : vector<16xi32> to vector<16x1xi32>
        %gather3A_1032 = vector.shape_cast %broadcast_in_dim3A_1031 : vector<16x1xi32> to vector<16xi32>
        %gather3A_1033 = tpu.dynamic_gather %add3A_953[%gather3A_1032] in [0] : vector<16xf32>, vector<16xi32> -> vector<16xf32>
        %lt3A_1034 = arith.constant 0 : i32
        %lt3A_1035 = vector.broadcast %lt3A_1034 : i32 to vector<16xi32>
        %lt3A_1036 = arith.cmpi slt, %xor3A_8, %lt3A_1035 : vector<16xi32>
        %add3A_1037 = arith.constant 16 : i32
        %add3A_1038 = vector.broadcast %add3A_1037 : i32 to vector<16xi32>
        %add3A_1039 = arith.addi %xor3A_8, %add3A_1038 : vector<16xi32>
        %select_n3A_1040 = arith.select %lt3A_1036, %add3A_1039, %xor3A_8 : vector<16xi1>, vector<16xi32>
        %broadcast_in_dim3A_1041 = vector.shape_cast %select_n3A_1040 : vector<16xi32> to vector<16x1xi32>
        %gather3A_1042 = vector.shape_cast %broadcast_in_dim3A_1041 : vector<16x1xi32> to vector<16xi32>
        %gather3A_1043 = tpu.dynamic_gather %add3A_976[%gather3A_1042] in [0] : vector<16xf32>, vector<16xi32> -> vector<16xf32>
        %select_n3A_1044 = arith.select %lt3A_27, %gather3A_1033, %gather3A_1043 : vector<16xi1>, vector<16xf32>
        %add3A_1045 = arith.addf %select_n3A_1023, %select_n3A_1044 : vector<16xf32>
        %select_n3A_1046 = arith.select %lt3A_27, %add3A_999, %add3A_1022 : vector<16xi1>, vector<16xf32>
        %lt3A_1047 = arith.constant 0 : i32
        %lt3A_1048 = vector.broadcast %lt3A_1047 : i32 to vector<16xi32>
        %lt3A_1049 = arith.cmpi slt, %xor3A_8, %lt3A_1048 : vector<16xi32>
        %add3A_1050 = arith.constant 16 : i32
        %add3A_1051 = vector.broadcast %add3A_1050 : i32 to vector<16xi32>
        %add3A_1052 = arith.addi %xor3A_8, %add3A_1051 : vector<16xi32>
        %select_n3A_1053 = arith.select %lt3A_1049, %add3A_1052, %xor3A_8 : vector<16xi1>, vector<16xi32>
        %broadcast_in_dim3A_1054 = vector.shape_cast %select_n3A_1053 : vector<16xi32> to vector<16x1xi32>
        %gather3A_1055 = vector.shape_cast %broadcast_in_dim3A_1054 : vector<16x1xi32> to vector<16xi32>
        %gather3A_1056 = tpu.dynamic_gather %add3A_999[%gather3A_1055] in [0] : vector<16xf32>, vector<16xi32> -> vector<16xf32>
        %lt3A_1057 = arith.constant 0 : i32
        %lt3A_1058 = vector.broadcast %lt3A_1057 : i32 to vector<16xi32>
        %lt3A_1059 = arith.cmpi slt, %xor3A_8, %lt3A_1058 : vector<16xi32>
        %add3A_1060 = arith.constant 16 : i32
        %add3A_1061 = vector.broadcast %add3A_1060 : i32 to vector<16xi32>
        %add3A_1062 = arith.addi %xor3A_8, %add3A_1061 : vector<16xi32>
        %select_n3A_1063 = arith.select %lt3A_1059, %add3A_1062, %xor3A_8 : vector<16xi1>, vector<16xi32>
        %broadcast_in_dim3A_1064 = vector.shape_cast %select_n3A_1063 : vector<16xi32> to vector<16x1xi32>
        %gather3A_1065 = vector.shape_cast %broadcast_in_dim3A_1064 : vector<16x1xi32> to vector<16xi32>
        %gather3A_1066 = tpu.dynamic_gather %add3A_1022[%gather3A_1065] in [0] : vector<16xf32>, vector<16xi32> -> vector<16xf32>
        %select_n3A_1067 = arith.select %lt3A_27, %gather3A_1056, %gather3A_1066 : vector<16xi1>, vector<16xf32>
        %add3A_1068 = arith.addf %select_n3A_1046, %select_n3A_1067 : vector<16xf32>
        %select_n3A_1069 = arith.select %lt3A_33, %add3A_1045, %add3A_1068 : vector<16xi1>, vector<16xf32>
        %lt3A_1070 = arith.constant 0 : i32
        %lt3A_1071 = vector.broadcast %lt3A_1070 : i32 to vector<16xi32>
        %lt3A_1072 = arith.cmpi slt, %xor3A_11, %lt3A_1071 : vector<16xi32>
        %add3A_1073 = arith.constant 16 : i32
        %add3A_1074 = vector.broadcast %add3A_1073 : i32 to vector<16xi32>
        %add3A_1075 = arith.addi %xor3A_11, %add3A_1074 : vector<16xi32>
        %select_n3A_1076 = arith.select %lt3A_1072, %add3A_1075, %xor3A_11 : vector<16xi1>, vector<16xi32>
        %broadcast_in_dim3A_1077 = vector.shape_cast %select_n3A_1076 : vector<16xi32> to vector<16x1xi32>
        %gather3A_1078 = vector.shape_cast %broadcast_in_dim3A_1077 : vector<16x1xi32> to vector<16xi32>
        %gather3A_1079 = tpu.dynamic_gather %add3A_1045[%gather3A_1078] in [0] : vector<16xf32>, vector<16xi32> -> vector<16xf32>
        %lt3A_1080 = arith.constant 0 : i32
        %lt3A_1081 = vector.broadcast %lt3A_1080 : i32 to vector<16xi32>
        %lt3A_1082 = arith.cmpi slt, %xor3A_11, %lt3A_1081 : vector<16xi32>
        %add3A_1083 = arith.constant 16 : i32
        %add3A_1084 = vector.broadcast %add3A_1083 : i32 to vector<16xi32>
        %add3A_1085 = arith.addi %xor3A_11, %add3A_1084 : vector<16xi32>
        %select_n3A_1086 = arith.select %lt3A_1082, %add3A_1085, %xor3A_11 : vector<16xi1>, vector<16xi32>
        %broadcast_in_dim3A_1087 = vector.shape_cast %select_n3A_1086 : vector<16xi32> to vector<16x1xi32>
        %gather3A_1088 = vector.shape_cast %broadcast_in_dim3A_1087 : vector<16x1xi32> to vector<16xi32>
        %gather3A_1089 = tpu.dynamic_gather %add3A_1068[%gather3A_1088] in [0] : vector<16xf32>, vector<16xi32> -> vector<16xf32>
        %select_n3A_1090 = arith.select %lt3A_33, %gather3A_1079, %gather3A_1089 : vector<16xi1>, vector<16xf32>
        %add3A_1091 = arith.addf %select_n3A_1069, %select_n3A_1090 : vector<16xf32>
        %lt3A_1092 = arith.constant 0 : i32
        %lt3A_1093 = vector.broadcast %lt3A_1092 : i32 to vector<16xi32>
        %lt3A_1094 = arith.cmpi slt, %or3A_57, %lt3A_1093 : vector<16xi32>
        %add3A_1095 = arith.constant 16 : i32
        %add3A_1096 = vector.broadcast %add3A_1095 : i32 to vector<16xi32>
        %add3A_1097 = arith.addi %or3A_57, %add3A_1096 : vector<16xi32>
        %select_n3A_1098 = arith.select %lt3A_1094, %add3A_1097, %or3A_57 : vector<16xi1>, vector<16xi32>
        %broadcast_in_dim3A_1099 = vector.shape_cast %select_n3A_1098 : vector<16xi32> to vector<16x1xi32>
        %gather3A_1100 = vector.shape_cast %broadcast_in_dim3A_1099 : vector<16x1xi32> to vector<16xi32>
        %gather3A_1101 = tpu.dynamic_gather %add3A_1091[%gather3A_1100] in [0] : vector<16xf32>, vector<16xi32> -> vector<16xf32>
        %mul3A_1102 = arith.constant 200 : i32
        %mul3A_1103 = arith.muli %add3A_221, %mul3A_1102 : i32
        %add3A_1104 = arith.addi %mul3A_1103, %min3A_317 : i32
        %swap3A = arith.index_cast %add3A_1104 : i32 to index
        %swap3A_1105 = tpu.vector_load %arg12[%swap3A] {strides = array<i32>} : memref<25600xf32, #tpu.memory_space<vmem>>, vector<16xf32>,
        tpu.vector_store %arg12[%swap3A], %gather3A_1101 {strides = array<i32>} : memref<25600xf32, #tpu.memory_space<vmem>>, vector<16xf32>,
      }
      %scan3A_266 = arith.constant 13 : i32
      %add3A_267 = arith.constant 3 : i32
      %add3A_268 = arith.addi %mul3A_130, %add3A_267 : i32
      %add3A_269 = arith.constant 4 : i32
      %add3A_270 = arith.addi %add3A_268, %add3A_269 : i32
      %sub3A_271 = arith.constant 1 : i32
      %sub3A_272 = arith.subi %add3A_270, %sub3A_271 : i32
      %lt3A_273 = arith.constant 128 : i32
      %lt3A_274 = arith.cmpi slt, %sub3A_272, %lt3A_273 : i32
      %convert_element_type3A_275 = arith.extui %lt3A_274 : i1 to i32
      %cond3A_276 = arith.constant 0 : i32
      %cond3A_277 = arith.cmpi ne, %convert_element_type3A_275, %cond3A_276 : i32
      scf.if %cond3A_277 {
        %add3A_314 = arith.constant 4 : i32
        %add3A_315 = arith.addi %add3A_268, %add3A_314 : i32
        %sub3A_316 = arith.constant 1 : i32
        %sub3A_317 = arith.subi %add3A_315, %sub3A_316 : i32
        %mul3A_318 = arith.constant 200 : i32
        %mul3A_319 = arith.muli %sub3A_317, %mul3A_318 : i32
        %dma_start3A_320 = arith.constant 0 : i32
        %dma_start3A_321 = arith.constant 0 : i32
        %dma_start3A_322 = tpu.memref_slice %arg10[%dma_start3A_320, %dma_start3A_321] : memref<200x64xf32, #tpu.memory_space<vmem>> -> memref<104x64xf32, #tpu.memory_space<vmem>>
        %dma_start3A_323 = tpu.memref_slice %arg6[%mul3A_319] : memref<25600xi32, #tpu.memory_space<vmem>> -> memref<104xi32, #tpu.memory_space<vmem>>
        %dma_start3A_324 = arith.constant 0 : i32
        %dma_start3A_325 = arith.constant 0 : i32
        %dma_start3A_326 = tpu.memref_slice %arg4[%dma_start3A_324, %dma_start3A_325] : memref<1000000x64xf32, #tpu.memory_space<hbm>> -> memref<1000000x64xf32, #tpu.memory_space<hbm>>
        tpu.enqueue_indirect_dma source(%dma_start3A_326 : memref<1000000x64xf32, #tpu.memory_space<hbm>>) target(%dma_start3A_322 : memref<104x64xf32, #tpu.memory_space<vmem>>) offsets(%dma_start3A_323 : memref<104xi32, #tpu.memory_space<vmem>>) semaphore(%arg15 : memref<!tpu.dma_semaphore, #tpu.memory_space<semaphore_mem>>)
        %mul3A_327 = arith.constant 200 : i32
        %mul3A_328 = arith.muli %sub3A_317, %mul3A_327 : i32
        %add3A_329 = arith.constant 104 : i32
        %add3A_330 = arith.addi %mul3A_328, %add3A_329 : i32
        %dma_start3A_331 = arith.constant 104 : i32
        %dma_start3A_332 = arith.constant 0 : i32
        %dma_start3A_333 = tpu.memref_slice %arg10[%dma_start3A_331, %dma_start3A_332] : memref<200x64xf32, #tpu.memory_space<vmem>> -> memref<96x64xf32, #tpu.memory_space<vmem>>
        %dma_start3A_334 = tpu.memref_slice %arg6[%add3A_330] : memref<25600xi32, #tpu.memory_space<vmem>> -> memref<96xi32, #tpu.memory_space<vmem>>
        %dma_start3A_335 = arith.constant 0 : i32
        %dma_start3A_336 = arith.constant 0 : i32
        %dma_start3A_337 = tpu.memref_slice %arg4[%dma_start3A_335, %dma_start3A_336] : memref<1000000x64xf32, #tpu.memory_space<hbm>> -> memref<1000000x64xf32, #tpu.memory_space<hbm>>
        tpu.enqueue_indirect_dma source(%dma_start3A_337 : memref<1000000x64xf32, #tpu.memory_space<hbm>>) target(%dma_start3A_333 : memref<96x64xf32, #tpu.memory_space<vmem>>) offsets(%dma_start3A_334 : memref<96xi32, #tpu.memory_space<vmem>>) semaphore(%arg15 : memref<!tpu.dma_semaphore, #tpu.memory_space<semaphore_mem>>)
      } else {
      }
      %dma_wait3A_278 = arith.constant 0 : i32
      %dma_wait3A_279 = arith.constant 0 : i32
      %dma_wait3A_280 = tpu.memref_slice %arg4[%dma_wait3A_278, %dma_wait3A_279] : memref<1000000x64xf32, #tpu.memory_space<hbm>> -> memref<200x64xf32, #tpu.memory_space<hbm>>
      %dma_wait3A_281 = arith.constant 0 : i32
      %dma_wait3A_282 = arith.constant 0 : i32
      %dma_wait3A_283 = tpu.memref_slice %arg4[%dma_wait3A_281, %dma_wait3A_282] : memref<1000000x64xf32, #tpu.memory_space<hbm>> -> memref<200x64xf32, #tpu.memory_space<hbm>>
      tpu.wait_dma2 semaphore(%arg16 : memref<!tpu.dma_semaphore, #tpu.memory_space<semaphore_mem>>) src(%dma_wait3A_283 : memref<200x64xf32, #tpu.memory_space<hbm>>) dst(%arg11 : memref<200x64xf32, #tpu.memory_space<vmem>>)
      %mul3A_284 = arith.constant 64 : i32
      %mul3A_285 = arith.muli %add3A_268, %mul3A_284 : i32
      %add3A_286 = arith.constant 0 : i32
      %add3A_287 = arith.addi %mul3A_285, %add3A_286 : i32
      %get3A_288 = arith.index_cast %add3A_287 : i32 to index
      %get3A_289 = tpu.vector_load %arg7[%get3A_288] {strides = array<i32>} : memref<8192xf32, #tpu.memory_space<vmem>>, vector<16xf32>,
      %mul3A_290 = arith.constant 64 : i32
      %mul3A_291 = arith.muli %add3A_268, %mul3A_290 : i32
      %add3A_292 = arith.constant 16 : i32
      %add3A_293 = arith.addi %mul3A_291, %add3A_292 : i32
      %get3A_294 = arith.index_cast %add3A_293 : i32 to index
      %get3A_295 = tpu.vector_load %arg7[%get3A_294] {strides = array<i32>} : memref<8192xf32, #tpu.memory_space<vmem>>, vector<16xf32>,
      %mul3A_296 = arith.constant 64 : i32
      %mul3A_297 = arith.muli %add3A_268, %mul3A_296 : i32
      %add3A_298 = arith.constant 32 : i32
      %add3A_299 = arith.addi %mul3A_297, %add3A_298 : i32
      %get3A_300 = arith.index_cast %add3A_299 : i32 to index
      %get3A_301 = tpu.vector_load %arg7[%get3A_300] {strides = array<i32>} : memref<8192xf32, #tpu.memory_space<vmem>>, vector<16xf32>,
      %mul3A_302 = arith.constant 64 : i32
      %mul3A_303 = arith.muli %add3A_268, %mul3A_302 : i32
      %add3A_304 = arith.constant 48 : i32
      %add3A_305 = arith.addi %mul3A_303, %add3A_304 : i32
      %get3A_306 = arith.index_cast %add3A_305 : i32 to index
      %get3A_307 = tpu.vector_load %arg7[%get3A_306] {strides = array<i32>} : memref<8192xf32, #tpu.memory_space<vmem>>, vector<16xf32>,
      %scan3A_308 = arith.constant 0 : i32
      %scan3A_309 = arith.constant 0 : i32
      %scan3A_310 = arith.constant 13 : i32
      %scan3A_311 = arith.addi %scan3A_309, %scan3A_310 : i32
      %scan3A_312 = arith.constant 1 : i32
      scf.for %scan3A_314 = %scan3A_309 to %scan3A_311 step %scan3A_312  : i32 {
        %mul3A_315 = arith.constant 16 : i32
        %mul3A_316 = arith.muli %scan3A_314, %mul3A_315 : i32
        %min3A = arith.constant 184 : i32
        %min3A_317 = arith.minsi %mul3A_316, %min3A : i32
        %add3A_318 = arith.constant 0 : i32
        %add3A_319 = arith.addi %min3A_317, %add3A_318 : i32
        %get3A_320 = arith.index_cast %add3A_319 : i32 to index
        %get3A_321 = arith.constant 0 : index
        %get3A_322 = tpu.vector_load %arg11[%get3A_320, %get3A_321] {strides = array<i32>} : memref<200x64xf32, #tpu.memory_space<vmem>>, vector<16xf32>,
        %mul3A_323 = arith.mulf %get3A_322, %get3A_289 : vector<16xf32>
        %add3A_324 = arith.constant 0 : i32
        %add3A_325 = arith.addi %min3A_317, %add3A_324 : i32
        %get3A_326 = arith.index_cast %add3A_325 : i32 to index
        %get3A_327 = arith.constant 16 : index
        %get3A_328 = tpu.vector_load %arg11[%get3A_326, %get3A_327] {strides = array<i32>} : memref<200x64xf32, #tpu.memory_space<vmem>>, vector<16xf32>,
        %mul3A_329 = arith.mulf %get3A_328, %get3A_295 : vector<16xf32>
        %add3A_330 = arith.addf %mul3A_323, %mul3A_329 : vector<16xf32>
        %add3A_331 = arith.constant 0 : i32
        %add3A_332 = arith.addi %min3A_317, %add3A_331 : i32
        %get3A_333 = arith.index_cast %add3A_332 : i32 to index
        %get3A_334 = arith.constant 32 : index
        %get3A_335 = tpu.vector_load %arg11[%get3A_333, %get3A_334] {strides = array<i32>} : memref<200x64xf32, #tpu.memory_space<vmem>>, vector<16xf32>,
        %mul3A_336 = arith.mulf %get3A_335, %get3A_301 : vector<16xf32>
        %add3A_337 = arith.addf %add3A_330, %mul3A_336 : vector<16xf32>
        %add3A_338 = arith.constant 0 : i32
        %add3A_339 = arith.addi %min3A_317, %add3A_338 : i32
        %get3A_340 = arith.index_cast %add3A_339 : i32 to index
        %get3A_341 = arith.constant 48 : index
        %get3A_342 = tpu.vector_load %arg11[%get3A_340, %get3A_341] {strides = array<i32>} : memref<200x64xf32, #tpu.memory_space<vmem>>, vector<16xf32>,
        %mul3A_343 = arith.mulf %get3A_342, %get3A_307 : vector<16xf32>
        %add3A_344 = arith.addf %add3A_337, %mul3A_343 : vector<16xf32>
        %add3A_345 = arith.constant 1 : i32
        %add3A_346 = arith.addi %min3A_317, %add3A_345 : i32
        %get3A_347 = arith.index_cast %add3A_346 : i32 to index
        %get3A_348 = arith.constant 0 : index
        %get3A_349 = tpu.vector_load %arg11[%get3A_347, %get3A_348] {strides = array<i32>} : memref<200x64xf32, #tpu.memory_space<vmem>>, vector<16xf32>,
        %mul3A_350 = arith.mulf %get3A_349, %get3A_289 : vector<16xf32>
        %add3A_351 = arith.constant 1 : i32
        %add3A_352 = arith.addi %min3A_317, %add3A_351 : i32
        %get3A_353 = arith.index_cast %add3A_352 : i32 to index
        %get3A_354 = arith.constant 16 : index
        %get3A_355 = tpu.vector_load %arg11[%get3A_353, %get3A_354] {strides = array<i32>} : memref<200x64xf32, #tpu.memory_space<vmem>>, vector<16xf32>,
        %mul3A_356 = arith.mulf %get3A_355, %get3A_295 : vector<16xf32>
        %add3A_357 = arith.addf %mul3A_350, %mul3A_356 : vector<16xf32>
        %add3A_358 = arith.constant 1 : i32
        %add3A_359 = arith.addi %min3A_317, %add3A_358 : i32
        %get3A_360 = arith.index_cast %add3A_359 : i32 to index
        %get3A_361 = arith.constant 32 : index
        %get3A_362 = tpu.vector_load %arg11[%get3A_360, %get3A_361] {strides = array<i32>} : memref<200x64xf32, #tpu.memory_space<vmem>>, vector<16xf32>,
        %mul3A_363 = arith.mulf %get3A_362, %get3A_301 : vector<16xf32>
        %add3A_364 = arith.addf %add3A_357, %mul3A_363 : vector<16xf32>
        %add3A_365 = arith.constant 1 : i32
        %add3A_366 = arith.addi %min3A_317, %add3A_365 : i32
        %get3A_367 = arith.index_cast %add3A_366 : i32 to index
        %get3A_368 = arith.constant 48 : index
        %get3A_369 = tpu.vector_load %arg11[%get3A_367, %get3A_368] {strides = array<i32>} : memref<200x64xf32, #tpu.memory_space<vmem>>, vector<16xf32>,
        %mul3A_370 = arith.mulf %get3A_369, %get3A_307 : vector<16xf32>
        %add3A_371 = arith.addf %add3A_364, %mul3A_370 : vector<16xf32>
        %add3A_372 = arith.constant 2 : i32
        %add3A_373 = arith.addi %min3A_317, %add3A_372 : i32
        %get3A_374 = arith.index_cast %add3A_373 : i32 to index
        %get3A_375 = arith.constant 0 : index
        %get3A_376 = tpu.vector_load %arg11[%get3A_374, %get3A_375] {strides = array<i32>} : memref<200x64xf32, #tpu.memory_space<vmem>>, vector<16xf32>,
        %mul3A_377 = arith.mulf %get3A_376, %get3A_289 : vector<16xf32>
        %add3A_378 = arith.constant 2 : i32
        %add3A_379 = arith.addi %min3A_317, %add3A_378 : i32
        %get3A_380 = arith.index_cast %add3A_379 : i32 to index
        %get3A_381 = arith.constant 16 : index
        %get3A_382 = tpu.vector_load %arg11[%get3A_380, %get3A_381] {strides = array<i32>} : memref<200x64xf32, #tpu.memory_space<vmem>>, vector<16xf32>,
        %mul3A_383 = arith.mulf %get3A_382, %get3A_295 : vector<16xf32>
        %add3A_384 = arith.addf %mul3A_377, %mul3A_383 : vector<16xf32>
        %add3A_385 = arith.constant 2 : i32
        %add3A_386 = arith.addi %min3A_317, %add3A_385 : i32
        %get3A_387 = arith.index_cast %add3A_386 : i32 to index
        %get3A_388 = arith.constant 32 : index
        %get3A_389 = tpu.vector_load %arg11[%get3A_387, %get3A_388] {strides = array<i32>} : memref<200x64xf32, #tpu.memory_space<vmem>>, vector<16xf32>,
        %mul3A_390 = arith.mulf %get3A_389, %get3A_301 : vector<16xf32>
        %add3A_391 = arith.addf %add3A_384, %mul3A_390 : vector<16xf32>
        %add3A_392 = arith.constant 2 : i32
        %add3A_393 = arith.addi %min3A_317, %add3A_392 : i32
        %get3A_394 = arith.index_cast %add3A_393 : i32 to index
        %get3A_395 = arith.constant 48 : index
        %get3A_396 = tpu.vector_load %arg11[%get3A_394, %get3A_395] {strides = array<i32>} : memref<200x64xf32, #tpu.memory_space<vmem>>, vector<16xf32>,
        %mul3A_397 = arith.mulf %get3A_396, %get3A_307 : vector<16xf32>
        %add3A_398 = arith.addf %add3A_391, %mul3A_397 : vector<16xf32>
        %add3A_399 = arith.constant 3 : i32
        %add3A_400 = arith.addi %min3A_317, %add3A_399 : i32
        %get3A_401 = arith.index_cast %add3A_400 : i32 to index
        %get3A_402 = arith.constant 0 : index
        %get3A_403 = tpu.vector_load %arg11[%get3A_401, %get3A_402] {strides = array<i32>} : memref<200x64xf32, #tpu.memory_space<vmem>>, vector<16xf32>,
        %mul3A_404 = arith.mulf %get3A_403, %get3A_289 : vector<16xf32>
        %add3A_405 = arith.constant 3 : i32
        %add3A_406 = arith.addi %min3A_317, %add3A_405 : i32
        %get3A_407 = arith.index_cast %add3A_406 : i32 to index
        %get3A_408 = arith.constant 16 : index
        %get3A_409 = tpu.vector_load %arg11[%get3A_407, %get3A_408] {strides = array<i32>} : memref<200x64xf32, #tpu.memory_space<vmem>>, vector<16xf32>,
        %mul3A_410 = arith.mulf %get3A_409, %get3A_295 : vector<16xf32>
        %add3A_411 = arith.addf %mul3A_404, %mul3A_410 : vector<16xf32>
        %add3A_412 = arith.constant 3 : i32
        %add3A_413 = arith.addi %min3A_317, %add3A_412 : i32
        %get3A_414 = arith.index_cast %add3A_413 : i32 to index
        %get3A_415 = arith.constant 32 : index
        %get3A_416 = tpu.vector_load %arg11[%get3A_414, %get3A_415] {strides = array<i32>} : memref<200x64xf32, #tpu.memory_space<vmem>>, vector<16xf32>,
        %mul3A_417 = arith.mulf %get3A_416, %get3A_301 : vector<16xf32>
        %add3A_418 = arith.addf %add3A_411, %mul3A_417 : vector<16xf32>
        %add3A_419 = arith.constant 3 : i32
        %add3A_420 = arith.addi %min3A_317, %add3A_419 : i32
        %get3A_421 = arith.index_cast %add3A_420 : i32 to index
        %get3A_422 = arith.constant 48 : index
        %get3A_423 = tpu.vector_load %arg11[%get3A_421, %get3A_422] {strides = array<i32>} : memref<200x64xf32, #tpu.memory_space<vmem>>, vector<16xf32>,
        %mul3A_424 = arith.mulf %get3A_423, %get3A_307 : vector<16xf32>
        %add3A_425 = arith.addf %add3A_418, %mul3A_424 : vector<16xf32>
        %add3A_426 = arith.constant 4 : i32
        %add3A_427 = arith.addi %min3A_317, %add3A_426 : i32
        %get3A_428 = arith.index_cast %add3A_427 : i32 to index
        %get3A_429 = arith.constant 0 : index
        %get3A_430 = tpu.vector_load %arg11[%get3A_428, %get3A_429] {strides = array<i32>} : memref<200x64xf32, #tpu.memory_space<vmem>>, vector<16xf32>,
        %mul3A_431 = arith.mulf %get3A_430, %get3A_289 : vector<16xf32>
        %add3A_432 = arith.constant 4 : i32
        %add3A_433 = arith.addi %min3A_317, %add3A_432 : i32
        %get3A_434 = arith.index_cast %add3A_433 : i32 to index
        %get3A_435 = arith.constant 16 : index
        %get3A_436 = tpu.vector_load %arg11[%get3A_434, %get3A_435] {strides = array<i32>} : memref<200x64xf32, #tpu.memory_space<vmem>>, vector<16xf32>,
        %mul3A_437 = arith.mulf %get3A_436, %get3A_295 : vector<16xf32>
        %add3A_438 = arith.addf %mul3A_431, %mul3A_437 : vector<16xf32>
        %add3A_439 = arith.constant 4 : i32
        %add3A_440 = arith.addi %min3A_317, %add3A_439 : i32
        %get3A_441 = arith.index_cast %add3A_440 : i32 to index
        %get3A_442 = arith.constant 32 : index
        %get3A_443 = tpu.vector_load %arg11[%get3A_441, %get3A_442] {strides = array<i32>} : memref<200x64xf32, #tpu.memory_space<vmem>>, vector<16xf32>,
        %mul3A_444 = arith.mulf %get3A_443, %get3A_301 : vector<16xf32>
        %add3A_445 = arith.addf %add3A_438, %mul3A_444 : vector<16xf32>
        %add3A_446 = arith.constant 4 : i32
        %add3A_447 = arith.addi %min3A_317, %add3A_446 : i32
        %get3A_448 = arith.index_cast %add3A_447 : i32 to index
        %get3A_449 = arith.constant 48 : index
        %get3A_450 = tpu.vector_load %arg11[%get3A_448, %get3A_449] {strides = array<i32>} : memref<200x64xf32, #tpu.memory_space<vmem>>, vector<16xf32>,
        %mul3A_451 = arith.mulf %get3A_450, %get3A_307 : vector<16xf32>
        %add3A_452 = arith.addf %add3A_445, %mul3A_451 : vector<16xf32>
        %add3A_453 = arith.constant 5 : i32
        %add3A_454 = arith.addi %min3A_317, %add3A_453 : i32
        %get3A_455 = arith.index_cast %add3A_454 : i32 to index
        %get3A_456 = arith.constant 0 : index
        %get3A_457 = tpu.vector_load %arg11[%get3A_455, %get3A_456] {strides = array<i32>} : memref<200x64xf32, #tpu.memory_space<vmem>>, vector<16xf32>,
        %mul3A_458 = arith.mulf %get3A_457, %get3A_289 : vector<16xf32>
        %add3A_459 = arith.constant 5 : i32
        %add3A_460 = arith.addi %min3A_317, %add3A_459 : i32
        %get3A_461 = arith.index_cast %add3A_460 : i32 to index
        %get3A_462 = arith.constant 16 : index
        %get3A_463 = tpu.vector_load %arg11[%get3A_461, %get3A_462] {strides = array<i32>} : memref<200x64xf32, #tpu.memory_space<vmem>>, vector<16xf32>,
        %mul3A_464 = arith.mulf %get3A_463, %get3A_295 : vector<16xf32>
        %add3A_465 = arith.addf %mul3A_458, %mul3A_464 : vector<16xf32>
        %add3A_466 = arith.constant 5 : i32
        %add3A_467 = arith.addi %min3A_317, %add3A_466 : i32
        %get3A_468 = arith.index_cast %add3A_467 : i32 to index
        %get3A_469 = arith.constant 32 : index
        %get3A_470 = tpu.vector_load %arg11[%get3A_468, %get3A_469] {strides = array<i32>} : memref<200x64xf32, #tpu.memory_space<vmem>>, vector<16xf32>,
        %mul3A_471 = arith.mulf %get3A_470, %get3A_301 : vector<16xf32>
        %add3A_472 = arith.addf %add3A_465, %mul3A_471 : vector<16xf32>
        %add3A_473 = arith.constant 5 : i32
        %add3A_474 = arith.addi %min3A_317, %add3A_473 : i32
        %get3A_475 = arith.index_cast %add3A_474 : i32 to index
        %get3A_476 = arith.constant 48 : index
        %get3A_477 = tpu.vector_load %arg11[%get3A_475, %get3A_476] {strides = array<i32>} : memref<200x64xf32, #tpu.memory_space<vmem>>, vector<16xf32>,
        %mul3A_478 = arith.mulf %get3A_477, %get3A_307 : vector<16xf32>
        %add3A_479 = arith.addf %add3A_472, %mul3A_478 : vector<16xf32>
        %add3A_480 = arith.constant 6 : i32
        %add3A_481 = arith.addi %min3A_317, %add3A_480 : i32
        %get3A_482 = arith.index_cast %add3A_481 : i32 to index
        %get3A_483 = arith.constant 0 : index
        %get3A_484 = tpu.vector_load %arg11[%get3A_482, %get3A_483] {strides = array<i32>} : memref<200x64xf32, #tpu.memory_space<vmem>>, vector<16xf32>,
        %mul3A_485 = arith.mulf %get3A_484, %get3A_289 : vector<16xf32>
        %add3A_486 = arith.constant 6 : i32
        %add3A_487 = arith.addi %min3A_317, %add3A_486 : i32
        %get3A_488 = arith.index_cast %add3A_487 : i32 to index
        %get3A_489 = arith.constant 16 : index
        %get3A_490 = tpu.vector_load %arg11[%get3A_488, %get3A_489] {strides = array<i32>} : memref<200x64xf32, #tpu.memory_space<vmem>>, vector<16xf32>,
        %mul3A_491 = arith.mulf %get3A_490, %get3A_295 : vector<16xf32>
        %add3A_492 = arith.addf %mul3A_485, %mul3A_491 : vector<16xf32>
        %add3A_493 = arith.constant 6 : i32
        %add3A_494 = arith.addi %min3A_317, %add3A_493 : i32
        %get3A_495 = arith.index_cast %add3A_494 : i32 to index
        %get3A_496 = arith.constant 32 : index
        %get3A_497 = tpu.vector_load %arg11[%get3A_495, %get3A_496] {strides = array<i32>} : memref<200x64xf32, #tpu.memory_space<vmem>>, vector<16xf32>,
        %mul3A_498 = arith.mulf %get3A_497, %get3A_301 : vector<16xf32>
        %add3A_499 = arith.addf %add3A_492, %mul3A_498 : vector<16xf32>
        %add3A_500 = arith.constant 6 : i32
        %add3A_501 = arith.addi %min3A_317, %add3A_500 : i32
        %get3A_502 = arith.index_cast %add3A_501 : i32 to index
        %get3A_503 = arith.constant 48 : index
        %get3A_504 = tpu.vector_load %arg11[%get3A_502, %get3A_503] {strides = array<i32>} : memref<200x64xf32, #tpu.memory_space<vmem>>, vector<16xf32>,
        %mul3A_505 = arith.mulf %get3A_504, %get3A_307 : vector<16xf32>
        %add3A_506 = arith.addf %add3A_499, %mul3A_505 : vector<16xf32>
        %add3A_507 = arith.constant 7 : i32
        %add3A_508 = arith.addi %min3A_317, %add3A_507 : i32
        %get3A_509 = arith.index_cast %add3A_508 : i32 to index
        %get3A_510 = arith.constant 0 : index
        %get3A_511 = tpu.vector_load %arg11[%get3A_509, %get3A_510] {strides = array<i32>} : memref<200x64xf32, #tpu.memory_space<vmem>>, vector<16xf32>,
        %mul3A_512 = arith.mulf %get3A_511, %get3A_289 : vector<16xf32>
        %add3A_513 = arith.constant 7 : i32
        %add3A_514 = arith.addi %min3A_317, %add3A_513 : i32
        %get3A_515 = arith.index_cast %add3A_514 : i32 to index
        %get3A_516 = arith.constant 16 : index
        %get3A_517 = tpu.vector_load %arg11[%get3A_515, %get3A_516] {strides = array<i32>} : memref<200x64xf32, #tpu.memory_space<vmem>>, vector<16xf32>,
        %mul3A_518 = arith.mulf %get3A_517, %get3A_295 : vector<16xf32>
        %add3A_519 = arith.addf %mul3A_512, %mul3A_518 : vector<16xf32>
        %add3A_520 = arith.constant 7 : i32
        %add3A_521 = arith.addi %min3A_317, %add3A_520 : i32
        %get3A_522 = arith.index_cast %add3A_521 : i32 to index
        %get3A_523 = arith.constant 32 : index
        %get3A_524 = tpu.vector_load %arg11[%get3A_522, %get3A_523] {strides = array<i32>} : memref<200x64xf32, #tpu.memory_space<vmem>>, vector<16xf32>,
        %mul3A_525 = arith.mulf %get3A_524, %get3A_301 : vector<16xf32>
        %add3A_526 = arith.addf %add3A_519, %mul3A_525 : vector<16xf32>
        %add3A_527 = arith.constant 7 : i32
        %add3A_528 = arith.addi %min3A_317, %add3A_527 : i32
        %get3A_529 = arith.index_cast %add3A_528 : i32 to index
        %get3A_530 = arith.constant 48 : index
        %get3A_531 = tpu.vector_load %arg11[%get3A_529, %get3A_530] {strides = array<i32>} : memref<200x64xf32, #tpu.memory_space<vmem>>, vector<16xf32>,
        %mul3A_532 = arith.mulf %get3A_531, %get3A_307 : vector<16xf32>
        %add3A_533 = arith.addf %add3A_526, %mul3A_532 : vector<16xf32>
        %add3A_534 = arith.constant 8 : i32
        %add3A_535 = arith.addi %min3A_317, %add3A_534 : i32
        %get3A_536 = arith.index_cast %add3A_535 : i32 to index
        %get3A_537 = arith.constant 0 : index
        %get3A_538 = tpu.vector_load %arg11[%get3A_536, %get3A_537] {strides = array<i32>} : memref<200x64xf32, #tpu.memory_space<vmem>>, vector<16xf32>,
        %mul3A_539 = arith.mulf %get3A_538, %get3A_289 : vector<16xf32>
        %add3A_540 = arith.constant 8 : i32
        %add3A_541 = arith.addi %min3A_317, %add3A_540 : i32
        %get3A_542 = arith.index_cast %add3A_541 : i32 to index
        %get3A_543 = arith.constant 16 : index
        %get3A_544 = tpu.vector_load %arg11[%get3A_542, %get3A_543] {strides = array<i32>} : memref<200x64xf32, #tpu.memory_space<vmem>>, vector<16xf32>,
        %mul3A_545 = arith.mulf %get3A_544, %get3A_295 : vector<16xf32>
        %add3A_546 = arith.addf %mul3A_539, %mul3A_545 : vector<16xf32>
        %add3A_547 = arith.constant 8 : i32
        %add3A_548 = arith.addi %min3A_317, %add3A_547 : i32
        %get3A_549 = arith.index_cast %add3A_548 : i32 to index
        %get3A_550 = arith.constant 32 : index
        %get3A_551 = tpu.vector_load %arg11[%get3A_549, %get3A_550] {strides = array<i32>} : memref<200x64xf32, #tpu.memory_space<vmem>>, vector<16xf32>,
        %mul3A_552 = arith.mulf %get3A_551, %get3A_301 : vector<16xf32>
        %add3A_553 = arith.addf %add3A_546, %mul3A_552 : vector<16xf32>
        %add3A_554 = arith.constant 8 : i32
        %add3A_555 = arith.addi %min3A_317, %add3A_554 : i32
        %get3A_556 = arith.index_cast %add3A_555 : i32 to index
        %get3A_557 = arith.constant 48 : index
        %get3A_558 = tpu.vector_load %arg11[%get3A_556, %get3A_557] {strides = array<i32>} : memref<200x64xf32, #tpu.memory_space<vmem>>, vector<16xf32>,
        %mul3A_559 = arith.mulf %get3A_558, %get3A_307 : vector<16xf32>
        %add3A_560 = arith.addf %add3A_553, %mul3A_559 : vector<16xf32>
        %add3A_561 = arith.constant 9 : i32
        %add3A_562 = arith.addi %min3A_317, %add3A_561 : i32
        %get3A_563 = arith.index_cast %add3A_562 : i32 to index
        %get3A_564 = arith.constant 0 : index
        %get3A_565 = tpu.vector_load %arg11[%get3A_563, %get3A_564] {strides = array<i32>} : memref<200x64xf32, #tpu.memory_space<vmem>>, vector<16xf32>,
        %mul3A_566 = arith.mulf %get3A_565, %get3A_289 : vector<16xf32>
        %add3A_567 = arith.constant 9 : i32
        %add3A_568 = arith.addi %min3A_317, %add3A_567 : i32
        %get3A_569 = arith.index_cast %add3A_568 : i32 to index
        %get3A_570 = arith.constant 16 : index
        %get3A_571 = tpu.vector_load %arg11[%get3A_569, %get3A_570] {strides = array<i32>} : memref<200x64xf32, #tpu.memory_space<vmem>>, vector<16xf32>,
        %mul3A_572 = arith.mulf %get3A_571, %get3A_295 : vector<16xf32>
        %add3A_573 = arith.addf %mul3A_566, %mul3A_572 : vector<16xf32>
        %add3A_574 = arith.constant 9 : i32
        %add3A_575 = arith.addi %min3A_317, %add3A_574 : i32
        %get3A_576 = arith.index_cast %add3A_575 : i32 to index
        %get3A_577 = arith.constant 32 : index
        %get3A_578 = tpu.vector_load %arg11[%get3A_576, %get3A_577] {strides = array<i32>} : memref<200x64xf32, #tpu.memory_space<vmem>>, vector<16xf32>,
        %mul3A_579 = arith.mulf %get3A_578, %get3A_301 : vector<16xf32>
        %add3A_580 = arith.addf %add3A_573, %mul3A_579 : vector<16xf32>
        %add3A_581 = arith.constant 9 : i32
        %add3A_582 = arith.addi %min3A_317, %add3A_581 : i32
        %get3A_583 = arith.index_cast %add3A_582 : i32 to index
        %get3A_584 = arith.constant 48 : index
        %get3A_585 = tpu.vector_load %arg11[%get3A_583, %get3A_584] {strides = array<i32>} : memref<200x64xf32, #tpu.memory_space<vmem>>, vector<16xf32>,
        %mul3A_586 = arith.mulf %get3A_585, %get3A_307 : vector<16xf32>
        %add3A_587 = arith.addf %add3A_580, %mul3A_586 : vector<16xf32>
        %add3A_588 = arith.constant 10 : i32
        %add3A_589 = arith.addi %min3A_317, %add3A_588 : i32
        %get3A_590 = arith.index_cast %add3A_589 : i32 to index
        %get3A_591 = arith.constant 0 : index
        %get3A_592 = tpu.vector_load %arg11[%get3A_590, %get3A_591] {strides = array<i32>} : memref<200x64xf32, #tpu.memory_space<vmem>>, vector<16xf32>,
        %mul3A_593 = arith.mulf %get3A_592, %get3A_289 : vector<16xf32>
        %add3A_594 = arith.constant 10 : i32
        %add3A_595 = arith.addi %min3A_317, %add3A_594 : i32
        %get3A_596 = arith.index_cast %add3A_595 : i32 to index
        %get3A_597 = arith.constant 16 : index
        %get3A_598 = tpu.vector_load %arg11[%get3A_596, %get3A_597] {strides = array<i32>} : memref<200x64xf32, #tpu.memory_space<vmem>>, vector<16xf32>,
        %mul3A_599 = arith.mulf %get3A_598, %get3A_295 : vector<16xf32>
        %add3A_600 = arith.addf %mul3A_593, %mul3A_599 : vector<16xf32>
        %add3A_601 = arith.constant 10 : i32
        %add3A_602 = arith.addi %min3A_317, %add3A_601 : i32
        %get3A_603 = arith.index_cast %add3A_602 : i32 to index
        %get3A_604 = arith.constant 32 : index
        %get3A_605 = tpu.vector_load %arg11[%get3A_603, %get3A_604] {strides = array<i32>} : memref<200x64xf32, #tpu.memory_space<vmem>>, vector<16xf32>,
        %mul3A_606 = arith.mulf %get3A_605, %get3A_301 : vector<16xf32>
        %add3A_607 = arith.addf %add3A_600, %mul3A_606 : vector<16xf32>
        %add3A_608 = arith.constant 10 : i32
        %add3A_609 = arith.addi %min3A_317, %add3A_608 : i32
        %get3A_610 = arith.index_cast %add3A_609 : i32 to index
        %get3A_611 = arith.constant 48 : index
        %get3A_612 = tpu.vector_load %arg11[%get3A_610, %get3A_611] {strides = array<i32>} : memref<200x64xf32, #tpu.memory_space<vmem>>, vector<16xf32>,
        %mul3A_613 = arith.mulf %get3A_612, %get3A_307 : vector<16xf32>
        %add3A_614 = arith.addf %add3A_607, %mul3A_613 : vector<16xf32>
        %add3A_615 = arith.constant 11 : i32
        %add3A_616 = arith.addi %min3A_317, %add3A_615 : i32
        %get3A_617 = arith.index_cast %add3A_616 : i32 to index
        %get3A_618 = arith.constant 0 : index
        %get3A_619 = tpu.vector_load %arg11[%get3A_617, %get3A_618] {strides = array<i32>} : memref<200x64xf32, #tpu.memory_space<vmem>>, vector<16xf32>,
        %mul3A_620 = arith.mulf %get3A_619, %get3A_289 : vector<16xf32>
        %add3A_621 = arith.constant 11 : i32
        %add3A_622 = arith.addi %min3A_317, %add3A_621 : i32
        %get3A_623 = arith.index_cast %add3A_622 : i32 to index
        %get3A_624 = arith.constant 16 : index
        %get3A_625 = tpu.vector_load %arg11[%get3A_623, %get3A_624] {strides = array<i32>} : memref<200x64xf32, #tpu.memory_space<vmem>>, vector<16xf32>,
        %mul3A_626 = arith.mulf %get3A_625, %get3A_295 : vector<16xf32>
        %add3A_627 = arith.addf %mul3A_620, %mul3A_626 : vector<16xf32>
        %add3A_628 = arith.constant 11 : i32
        %add3A_629 = arith.addi %min3A_317, %add3A_628 : i32
        %get3A_630 = arith.index_cast %add3A_629 : i32 to index
        %get3A_631 = arith.constant 32 : index
        %get3A_632 = tpu.vector_load %arg11[%get3A_630, %get3A_631] {strides = array<i32>} : memref<200x64xf32, #tpu.memory_space<vmem>>, vector<16xf32>,
        %mul3A_633 = arith.mulf %get3A_632, %get3A_301 : vector<16xf32>
        %add3A_634 = arith.addf %add3A_627, %mul3A_633 : vector<16xf32>
        %add3A_635 = arith.constant 11 : i32
        %add3A_636 = arith.addi %min3A_317, %add3A_635 : i32
        %get3A_637 = arith.index_cast %add3A_636 : i32 to index
        %get3A_638 = arith.constant 48 : index
        %get3A_639 = tpu.vector_load %arg11[%get3A_637, %get3A_638] {strides = array<i32>} : memref<200x64xf32, #tpu.memory_space<vmem>>, vector<16xf32>,
        %mul3A_640 = arith.mulf %get3A_639, %get3A_307 : vector<16xf32>
        %add3A_641 = arith.addf %add3A_634, %mul3A_640 : vector<16xf32>
        %add3A_642 = arith.constant 12 : i32
        %add3A_643 = arith.addi %min3A_317, %add3A_642 : i32
        %get3A_644 = arith.index_cast %add3A_643 : i32 to index
        %get3A_645 = arith.constant 0 : index
        %get3A_646 = tpu.vector_load %arg11[%get3A_644, %get3A_645] {strides = array<i32>} : memref<200x64xf32, #tpu.memory_space<vmem>>, vector<16xf32>,
        %mul3A_647 = arith.mulf %get3A_646, %get3A_289 : vector<16xf32>
        %add3A_648 = arith.constant 12 : i32
        %add3A_649 = arith.addi %min3A_317, %add3A_648 : i32
        %get3A_650 = arith.index_cast %add3A_649 : i32 to index
        %get3A_651 = arith.constant 16 : index
        %get3A_652 = tpu.vector_load %arg11[%get3A_650, %get3A_651] {strides = array<i32>} : memref<200x64xf32, #tpu.memory_space<vmem>>, vector<16xf32>,
        %mul3A_653 = arith.mulf %get3A_652, %get3A_295 : vector<16xf32>
        %add3A_654 = arith.addf %mul3A_647, %mul3A_653 : vector<16xf32>
        %add3A_655 = arith.constant 12 : i32
        %add3A_656 = arith.addi %min3A_317, %add3A_655 : i32
        %get3A_657 = arith.index_cast %add3A_656 : i32 to index
        %get3A_658 = arith.constant 32 : index
        %get3A_659 = tpu.vector_load %arg11[%get3A_657, %get3A_658] {strides = array<i32>} : memref<200x64xf32, #tpu.memory_space<vmem>>, vector<16xf32>,
        %mul3A_660 = arith.mulf %get3A_659, %get3A_301 : vector<16xf32>
        %add3A_661 = arith.addf %add3A_654, %mul3A_660 : vector<16xf32>
        %add3A_662 = arith.constant 12 : i32
        %add3A_663 = arith.addi %min3A_317, %add3A_662 : i32
        %get3A_664 = arith.index_cast %add3A_663 : i32 to index
        %get3A_665 = arith.constant 48 : index
        %get3A_666 = tpu.vector_load %arg11[%get3A_664, %get3A_665] {strides = array<i32>} : memref<200x64xf32, #tpu.memory_space<vmem>>, vector<16xf32>,
        %mul3A_667 = arith.mulf %get3A_666, %get3A_307 : vector<16xf32>
        %add3A_668 = arith.addf %add3A_661, %mul3A_667 : vector<16xf32>
        %add3A_669 = arith.constant 13 : i32
        %add3A_670 = arith.addi %min3A_317, %add3A_669 : i32
        %get3A_671 = arith.index_cast %add3A_670 : i32 to index
        %get3A_672 = arith.constant 0 : index
        %get3A_673 = tpu.vector_load %arg11[%get3A_671, %get3A_672] {strides = array<i32>} : memref<200x64xf32, #tpu.memory_space<vmem>>, vector<16xf32>,
        %mul3A_674 = arith.mulf %get3A_673, %get3A_289 : vector<16xf32>
        %add3A_675 = arith.constant 13 : i32
        %add3A_676 = arith.addi %min3A_317, %add3A_675 : i32
        %get3A_677 = arith.index_cast %add3A_676 : i32 to index
        %get3A_678 = arith.constant 16 : index
        %get3A_679 = tpu.vector_load %arg11[%get3A_677, %get3A_678] {strides = array<i32>} : memref<200x64xf32, #tpu.memory_space<vmem>>, vector<16xf32>,
        %mul3A_680 = arith.mulf %get3A_679, %get3A_295 : vector<16xf32>
        %add3A_681 = arith.addf %mul3A_674, %mul3A_680 : vector<16xf32>
        %add3A_682 = arith.constant 13 : i32
        %add3A_683 = arith.addi %min3A_317, %add3A_682 : i32
        %get3A_684 = arith.index_cast %add3A_683 : i32 to index
        %get3A_685 = arith.constant 32 : index
        %get3A_686 = tpu.vector_load %arg11[%get3A_684, %get3A_685] {strides = array<i32>} : memref<200x64xf32, #tpu.memory_space<vmem>>, vector<16xf32>,
        %mul3A_687 = arith.mulf %get3A_686, %get3A_301 : vector<16xf32>
        %add3A_688 = arith.addf %add3A_681, %mul3A_687 : vector<16xf32>
        %add3A_689 = arith.constant 13 : i32
        %add3A_690 = arith.addi %min3A_317, %add3A_689 : i32
        %get3A_691 = arith.index_cast %add3A_690 : i32 to index
        %get3A_692 = arith.constant 48 : index
        %get3A_693 = tpu.vector_load %arg11[%get3A_691, %get3A_692] {strides = array<i32>} : memref<200x64xf32, #tpu.memory_space<vmem>>, vector<16xf32>,
        %mul3A_694 = arith.mulf %get3A_693, %get3A_307 : vector<16xf32>
        %add3A_695 = arith.addf %add3A_688, %mul3A_694 : vector<16xf32>
        %add3A_696 = arith.constant 14 : i32
        %add3A_697 = arith.addi %min3A_317, %add3A_696 : i32
        %get3A_698 = arith.index_cast %add3A_697 : i32 to index
        %get3A_699 = arith.constant 0 : index
        %get3A_700 = tpu.vector_load %arg11[%get3A_698, %get3A_699] {strides = array<i32>} : memref<200x64xf32, #tpu.memory_space<vmem>>, vector<16xf32>,
        %mul3A_701 = arith.mulf %get3A_700, %get3A_289 : vector<16xf32>
        %add3A_702 = arith.constant 14 : i32
        %add3A_703 = arith.addi %min3A_317, %add3A_702 : i32
        %get3A_704 = arith.index_cast %add3A_703 : i32 to index
        %get3A_705 = arith.constant 16 : index
        %get3A_706 = tpu.vector_load %arg11[%get3A_704, %get3A_705] {strides = array<i32>} : memref<200x64xf32, #tpu.memory_space<vmem>>, vector<16xf32>,
        %mul3A_707 = arith.mulf %get3A_706, %get3A_295 : vector<16xf32>
        %add3A_708 = arith.addf %mul3A_701, %mul3A_707 : vector<16xf32>
        %add3A_709 = arith.constant 14 : i32
        %add3A_710 = arith.addi %min3A_317, %add3A_709 : i32
        %get3A_711 = arith.index_cast %add3A_710 : i32 to index
        %get3A_712 = arith.constant 32 : index
        %get3A_713 = tpu.vector_load %arg11[%get3A_711, %get3A_712] {strides = array<i32>} : memref<200x64xf32, #tpu.memory_space<vmem>>, vector<16xf32>,
        %mul3A_714 = arith.mulf %get3A_713, %get3A_301 : vector<16xf32>
        %add3A_715 = arith.addf %add3A_708, %mul3A_714 : vector<16xf32>
        %add3A_716 = arith.constant 14 : i32
        %add3A_717 = arith.addi %min3A_317, %add3A_716 : i32
        %get3A_718 = arith.index_cast %add3A_717 : i32 to index
        %get3A_719 = arith.constant 48 : index
        %get3A_720 = tpu.vector_load %arg11[%get3A_718, %get3A_719] {strides = array<i32>} : memref<200x64xf32, #tpu.memory_space<vmem>>, vector<16xf32>,
        %mul3A_721 = arith.mulf %get3A_720, %get3A_307 : vector<16xf32>
        %add3A_722 = arith.addf %add3A_715, %mul3A_721 : vector<16xf32>
        %add3A_723 = arith.constant 15 : i32
        %add3A_724 = arith.addi %min3A_317, %add3A_723 : i32
        %get3A_725 = arith.index_cast %add3A_724 : i32 to index
        %get3A_726 = arith.constant 0 : index
        %get3A_727 = tpu.vector_load %arg11[%get3A_725, %get3A_726] {strides = array<i32>} : memref<200x64xf32, #tpu.memory_space<vmem>>, vector<16xf32>,
        %mul3A_728 = arith.mulf %get3A_727, %get3A_289 : vector<16xf32>
        %add3A_729 = arith.constant 15 : i32
        %add3A_730 = arith.addi %min3A_317, %add3A_729 : i32
        %get3A_731 = arith.index_cast %add3A_730 : i32 to index
        %get3A_732 = arith.constant 16 : index
        %get3A_733 = tpu.vector_load %arg11[%get3A_731, %get3A_732] {strides = array<i32>} : memref<200x64xf32, #tpu.memory_space<vmem>>, vector<16xf32>,
        %mul3A_734 = arith.mulf %get3A_733, %get3A_295 : vector<16xf32>
        %add3A_735 = arith.addf %mul3A_728, %mul3A_734 : vector<16xf32>
        %add3A_736 = arith.constant 15 : i32
        %add3A_737 = arith.addi %min3A_317, %add3A_736 : i32
        %get3A_738 = arith.index_cast %add3A_737 : i32 to index
        %get3A_739 = arith.constant 32 : index
        %get3A_740 = tpu.vector_load %arg11[%get3A_738, %get3A_739] {strides = array<i32>} : memref<200x64xf32, #tpu.memory_space<vmem>>, vector<16xf32>,
        %mul3A_741 = arith.mulf %get3A_740, %get3A_301 : vector<16xf32>
        %add3A_742 = arith.addf %add3A_735, %mul3A_741 : vector<16xf32>
        %add3A_743 = arith.constant 15 : i32
        %add3A_744 = arith.addi %min3A_317, %add3A_743 : i32
        %get3A_745 = arith.index_cast %add3A_744 : i32 to index
        %get3A_746 = arith.constant 48 : index
        %get3A_747 = tpu.vector_load %arg11[%get3A_745, %get3A_746] {strides = array<i32>} : memref<200x64xf32, #tpu.memory_space<vmem>>, vector<16xf32>,
        %mul3A_748 = arith.mulf %get3A_747, %get3A_307 : vector<16xf32>
        %add3A_749 = arith.addf %add3A_742, %mul3A_748 : vector<16xf32>
        %select_n3A = arith.select %lt3A_15, %add3A_344, %add3A_371 : vector<16xi1>, vector<16xf32>
        %lt3A_750 = arith.constant 0 : i32
        %lt3A_751 = vector.broadcast %lt3A_750 : i32 to vector<16xi32>
        %lt3A_752 = arith.cmpi slt, %xor3A_2, %lt3A_751 : vector<16xi32>
        %add3A_753 = arith.constant 16 : i32
        %add3A_754 = vector.broadcast %add3A_753 : i32 to vector<16xi32>
        %add3A_755 = arith.addi %xor3A_2, %add3A_754 : vector<16xi32>
        %select_n3A_756 = arith.select %lt3A_752, %add3A_755, %xor3A_2 : vector<16xi1>, vector<16xi32>
        %broadcast_in_dim3A = vector.shape_cast %select_n3A_756 : vector<16xi32> to vector<16x1xi32>
        %gather3A = vector.shape_cast %broadcast_in_dim3A : vector<16x1xi32> to vector<16xi32>
        %gather3A_757 = tpu.dynamic_gather %add3A_344[%gather3A] in [0] : vector<16xf32>, vector<16xi32> -> vector<16xf32>
        %lt3A_758 = arith.constant 0 : i32
        %lt3A_759 = vector.broadcast %lt3A_758 : i32 to vector<16xi32>
        %lt3A_760 = arith.cmpi slt, %xor3A_2, %lt3A_759 : vector<16xi32>
        %add3A_761 = arith.constant 16 : i32
        %add3A_762 = vector.broadcast %add3A_761 : i32 to vector<16xi32>
        %add3A_763 = arith.addi %xor3A_2, %add3A_762 : vector<16xi32>
        %select_n3A_764 = arith.select %lt3A_760, %add3A_763, %xor3A_2 : vector<16xi1>, vector<16xi32>
        %broadcast_in_dim3A_765 = vector.shape_cast %select_n3A_764 : vector<16xi32> to vector<16x1xi32>
        %gather3A_766 = vector.shape_cast %broadcast_in_dim3A_765 : vector<16x1xi32> to vector<16xi32>
        %gather3A_767 = tpu.dynamic_gather %add3A_371[%gather3A_766] in [0] : vector<16xf32>, vector<16xi32> -> vector<16xf32>
        %select_n3A_768 = arith.select %lt3A_15, %gather3A_757, %gather3A_767 : vector<16xi1>, vector<16xf32>
        %add3A_769 = arith.addf %select_n3A, %select_n3A_768 : vector<16xf32>
        %select_n3A_770 = arith.select %lt3A_15, %add3A_398, %add3A_425 : vector<16xi1>, vector<16xf32>
        %lt3A_771 = arith.constant 0 : i32
        %lt3A_772 = vector.broadcast %lt3A_771 : i32 to vector<16xi32>
        %lt3A_773 = arith.cmpi slt, %xor3A_2, %lt3A_772 : vector<16xi32>
        %add3A_774 = arith.constant 16 : i32
        %add3A_775 = vector.broadcast %add3A_774 : i32 to vector<16xi32>
        %add3A_776 = arith.addi %xor3A_2, %add3A_775 : vector<16xi32>
        %select_n3A_777 = arith.select %lt3A_773, %add3A_776, %xor3A_2 : vector<16xi1>, vector<16xi32>
        %broadcast_in_dim3A_778 = vector.shape_cast %select_n3A_777 : vector<16xi32> to vector<16x1xi32>
        %gather3A_779 = vector.shape_cast %broadcast_in_dim3A_778 : vector<16x1xi32> to vector<16xi32>
        %gather3A_780 = tpu.dynamic_gather %add3A_398[%gather3A_779] in [0] : vector<16xf32>, vector<16xi32> -> vector<16xf32>
        %lt3A_781 = arith.constant 0 : i32
        %lt3A_782 = vector.broadcast %lt3A_781 : i32 to vector<16xi32>
        %lt3A_783 = arith.cmpi slt, %xor3A_2, %lt3A_782 : vector<16xi32>
        %add3A_784 = arith.constant 16 : i32
        %add3A_785 = vector.broadcast %add3A_784 : i32 to vector<16xi32>
        %add3A_786 = arith.addi %xor3A_2, %add3A_785 : vector<16xi32>
        %select_n3A_787 = arith.select %lt3A_783, %add3A_786, %xor3A_2 : vector<16xi1>, vector<16xi32>
        %broadcast_in_dim3A_788 = vector.shape_cast %select_n3A_787 : vector<16xi32> to vector<16x1xi32>
        %gather3A_789 = vector.shape_cast %broadcast_in_dim3A_788 : vector<16x1xi32> to vector<16xi32>
        %gather3A_790 = tpu.dynamic_gather %add3A_425[%gather3A_789] in [0] : vector<16xf32>, vector<16xi32> -> vector<16xf32>
        %select_n3A_791 = arith.select %lt3A_15, %gather3A_780, %gather3A_790 : vector<16xi1>, vector<16xf32>
        %add3A_792 = arith.addf %select_n3A_770, %select_n3A_791 : vector<16xf32>
        %select_n3A_793 = arith.select %lt3A_15, %add3A_452, %add3A_479 : vector<16xi1>, vector<16xf32>
        %lt3A_794 = arith.constant 0 : i32
        %lt3A_795 = vector.broadcast %lt3A_794 : i32 to vector<16xi32>
        %lt3A_796 = arith.cmpi slt, %xor3A_2, %lt3A_795 : vector<16xi32>
        %add3A_797 = arith.constant 16 : i32
        %add3A_798 = vector.broadcast %add3A_797 : i32 to vector<16xi32>
        %add3A_799 = arith.addi %xor3A_2, %add3A_798 : vector<16xi32>
        %select_n3A_800 = arith.select %lt3A_796, %add3A_799, %xor3A_2 : vector<16xi1>, vector<16xi32>
        %broadcast_in_dim3A_801 = vector.shape_cast %select_n3A_800 : vector<16xi32> to vector<16x1xi32>
        %gather3A_802 = vector.shape_cast %broadcast_in_dim3A_801 : vector<16x1xi32> to vector<16xi32>
        %gather3A_803 = tpu.dynamic_gather %add3A_452[%gather3A_802] in [0] : vector<16xf32>, vector<16xi32> -> vector<16xf32>
        %lt3A_804 = arith.constant 0 : i32
        %lt3A_805 = vector.broadcast %lt3A_804 : i32 to vector<16xi32>
        %lt3A_806 = arith.cmpi slt, %xor3A_2, %lt3A_805 : vector<16xi32>
        %add3A_807 = arith.constant 16 : i32
        %add3A_808 = vector.broadcast %add3A_807 : i32 to vector<16xi32>
        %add3A_809 = arith.addi %xor3A_2, %add3A_808 : vector<16xi32>
        %select_n3A_810 = arith.select %lt3A_806, %add3A_809, %xor3A_2 : vector<16xi1>, vector<16xi32>
        %broadcast_in_dim3A_811 = vector.shape_cast %select_n3A_810 : vector<16xi32> to vector<16x1xi32>
        %gather3A_812 = vector.shape_cast %broadcast_in_dim3A_811 : vector<16x1xi32> to vector<16xi32>
        %gather3A_813 = tpu.dynamic_gather %add3A_479[%gather3A_812] in [0] : vector<16xf32>, vector<16xi32> -> vector<16xf32>
        %select_n3A_814 = arith.select %lt3A_15, %gather3A_803, %gather3A_813 : vector<16xi1>, vector<16xf32>
        %add3A_815 = arith.addf %select_n3A_793, %select_n3A_814 : vector<16xf32>
        %select_n3A_816 = arith.select %lt3A_15, %add3A_506, %add3A_533 : vector<16xi1>, vector<16xf32>
        %lt3A_817 = arith.constant 0 : i32
        %lt3A_818 = vector.broadcast %lt3A_817 : i32 to vector<16xi32>
        %lt3A_819 = arith.cmpi slt, %xor3A_2, %lt3A_818 : vector<16xi32>
        %add3A_820 = arith.constant 16 : i32
        %add3A_821 = vector.broadcast %add3A_820 : i32 to vector<16xi32>
        %add3A_822 = arith.addi %xor3A_2, %add3A_821 : vector<16xi32>
        %select_n3A_823 = arith.select %lt3A_819, %add3A_822, %xor3A_2 : vector<16xi1>, vector<16xi32>
        %broadcast_in_dim3A_824 = vector.shape_cast %select_n3A_823 : vector<16xi32> to vector<16x1xi32>
        %gather3A_825 = vector.shape_cast %broadcast_in_dim3A_824 : vector<16x1xi32> to vector<16xi32>
        %gather3A_826 = tpu.dynamic_gather %add3A_506[%gather3A_825] in [0] : vector<16xf32>, vector<16xi32> -> vector<16xf32>
        %lt3A_827 = arith.constant 0 : i32
        %lt3A_828 = vector.broadcast %lt3A_827 : i32 to vector<16xi32>
        %lt3A_829 = arith.cmpi slt, %xor3A_2, %lt3A_828 : vector<16xi32>
        %add3A_830 = arith.constant 16 : i32
        %add3A_831 = vector.broadcast %add3A_830 : i32 to vector<16xi32>
        %add3A_832 = arith.addi %xor3A_2, %add3A_831 : vector<16xi32>
        %select_n3A_833 = arith.select %lt3A_829, %add3A_832, %xor3A_2 : vector<16xi1>, vector<16xi32>
        %broadcast_in_dim3A_834 = vector.shape_cast %select_n3A_833 : vector<16xi32> to vector<16x1xi32>
        %gather3A_835 = vector.shape_cast %broadcast_in_dim3A_834 : vector<16x1xi32> to vector<16xi32>
        %gather3A_836 = tpu.dynamic_gather %add3A_533[%gather3A_835] in [0] : vector<16xf32>, vector<16xi32> -> vector<16xf32>
        %select_n3A_837 = arith.select %lt3A_15, %gather3A_826, %gather3A_836 : vector<16xi1>, vector<16xf32>
        %add3A_838 = arith.addf %select_n3A_816, %select_n3A_837 : vector<16xf32>
        %select_n3A_839 = arith.select %lt3A_15, %add3A_560, %add3A_587 : vector<16xi1>, vector<16xf32>
        %lt3A_840 = arith.constant 0 : i32
        %lt3A_841 = vector.broadcast %lt3A_840 : i32 to vector<16xi32>
        %lt3A_842 = arith.cmpi slt, %xor3A_2, %lt3A_841 : vector<16xi32>
        %add3A_843 = arith.constant 16 : i32
        %add3A_844 = vector.broadcast %add3A_843 : i32 to vector<16xi32>
        %add3A_845 = arith.addi %xor3A_2, %add3A_844 : vector<16xi32>
        %select_n3A_846 = arith.select %lt3A_842, %add3A_845, %xor3A_2 : vector<16xi1>, vector<16xi32>
        %broadcast_in_dim3A_847 = vector.shape_cast %select_n3A_846 : vector<16xi32> to vector<16x1xi32>
        %gather3A_848 = vector.shape_cast %broadcast_in_dim3A_847 : vector<16x1xi32> to vector<16xi32>
        %gather3A_849 = tpu.dynamic_gather %add3A_560[%gather3A_848] in [0] : vector<16xf32>, vector<16xi32> -> vector<16xf32>
        %lt3A_850 = arith.constant 0 : i32
        %lt3A_851 = vector.broadcast %lt3A_850 : i32 to vector<16xi32>
        %lt3A_852 = arith.cmpi slt, %xor3A_2, %lt3A_851 : vector<16xi32>
        %add3A_853 = arith.constant 16 : i32
        %add3A_854 = vector.broadcast %add3A_853 : i32 to vector<16xi32>
        %add3A_855 = arith.addi %xor3A_2, %add3A_854 : vector<16xi32>
        %select_n3A_856 = arith.select %lt3A_852, %add3A_855, %xor3A_2 : vector<16xi1>, vector<16xi32>
        %broadcast_in_dim3A_857 = vector.shape_cast %select_n3A_856 : vector<16xi32> to vector<16x1xi32>
        %gather3A_858 = vector.shape_cast %broadcast_in_dim3A_857 : vector<16x1xi32> to vector<16xi32>
        %gather3A_859 = tpu.dynamic_gather %add3A_587[%gather3A_858] in [0] : vector<16xf32>, vector<16xi32> -> vector<16xf32>
        %select_n3A_860 = arith.select %lt3A_15, %gather3A_849, %gather3A_859 : vector<16xi1>, vector<16xf32>
        %add3A_861 = arith.addf %select_n3A_839, %select_n3A_860 : vector<16xf32>
        %select_n3A_862 = arith.select %lt3A_15, %add3A_614, %add3A_641 : vector<16xi1>, vector<16xf32>
        %lt3A_863 = arith.constant 0 : i32
        %lt3A_864 = vector.broadcast %lt3A_863 : i32 to vector<16xi32>
        %lt3A_865 = arith.cmpi slt, %xor3A_2, %lt3A_864 : vector<16xi32>
        %add3A_866 = arith.constant 16 : i32
        %add3A_867 = vector.broadcast %add3A_866 : i32 to vector<16xi32>
        %add3A_868 = arith.addi %xor3A_2, %add3A_867 : vector<16xi32>
        %select_n3A_869 = arith.select %lt3A_865, %add3A_868, %xor3A_2 : vector<16xi1>, vector<16xi32>
        %broadcast_in_dim3A_870 = vector.shape_cast %select_n3A_869 : vector<16xi32> to vector<16x1xi32>
        %gather3A_871 = vector.shape_cast %broadcast_in_dim3A_870 : vector<16x1xi32> to vector<16xi32>
        %gather3A_872 = tpu.dynamic_gather %add3A_614[%gather3A_871] in [0] : vector<16xf32>, vector<16xi32> -> vector<16xf32>
        %lt3A_873 = arith.constant 0 : i32
        %lt3A_874 = vector.broadcast %lt3A_873 : i32 to vector<16xi32>
        %lt3A_875 = arith.cmpi slt, %xor3A_2, %lt3A_874 : vector<16xi32>
        %add3A_876 = arith.constant 16 : i32
        %add3A_877 = vector.broadcast %add3A_876 : i32 to vector<16xi32>
        %add3A_878 = arith.addi %xor3A_2, %add3A_877 : vector<16xi32>
        %select_n3A_879 = arith.select %lt3A_875, %add3A_878, %xor3A_2 : vector<16xi1>, vector<16xi32>
        %broadcast_in_dim3A_880 = vector.shape_cast %select_n3A_879 : vector<16xi32> to vector<16x1xi32>
        %gather3A_881 = vector.shape_cast %broadcast_in_dim3A_880 : vector<16x1xi32> to vector<16xi32>
        %gather3A_882 = tpu.dynamic_gather %add3A_641[%gather3A_881] in [0] : vector<16xf32>, vector<16xi32> -> vector<16xf32>
        %select_n3A_883 = arith.select %lt3A_15, %gather3A_872, %gather3A_882 : vector<16xi1>, vector<16xf32>
        %add3A_884 = arith.addf %select_n3A_862, %select_n3A_883 : vector<16xf32>
        %select_n3A_885 = arith.select %lt3A_15, %add3A_668, %add3A_695 : vector<16xi1>, vector<16xf32>
        %lt3A_886 = arith.constant 0 : i32
        %lt3A_887 = vector.broadcast %lt3A_886 : i32 to vector<16xi32>
        %lt3A_888 = arith.cmpi slt, %xor3A_2, %lt3A_887 : vector<16xi32>
        %add3A_889 = arith.constant 16 : i32
        %add3A_890 = vector.broadcast %add3A_889 : i32 to vector<16xi32>
        %add3A_891 = arith.addi %xor3A_2, %add3A_890 : vector<16xi32>
        %select_n3A_892 = arith.select %lt3A_888, %add3A_891, %xor3A_2 : vector<16xi1>, vector<16xi32>
        %broadcast_in_dim3A_893 = vector.shape_cast %select_n3A_892 : vector<16xi32> to vector<16x1xi32>
        %gather3A_894 = vector.shape_cast %broadcast_in_dim3A_893 : vector<16x1xi32> to vector<16xi32>
        %gather3A_895 = tpu.dynamic_gather %add3A_668[%gather3A_894] in [0] : vector<16xf32>, vector<16xi32> -> vector<16xf32>
        %lt3A_896 = arith.constant 0 : i32
        %lt3A_897 = vector.broadcast %lt3A_896 : i32 to vector<16xi32>
        %lt3A_898 = arith.cmpi slt, %xor3A_2, %lt3A_897 : vector<16xi32>
        %add3A_899 = arith.constant 16 : i32
        %add3A_900 = vector.broadcast %add3A_899 : i32 to vector<16xi32>
        %add3A_901 = arith.addi %xor3A_2, %add3A_900 : vector<16xi32>
        %select_n3A_902 = arith.select %lt3A_898, %add3A_901, %xor3A_2 : vector<16xi1>, vector<16xi32>
        %broadcast_in_dim3A_903 = vector.shape_cast %select_n3A_902 : vector<16xi32> to vector<16x1xi32>
        %gather3A_904 = vector.shape_cast %broadcast_in_dim3A_903 : vector<16x1xi32> to vector<16xi32>
        %gather3A_905 = tpu.dynamic_gather %add3A_695[%gather3A_904] in [0] : vector<16xf32>, vector<16xi32> -> vector<16xf32>
        %select_n3A_906 = arith.select %lt3A_15, %gather3A_895, %gather3A_905 : vector<16xi1>, vector<16xf32>
        %add3A_907 = arith.addf %select_n3A_885, %select_n3A_906 : vector<16xf32>
        %select_n3A_908 = arith.select %lt3A_15, %add3A_722, %add3A_749 : vector<16xi1>, vector<16xf32>
        %lt3A_909 = arith.constant 0 : i32
        %lt3A_910 = vector.broadcast %lt3A_909 : i32 to vector<16xi32>
        %lt3A_911 = arith.cmpi slt, %xor3A_2, %lt3A_910 : vector<16xi32>
        %add3A_912 = arith.constant 16 : i32
        %add3A_913 = vector.broadcast %add3A_912 : i32 to vector<16xi32>
        %add3A_914 = arith.addi %xor3A_2, %add3A_913 : vector<16xi32>
        %select_n3A_915 = arith.select %lt3A_911, %add3A_914, %xor3A_2 : vector<16xi1>, vector<16xi32>
        %broadcast_in_dim3A_916 = vector.shape_cast %select_n3A_915 : vector<16xi32> to vector<16x1xi32>
        %gather3A_917 = vector.shape_cast %broadcast_in_dim3A_916 : vector<16x1xi32> to vector<16xi32>
        %gather3A_918 = tpu.dynamic_gather %add3A_722[%gather3A_917] in [0] : vector<16xf32>, vector<16xi32> -> vector<16xf32>
        %lt3A_919 = arith.constant 0 : i32
        %lt3A_920 = vector.broadcast %lt3A_919 : i32 to vector<16xi32>
        %lt3A_921 = arith.cmpi slt, %xor3A_2, %lt3A_920 : vector<16xi32>
        %add3A_922 = arith.constant 16 : i32
        %add3A_923 = vector.broadcast %add3A_922 : i32 to vector<16xi32>
        %add3A_924 = arith.addi %xor3A_2, %add3A_923 : vector<16xi32>
        %select_n3A_925 = arith.select %lt3A_921, %add3A_924, %xor3A_2 : vector<16xi1>, vector<16xi32>
        %broadcast_in_dim3A_926 = vector.shape_cast %select_n3A_925 : vector<16xi32> to vector<16x1xi32>
        %gather3A_927 = vector.shape_cast %broadcast_in_dim3A_926 : vector<16x1xi32> to vector<16xi32>
        %gather3A_928 = tpu.dynamic_gather %add3A_749[%gather3A_927] in [0] : vector<16xf32>, vector<16xi32> -> vector<16xf32>
        %select_n3A_929 = arith.select %lt3A_15, %gather3A_918, %gather3A_928 : vector<16xi1>, vector<16xf32>
        %add3A_930 = arith.addf %select_n3A_908, %select_n3A_929 : vector<16xf32>
        %select_n3A_931 = arith.select %lt3A_21, %add3A_769, %add3A_792 : vector<16xi1>, vector<16xf32>
        %lt3A_932 = arith.constant 0 : i32
        %lt3A_933 = vector.broadcast %lt3A_932 : i32 to vector<16xi32>
        %lt3A_934 = arith.cmpi slt, %xor3A_5, %lt3A_933 : vector<16xi32>
        %add3A_935 = arith.constant 16 : i32
        %add3A_936 = vector.broadcast %add3A_935 : i32 to vector<16xi32>
        %add3A_937 = arith.addi %xor3A_5, %add3A_936 : vector<16xi32>
        %select_n3A_938 = arith.select %lt3A_934, %add3A_937, %xor3A_5 : vector<16xi1>, vector<16xi32>
        %broadcast_in_dim3A_939 = vector.shape_cast %select_n3A_938 : vector<16xi32> to vector<16x1xi32>
        %gather3A_940 = vector.shape_cast %broadcast_in_dim3A_939 : vector<16x1xi32> to vector<16xi32>
        %gather3A_941 = tpu.dynamic_gather %add3A_769[%gather3A_940] in [0] : vector<16xf32>, vector<16xi32> -> vector<16xf32>
        %lt3A_942 = arith.constant 0 : i32
        %lt3A_943 = vector.broadcast %lt3A_942 : i32 to vector<16xi32>
        %lt3A_944 = arith.cmpi slt, %xor3A_5, %lt3A_943 : vector<16xi32>
        %add3A_945 = arith.constant 16 : i32
        %add3A_946 = vector.broadcast %add3A_945 : i32 to vector<16xi32>
        %add3A_947 = arith.addi %xor3A_5, %add3A_946 : vector<16xi32>
        %select_n3A_948 = arith.select %lt3A_944, %add3A_947, %xor3A_5 : vector<16xi1>, vector<16xi32>
        %broadcast_in_dim3A_949 = vector.shape_cast %select_n3A_948 : vector<16xi32> to vector<16x1xi32>
        %gather3A_950 = vector.shape_cast %broadcast_in_dim3A_949 : vector<16x1xi32> to vector<16xi32>
        %gather3A_951 = tpu.dynamic_gather %add3A_792[%gather3A_950] in [0] : vector<16xf32>, vector<16xi32> -> vector<16xf32>
        %select_n3A_952 = arith.select %lt3A_21, %gather3A_941, %gather3A_951 : vector<16xi1>, vector<16xf32>
        %add3A_953 = arith.addf %select_n3A_931, %select_n3A_952 : vector<16xf32>
        %select_n3A_954 = arith.select %lt3A_21, %add3A_815, %add3A_838 : vector<16xi1>, vector<16xf32>
        %lt3A_955 = arith.constant 0 : i32
        %lt3A_956 = vector.broadcast %lt3A_955 : i32 to vector<16xi32>
        %lt3A_957 = arith.cmpi slt, %xor3A_5, %lt3A_956 : vector<16xi32>
        %add3A_958 = arith.constant 16 : i32
        %add3A_959 = vector.broadcast %add3A_958 : i32 to vector<16xi32>
        %add3A_960 = arith.addi %xor3A_5, %add3A_959 : vector<16xi32>
        %select_n3A_961 = arith.select %lt3A_957, %add3A_960, %xor3A_5 : vector<16xi1>, vector<16xi32>
        %broadcast_in_dim3A_962 = vector.shape_cast %select_n3A_961 : vector<16xi32> to vector<16x1xi32>
        %gather3A_963 = vector.shape_cast %broadcast_in_dim3A_962 : vector<16x1xi32> to vector<16xi32>
        %gather3A_964 = tpu.dynamic_gather %add3A_815[%gather3A_963] in [0] : vector<16xf32>, vector<16xi32> -> vector<16xf32>
        %lt3A_965 = arith.constant 0 : i32
        %lt3A_966 = vector.broadcast %lt3A_965 : i32 to vector<16xi32>
        %lt3A_967 = arith.cmpi slt, %xor3A_5, %lt3A_966 : vector<16xi32>
        %add3A_968 = arith.constant 16 : i32
        %add3A_969 = vector.broadcast %add3A_968 : i32 to vector<16xi32>
        %add3A_970 = arith.addi %xor3A_5, %add3A_969 : vector<16xi32>
        %select_n3A_971 = arith.select %lt3A_967, %add3A_970, %xor3A_5 : vector<16xi1>, vector<16xi32>
        %broadcast_in_dim3A_972 = vector.shape_cast %select_n3A_971 : vector<16xi32> to vector<16x1xi32>
        %gather3A_973 = vector.shape_cast %broadcast_in_dim3A_972 : vector<16x1xi32> to vector<16xi32>
        %gather3A_974 = tpu.dynamic_gather %add3A_838[%gather3A_973] in [0] : vector<16xf32>, vector<16xi32> -> vector<16xf32>
        %select_n3A_975 = arith.select %lt3A_21, %gather3A_964, %gather3A_974 : vector<16xi1>, vector<16xf32>
        %add3A_976 = arith.addf %select_n3A_954, %select_n3A_975 : vector<16xf32>
        %select_n3A_977 = arith.select %lt3A_21, %add3A_861, %add3A_884 : vector<16xi1>, vector<16xf32>
        %lt3A_978 = arith.constant 0 : i32
        %lt3A_979 = vector.broadcast %lt3A_978 : i32 to vector<16xi32>
        %lt3A_980 = arith.cmpi slt, %xor3A_5, %lt3A_979 : vector<16xi32>
        %add3A_981 = arith.constant 16 : i32
        %add3A_982 = vector.broadcast %add3A_981 : i32 to vector<16xi32>
        %add3A_983 = arith.addi %xor3A_5, %add3A_982 : vector<16xi32>
        %select_n3A_984 = arith.select %lt3A_980, %add3A_983, %xor3A_5 : vector<16xi1>, vector<16xi32>
        %broadcast_in_dim3A_985 = vector.shape_cast %select_n3A_984 : vector<16xi32> to vector<16x1xi32>
        %gather3A_986 = vector.shape_cast %broadcast_in_dim3A_985 : vector<16x1xi32> to vector<16xi32>
        %gather3A_987 = tpu.dynamic_gather %add3A_861[%gather3A_986] in [0] : vector<16xf32>, vector<16xi32> -> vector<16xf32>
        %lt3A_988 = arith.constant 0 : i32
        %lt3A_989 = vector.broadcast %lt3A_988 : i32 to vector<16xi32>
        %lt3A_990 = arith.cmpi slt, %xor3A_5, %lt3A_989 : vector<16xi32>
        %add3A_991 = arith.constant 16 : i32
        %add3A_992 = vector.broadcast %add3A_991 : i32 to vector<16xi32>
        %add3A_993 = arith.addi %xor3A_5, %add3A_992 : vector<16xi32>
        %select_n3A_994 = arith.select %lt3A_990, %add3A_993, %xor3A_5 : vector<16xi1>, vector<16xi32>
        %broadcast_in_dim3A_995 = vector.shape_cast %select_n3A_994 : vector<16xi32> to vector<16x1xi32>
        %gather3A_996 = vector.shape_cast %broadcast_in_dim3A_995 : vector<16x1xi32> to vector<16xi32>
        %gather3A_997 = tpu.dynamic_gather %add3A_884[%gather3A_996] in [0] : vector<16xf32>, vector<16xi32> -> vector<16xf32>
        %select_n3A_998 = arith.select %lt3A_21, %gather3A_987, %gather3A_997 : vector<16xi1>, vector<16xf32>
        %add3A_999 = arith.addf %select_n3A_977, %select_n3A_998 : vector<16xf32>
        %select_n3A_1000 = arith.select %lt3A_21, %add3A_907, %add3A_930 : vector<16xi1>, vector<16xf32>
        %lt3A_1001 = arith.constant 0 : i32
        %lt3A_1002 = vector.broadcast %lt3A_1001 : i32 to vector<16xi32>
        %lt3A_1003 = arith.cmpi slt, %xor3A_5, %lt3A_1002 : vector<16xi32>
        %add3A_1004 = arith.constant 16 : i32
        %add3A_1005 = vector.broadcast %add3A_1004 : i32 to vector<16xi32>
        %add3A_1006 = arith.addi %xor3A_5, %add3A_1005 : vector<16xi32>
        %select_n3A_1007 = arith.select %lt3A_1003, %add3A_1006, %xor3A_5 : vector<16xi1>, vector<16xi32>
        %broadcast_in_dim3A_1008 = vector.shape_cast %select_n3A_1007 : vector<16xi32> to vector<16x1xi32>
        %gather3A_1009 = vector.shape_cast %broadcast_in_dim3A_1008 : vector<16x1xi32> to vector<16xi32>
        %gather3A_1010 = tpu.dynamic_gather %add3A_907[%gather3A_1009] in [0] : vector<16xf32>, vector<16xi32> -> vector<16xf32>
        %lt3A_1011 = arith.constant 0 : i32
        %lt3A_1012 = vector.broadcast %lt3A_1011 : i32 to vector<16xi32>
        %lt3A_1013 = arith.cmpi slt, %xor3A_5, %lt3A_1012 : vector<16xi32>
        %add3A_1014 = arith.constant 16 : i32
        %add3A_1015 = vector.broadcast %add3A_1014 : i32 to vector<16xi32>
        %add3A_1016 = arith.addi %xor3A_5, %add3A_1015 : vector<16xi32>
        %select_n3A_1017 = arith.select %lt3A_1013, %add3A_1016, %xor3A_5 : vector<16xi1>, vector<16xi32>
        %broadcast_in_dim3A_1018 = vector.shape_cast %select_n3A_1017 : vector<16xi32> to vector<16x1xi32>
        %gather3A_1019 = vector.shape_cast %broadcast_in_dim3A_1018 : vector<16x1xi32> to vector<16xi32>
        %gather3A_1020 = tpu.dynamic_gather %add3A_930[%gather3A_1019] in [0] : vector<16xf32>, vector<16xi32> -> vector<16xf32>
        %select_n3A_1021 = arith.select %lt3A_21, %gather3A_1010, %gather3A_1020 : vector<16xi1>, vector<16xf32>
        %add3A_1022 = arith.addf %select_n3A_1000, %select_n3A_1021 : vector<16xf32>
        %select_n3A_1023 = arith.select %lt3A_27, %add3A_953, %add3A_976 : vector<16xi1>, vector<16xf32>
        %lt3A_1024 = arith.constant 0 : i32
        %lt3A_1025 = vector.broadcast %lt3A_1024 : i32 to vector<16xi32>
        %lt3A_1026 = arith.cmpi slt, %xor3A_8, %lt3A_1025 : vector<16xi32>
        %add3A_1027 = arith.constant 16 : i32
        %add3A_1028 = vector.broadcast %add3A_1027 : i32 to vector<16xi32>
        %add3A_1029 = arith.addi %xor3A_8, %add3A_1028 : vector<16xi32>
        %select_n3A_1030 = arith.select %lt3A_1026, %add3A_1029, %xor3A_8 : vector<16xi1>, vector<16xi32>
        %broadcast_in_dim3A_1031 = vector.shape_cast %select_n3A_1030 : vector<16xi32> to vector<16x1xi32>
        %gather3A_1032 = vector.shape_cast %broadcast_in_dim3A_1031 : vector<16x1xi32> to vector<16xi32>
        %gather3A_1033 = tpu.dynamic_gather %add3A_953[%gather3A_1032] in [0] : vector<16xf32>, vector<16xi32> -> vector<16xf32>
        %lt3A_1034 = arith.constant 0 : i32
        %lt3A_1035 = vector.broadcast %lt3A_1034 : i32 to vector<16xi32>
        %lt3A_1036 = arith.cmpi slt, %xor3A_8, %lt3A_1035 : vector<16xi32>
        %add3A_1037 = arith.constant 16 : i32
        %add3A_1038 = vector.broadcast %add3A_1037 : i32 to vector<16xi32>
        %add3A_1039 = arith.addi %xor3A_8, %add3A_1038 : vector<16xi32>
        %select_n3A_1040 = arith.select %lt3A_1036, %add3A_1039, %xor3A_8 : vector<16xi1>, vector<16xi32>
        %broadcast_in_dim3A_1041 = vector.shape_cast %select_n3A_1040 : vector<16xi32> to vector<16x1xi32>
        %gather3A_1042 = vector.shape_cast %broadcast_in_dim3A_1041 : vector<16x1xi32> to vector<16xi32>
        %gather3A_1043 = tpu.dynamic_gather %add3A_976[%gather3A_1042] in [0] : vector<16xf32>, vector<16xi32> -> vector<16xf32>
        %select_n3A_1044 = arith.select %lt3A_27, %gather3A_1033, %gather3A_1043 : vector<16xi1>, vector<16xf32>
        %add3A_1045 = arith.addf %select_n3A_1023, %select_n3A_1044 : vector<16xf32>
        %select_n3A_1046 = arith.select %lt3A_27, %add3A_999, %add3A_1022 : vector<16xi1>, vector<16xf32>
        %lt3A_1047 = arith.constant 0 : i32
        %lt3A_1048 = vector.broadcast %lt3A_1047 : i32 to vector<16xi32>
        %lt3A_1049 = arith.cmpi slt, %xor3A_8, %lt3A_1048 : vector<16xi32>
        %add3A_1050 = arith.constant 16 : i32
        %add3A_1051 = vector.broadcast %add3A_1050 : i32 to vector<16xi32>
        %add3A_1052 = arith.addi %xor3A_8, %add3A_1051 : vector<16xi32>
        %select_n3A_1053 = arith.select %lt3A_1049, %add3A_1052, %xor3A_8 : vector<16xi1>, vector<16xi32>
        %broadcast_in_dim3A_1054 = vector.shape_cast %select_n3A_1053 : vector<16xi32> to vector<16x1xi32>
        %gather3A_1055 = vector.shape_cast %broadcast_in_dim3A_1054 : vector<16x1xi32> to vector<16xi32>
        %gather3A_1056 = tpu.dynamic_gather %add3A_999[%gather3A_1055] in [0] : vector<16xf32>, vector<16xi32> -> vector<16xf32>
        %lt3A_1057 = arith.constant 0 : i32
        %lt3A_1058 = vector.broadcast %lt3A_1057 : i32 to vector<16xi32>
        %lt3A_1059 = arith.cmpi slt, %xor3A_8, %lt3A_1058 : vector<16xi32>
        %add3A_1060 = arith.constant 16 : i32
        %add3A_1061 = vector.broadcast %add3A_1060 : i32 to vector<16xi32>
        %add3A_1062 = arith.addi %xor3A_8, %add3A_1061 : vector<16xi32>
        %select_n3A_1063 = arith.select %lt3A_1059, %add3A_1062, %xor3A_8 : vector<16xi1>, vector<16xi32>
        %broadcast_in_dim3A_1064 = vector.shape_cast %select_n3A_1063 : vector<16xi32> to vector<16x1xi32>
        %gather3A_1065 = vector.shape_cast %broadcast_in_dim3A_1064 : vector<16x1xi32> to vector<16xi32>
        %gather3A_1066 = tpu.dynamic_gather %add3A_1022[%gather3A_1065] in [0] : vector<16xf32>, vector<16xi32> -> vector<16xf32>
        %select_n3A_1067 = arith.select %lt3A_27, %gather3A_1056, %gather3A_1066 : vector<16xi1>, vector<16xf32>
        %add3A_1068 = arith.addf %select_n3A_1046, %select_n3A_1067 : vector<16xf32>
        %select_n3A_1069 = arith.select %lt3A_33, %add3A_1045, %add3A_1068 : vector<16xi1>, vector<16xf32>
        %lt3A_1070 = arith.constant 0 : i32
        %lt3A_1071 = vector.broadcast %lt3A_1070 : i32 to vector<16xi32>
        %lt3A_1072 = arith.cmpi slt, %xor3A_11, %lt3A_1071 : vector<16xi32>
        %add3A_1073 = arith.constant 16 : i32
        %add3A_1074 = vector.broadcast %add3A_1073 : i32 to vector<16xi32>
        %add3A_1075 = arith.addi %xor3A_11, %add3A_1074 : vector<16xi32>
        %select_n3A_1076 = arith.select %lt3A_1072, %add3A_1075, %xor3A_11 : vector<16xi1>, vector<16xi32>
        %broadcast_in_dim3A_1077 = vector.shape_cast %select_n3A_1076 : vector<16xi32> to vector<16x1xi32>
        %gather3A_1078 = vector.shape_cast %broadcast_in_dim3A_1077 : vector<16x1xi32> to vector<16xi32>
        %gather3A_1079 = tpu.dynamic_gather %add3A_1045[%gather3A_1078] in [0] : vector<16xf32>, vector<16xi32> -> vector<16xf32>
        %lt3A_1080 = arith.constant 0 : i32
        %lt3A_1081 = vector.broadcast %lt3A_1080 : i32 to vector<16xi32>
        %lt3A_1082 = arith.cmpi slt, %xor3A_11, %lt3A_1081 : vector<16xi32>
        %add3A_1083 = arith.constant 16 : i32
        %add3A_1084 = vector.broadcast %add3A_1083 : i32 to vector<16xi32>
        %add3A_1085 = arith.addi %xor3A_11, %add3A_1084 : vector<16xi32>
        %select_n3A_1086 = arith.select %lt3A_1082, %add3A_1085, %xor3A_11 : vector<16xi1>, vector<16xi32>
        %broadcast_in_dim3A_1087 = vector.shape_cast %select_n3A_1086 : vector<16xi32> to vector<16x1xi32>
        %gather3A_1088 = vector.shape_cast %broadcast_in_dim3A_1087 : vector<16x1xi32> to vector<16xi32>
        %gather3A_1089 = tpu.dynamic_gather %add3A_1068[%gather3A_1088] in [0] : vector<16xf32>, vector<16xi32> -> vector<16xf32>
        %select_n3A_1090 = arith.select %lt3A_33, %gather3A_1079, %gather3A_1089 : vector<16xi1>, vector<16xf32>
        %add3A_1091 = arith.addf %select_n3A_1069, %select_n3A_1090 : vector<16xf32>
        %lt3A_1092 = arith.constant 0 : i32
        %lt3A_1093 = vector.broadcast %lt3A_1092 : i32 to vector<16xi32>
        %lt3A_1094 = arith.cmpi slt, %or3A_57, %lt3A_1093 : vector<16xi32>
        %add3A_1095 = arith.constant 16 : i32
        %add3A_1096 = vector.broadcast %add3A_1095 : i32 to vector<16xi32>
        %add3A_1097 = arith.addi %or3A_57, %add3A_1096 : vector<16xi32>
        %select_n3A_1098 = arith.select %lt3A_1094, %add3A_1097, %or3A_57 : vector<16xi1>, vector<16xi32>
        %broadcast_in_dim3A_1099 = vector.shape_cast %select_n3A_1098 : vector<16xi32> to vector<16x1xi32>
        %gather3A_1100 = vector.shape_cast %broadcast_in_dim3A_1099 : vector<16x1xi32> to vector<16xi32>
        %gather3A_1101 = tpu.dynamic_gather %add3A_1091[%gather3A_1100] in [0] : vector<16xf32>, vector<16xi32> -> vector<16xf32>
        %mul3A_1102 = arith.constant 200 : i32
        %mul3A_1103 = arith.muli %add3A_268, %mul3A_1102 : i32
        %add3A_1104 = arith.addi %mul3A_1103, %min3A_317 : i32
        %swap3A = arith.index_cast %add3A_1104 : i32 to index
        %swap3A_1105 = tpu.vector_load %arg12[%swap3A] {strides = array<i32>} : memref<25600xf32, #tpu.memory_space<vmem>>, vector<16xf32>,
        tpu.vector_store %arg12[%swap3A], %gather3A_1101 {strides = array<i32>} : memref<25600xf32, #tpu.memory_space<vmem>>, vector<16xf32>,
      }
      %scan3A_313 = arith.constant 13 : i32
    }
    %scan3A_127 = arith.constant 32 : i32
    "tpu.region"() ({
      %run_scoped3A = tpu.sem_alloc : memref<!tpu.dma_semaphore, #tpu.memory_space<semaphore_mem>>
      %dma_start3A_128 = arith.constant 0 : i32
      %dma_start3A_129 = tpu.memref_slice %arg5[%add3A, %dma_start3A_128] : memref<32x25600xf32, #tpu.memory_space<hbm>> -> memref<1x25600xf32, #tpu.memory_space<hbm>>
      %dma_start3A_130 = tpu.memref_squeeze %dma_start3A_129 : memref<1x25600xf32, #tpu.memory_space<hbm>> -> memref<25600xf32, #tpu.memory_space<hbm>>
      %dma_start3A_131 = arith.constant 0 : i32
      %dma_start3A_132 = tpu.memref_slice %arg5[%add3A, %dma_start3A_131] : memref<32x25600xf32, #tpu.memory_space<hbm>> -> memref<1x25600xf32, #tpu.memory_space<hbm>>
      %dma_start3A_133 = tpu.memref_squeeze %dma_start3A_132 : memref<1x25600xf32, #tpu.memory_space<hbm>> -> memref<25600xf32, #tpu.memory_space<hbm>>
      tpu.enqueue_dma source(%arg12 : memref<25600xf32, #tpu.memory_space<vmem>>) target(%dma_start3A_133 : memref<25600xf32, #tpu.memory_space<hbm>>) target_semaphore(%run_scoped3A : memref<!tpu.dma_semaphore, #tpu.memory_space<semaphore_mem>>)
      %dma_wait3A = arith.constant 0 : i32
      %dma_wait3A_134 = tpu.memref_slice %arg5[%add3A, %dma_wait3A] : memref<32x25600xf32, #tpu.memory_space<hbm>> -> memref<1x25600xf32, #tpu.memory_space<hbm>>
      %dma_wait3A_135 = tpu.memref_squeeze %dma_wait3A_134 : memref<1x25600xf32, #tpu.memory_space<hbm>> -> memref<25600xf32, #tpu.memory_space<hbm>>
      %dma_wait3A_136 = arith.constant 0 : i32
      %dma_wait3A_137 = tpu.memref_slice %arg5[%add3A, %dma_wait3A_136] : memref<32x25600xf32, #tpu.memory_space<hbm>> -> memref<1x25600xf32, #tpu.memory_space<hbm>>
      %dma_wait3A_138 = tpu.memref_squeeze %dma_wait3A_137 : memref<1x25600xf32, #tpu.memory_space<hbm>> -> memref<25600xf32, #tpu.memory_space<hbm>>
      tpu.wait_dma2 semaphore(%run_scoped3A : memref<!tpu.dma_semaphore, #tpu.memory_space<semaphore_mem>>) src(%arg12 : memref<25600xf32, #tpu.memory_space<vmem>>) dst(%dma_wait3A_138 : memref<25600xf32, #tpu.memory_space<hbm>>)
      tpu.yield
    }) : () -> ()
    return
  }
}

</mosaic_0001>

<sc_bundles>
// kernel: kernel.3.cloned.1.call-start
scs
__scs_entry_jumppad:
0x0: {  	(pc) =	sbr.rel $0x88, $3  }
0x1: {  	(tag) =	ssettag $0x0;
	lr =	simm.s32 $0x1  }
0x2: {  	[smem:$0x3F9D] =	sst lr;
	_ =	strace $0xD0000000  }
0x3: {  	_ = 	snop  }
0x4: {  	_ = 	snop  }
0x5: {  	_ = 	snop  }
0x6: {  	_ = 	snop  }
0x7: {  	_ = 	snop  }
__scs_overlays_trampoline_lowered:
0x8: {  	[smem:$0x3FAC] =	sst s0  }
0x9: {  	[smem:$0x3FAD] =	sst s1  }
0xa: {  	[smem:$0x3FAE] =	sst s2  }
0xb: {  	[smem:$0x3FAF] =	sst s3  }
0xc: {  	[smem:$0x3FB0] =	sst s4  }
0xd: {  	[smem:$0x3FB1] =	sst s5  }
0xe: {  	[smem:$0x3FB2] =	sst s6  }
0xf: {  	[smem:$0x3FB3] =	sst s7  }
0x10: {  	[smem:$0x3FB4] =	sst s8  }
0x11: {  	[smem:$0x3FB5] =	sst s9;
	s0 =	simm.s32 @!p0 $0x0  }
0x12: {  	s1 =	sld [smem:$0x3F9B];
	s0 =	simm.s32 @p0 $0x1  }
0x13: {  	[smem:$0x3FB6] =	sst s0;
	s0 =	simm.s32 @!p1 $0x0  }
0x14: {  	s2 =	sld [smem:$0x3F9A];
	s0 =	simm.s32 @p1 $0x1  }
0x15: {  	[smem:$0x3FB7] =	sst s0;
	s0 =	simm.s32 @!p2 $0x0  }
0x16: {  	s3 =	sld [smem:$0x3FDB];
	s0 =	simm.s32 @p2 $0x1  }
0x17: {  	s4 =	simm.s32 $0x1BF5;
	[smem:$0x3FB9] =	sst s0  }
0x18: {  	s0 =	sld [smem:$0x3F9C];
	_ =	swait.ge [sflag:s4], $0x0  }
0x19: {  	s7 =	sld [smem:$0x3F9D]  }
0x1a: {  	s8 =	sadd.s32 $0xFFFFE003, lr  }
0x1b: {  	s9 =	sadd.s32 $0xFFFFFEF7, lr;
	s5 =	simm.s32 $0xFFFFFFFF;
	p2 =	slt.u32 s8, $0xFFFFF086  }
0x1c: {  	p1 =	slt.u32 s9, $0xF7A;
	s5 =	simm.s32 @!p2 $0x0  }
0x1d: {  	s5 =	simm.s32 @p1 $0x1;
	p0 =	seq.s32 s7, s2  }
0x1e: {  	s7 =	smul.u32 @!p0 $0xF7A, s2;
	p2 =	seq.s32 @!p0 s5, $0x0  }
0x1f: {  	s9 =	smul.u32 $0xF7A, s1;
	s8 =	simm.s32 @!p0 $0x1BF5;
	p2 =	por !p2, p0  }
0x20: {  	[sflag:s8] =	ssyncset.s32 @!p0 $0xFFFFF086;
	s6 =	sadd.s32 @!p0 s3, s7;
	s7 =	simm.s32 @!p0 $0x108  }
0x21: {  	s3 =	sadd.s32 s3, s9;
	s6 =	sadd.s32 @!p0 $0x88, s6;
	s7 =	simm.s32 @p2 $0x1082  }
0x22: {  	[simem:s7], [sflag:s8] =	dma.local @!p0 [hbm:s6], $0xF7A  }
0x23: {  	s9 =	sor.u32 $0xD0000000, s2;
	s6 =	simm.s32 $0x108;
	_ =	swait.ge @!p0 [sflag:s8], $0x0  }
0x24: {  	s3 =	sadd.s32 $0x88, s3;
	s6 =	simm.s32 @!p1 $0x1082;
	[sflag:s4] =	ssyncset.s32 $0xFFFFF086  }
0x25: {  	[simem:s6], [sflag:s4] =	dma.local [hbm:s3], $0xF7A  }
0x26: {  	[smem:$0x3F9D] =	sst s1;
	(tag) =	ssettag s2;
	_ =	strace s9  }
0x27: {  	s1 =	sld [smem:$0x3FAD]  }
0x28: {  	s2 =	sld [smem:$0x3FAE]  }
0x29: {  	s4 =	sld [smem:$0x3FB0]  }
0x2a: {  	p0 =	seq.s32 s5, $0x0;
	s5 =	sld [smem:$0x3FB1]  }
0x2b: {  	s6 =	sld [smem:$0x3FB2]  }
0x2c: {  	s7 =	sld [smem:$0x3FB3]  }
0x2d: {  	s3 =	simm.s32 $0x108;
	s8 =	sld [smem:$0x3FB4]  }
0x2e: {  	s3 =	simm.s32 @!p0 $0x1082;
	s9 =	sld [smem:$0x3FB5]  }
0x2f: {  	lr =	sadd.s32 s0, s3;
	s0 =	sld [smem:$0x3FAC]  }
0x30: {  	s3 =	sld [smem:$0x3FAF]  }
0x31: {  	[smem:$0x3FB8] =	sst s10  }
0x32: {  	s10 =	sld [smem:$0x3FB6];
	_ =	sdelay $0x3  }
0x33: {  	p0 =	seq.s32 s10, $0x1;
	s10 =	sld [smem:$0x3FB8];
	_ =	sdelay $0x3  }
0x34: {  	[smem:$0x3FB8] =	sst s10  }
0x35: {  	s10 =	sld [smem:$0x3FB7];
	_ =	sdelay $0x3  }
0x36: {  	p1 =	seq.s32 s10, $0x1;
	s10 =	sld [smem:$0x3FB8];
	_ =	sdelay $0x3  }
0x37: {  	[smem:$0x3FB8] =	sst s10  }
0x38: {  	s10 =	sld [smem:$0x3FB9]  }
0x39: {  	_ = 	snop;
	(pc) =	sbr.ind lr, $3  }
0x3a: {  	_ = 	snop  }
0x3b: {  	_ = 	snop  }
0x3c: {  	p2 =	seq.s32 s10, $0x1;
	s10 =	sld [smem:$0x3FB8]  }
0x3d: {  	_ =	shalt  }
0x3e: {  	_ =	shalt  }
0x3f: {  	_ =	shalt  }
0x40: {  	_ =	shalt  }
0x41: {  	_ =	shalt  }
0x42: {  	_ =	shalt  }
0x43: {  	_ =	shalt  }
0x44: {  	_ =	shalt  }
0x45: {  	_ =	shalt  }
0x46: {  	_ =	shalt  }
0x47: {  	_ =	shalt  }
0x48: {  	_ =	shalt  }
0x49: {  	_ =	shalt  }
0x4a: {  	_ =	shalt  }
0x4b: {  	_ =	shalt  }
0x4c: {  	_ =	shalt  }
0x4d: {  	_ =	shalt  }
0x4e: {  	_ =	shalt  }
0x4f: {  	_ =	shalt  }
0x50: {  	_ =	shalt  }
0x51: {  	_ =	shalt  }
0x52: {  	_ =	shalt  }
0x53: {  	_ =	shalt  }
0x54: {  	_ =	shalt  }
0x55: {  	_ =	shalt  }
0x56: {  	_ =	shalt  }
0x57: {  	_ =	shalt  }
0x58: {  	_ =	shalt  }
0x59: {  	_ =	shalt  }
0x5a: {  	_ =	shalt  }
0x5b: {  	_ =	shalt  }
0x5c: {  	_ =	shalt  }
0x5d: {  	_ =	shalt  }
0x5e: {  	_ =	shalt  }
0x5f: {  	_ =	shalt  }
0x60: {  	_ =	shalt  }
0x61: {  	_ =	shalt  }
0x62: {  	_ =	shalt  }
0x63: {  	_ =	shalt  }
0x64: {  	_ =	shalt  }
0x65: {  	_ =	shalt  }
0x66: {  	_ =	shalt  }
0x67: {  	_ =	shalt  }
0x68: {  	_ =	shalt  }
0x69: {  	_ =	shalt  }
0x6a: {  	_ =	shalt  }
0x6b: {  	_ =	shalt  }
0x6c: {  	_ =	shalt  }
0x6d: {  	_ =	shalt  }
0x6e: {  	_ =	shalt  }
0x6f: {  	_ =	shalt  }
0x70: {  	_ =	shalt  }
0x71: {  	_ =	shalt  }
0x72: {  	_ =	shalt  }
0x73: {  	_ =	shalt  }
0x74: {  	_ =	shalt  }
0x75: {  	_ =	shalt  }
0x76: {  	_ =	shalt  }
0x77: {  	_ =	shalt  }
0x78: {  	_ =	shalt  }
0x79: {  	_ =	shalt  }
0x7a: {  	_ =	shalt  }
0x7b: {  	_ =	shalt  }
0x7c: {  	_ =	shalt  }
0x7d: {  	_ =	shalt  }
0x7e: {  	_ =	shalt  }
0x7f: {  	_ =	shalt  }
0x80: {  	_ =	shalt  }
0x81: {  	_ =	shalt  }
0x82: {  	_ =	shalt  }
0x83: {  	_ =	shalt  }
0x84: {  	_ =	shalt  }
0x85: {  	_ =	shalt  }
0x86: {  	_ =	shalt  }
0x87: {  	_ =	shalt  }
.Lfunc_end0:
.L_simem_size_0:
called_computation_lowered:
.L_overlay_start_0:
0x88: {  	s2 =	sld [smem:$0x3FD9]  }
0x89: {  	s3 =	sld [smem:$0x3FFE];
	_ =	sdelay $0x1  }
0x8a: {  	s1 =	srdreg.scid  }
0x8b: {  	s0 =	sand.u32 $0x1, s1  }
0x8c: {  	s17 =	sshll.u32 s0, $0xA;
	s2 =	sadd.s32 s3, s2  }
0x8d: {  	s2 =	sadd.s32 s2, s17  }
0x8e: {  	[smem:$0x3FC4] =	sst s2  }
0x8f: {  	_ = 	snop  }
0x90: {  	s2 =	sld [smem:$0x3FD0];
	(tm) =	ssettm $0x1  }
0x91: {  	s18 =	sld [smem:$0x3FFB];
	_ =	sdelay $0x3  }
0x92: {  	_ =	strace s18  }
0x93: {  	s3 =	sld [smem:$0x3FFC];
	_ =	sdelay $0x3  }
0x94: {  	_ =	strace s3  }
0x95: {  	s3 =	sld [smem:$0x3FFD];
	_ =	sdelay $0x3  }
0x96: {  	_ =	strace s3  }
0x97: {  	_ =	strace $0x8FFFFFFF  }
0x98: {  	s19 =	sld [smem:$0x3FDB];
	_ =	sdelay $0x1  }
0x99: {  	s4 =	simm.s32 $_scs_section_size  }
0x9a: {  	s5 =	simm.s32 $_size__tile_overlayer_lowered;
	s6 =	simm.s32 $_tile_overlayer_lowered  }
0x9b: {  	s22 =	simm.s32 $0x1BFF;
	s21 =	sshll.u32 s6, $0x1;
	s3 =	sadd.s32 s4, s19  }
0x9c: {  	s7 =	simm.s32 $0x0;
	s20 =	sshll.u32 s5, $0x1;
	s5 =	sadd.s32 s21, s3  }
0x9d: {  	[timem:s7], [sflag:s22] =	dma.local [hbm:s5], s20  }
0x9e: {  	_ =	swait.ge [sflag:s22], s20  }
0x9f: {  	s4 =	ssub.s32 $0x0, s20;
	[sflag:s22] =	ssyncset.done $0x0  }
0xa0: {  	[sflag:s22] =	ssyncadd.s32 s4;
	_ =	sdelay $0x1  }
0xa1: {  	s23 =	simm.s32 $0x1B8B  }
0xa2: {  	_ =	swait.ge [sflag:s23], $0x1  }
0xa3: {  	[sflag:s23] =	ssyncset.done $0x0  }
0xa4: {  	s25 =	simm.s32 $0x1B8E;
	s24 =	sld [smem:$0x3FFE];
	[sflag:s23] =	ssyncadd.s32 $0xFFFFFFFF  }
0xa5: {  	s26 =	simm.s32 $execute0_lowered;
	[smem:$0x3FD2] =	sst s25  }
0xa6: {  	s5 =	sshll.u32 s26, $0x1;
	_ =	strace $0x80000046;
	[dreg:$0x1] =	wrdreg $0xFFFFFFFF  }
0xa7: {  	s28 =	simm.s32 $_size_execute0_lowered;
	s3 =	sadd.s32 s3, s5;
	[dreg:$0x0] =	wrdreg $0x0  }
0xa8: {  	s5 =	sshll.u32 s28, $0x1;
	[dreg:$0x2] =	wrdreg s3  }
0xa9: {  	[dreg:$0x3] =	wrdreg s5  }
0xaa: {  	[dreg:$0x4] =	wrdreg $0xC0  }
0xab: {  	_ =	task [dreg:s7], $0x5FFFF  }
0xac: {  	[dreg:$0x1] =	wrdreg $0xFFFFFFFF  }
0xad: {  	[dreg:$0x0] =	wrdreg $0x60  }
0xae: {  	[dreg:$0x2] =	wrdreg s24  }
0xaf: {  	[dreg:$0x3] =	wrdreg s2  }
0xb0: {  	[dreg:$0x4] =	wrdreg $0x9  }
0xb1: {  	_ =	task.clear_ibuf [dreg:s7], $0x5FFFF;
	_ =	strace $0x90000046  }
0xb2: {  	s29 =	simm.s32 $0x9;
	_ =	strace $0x80000048  }
0xb3: {  	_ =	swait.ge [sflag:s29], $0x1  }
0xb4: {  	[sflag:s29] =	ssyncadd.s32 $0xFFFFFFFF  }
0xb5: {  	_ =	strace $0x90000048  }
0xb6: {  	_ =	sfence  }
0xb7: {  	s30 =	sld [smem:$0x0];
	_ =	sdelay $0x2  }
0xb8: {  	s31 =	sshll.u32 s1, $0xD;
	s1 =	sshrl.u32 s1, $0x2  }
0xb9: {  	s3 =	sand.u32 $0x4000, s31;
	s1 =	sadd.s32 s1, s30  }
0xba: {  	s0 =	sor.u32 s3, s0;
	s1 =	sshll.u32 s1, $0x11  }
0xbb: {  	s0 =	sor.u32 s1, s0  }
0xbc: {  	s0 =	sadd.s32 $0x8F2B, s0  }
0xbd: {  	[sflag:s0] =	ssyncadd.remote.s32 $0x1  }
0xbe: {  	_ =	sfence.sel $0xFFFF  }
0xbf: {  	[dreg:$0x0] =	wrdreg $0xFFFFFFFF;
	(pc) =	sbr.abs _section_cstart, $3  }
0xc0: {  	[dreg:$0x1] =	wrdreg $0xFFFFFFFF  }
0xc1: {  	_ =	task.clear_ibuf [dreg:s7], $0x2FFFF;
	_ =	strace $0x9FFFFFFF  }
0xc2: {  	(tm) =	ssettm $0x7FFFFFFF  }
0xc3: {  	_ =	shalt  }
tec
execute0_lowered:
.L_overlay_start_1:
0x0: {  	(tag) =	ssettag $0x1  }
0x1: {  	v0 =	vimm.s32 $0xFEDCBA98;
	v1 =	vimm.s32 $0x76543210  }
0x2: {  	v2 =	vimm.s32 $0xBA98FEDC;
	v3 =	vimm.s32 $0x32107654;
	vm0 =	vcmask $0x2F20  }
0x3: {  	vm1 =	vcmask $0xF00;
	vm2 =	vcmask $0x700;
	vm3 =	vcmask $0xB08  }
0x4: {  	vm4 =	vcmask $0x300;
	v4 =	vimm.s32 $0xEFCDAB89;
	v5 =	vimm.s32 $0x67452301  }
0x5: {  	v6 =	vimm.s32 $0xE6A2C480;
	v0 =	vunpack.c.l.s4.s8 v0;
	v1 =	vunpack.c.l.s4.s8 v1  }
0x6: {  	v2 =	vunpack.c.l.s4.s8 v2;
	v3 =	vunpack.c.l.s4.s8 v3;
	vm0 =	vmor vm1, vm0  }
0x7: {  	vm1 =	vcmask $0x1710;
	vm3 =	vmor vm4, vm3;
	v0 =	vunpack.c.0.s8.s32 v0  }
0x8: {  	vm4 =	vcmask $0x1310;
	v4 =	vunpack.c.l.s4.s8 v4;
	v1 =	vunpack.c.0.s8.s32 v1  }
0x9: {  	s1 =	rddreg [dreg:$0x0];
	v2 =	vunpack.c.0.s8.s32 v2;
	v3 =	vunpack.c.0.s8.s32 v3;
	v0 =	vand.u32 $0xF, v0  }
0xa: {  	s0 =	srdreg.scid;
	s4 =	rddreg [dreg:$0x1];
	v5 =	vunpack.c.l.s4.s8 v5;
	v6 =	vunpack.c.l.s4.s8 v6;
	v0 =	vcombine.low v0, v1  }
0xb: {  	s5 =	stileid.u32;
	s2 =	simm.s32 $0x0;
	s8 =	simm.s32 $0x5;
	v1 =	vcombine.low v3, v2;
	v2 =	vimm.s32 $0xDCFE98BA;
	v3 =	vimm.s32 $0x54761032  }
0xc: {  	s10 =	simm.s32 $0x68;
	s12 =	simm.s32 $0x60;
	s16 =	simm.s32 $0x130;
	vm1 =	vmor vm2, vm1;
	v2 =	vunpack.c.l.s4.s8 v2;
	v3 =	vunpack.c.l.s4.s8 v3  }
0xd: {  	s17 =	simm.s32 $0xD000;
	s18 =	simm.s32 $0x190;
	s19 =	simm.s32 $0xE800;
	vm2 =	vcmask $0x2720;
	vm3 =	vmor vm3, vm4;
	vm4 =	vcmask $0x1B18  }
0xe: {  	s20 =	simm.s32 $0x1F8;
	s21 =	simm.s32 $0x10200;
	s22 =	simm.s32 $0x11A00;
	vm1 =	vmor vm1, vm2;
	v2 =	vunpack.c.0.s8.s32 v2;
	v3 =	vunpack.c.0.s8.s32 v3  }
0xf: {  	s23 =	simm.s32 $0x13400;
	s24 =	simm.s32 $0x1;
	s25 =	simm.s32 $0x2;
	vm2 =	vcmask $0x3730;
	vm3 =	vmor vm3, vm4;
	vm4 =	vcmask $0x2320  }
0x10: {  	s26 =	simm.s32 $0x3;
	s28 =	simm.s32 $0x4;
	s0 =	sand.u32 $0x1, s0;
	vm3 =	vmor vm3, vm4;
	vm4 =	vcmask $0x2B28;
	v2 =	vcombine.low v3, v2  }
0x11: {  	s29 =	simm.s32 $0x14C00;
	s30 =	simm.s32 $0x0;
	s3 =	sshll.u32 s0, $0x4;
	v3 =	vunpack.c.0.s8.s32 v4;
	v4 =	vunpack.c.0.s8.s32 v5;
	v5 =	vimm.s32 $0xF7B3D591  }
0x12: {  	[smem:$0x7FF] =	sst s2;
	s0 =	ssub.s32 $0x2, s0;
	s3 =	sor.u32 s5, s3;
	vm3 =	vmor vm3, vm4;
	vm4 =	vcmask $0x3330;
	v5 =	vunpack.c.l.s4.s8 v5  }
0x13: {  	_ =	strace $0x80000047;
	s7 =	sshrl.u32 s0, $0x1;
	s6 =	smul.u32 $0xC80, s3;
	vm1 =	vmor vm1, vm2;
	vm2 =	vmor vm3, vm4;
	vm3 =	vcmask $0x3B38  }
0x14: {  	s5 =	sshll.u32 s3, $0xA;
	s3 =	sadd.s32 $0xF42C00, s1;
	s0 =	ssub.s32 s0, s7;
	v3 =	vcombine.low v4, v3;
	v4 =	vunpack.c.0.s8.s32 v5;
	v5 =	vunpack.c.0.s8.s32 v6  }
0x15: {  	s5 =	sadd.s32 s5, s1;
	s7 =	smax.u32 s0, $0x1;
	s1 =	sadd.s32 s6, s1;
	vm2 =	vmor vm2, vm3;
	vm3 =	vmmov $0xff;
	v1 =	vand.u32 $0xF, v1  }
0x16: {  	s4 =	sadd.s32 s4, s6;
	s5 =	sadd.s32 $0x800, s5;
	s6 =	sadd.s32 $0x8800, s1;
	v2 =	vand.u32 $0xF, v2;
	v3 =	vand.u32 $0xF, v3;
	v4 =	vcombine.low v5, v4  }
.LBB2_1:
0x17: {  	[tilespmem:s2], [sflag:$0x5] =	stream.linear.gather [hbm4b:s4+s2], $0x6400, $0x38;
	[tilespmem:$0x1B000] =	vst v63  }
0x18: {  	_ =	swait.ge [sflag:s8], $0x6400  }
0x19: {  	[sflag:s8] =	ssyncset.done $0x0  }
0x1a: {  	s0 =	simm.s32 $0x6400;
	[sflag:s8] =	ssyncadd.s32 $0xFFFF9C00  }
0x1b: {  	[tilespmem:s0], [sflag:$0x5] =	stream.linear.gather [hbm4b:s5+s2], $0x2000, $0x38;
	[tilespmem:$0x1B000] =	vst v63  }
0x1c: {  	_ =	swait.ge [sflag:s8], $0x2000  }
0x1d: {  	[sflag:s8] =	ssyncset.done $0x0  }
0x1e: {  	s13 =	simm.s32 $0x8400;
	[sflag:s8] =	ssyncadd.s32 $0xFFFFE000  }
0x1f: {  	[tilespmem:s13], [sflag:$0x1] =	stream.indirect.gather [hbm4b:s3+s10], $0x40, s2, s10, $0xb8;
	[tilespmem:$0x1B000] =	vst v63  }
0x20: {  	s14 =	simm.s32 $0x9E00  }
0x21: {  	[tilespmem:s14], [sflag:$0x1] =	stream.indirect.gather [hbm4b:s3+s12], $0x40, s10, s12, $0xb8;
	[tilespmem:$0x1B000] =	vst v63  }
0x22: {  	s15 =	simm.s32 $0xC8;
	s1 =	simm.s32 $0xB600  }
0x23: {  	[tilespmem:s1], [sflag:$0x2] =	stream.indirect.gather [hbm4b:s3+s10], $0x40, s15, s10, $0xb8;
	[tilespmem:$0x1B000] =	vst v63  }
0x24: {  	_ = 	snop  }
0x25: {  	[tilespmem:s17], [sflag:$0x2] =	stream.indirect.gather [hbm4b:s3+s12], $0x40, s16, s12, $0xb8;
	[tilespmem:$0x1B000] =	vst v63  }
0x26: {  	_ = 	snop  }
0x27: {  	[tilespmem:s19], [sflag:$0x3] =	stream.indirect.gather [hbm4b:s3+s10], $0x40, s18, s10, $0xb8;
	[tilespmem:$0x1B000] =	vst v63  }
0x28: {  	s31 =	simm.s32 $0x0  }
0x29: {  	[tilespmem:s21], [sflag:$0x3] =	stream.indirect.gather [hbm4b:s3+s12], $0x40, s20, s12, $0xb8;
	[tilespmem:$0x1B000] =	vst v63  }
.LBB2_2:
0x2a: {  	s0 =	sshllo.u32 s31, $0x2  }
0x2b: {  	s1 =	smul.u32 $0x320, s0;
	_ =	sdelay $0x1  }
0x2c: {  	s1 =	sshra.s32 s1, $0x2  }
0x2d: {  	[tilespmem:s22], [sflag:$0x4] =	stream.indirect.gather [hbm4b:s3+s10], $0x40, s1, s10, $0xb8;
	[tilespmem:$0x1B000] =	vst v63  }
0x2e: {  	s9 =	sadd.s32 $0x68, s1  }
0x2f: {  	[tilespmem:s23], [sflag:$0x4] =	stream.indirect.gather [hbm4b:s3+s12], $0x40, s9, s12, $0xb8;
	[tilespmem:$0x1B000] =	vst v63  }
0x30: {  	_ =	swait.ge [sflag:s24], $0x3200  }
0x31: {  	s15 =	sshll.u32 s31, $0x8;
	[sflag:s24] =	ssyncset.done $0x0  }
0x32: {  	s13 =	sand.u32 $0x3FFFFF00, s15;
	s9 =	smul.u32 $0xC80, s31;
	[sflag:s24] =	ssyncadd.s32 $0xFFFFCE00  }
0x33: {  	v5 =	vld [tilespmem:s13+$0x6400]  }
0x34: {  	s11 =	sshra.s32 s9, $0x2;
	v6 =	vld [tilespmem:s13+$0x6410]  }
0x35: {  	s14 =	sadd.s32 $0x14C00, s11;
	v7 =	vld [tilespmem:s13+$0x6420]  }
0x36: {  	s11 =	sshll.u32 s31, $0x2;
	v8 =	vld [tilespmem:s13+$0x6430];
	s13 =	simm.s32 $0x0;
	v9 =	vmov s14  }
.LBB2_3:
0x37: {  	s14 =	smin.u32 s13, $0xB8  }
0x38: {  	s15 =	sshll.u32 s14, $0x6  }
0x39: {  	v10 =	vld [tilespmem:s15+$0x8400]  }
0x3a: {  	v11 =	vld [tilespmem:s15+$0x8410]  }
0x3b: {  	v12 =	vld [tilespmem:s15+$0x8420]  }
0x3c: {  	v13 =	vld [tilespmem:s15+$0x8430]  }
0x3d: {  	v14 =	vld [tilespmem:s15+$0x8440]  }
0x3e: {  	v15 =	vld [tilespmem:s15+$0x8450]  }
0x3f: {  	v16 =	vld [tilespmem:s15+$0x8460]  }
0x40: {  	v17 =	vld [tilespmem:s15+$0x8470]  }
0x41: {  	v18 =	vld [tilespmem:s15+$0x8480]  }
0x42: {  	v19 =	vld [tilespmem:s15+$0x8490]  }
0x43: {  	v20 =	vld [tilespmem:s15+$0x84A0]  }
0x44: {  	v21 =	vld [tilespmem:s15+$0x84B0]  }
0x45: {  	v22 =	vld [tilespmem:s15+$0x84C0]  }
0x46: {  	v23 =	vld [tilespmem:s15+$0x84D0]  }
0x47: {  	v24 =	vld [tilespmem:s15+$0x84E0]  }
0x48: {  	v25 =	vld [tilespmem:s15+$0x84F0]  }
0x49: {  	v26 =	vld [tilespmem:s15+$0x8500]  }
0x4a: {  	v27 =	vld [tilespmem:s15+$0x8510]  }
0x4b: {  	v28 =	vld [tilespmem:s15+$0x8520]  }
0x4c: {  	v29 =	vld [tilespmem:s15+$0x8530]  }
0x4d: {  	v30 =	vld [tilespmem:s15+$0x8540]  }
0x4e: {  	v31 =	vld [tilespmem:s15+$0x8550]  }
0x4f: {  	v32 =	vld [tilespmem:s15+$0x8560]  }
0x50: {  	v33 =	vld [tilespmem:s15+$0x8570]  }
0x51: {  	v34 =	vld [tilespmem:s15+$0x8580]  }
0x52: {  	v35 =	vld [tilespmem:s15+$0x8590]  }
0x53: {  	v36 =	vld [tilespmem:s15+$0x85A0];
	v10 =	vmul.f32 v10, v5;
	v11 =	vmul.f32 v11, v6  }
0x54: {  	v37 =	vld [tilespmem:s15+$0x85B0];
	v14 =	vmul.f32 v14, v5;
	v15 =	vmul.f32 v15, v6  }
0x55: {  	v38 =	vld [tilespmem:s15+$0x85C0];
	v45 =	vmul.f32 v16, v7;
	v46 =	vmul.f32 v19, v6  }
0x56: {  	v39 =	vld [tilespmem:s15+$0x85D0];
	v47 =	vmul.f32 v22, v5;
	v48 =	vmul.f32 v23, v6  }
0x57: {  	v40 =	vld [tilespmem:s15+$0x85E0];
	v13 =	vmul.f32 v13, v8;
	v49 =	vmul.f32 v20, v7  }
0x58: {  	v41 =	vld [tilespmem:s15+$0x85F0];
	v17 =	vmul.f32 v17, v8;
	v50 =	vmul.f32 v24, v7  }
0x59: {  	v42 =	vld [tilespmem:s15+$0x8600];
	v51 =	vmul.f32 v21, v8;
	v52 =	vmul.f32 v25, v8  }
0x5a: {  	v63 =	vld [tilespmem:s15+$0x86D0];
	v53 =	vmul.f32 v26, v5;
	v54 =	vmul.f32 v27, v6  }
0x5b: {  	v44 =	vld [tilespmem:s15+$0x86E0];
	v55 =	vmul.f32 v30, v5;
	v56 =	vmul.f32 v31, v6  }
0x5c: {  	v16 =	vld [tilespmem:s15+$0x8620];
	v57 =	vmul.f32 v28, v7;
	v58 =	vmul.f32 v29, v8  }
0x5d: {  	v19 =	vld [tilespmem:s15+$0x8630];
	v59 =	vmul.f32 v32, v7;
	v60 =	vmul.f32 v33, v8  }
0x5e: {  	v23 =	vld [tilespmem:s15+$0x8640];
	v61 =	vmul.f32 v34, v5;
	v62 =	vmul.f32 v35, v6  }
0x5f: {  	v20 =	vld [tilespmem:s15+$0x8650];
	v38 =	vmul.f32 v38, v5;
	v43 =	vmul.f32 v39, v6  }
0x60: {  	v24 =	vld [tilespmem:s15+$0x8660];
	v37 =	vmul.f32 v37, v8;
	v10 =	vadd.f32 v11, v10;
	v14 =	vadd.f32 v15, v14  }
0x61: {  	v31 =	vld [tilespmem:s15+$0x86C0];
	v11 =	vmul.f32 v12, v7;
	v15 =	vadd.f32 v48, v47;
	v22 =	vadd.f32 v62, v61  }
0x62: {  	v27 =	vld [tilespmem:s15+$0x86A0];
	v26 =	vadd.f32 v43, v38;
	v47 =	vmul.f32 v40, v7;
	v62 =	vmul.f32 v63, v6  }
0x63: {  	v28 =	vld [tilespmem:s15+$0x8730];
	v43 =	vmul.f32 v44, v7;
	v10 =	vadd.f32 v11, v10;
	v11 =	vmul.f32 v18, v5  }
0x64: {  	v21 =	vld [tilespmem:s15+$0x8680];
	v14 =	vadd.f32 v45, v14;
	v15 =	vadd.f32 v50, v15;
	v45 =	vmul.f32 v36, v7  }
0x65: {  	v29 =	vld [tilespmem:s15+$0x86B0];
	v26 =	vadd.f32 v47, v26;
	v23 =	vmul.f32 v23, v5;
	v20 =	vmul.f32 v20, v6  }
0x66: {  	v12 =	vld [tilespmem:s15+$0x8610];
	v16 =	vmul.f32 v16, v7;
	v61 =	vmul.f32 v31, v5;
	v11 =	vadd.f32 v46, v11  }
0x67: {  	v48 =	vld [tilespmem:s15+$0x8700];
	v40 =	vmul.f32 v27, v7;
	v10 =	vadd.f32 v13, v10;
	v14 =	vadd.f32 v17, v14  }
0x68: {  	v25 =	vld [tilespmem:s15+$0x8690];
	v28 =	vmul.f32 v28, v8;
	v15 =	vadd.f32 v52, v15;
	v13 =	vadd.f32 v54, v53  }
0x69: {  	v63 =	vld [tilespmem:s15+$0x8780];
	v17 =	vadd.f32 v56, v55;
	v52 =	vmul.f32 v41, v8;
	v53 =	vmul.f32 v24, v7  }
0x6a: {  	v18 =	vld [tilespmem:s15+$0x8670];
	v22 =	vadd.f32 v45, v22;
	v55 =	vmul.f32 v19, v8;
	v41 =	vmul.f32 v29, v8  }
0x6b: {  	v50 =	vld [tilespmem:s15+$0x8710];
	v12 =	vmul.f32 v12, v6;
	v20 =	vadd.f32 v20, v23;
	v11 =	vadd.f32 v49, v11  }
0x6c: {  	v46 =	vld [tilespmem:s15+$0x86F0];
	v45 =	vmul.f32 v48, v5;
	v13 =	vadd.f32 v57, v13;
	v17 =	vadd.f32 v59, v17  }
0x6d: {  	v54 =	vld [tilespmem:s15+$0x8740];
	v49 =	vmul.f32 v42, v5;
	v22 =	vadd.f32 v37, v22;
	v26 =	vadd.f32 v52, v26  }
0x6e: {  	v56 =	vld [tilespmem:s15+$0x8750];
	v59 =	vmul.f32 v25, v6;
	v52 =	vmul.f32 v63, v5;
	v20 =	vadd.f32 v53, v20  }
0x6f: {  	v44 =	vld [tilespmem:s15+$0x87C0];
	v18 =	vmul.f32 v18, v8;
	v11 =	vadd.f32 v51, v11;
	v13 =	vadd.f32 v58, v13  }
0x70: {  	v48 =	vld [tilespmem:s15+$0x87A0];
	v17 =	vadd.f32 v60, v17;
	v12 =	vadd.f32 v12, v49;
	v58 =	vmul.f32 v21, v5  }
0x71: {  	v33 =	vperm.xlane v22, v0;
	v34 =	vperm.xlane v26, v0;
	v22 =	vsel vm3, v22, v26  }
0x72: {  	v57 =	vld [tilespmem:s15+$0x8760];
	v18 =	vadd.f32 v18, v20;
	v32 =	vmul.f32 v46, v8;
	v46 =	vmul.f32 v50, v6  }
0x73: {  	v42 =	vld [tilespmem:s15+$0x8790];
	v20 =	vadd.f32 v62, v61;
	v24 =	vmul.f32 v54, v5;
	v19 =	vmul.f32 v56, v6  }
0x74: {  	v47 =	vld [tilespmem:s15+$0x87D0];
	v54 =	vmul.f32 v44, v5;
	v61 =	vperm.xlane v15, v0;
	v12 =	vadd.f32 v16, v12  }
0x75: {  	v53 =	vld [tilespmem:s15+$0x87F0];
	v16 =	vadd.f32 v59, v58;
	v56 =	vmul.f32 v48, v7;
	v58 =	vperm.xlane v10, v0  }
0x76: {  	v51 =	vld [tilespmem:s15+$0x8720];
	v59 =	vperm.xlane v14, v0;
	v10 =	vsel vm3, v10, v14;
	v31 =	vperm.xlane v17, v0  }
0x77: {  	v60 =	vld [tilespmem:s15+$0x8770];
	v20 =	vadd.f32 v43, v20;
	v21 =	vadd.f32 v46, v45;
	v23 =	vmul.f32 v57, v7  }
0x78: {  	v19 =	vadd.f32 v19, v24;
	v29 =	vmul.f32 v42, v6;
	v36 =	vperm.xlane v18, v0  }
0x79: {  	v50 =	vld [tilespmem:s15+$0x87E0];
	v12 =	vadd.f32 v55, v12;
	v16 =	vadd.f32 v40, v16;
	v55 =	vmul.f32 v47, v6  }
0x7a: {  	v57 =	vmul.f32 v53, v8;
	v62 =	vsel vm3, v58, v59;
	v20 =	vadd.f32 v32, v20  }
0x7b: {  	v49 =	vmul.f32 v51, v7;
	v19 =	vadd.f32 v23, v19;
	v27 =	vadd.f32 v29, v52  }
0x7c: {  	v25 =	vmul.f32 v60, v8;
	v60 =	vperm.xlane v11, v0;
	v11 =	vsel vm3, v11, v15  }
0x7d: {  	v10 =	vadd.f32 v62, v10;
	v15 =	vsel vm3, v33, v34;
	v16 =	vadd.f32 v41, v16  }
0x7e: {  	v23 =	vadd.f32 v55, v54;
	v30 =	vmul.f32 v50, v7;
	v35 =	vperm.xlane v12, v0  }
0x7f: {  	v51 =	vld [tilespmem:s15+$0x87B0];
	v12 =	vsel vm3, v12, v18;
	v15 =	vadd.f32 v15, v22;
	v21 =	vadd.f32 v49, v21  }
0x80: {  	v27 =	vadd.f32 v56, v27;
	v19 =	vadd.f32 v25, v19;
	v63 =	vsel vm3, v60, v61  }
0x81: {  	v38 =	vperm.xlane v20, v0;
	v46 =	vperm.xlane v10, v1;
	v23 =	vadd.f32 v30, v23  }
0x82: {  	v30 =	vperm.xlane v13, v0;
	v11 =	vadd.f32 v63, v11;
	v13 =	vsel vm3, v13, v17  }
0x83: {  	v14 =	vsel vm3, v35, v36;
	v37 =	vperm.xlane v16, v0;
	v39 =	vsel vm3, v16, v20  }
0x84: {  	v49 =	vperm.xlane v15, v1;
	v21 =	vadd.f32 v28, v21;
	v24 =	vmul.f32 v51, v8  }
0x85: {  	v12 =	vadd.f32 v14, v12;
	v42 =	vperm.xlane v19, v0;
	v23 =	vadd.f32 v57, v23  }
0x86: {  	v32 =	vsel vm3, v30, v31;
	v40 =	vsel vm3, v37, v38;
	v24 =	vadd.f32 v24, v27  }
0x87: {  	v47 =	vperm.xlane v11, v1;
	v10 =	vsel vm0, v10, v11;
	v41 =	vperm.xlane v21, v0  }
0x88: {  	v13 =	vadd.f32 v32, v13;
	v44 =	vperm.xlane v23, v0;
	v43 =	vperm.xlane v24, v0  }
0x89: {  	v14 =	vadd.f32 v40, v39;
	v19 =	vsel vm3, v21, v19;
	v50 =	vperm.xlane v12, v1  }
0x8a: {  	v17 =	vsel vm3, v41, v42;
	v45 =	vsel vm3, v24, v23;
	v16 =	vsel vm3, v43, v44  }
0x8b: {  	v11 =	vsel vm0, v46, v47;
	v17 =	vadd.f32 v17, v19;
	v16 =	vadd.f32 v16, v45  }
0x8c: {  	v48 =	vperm.xlane v13, v1;
	v13 =	vsel vm0, v13, v15;
	v51 =	vperm.xlane v14, v1  }
0x8d: {  	v10 =	vadd.f32 v11, v10;
	v52 =	vperm.xlane v17, v1;
	v53 =	vperm.xlane v16, v1  }
0x8e: {  	v12 =	vsel vm0, v12, v14;
	v18 =	vsel vm0, v48, v49;
	v54 =	vsel vm0, v50, v51  }
0x8f: {  	v11 =	vadd.f32 v18, v13;
	v55 =	vsel vm0, v17, v16;
	v56 =	vsel vm0, v52, v53  }
0x90: {  	v12 =	vadd.f32 v54, v12;
	v57 =	vadd.f32 v56, v55  }
0x91: {  	v58 =	vperm.xlane v10, v2;
	v59 =	vperm.xlane v11, v2  }
0x92: {  	v60 =	vperm.xlane v12, v2;
	v61 =	vperm.xlane v57, v2  }
0x93: {  	v10 =	vsel vm1, v10, v11  }
0x94: {  	v11 =	vsel vm1, v58, v59;
	v12 =	vsel vm1, v12, v57;
	v62 =	vsel vm1, v60, v61  }
0x95: {  	v10 =	vadd.f32 v11, v10;
	v11 =	vadd.f32 v62, v12;
	_ =	sdelay $0x1  }
0x96: {  	v63 =	vperm.xlane v10, v3;
	v13 =	vperm.xlane v11, v3;
	_ =	sdelay $0x1  }
0x97: {  	p0 =	sne.s32 s13, $0xC0;
	v10 =	vsel vm2, v10, v11;
	v11 =	vsel vm2, v63, v13  }
.Ltmp0:
0x98: {  	v10 =	vadd.f32 v11, v10;
	(pc) =	sbr.rel @p0 .LBB2_3-.Ltmp0, $3  }
0x99: {  	_ = 	snop  }
0x9a: {  	v10 =	vperm.xlane v10, v4;
	_ =	sdelay $0x1  }
0x9b: {  	s13 =	sadd.s32 $0x10, s13;
	[tilespmem:v9+s14+$0x0 ss:$0x1] =	vst.idx.msk $0xffff, v10  }
0x9c: {  	p0 =	seq.s32 s31, $0x1F  }
0x9d: {  	s9 =	sshra.s32 @!p0 s9, $0x2  }
0x9e: {  	s14 =	simm.s32 @!p0 $0x68;
	s15 =	simm.s32 @!p0 $0x8400;
	s13 =	sadd.s32 @!p0 $0x320, s9  }
0x9f: {  	[tilespmem:s15], [sflag:$0x1] =	stream.indirect.gather @!p0 [hbm4b:s3+s14], $0x40, s13, s14, $0xb8;
	[tilespmem:$0x1B000] =	vst v63  }
0xa0: {  	s13 =	sadd.s32 @!p0 $0x388, s9;
	s14 =	simm.s32 @!p0 $0x60;
	s15 =	simm.s32 @!p0 $0x9E00  }
0xa1: {  	[tilespmem:s15], [sflag:$0x1] =	stream.indirect.gather @!p0 [hbm4b:s3+s14], $0x40, s13, s14, $0xb8;
	[tilespmem:$0x1B000] =	vst v63  }
0xa2: {  	s13 =	sor.u32 $0x1, s11;
	_ =	swait.ge [sflag:s25], $0x3200  }
0xa3: {  	s15 =	sshll.u32 s13, $0x6;
	[sflag:s25] =	ssyncset.done $0x0  }
0xa4: {  	s13 =	smul.u32 $0x320, s13;
	s14 =	sand.u32 $0x3FFFFFC0, s15;
	[sflag:s25] =	ssyncadd.s32 $0xFFFFCE00  }
0xa5: {  	v5 =	vld [tilespmem:s14+$0x6400]  }
0xa6: {  	s13 =	sshra.s32 s13, $0x2;
	v6 =	vld [tilespmem:s14+$0x6410]  }
0xa7: {  	v7 =	vld [tilespmem:s14+$0x6420];
	s15 =	sadd.s32 $0x14C00, s13  }
0xa8: {  	v8 =	vld [tilespmem:s14+$0x6430];
	s13 =	simm.s32 $0x0;
	v9 =	vmov s15  }
.LBB2_5:
0xa9: {  	s14 =	smin.u32 s13, $0xB8  }
0xaa: {  	s15 =	sshll.u32 s14, $0x6  }
0xab: {  	v10 =	vld [tilespmem:s15+$0xB600]  }
0xac: {  	v11 =	vld [tilespmem:s15+$0xB610]  }
0xad: {  	v12 =	vld [tilespmem:s15+$0xB620]  }
0xae: {  	v13 =	vld [tilespmem:s15+$0xB630]  }
0xaf: {  	v14 =	vld [tilespmem:s15+$0xB640]  }
0xb0: {  	v15 =	vld [tilespmem:s15+$0xB650]  }
0xb1: {  	v16 =	vld [tilespmem:s15+$0xB660]  }
0xb2: {  	v17 =	vld [tilespmem:s15+$0xB670]  }
0xb3: {  	v18 =	vld [tilespmem:s15+$0xB680]  }
0xb4: {  	v19 =	vld [tilespmem:s15+$0xB690]  }
0xb5: {  	v20 =	vld [tilespmem:s15+$0xB6A0]  }
0xb6: {  	v21 =	vld [tilespmem:s15+$0xB6B0]  }
0xb7: {  	v22 =	vld [tilespmem:s15+$0xB6C0]  }
0xb8: {  	v23 =	vld [tilespmem:s15+$0xB6D0]  }
0xb9: {  	v24 =	vld [tilespmem:s15+$0xB6E0]  }
0xba: {  	v25 =	vld [tilespmem:s15+$0xB6F0]  }
0xbb: {  	v26 =	vld [tilespmem:s15+$0xB700]  }
0xbc: {  	v27 =	vld [tilespmem:s15+$0xB710]  }
0xbd: {  	v28 =	vld [tilespmem:s15+$0xB720]  }
0xbe: {  	v29 =	vld [tilespmem:s15+$0xB730]  }
0xbf: {  	v30 =	vld [tilespmem:s15+$0xB740]  }
0xc0: {  	v31 =	vld [tilespmem:s15+$0xB750]  }
0xc1: {  	v32 =	vld [tilespmem:s15+$0xB760]  }
0xc2: {  	v33 =	vld [tilespmem:s15+$0xB770]  }
0xc3: {  	v34 =	vld [tilespmem:s15+$0xB780]  }
0xc4: {  	v35 =	vld [tilespmem:s15+$0xB790]  }
0xc5: {  	v36 =	vld [tilespmem:s15+$0xB7A0];
	v10 =	vmul.f32 v10, v5;
	v11 =	vmul.f32 v11, v6  }
0xc6: {  	v37 =	vld [tilespmem:s15+$0xB7B0];
	v14 =	vmul.f32 v14, v5;
	v15 =	vmul.f32 v15, v6  }
0xc7: {  	v38 =	vld [tilespmem:s15+$0xB7C0];
	v45 =	vmul.f32 v16, v7;
	v46 =	vmul.f32 v19, v6  }
0xc8: {  	v39 =	vld [tilespmem:s15+$0xB7D0];
	v47 =	vmul.f32 v22, v5;
	v48 =	vmul.f32 v23, v6  }
0xc9: {  	v40 =	vld [tilespmem:s15+$0xB7E0];
	v13 =	vmul.f32 v13, v8;
	v49 =	vmul.f32 v20, v7  }
0xca: {  	v41 =	vld [tilespmem:s15+$0xB7F0];
	v17 =	vmul.f32 v17, v8;
	v50 =	vmul.f32 v24, v7  }
0xcb: {  	v42 =	vld [tilespmem:s15+$0xB800];
	v51 =	vmul.f32 v21, v8;
	v52 =	vmul.f32 v25, v8  }
0xcc: {  	v63 =	vld [tilespmem:s15+$0xB8D0];
	v53 =	vmul.f32 v26, v5;
	v54 =	vmul.f32 v27, v6  }
0xcd: {  	v44 =	vld [tilespmem:s15+$0xB8E0];
	v55 =	vmul.f32 v30, v5;
	v56 =	vmul.f32 v31, v6  }
0xce: {  	v16 =	vld [tilespmem:s15+$0xB820];
	v57 =	vmul.f32 v28, v7;
	v58 =	vmul.f32 v29, v8  }
0xcf: {  	v19 =	vld [tilespmem:s15+$0xB830];
	v59 =	vmul.f32 v32, v7;
	v60 =	vmul.f32 v33, v8  }
0xd0: {  	v23 =	vld [tilespmem:s15+$0xB840];
	v61 =	vmul.f32 v34, v5;
	v62 =	vmul.f32 v35, v6  }
0xd1: {  	v20 =	vld [tilespmem:s15+$0xB850];
	v38 =	vmul.f32 v38, v5;
	v43 =	vmul.f32 v39, v6  }
0xd2: {  	v24 =	vld [tilespmem:s15+$0xB860];
	v37 =	vmul.f32 v37, v8;
	v10 =	vadd.f32 v11, v10;
	v14 =	vadd.f32 v15, v14  }
0xd3: {  	v31 =	vld [tilespmem:s15+$0xB8C0];
	v11 =	vmul.f32 v12, v7;
	v15 =	vadd.f32 v48, v47;
	v22 =	vadd.f32 v62, v61  }
0xd4: {  	v27 =	vld [tilespmem:s15+$0xB8A0];
	v26 =	vadd.f32 v43, v38;
	v47 =	vmul.f32 v40, v7;
	v62 =	vmul.f32 v63, v6  }
0xd5: {  	v28 =	vld [tilespmem:s15+$0xB930];
	v43 =	vmul.f32 v44, v7;
	v10 =	vadd.f32 v11, v10;
	v11 =	vmul.f32 v18, v5  }
0xd6: {  	v21 =	vld [tilespmem:s15+$0xB880];
	v14 =	vadd.f32 v45, v14;
	v15 =	vadd.f32 v50, v15;
	v45 =	vmul.f32 v36, v7  }
0xd7: {  	v29 =	vld [tilespmem:s15+$0xB8B0];
	v26 =	vadd.f32 v47, v26;
	v23 =	vmul.f32 v23, v5;
	v20 =	vmul.f32 v20, v6  }
0xd8: {  	v12 =	vld [tilespmem:s15+$0xB810];
	v16 =	vmul.f32 v16, v7;
	v61 =	vmul.f32 v31, v5;
	v11 =	vadd.f32 v46, v11  }
0xd9: {  	v48 =	vld [tilespmem:s15+$0xB900];
	v40 =	vmul.f32 v27, v7;
	v10 =	vadd.f32 v13, v10;
	v14 =	vadd.f32 v17, v14  }
0xda: {  	v25 =	vld [tilespmem:s15+$0xB890];
	v28 =	vmul.f32 v28, v8;
	v15 =	vadd.f32 v52, v15;
	v13 =	vadd.f32 v54, v53  }
0xdb: {  	v63 =	vld [tilespmem:s15+$0xB980];
	v17 =	vadd.f32 v56, v55;
	v52 =	vmul.f32 v41, v8;
	v53 =	vmul.f32 v24, v7  }
0xdc: {  	v18 =	vld [tilespmem:s15+$0xB870];
	v22 =	vadd.f32 v45, v22;
	v55 =	vmul.f32 v19, v8;
	v41 =	vmul.f32 v29, v8  }
0xdd: {  	v50 =	vld [tilespmem:s15+$0xB910];
	v12 =	vmul.f32 v12, v6;
	v20 =	vadd.f32 v20, v23;
	v11 =	vadd.f32 v49, v11  }
0xde: {  	v46 =	vld [tilespmem:s15+$0xB8F0];
	v45 =	vmul.f32 v48, v5;
	v13 =	vadd.f32 v57, v13;
	v17 =	vadd.f32 v59, v17  }
0xdf: {  	v54 =	vld [tilespmem:s15+$0xB940];
	v49 =	vmul.f32 v42, v5;
	v22 =	vadd.f32 v37, v22;
	v26 =	vadd.f32 v52, v26  }
0xe0: {  	v56 =	vld [tilespmem:s15+$0xB950];
	v59 =	vmul.f32 v25, v6;
	v52 =	vmul.f32 v63, v5;
	v20 =	vadd.f32 v53, v20  }
0xe1: {  	v44 =	vld [tilespmem:s15+$0xB9C0];
	v18 =	vmul.f32 v18, v8;
	v11 =	vadd.f32 v51, v11;
	v13 =	vadd.f32 v58, v13  }
0xe2: {  	v48 =	vld [tilespmem:s15+$0xB9A0];
	v17 =	vadd.f32 v60, v17;
	v12 =	vadd.f32 v12, v49;
	v58 =	vmul.f32 v21, v5  }
0xe3: {  	v33 =	vperm.xlane v22, v0;
	v34 =	vperm.xlane v26, v0;
	v22 =	vsel vm3, v22, v26  }
0xe4: {  	v57 =	vld [tilespmem:s15+$0xB960];
	v18 =	vadd.f32 v18, v20;
	v32 =	vmul.f32 v46, v8;
	v46 =	vmul.f32 v50, v6  }
0xe5: {  	v42 =	vld [tilespmem:s15+$0xB990];
	v20 =	vadd.f32 v62, v61;
	v24 =	vmul.f32 v54, v5;
	v19 =	vmul.f32 v56, v6  }
0xe6: {  	v47 =	vld [tilespmem:s15+$0xB9D0];
	v54 =	vmul.f32 v44, v5;
	v61 =	vperm.xlane v15, v0;
	v12 =	vadd.f32 v16, v12  }
0xe7: {  	v53 =	vld [tilespmem:s15+$0xB9F0];
	v16 =	vadd.f32 v59, v58;
	v56 =	vmul.f32 v48, v7;
	v58 =	vperm.xlane v10, v0  }
0xe8: {  	v51 =	vld [tilespmem:s15+$0xB920];
	v59 =	vperm.xlane v14, v0;
	v10 =	vsel vm3, v10, v14;
	v31 =	vperm.xlane v17, v0  }
0xe9: {  	v60 =	vld [tilespmem:s15+$0xB970];
	v20 =	vadd.f32 v43, v20;
	v21 =	vadd.f32 v46, v45;
	v23 =	vmul.f32 v57, v7  }
0xea: {  	v19 =	vadd.f32 v19, v24;
	v29 =	vmul.f32 v42, v6;
	v36 =	vperm.xlane v18, v0  }
0xeb: {  	v50 =	vld [tilespmem:s15+$0xB9E0];
	v12 =	vadd.f32 v55, v12;
	v16 =	vadd.f32 v40, v16;
	v55 =	vmul.f32 v47, v6  }
0xec: {  	v57 =	vmul.f32 v53, v8;
	v62 =	vsel vm3, v58, v59;
	v20 =	vadd.f32 v32, v20  }
0xed: {  	v49 =	vmul.f32 v51, v7;
	v19 =	vadd.f32 v23, v19;
	v27 =	vadd.f32 v29, v52  }
0xee: {  	v25 =	vmul.f32 v60, v8;
	v60 =	vperm.xlane v11, v0;
	v11 =	vsel vm3, v11, v15  }
0xef: {  	v10 =	vadd.f32 v62, v10;
	v15 =	vsel vm3, v33, v34;
	v16 =	vadd.f32 v41, v16  }
0xf0: {  	v23 =	vadd.f32 v55, v54;
	v30 =	vmul.f32 v50, v7;
	v35 =	vperm.xlane v12, v0  }
0xf1: {  	v51 =	vld [tilespmem:s15+$0xB9B0];
	v12 =	vsel vm3, v12, v18;
	v15 =	vadd.f32 v15, v22;
	v21 =	vadd.f32 v49, v21  }
0xf2: {  	v27 =	vadd.f32 v56, v27;
	v19 =	vadd.f32 v25, v19;
	v63 =	vsel vm3, v60, v61  }
0xf3: {  	v38 =	vperm.xlane v20, v0;
	v46 =	vperm.xlane v10, v1;
	v23 =	vadd.f32 v30, v23  }
0xf4: {  	v30 =	vperm.xlane v13, v0;
	v11 =	vadd.f32 v63, v11;
	v13 =	vsel vm3, v13, v17  }
0xf5: {  	v14 =	vsel vm3, v35, v36;
	v37 =	vperm.xlane v16, v0;
	v39 =	vsel vm3, v16, v20  }
0xf6: {  	v49 =	vperm.xlane v15, v1;
	v21 =	vadd.f32 v28, v21;
	v24 =	vmul.f32 v51, v8  }
0xf7: {  	v12 =	vadd.f32 v14, v12;
	v42 =	vperm.xlane v19, v0;
	v23 =	vadd.f32 v57, v23  }
0xf8: {  	v32 =	vsel vm3, v30, v31;
	v40 =	vsel vm3, v37, v38;
	v24 =	vadd.f32 v24, v27  }
0xf9: {  	v47 =	vperm.xlane v11, v1;
	v10 =	vsel vm0, v10, v11;
	v41 =	vperm.xlane v21, v0  }
0xfa: {  	v13 =	vadd.f32 v32, v13;
	v44 =	vperm.xlane v23, v0;
	v43 =	vperm.xlane v24, v0  }
0xfb: {  	v14 =	vadd.f32 v40, v39;
	v19 =	vsel vm3, v21, v19;
	v50 =	vperm.xlane v12, v1  }
0xfc: {  	v17 =	vsel vm3, v41, v42;
	v45 =	vsel vm3, v24, v23;
	v16 =	vsel vm3, v43, v44  }
0xfd: {  	v11 =	vsel vm0, v46, v47;
	v17 =	vadd.f32 v17, v19;
	v16 =	vadd.f32 v16, v45  }
0xfe: {  	v48 =	vperm.xlane v13, v1;
	v13 =	vsel vm0, v13, v15;
	v51 =	vperm.xlane v14, v1  }
0xff: {  	v10 =	vadd.f32 v11, v10;
	v52 =	vperm.xlane v17, v1;
	v53 =	vperm.xlane v16, v1  }
0x100: {  	v12 =	vsel vm0, v12, v14;
	v18 =	vsel vm0, v48, v49;
	v54 =	vsel vm0, v50, v51  }
0x101: {  	v11 =	vadd.f32 v18, v13;
	v55 =	vsel vm0, v17, v16;
	v56 =	vsel vm0, v52, v53  }
0x102: {  	v12 =	vadd.f32 v54, v12;
	v57 =	vadd.f32 v56, v55  }
0x103: {  	v58 =	vperm.xlane v10, v2;
	v59 =	vperm.xlane v11, v2  }
0x104: {  	v60 =	vperm.xlane v12, v2;
	v61 =	vperm.xlane v57, v2  }
0x105: {  	v10 =	vsel vm1, v10, v11  }
0x106: {  	v11 =	vsel vm1, v58, v59;
	v12 =	vsel vm1, v12, v57;
	v62 =	vsel vm1, v60, v61  }
0x107: {  	v10 =	vadd.f32 v11, v10;
	v11 =	vadd.f32 v62, v12;
	_ =	sdelay $0x1  }
0x108: {  	v63 =	vperm.xlane v10, v3;
	v13 =	vperm.xlane v11, v3;
	_ =	sdelay $0x1  }
0x109: {  	p1 =	sne.s32 s13, $0xC0;
	v10 =	vsel vm2, v10, v11;
	v11 =	vsel vm2, v63, v13  }
.Ltmp1:
0x10a: {  	v10 =	vadd.f32 v11, v10;
	(pc) =	sbr.rel @p1 .LBB2_5-.Ltmp1, $3  }
0x10b: {  	_ = 	snop  }
0x10c: {  	v10 =	vperm.xlane v10, v4;
	_ =	sdelay $0x1  }
0x10d: {  	s13 =	sadd.s32 $0x10, s13;
	[tilespmem:v9+s14+$0x0 ss:$0x1] =	vst.idx.msk $0xffff, v10  }
0x10e: {  	s13 =	sadd.s32 @!p0 $0x3E8, s9;
	s14 =	simm.s32 @!p0 $0x68;
	s15 =	simm.s32 @!p0 $0xB600  }
0x10f: {  	[tilespmem:s15], [sflag:$0x2] =	stream.indirect.gather @!p0 [hbm4b:s3+s14], $0x40, s13, s14, $0xb8;
	[tilespmem:$0x1B000] =	vst v63  }
0x110: {  	s13 =	sadd.s32 @!p0 $0x450, s9;
	s14 =	simm.s32 @!p0 $0x60;
	s15 =	simm.s32 @!p0 $0xD000  }
0x111: {  	[tilespmem:s15], [sflag:$0x2] =	stream.indirect.gather @!p0 [hbm4b:s3+s14], $0x40, s13, s14, $0xb8;
	[tilespmem:$0x1B000] =	vst v63  }
0x112: {  	s11 =	sor.u32 $0x2, s11;
	_ =	swait.ge [sflag:s26], $0x3200  }
0x113: {  	s14 =	sshll.u32 s11, $0x6;
	[sflag:s26] =	ssyncset.done $0x0  }
0x114: {  	s11 =	smul.u32 $0x320, s11;
	s13 =	sand.u32 $0x3FFFFFC0, s14;
	[sflag:s26] =	ssyncadd.s32 $0xFFFFCE00  }
0x115: {  	v5 =	vld [tilespmem:s13+$0x6400]  }
0x116: {  	s11 =	sshra.s32 s11, $0x2;
	v6 =	vld [tilespmem:s13+$0x6410]  }
0x117: {  	s15 =	sadd.s32 $0x14C00, s11;
	v7 =	vld [tilespmem:s13+$0x6420]  }
0x118: {  	s11 =	simm.s32 $0x0;
	v8 =	vld [tilespmem:s13+$0x6430];
	v9 =	vmov s15  }
.LBB2_7:
0x119: {  	s13 =	smin.u32 s11, $0xB8  }
0x11a: {  	s14 =	sshll.u32 s13, $0x6  }
0x11b: {  	v10 =	vld [tilespmem:s14+$0xE800]  }
0x11c: {  	v11 =	vld [tilespmem:s14+$0xE810]  }
0x11d: {  	v12 =	vld [tilespmem:s14+$0xE820]  }
0x11e: {  	v13 =	vld [tilespmem:s14+$0xE830]  }
0x11f: {  	v14 =	vld [tilespmem:s14+$0xE840]  }
0x120: {  	v15 =	vld [tilespmem:s14+$0xE850]  }
0x121: {  	v16 =	vld [tilespmem:s14+$0xE860]  }
0x122: {  	v17 =	vld [tilespmem:s14+$0xE870]  }
0x123: {  	v18 =	vld [tilespmem:s14+$0xE880]  }
0x124: {  	v19 =	vld [tilespmem:s14+$0xE890]  }
0x125: {  	v20 =	vld [tilespmem:s14+$0xE8A0]  }
0x126: {  	v21 =	vld [tilespmem:s14+$0xE8B0]  }
0x127: {  	v22 =	vld [tilespmem:s14+$0xE8C0]  }
0x128: {  	v23 =	vld [tilespmem:s14+$0xE8D0]  }
0x129: {  	v24 =	vld [tilespmem:s14+$0xE8E0]  }
0x12a: {  	v25 =	vld [tilespmem:s14+$0xE8F0]  }
0x12b: {  	v26 =	vld [tilespmem:s14+$0xE900]  }
0x12c: {  	v27 =	vld [tilespmem:s14+$0xE910]  }
0x12d: {  	v28 =	vld [tilespmem:s14+$0xE920]  }
0x12e: {  	v29 =	vld [tilespmem:s14+$0xE930]  }
0x12f: {  	v30 =	vld [tilespmem:s14+$0xE940]  }
0x130: {  	v31 =	vld [tilespmem:s14+$0xE950]  }
0x131: {  	v32 =	vld [tilespmem:s14+$0xE960]  }
0x132: {  	v33 =	vld [tilespmem:s14+$0xE970]  }
0x133: {  	v34 =	vld [tilespmem:s14+$0xE980]  }
0x134: {  	v35 =	vld [tilespmem:s14+$0xE990]  }
0x135: {  	v36 =	vld [tilespmem:s14+$0xE9A0];
	v10 =	vmul.f32 v10, v5;
	v11 =	vmul.f32 v11, v6  }
0x136: {  	v37 =	vld [tilespmem:s14+$0xE9B0];
	v14 =	vmul.f32 v14, v5;
	v15 =	vmul.f32 v15, v6  }
0x137: {  	v38 =	vld [tilespmem:s14+$0xE9C0];
	v45 =	vmul.f32 v16, v7;
	v46 =	vmul.f32 v19, v6  }
0x138: {  	v39 =	vld [tilespmem:s14+$0xE9D0];
	v47 =	vmul.f32 v22, v5;
	v48 =	vmul.f32 v23, v6  }
0x139: {  	v40 =	vld [tilespmem:s14+$0xE9E0];
	v13 =	vmul.f32 v13, v8;
	v49 =	vmul.f32 v20, v7  }
0x13a: {  	v41 =	vld [tilespmem:s14+$0xE9F0];
	v17 =	vmul.f32 v17, v8;
	v50 =	vmul.f32 v24, v7  }
0x13b: {  	v42 =	vld [tilespmem:s14+$0xEA00];
	v51 =	vmul.f32 v21, v8;
	v52 =	vmul.f32 v25, v8  }
0x13c: {  	v63 =	vld [tilespmem:s14+$0xEAD0];
	v53 =	vmul.f32 v26, v5;
	v54 =	vmul.f32 v27, v6  }
0x13d: {  	v44 =	vld [tilespmem:s14+$0xEAE0];
	v55 =	vmul.f32 v30, v5;
	v56 =	vmul.f32 v31, v6  }
0x13e: {  	v16 =	vld [tilespmem:s14+$0xEA20];
	v57 =	vmul.f32 v28, v7;
	v58 =	vmul.f32 v29, v8  }
0x13f: {  	v19 =	vld [tilespmem:s14+$0xEA30];
	v59 =	vmul.f32 v32, v7;
	v60 =	vmul.f32 v33, v8  }
0x140: {  	v23 =	vld [tilespmem:s14+$0xEA40];
	v61 =	vmul.f32 v34, v5;
	v62 =	vmul.f32 v35, v6  }
0x141: {  	v20 =	vld [tilespmem:s14+$0xEA50];
	v38 =	vmul.f32 v38, v5;
	v43 =	vmul.f32 v39, v6  }
0x142: {  	v24 =	vld [tilespmem:s14+$0xEA60];
	v37 =	vmul.f32 v37, v8;
	v10 =	vadd.f32 v11, v10;
	v14 =	vadd.f32 v15, v14  }
0x143: {  	v31 =	vld [tilespmem:s14+$0xEAC0];
	v11 =	vmul.f32 v12, v7;
	v15 =	vadd.f32 v48, v47;
	v22 =	vadd.f32 v62, v61  }
0x144: {  	v27 =	vld [tilespmem:s14+$0xEAA0];
	v26 =	vadd.f32 v43, v38;
	v47 =	vmul.f32 v40, v7;
	v62 =	vmul.f32 v63, v6  }
0x145: {  	v28 =	vld [tilespmem:s14+$0xEB30];
	v43 =	vmul.f32 v44, v7;
	v10 =	vadd.f32 v11, v10;
	v11 =	vmul.f32 v18, v5  }
0x146: {  	v21 =	vld [tilespmem:s14+$0xEA80];
	v14 =	vadd.f32 v45, v14;
	v15 =	vadd.f32 v50, v15;
	v45 =	vmul.f32 v36, v7  }
0x147: {  	v29 =	vld [tilespmem:s14+$0xEAB0];
	v26 =	vadd.f32 v47, v26;
	v23 =	vmul.f32 v23, v5;
	v20 =	vmul.f32 v20, v6  }
0x148: {  	v12 =	vld [tilespmem:s14+$0xEA10];
	v16 =	vmul.f32 v16, v7;
	v61 =	vmul.f32 v31, v5;
	v11 =	vadd.f32 v46, v11  }
0x149: {  	v48 =	vld [tilespmem:s14+$0xEB00];
	v40 =	vmul.f32 v27, v7;
	v10 =	vadd.f32 v13, v10;
	v14 =	vadd.f32 v17, v14  }
0x14a: {  	v25 =	vld [tilespmem:s14+$0xEA90];
	v28 =	vmul.f32 v28, v8;
	v15 =	vadd.f32 v52, v15;
	v13 =	vadd.f32 v54, v53  }
0x14b: {  	v63 =	vld [tilespmem:s14+$0xEB80];
	v17 =	vadd.f32 v56, v55;
	v52 =	vmul.f32 v41, v8;
	v53 =	vmul.f32 v24, v7  }
0x14c: {  	v18 =	vld [tilespmem:s14+$0xEA70];
	v22 =	vadd.f32 v45, v22;
	v55 =	vmul.f32 v19, v8;
	v41 =	vmul.f32 v29, v8  }
0x14d: {  	v50 =	vld [tilespmem:s14+$0xEB10];
	v12 =	vmul.f32 v12, v6;
	v20 =	vadd.f32 v20, v23;
	v11 =	vadd.f32 v49, v11  }
0x14e: {  	v46 =	vld [tilespmem:s14+$0xEAF0];
	v45 =	vmul.f32 v48, v5;
	v13 =	vadd.f32 v57, v13;
	v17 =	vadd.f32 v59, v17  }
0x14f: {  	v54 =	vld [tilespmem:s14+$0xEB40];
	v49 =	vmul.f32 v42, v5;
	v22 =	vadd.f32 v37, v22;
	v26 =	vadd.f32 v52, v26  }
0x150: {  	v56 =	vld [tilespmem:s14+$0xEB50];
	v59 =	vmul.f32 v25, v6;
	v52 =	vmul.f32 v63, v5;
	v20 =	vadd.f32 v53, v20  }
0x151: {  	v44 =	vld [tilespmem:s14+$0xEBC0];
	v18 =	vmul.f32 v18, v8;
	v11 =	vadd.f32 v51, v11;
	v13 =	vadd.f32 v58, v13  }
0x152: {  	v48 =	vld [tilespmem:s14+$0xEBA0];
	v17 =	vadd.f32 v60, v17;
	v12 =	vadd.f32 v12, v49;
	v58 =	vmul.f32 v21, v5  }
0x153: {  	v33 =	vperm.xlane v22, v0;
	v34 =	vperm.xlane v26, v0;
	v22 =	vsel vm3, v22, v26  }
0x154: {  	v57 =	vld [tilespmem:s14+$0xEB60];
	v18 =	vadd.f32 v18, v20;
	v32 =	vmul.f32 v46, v8;
	v46 =	vmul.f32 v50, v6  }
0x155: {  	v42 =	vld [tilespmem:s14+$0xEB90];
	v20 =	vadd.f32 v62, v61;
	v24 =	vmul.f32 v54, v5;
	v19 =	vmul.f32 v56, v6  }
0x156: {  	v47 =	vld [tilespmem:s14+$0xEBD0];
	v54 =	vmul.f32 v44, v5;
	v61 =	vperm.xlane v15, v0;
	v12 =	vadd.f32 v16, v12  }
0x157: {  	v53 =	vld [tilespmem:s14+$0xEBF0];
	v16 =	vadd.f32 v59, v58;
	v56 =	vmul.f32 v48, v7;
	v58 =	vperm.xlane v10, v0  }
0x158: {  	v51 =	vld [tilespmem:s14+$0xEB20];
	v59 =	vperm.xlane v14, v0;
	v10 =	vsel vm3, v10, v14;
	v31 =	vperm.xlane v17, v0  }
0x159: {  	v60 =	vld [tilespmem:s14+$0xEB70];
	v20 =	vadd.f32 v43, v20;
	v21 =	vadd.f32 v46, v45;
	v23 =	vmul.f32 v57, v7  }
0x15a: {  	v19 =	vadd.f32 v19, v24;
	v29 =	vmul.f32 v42, v6;
	v36 =	vperm.xlane v18, v0  }
0x15b: {  	v50 =	vld [tilespmem:s14+$0xEBE0];
	v12 =	vadd.f32 v55, v12;
	v16 =	vadd.f32 v40, v16;
	v55 =	vmul.f32 v47, v6  }
0x15c: {  	v57 =	vmul.f32 v53, v8;
	v62 =	vsel vm3, v58, v59;
	v20 =	vadd.f32 v32, v20  }
0x15d: {  	v49 =	vmul.f32 v51, v7;
	v19 =	vadd.f32 v23, v19;
	v27 =	vadd.f32 v29, v52  }
0x15e: {  	v25 =	vmul.f32 v60, v8;
	v60 =	vperm.xlane v11, v0;
	v11 =	vsel vm3, v11, v15  }
0x15f: {  	v10 =	vadd.f32 v62, v10;
	v15 =	vsel vm3, v33, v34;
	v16 =	vadd.f32 v41, v16  }
0x160: {  	v23 =	vadd.f32 v55, v54;
	v30 =	vmul.f32 v50, v7;
	v35 =	vperm.xlane v12, v0  }
0x161: {  	v51 =	vld [tilespmem:s14+$0xEBB0];
	v12 =	vsel vm3, v12, v18;
	v15 =	vadd.f32 v15, v22;
	v21 =	vadd.f32 v49, v21  }
0x162: {  	v27 =	vadd.f32 v56, v27;
	v19 =	vadd.f32 v25, v19;
	v63 =	vsel vm3, v60, v61  }
0x163: {  	v38 =	vperm.xlane v20, v0;
	v46 =	vperm.xlane v10, v1;
	v23 =	vadd.f32 v30, v23  }
0x164: {  	v30 =	vperm.xlane v13, v0;
	v11 =	vadd.f32 v63, v11;
	v13 =	vsel vm3, v13, v17  }
0x165: {  	v14 =	vsel vm3, v35, v36;
	v37 =	vperm.xlane v16, v0;
	v39 =	vsel vm3, v16, v20  }
0x166: {  	v49 =	vperm.xlane v15, v1;
	v21 =	vadd.f32 v28, v21;
	v24 =	vmul.f32 v51, v8  }
0x167: {  	v12 =	vadd.f32 v14, v12;
	v42 =	vperm.xlane v19, v0;
	v23 =	vadd.f32 v57, v23  }
0x168: {  	v32 =	vsel vm3, v30, v31;
	v40 =	vsel vm3, v37, v38;
	v24 =	vadd.f32 v24, v27  }
0x169: {  	v47 =	vperm.xlane v11, v1;
	v10 =	vsel vm0, v10, v11;
	v41 =	vperm.xlane v21, v0  }
0x16a: {  	v13 =	vadd.f32 v32, v13;
	v44 =	vperm.xlane v23, v0;
	v43 =	vperm.xlane v24, v0  }
0x16b: {  	v14 =	vadd.f32 v40, v39;
	v19 =	vsel vm3, v21, v19;
	v50 =	vperm.xlane v12, v1  }
0x16c: {  	v17 =	vsel vm3, v41, v42;
	v45 =	vsel vm3, v24, v23;
	v16 =	vsel vm3, v43, v44  }
0x16d: {  	v11 =	vsel vm0, v46, v47;
	v17 =	vadd.f32 v17, v19;
	v16 =	vadd.f32 v16, v45  }
0x16e: {  	v48 =	vperm.xlane v13, v1;
	v13 =	vsel vm0, v13, v15;
	v51 =	vperm.xlane v14, v1  }
0x16f: {  	v10 =	vadd.f32 v11, v10;
	v52 =	vperm.xlane v17, v1;
	v53 =	vperm.xlane v16, v1  }
0x170: {  	v12 =	vsel vm0, v12, v14;
	v18 =	vsel vm0, v48, v49;
	v54 =	vsel vm0, v50, v51  }
0x171: {  	v11 =	vadd.f32 v18, v13;
	v55 =	vsel vm0, v17, v16;
	v56 =	vsel vm0, v52, v53  }
0x172: {  	v12 =	vadd.f32 v54, v12;
	v57 =	vadd.f32 v56, v55  }
0x173: {  	v58 =	vperm.xlane v10, v2;
	v59 =	vperm.xlane v11, v2  }
0x174: {  	v60 =	vperm.xlane v12, v2;
	v61 =	vperm.xlane v57, v2  }
0x175: {  	v10 =	vsel vm1, v10, v11  }
0x176: {  	v11 =	vsel vm1, v58, v59;
	v12 =	vsel vm1, v12, v57;
	v62 =	vsel vm1, v60, v61  }
0x177: {  	v10 =	vadd.f32 v11, v10;
	v11 =	vadd.f32 v62, v12;
	_ =	sdelay $0x1  }
0x178: {  	v63 =	vperm.xlane v10, v3;
	v13 =	vperm.xlane v11, v3;
	_ =	sdelay $0x1  }
0x179: {  	p1 =	sne.s32 s11, $0xC0;
	v10 =	vsel vm2, v10, v11;
	v11 =	vsel vm2, v63, v13  }
.Ltmp2:
0x17a: {  	v10 =	vadd.f32 v11, v10;
	(pc) =	sbr.rel @p1 .LBB2_7-.Ltmp2, $3  }
0x17b: {  	_ = 	snop  }
0x17c: {  	v10 =	vperm.xlane v10, v4;
	_ =	sdelay $0x1  }
0x17d: {  	s11 =	sadd.s32 $0x10, s11;
	[tilespmem:v9+s13+$0x0 ss:$0x1] =	vst.idx.msk $0xffff, v10  }
0x17e: {  	s11 =	sadd.s32 @!p0 $0x4B0, s9;
	s13 =	simm.s32 @!p0 $0x68;
	s14 =	simm.s32 @!p0 $0xE800  }
0x17f: {  	[tilespmem:s14], [sflag:$0x3] =	stream.indirect.gather @!p0 [hbm4b:s3+s13], $0x40, s11, s13, $0xb8;
	[tilespmem:$0x1B000] =	vst v63  }
0x180: {  	s9 =	sadd.s32 @!p0 $0x518, s9;
	s11 =	simm.s32 @!p0 $0x60;
	s13 =	simm.s32 @!p0 $0x10200  }
0x181: {  	[tilespmem:s13], [sflag:$0x3] =	stream.indirect.gather @!p0 [hbm4b:s3+s11], $0x40, s9, s11, $0xb8;
	[tilespmem:$0x1B000] =	vst v63  }
0x182: {  	_ =	swait.ge [sflag:s28], $0x3200  }
0x183: {  	s0 =	sshll.u32 s0, $0x6;
	[sflag:s28] =	ssyncset.done $0x0  }
0x184: {  	s0 =	sand.u32 $0x3FFFFFC0, s0;
	[sflag:s28] =	ssyncadd.s32 $0xFFFFCE00  }
0x185: {  	v5 =	vld [tilespmem:s0+$0x6400]  }
0x186: {  	v6 =	vld [tilespmem:s0+$0x6410]  }
0x187: {  	s1 =	sadd.s32 $0x14C00, s1;
	v7 =	vld [tilespmem:s0+$0x6420]  }
0x188: {  	v9 =	vmov s1;
	v8 =	vld [tilespmem:s0+$0x6430];
	s0 =	simm.s32 $0x0  }
.LBB2_9:
0x189: {  	s1 =	smin.u32 s0, $0xB8  }
0x18a: {  	s9 =	sshll.u32 s1, $0x6  }
0x18b: {  	v10 =	vld [tilespmem:s9+$0x11A00]  }
0x18c: {  	v11 =	vld [tilespmem:s9+$0x11A10]  }
0x18d: {  	v12 =	vld [tilespmem:s9+$0x11A20]  }
0x18e: {  	v13 =	vld [tilespmem:s9+$0x11A30]  }
0x18f: {  	v14 =	vld [tilespmem:s9+$0x11A40]  }
0x190: {  	v15 =	vld [tilespmem:s9+$0x11A50]  }
0x191: {  	v16 =	vld [tilespmem:s9+$0x11A60]  }
0x192: {  	v17 =	vld [tilespmem:s9+$0x11A70]  }
0x193: {  	v18 =	vld [tilespmem:s9+$0x11A80]  }
0x194: {  	v19 =	vld [tilespmem:s9+$0x11A90]  }
0x195: {  	v20 =	vld [tilespmem:s9+$0x11AA0]  }
0x196: {  	v21 =	vld [tilespmem:s9+$0x11AB0]  }
0x197: {  	v22 =	vld [tilespmem:s9+$0x11AC0]  }
0x198: {  	v23 =	vld [tilespmem:s9+$0x11AD0]  }
0x199: {  	v24 =	vld [tilespmem:s9+$0x11AE0]  }
0x19a: {  	v25 =	vld [tilespmem:s9+$0x11AF0]  }
0x19b: {  	v26 =	vld [tilespmem:s9+$0x11B00]  }
0x19c: {  	v27 =	vld [tilespmem:s9+$0x11B10]  }
0x19d: {  	v28 =	vld [tilespmem:s9+$0x11B20]  }
0x19e: {  	v29 =	vld [tilespmem:s9+$0x11B30]  }
0x19f: {  	v30 =	vld [tilespmem:s9+$0x11B40]  }
0x1a0: {  	v31 =	vld [tilespmem:s9+$0x11B50]  }
0x1a1: {  	v32 =	vld [tilespmem:s9+$0x11B60]  }
0x1a2: {  	v33 =	vld [tilespmem:s9+$0x11B70]  }
0x1a3: {  	v34 =	vld [tilespmem:s9+$0x11B80]  }
0x1a4: {  	v35 =	vld [tilespmem:s9+$0x11B90]  }
0x1a5: {  	v36 =	vld [tilespmem:s9+$0x11BA0];
	v10 =	vmul.f32 v10, v5;
	v11 =	vmul.f32 v11, v6  }
0x1a6: {  	v37 =	vld [tilespmem:s9+$0x11BB0];
	v14 =	vmul.f32 v14, v5;
	v15 =	vmul.f32 v15, v6  }
0x1a7: {  	v38 =	vld [tilespmem:s9+$0x11BC0];
	v45 =	vmul.f32 v16, v7;
	v46 =	vmul.f32 v19, v6  }
0x1a8: {  	v39 =	vld [tilespmem:s9+$0x11BD0];
	v47 =	vmul.f32 v22, v5;
	v48 =	vmul.f32 v23, v6  }
0x1a9: {  	v40 =	vld [tilespmem:s9+$0x11BE0];
	v13 =	vmul.f32 v13, v8;
	v49 =	vmul.f32 v20, v7  }
0x1aa: {  	v41 =	vld [tilespmem:s9+$0x11BF0];
	v17 =	vmul.f32 v17, v8;
	v50 =	vmul.f32 v24, v7  }
0x1ab: {  	v42 =	vld [tilespmem:s9+$0x11C00];
	v51 =	vmul.f32 v21, v8;
	v52 =	vmul.f32 v25, v8  }
0x1ac: {  	v63 =	vld [tilespmem:s9+$0x11CD0];
	v53 =	vmul.f32 v26, v5;
	v54 =	vmul.f32 v27, v6  }
0x1ad: {  	v44 =	vld [tilespmem:s9+$0x11CE0];
	v55 =	vmul.f32 v30, v5;
	v56 =	vmul.f32 v31, v6  }
0x1ae: {  	v16 =	vld [tilespmem:s9+$0x11C20];
	v57 =	vmul.f32 v28, v7;
	v58 =	vmul.f32 v29, v8  }
0x1af: {  	v19 =	vld [tilespmem:s9+$0x11C30];
	v59 =	vmul.f32 v32, v7;
	v60 =	vmul.f32 v33, v8  }
0x1b0: {  	v23 =	vld [tilespmem:s9+$0x11C40];
	v61 =	vmul.f32 v34, v5;
	v62 =	vmul.f32 v35, v6  }
0x1b1: {  	v20 =	vld [tilespmem:s9+$0x11C50];
	v38 =	vmul.f32 v38, v5;
	v43 =	vmul.f32 v39, v6  }
0x1b2: {  	v24 =	vld [tilespmem:s9+$0x11C60];
	v37 =	vmul.f32 v37, v8;
	v10 =	vadd.f32 v11, v10;
	v14 =	vadd.f32 v15, v14  }
0x1b3: {  	v31 =	vld [tilespmem:s9+$0x11CC0];
	v11 =	vmul.f32 v12, v7;
	v15 =	vadd.f32 v48, v47;
	v22 =	vadd.f32 v62, v61  }
0x1b4: {  	v27 =	vld [tilespmem:s9+$0x11CA0];
	v26 =	vadd.f32 v43, v38;
	v47 =	vmul.f32 v40, v7;
	v62 =	vmul.f32 v63, v6  }
0x1b5: {  	v28 =	vld [tilespmem:s9+$0x11D30];
	v43 =	vmul.f32 v44, v7;
	v10 =	vadd.f32 v11, v10;
	v11 =	vmul.f32 v18, v5  }
0x1b6: {  	v21 =	vld [tilespmem:s9+$0x11C80];
	v14 =	vadd.f32 v45, v14;
	v15 =	vadd.f32 v50, v15;
	v45 =	vmul.f32 v36, v7  }
0x1b7: {  	v29 =	vld [tilespmem:s9+$0x11CB0];
	v26 =	vadd.f32 v47, v26;
	v23 =	vmul.f32 v23, v5;
	v20 =	vmul.f32 v20, v6  }
0x1b8: {  	v12 =	vld [tilespmem:s9+$0x11C10];
	v16 =	vmul.f32 v16, v7;
	v61 =	vmul.f32 v31, v5;
	v11 =	vadd.f32 v46, v11  }
0x1b9: {  	v48 =	vld [tilespmem:s9+$0x11D00];
	v40 =	vmul.f32 v27, v7;
	v10 =	vadd.f32 v13, v10;
	v14 =	vadd.f32 v17, v14  }
0x1ba: {  	v25 =	vld [tilespmem:s9+$0x11C90];
	v28 =	vmul.f32 v28, v8;
	v15 =	vadd.f32 v52, v15;
	v13 =	vadd.f32 v54, v53  }
0x1bb: {  	v63 =	vld [tilespmem:s9+$0x11D80];
	v17 =	vadd.f32 v56, v55;
	v52 =	vmul.f32 v41, v8;
	v53 =	vmul.f32 v24, v7  }
0x1bc: {  	v18 =	vld [tilespmem:s9+$0x11C70];
	v22 =	vadd.f32 v45, v22;
	v55 =	vmul.f32 v19, v8;
	v41 =	vmul.f32 v29, v8  }
0x1bd: {  	v50 =	vld [tilespmem:s9+$0x11D10];
	v12 =	vmul.f32 v12, v6;
	v20 =	vadd.f32 v20, v23;
	v11 =	vadd.f32 v49, v11  }
0x1be: {  	v46 =	vld [tilespmem:s9+$0x11CF0];
	v45 =	vmul.f32 v48, v5;
	v13 =	vadd.f32 v57, v13;
	v17 =	vadd.f32 v59, v17  }
0x1bf: {  	v54 =	vld [tilespmem:s9+$0x11D40];
	v49 =	vmul.f32 v42, v5;
	v22 =	vadd.f32 v37, v22;
	v26 =	vadd.f32 v52, v26  }
0x1c0: {  	v56 =	vld [tilespmem:s9+$0x11D50];
	v59 =	vmul.f32 v25, v6;
	v52 =	vmul.f32 v63, v5;
	v20 =	vadd.f32 v53, v20  }
0x1c1: {  	v44 =	vld [tilespmem:s9+$0x11DC0];
	v18 =	vmul.f32 v18, v8;
	v11 =	vadd.f32 v51, v11;
	v13 =	vadd.f32 v58, v13  }
0x1c2: {  	v48 =	vld [tilespmem:s9+$0x11DA0];
	v17 =	vadd.f32 v60, v17;
	v12 =	vadd.f32 v12, v49;
	v58 =	vmul.f32 v21, v5  }
0x1c3: {  	v33 =	vperm.xlane v22, v0;
	v34 =	vperm.xlane v26, v0;
	v22 =	vsel vm3, v22, v26  }
0x1c4: {  	v57 =	vld [tilespmem:s9+$0x11D60];
	v18 =	vadd.f32 v18, v20;
	v32 =	vmul.f32 v46, v8;
	v46 =	vmul.f32 v50, v6  }
0x1c5: {  	v42 =	vld [tilespmem:s9+$0x11D90];
	v20 =	vadd.f32 v62, v61;
	v24 =	vmul.f32 v54, v5;
	v19 =	vmul.f32 v56, v6  }
0x1c6: {  	v47 =	vld [tilespmem:s9+$0x11DD0];
	v54 =	vmul.f32 v44, v5;
	v61 =	vperm.xlane v15, v0;
	v12 =	vadd.f32 v16, v12  }
0x1c7: {  	v53 =	vld [tilespmem:s9+$0x11DF0];
	v16 =	vadd.f32 v59, v58;
	v56 =	vmul.f32 v48, v7;
	v58 =	vperm.xlane v10, v0  }
0x1c8: {  	v51 =	vld [tilespmem:s9+$0x11D20];
	v59 =	vperm.xlane v14, v0;
	v10 =	vsel vm3, v10, v14;
	v31 =	vperm.xlane v17, v0  }
0x1c9: {  	v60 =	vld [tilespmem:s9+$0x11D70];
	v20 =	vadd.f32 v43, v20;
	v21 =	vadd.f32 v46, v45;
	v23 =	vmul.f32 v57, v7  }
0x1ca: {  	v19 =	vadd.f32 v19, v24;
	v29 =	vmul.f32 v42, v6;
	v36 =	vperm.xlane v18, v0  }
0x1cb: {  	v50 =	vld [tilespmem:s9+$0x11DE0];
	v12 =	vadd.f32 v55, v12;
	v16 =	vadd.f32 v40, v16;
	v55 =	vmul.f32 v47, v6  }
0x1cc: {  	v57 =	vmul.f32 v53, v8;
	v62 =	vsel vm3, v58, v59;
	v20 =	vadd.f32 v32, v20  }
0x1cd: {  	v49 =	vmul.f32 v51, v7;
	v19 =	vadd.f32 v23, v19;
	v27 =	vadd.f32 v29, v52  }
0x1ce: {  	v25 =	vmul.f32 v60, v8;
	v60 =	vperm.xlane v11, v0;
	v11 =	vsel vm3, v11, v15  }
0x1cf: {  	v10 =	vadd.f32 v62, v10;
	v15 =	vsel vm3, v33, v34;
	v16 =	vadd.f32 v41, v16  }
0x1d0: {  	v23 =	vadd.f32 v55, v54;
	v30 =	vmul.f32 v50, v7;
	v35 =	vperm.xlane v12, v0  }
0x1d1: {  	v51 =	vld [tilespmem:s9+$0x11DB0];
	v12 =	vsel vm3, v12, v18;
	v15 =	vadd.f32 v15, v22;
	v21 =	vadd.f32 v49, v21  }
0x1d2: {  	v27 =	vadd.f32 v56, v27;
	v19 =	vadd.f32 v25, v19;
	v63 =	vsel vm3, v60, v61  }
0x1d3: {  	v38 =	vperm.xlane v20, v0;
	v46 =	vperm.xlane v10, v1;
	v23 =	vadd.f32 v30, v23  }
0x1d4: {  	v30 =	vperm.xlane v13, v0;
	v11 =	vadd.f32 v63, v11;
	v13 =	vsel vm3, v13, v17  }
0x1d5: {  	v14 =	vsel vm3, v35, v36;
	v37 =	vperm.xlane v16, v0;
	v39 =	vsel vm3, v16, v20  }
0x1d6: {  	v49 =	vperm.xlane v15, v1;
	v21 =	vadd.f32 v28, v21;
	v24 =	vmul.f32 v51, v8  }
0x1d7: {  	v12 =	vadd.f32 v14, v12;
	v42 =	vperm.xlane v19, v0;
	v23 =	vadd.f32 v57, v23  }
0x1d8: {  	v32 =	vsel vm3, v30, v31;
	v40 =	vsel vm3, v37, v38;
	v24 =	vadd.f32 v24, v27  }
0x1d9: {  	v47 =	vperm.xlane v11, v1;
	v10 =	vsel vm0, v10, v11;
	v41 =	vperm.xlane v21, v0  }
0x1da: {  	v13 =	vadd.f32 v32, v13;
	v44 =	vperm.xlane v23, v0;
	v43 =	vperm.xlane v24, v0  }
0x1db: {  	v14 =	vadd.f32 v40, v39;
	v19 =	vsel vm3, v21, v19;
	v50 =	vperm.xlane v12, v1  }
0x1dc: {  	v17 =	vsel vm3, v41, v42;
	v45 =	vsel vm3, v24, v23;
	v16 =	vsel vm3, v43, v44  }
0x1dd: {  	v11 =	vsel vm0, v46, v47;
	v17 =	vadd.f32 v17, v19;
	v16 =	vadd.f32 v16, v45  }
0x1de: {  	v48 =	vperm.xlane v13, v1;
	v13 =	vsel vm0, v13, v15;
	v51 =	vperm.xlane v14, v1  }
0x1df: {  	v10 =	vadd.f32 v11, v10;
	v52 =	vperm.xlane v17, v1;
	v53 =	vperm.xlane v16, v1  }
0x1e0: {  	v12 =	vsel vm0, v12, v14;
	v18 =	vsel vm0, v48, v49;
	v54 =	vsel vm0, v50, v51  }
0x1e1: {  	v11 =	vadd.f32 v18, v13;
	v55 =	vsel vm0, v17, v16;
	v56 =	vsel vm0, v52, v53  }
0x1e2: {  	v12 =	vadd.f32 v54, v12;
	v57 =	vadd.f32 v56, v55  }
0x1e3: {  	v58 =	vperm.xlane v10, v2;
	v59 =	vperm.xlane v11, v2  }
0x1e4: {  	v60 =	vperm.xlane v12, v2;
	v61 =	vperm.xlane v57, v2  }
0x1e5: {  	v10 =	vsel vm1, v10, v11  }
0x1e6: {  	v11 =	vsel vm1, v58, v59;
	v12 =	vsel vm1, v12, v57;
	v62 =	vsel vm1, v60, v61  }
0x1e7: {  	v10 =	vadd.f32 v11, v10;
	v11 =	vadd.f32 v62, v12;
	_ =	sdelay $0x1  }
0x1e8: {  	v63 =	vperm.xlane v10, v3;
	v13 =	vperm.xlane v11, v3;
	_ =	sdelay $0x1  }
0x1e9: {  	p0 =	sne.s32 s0, $0xC0;
	v10 =	vsel vm2, v10, v11;
	v11 =	vsel vm2, v63, v13  }
.Ltmp3:
0x1ea: {  	v10 =	vadd.f32 v11, v10;
	(pc) =	sbr.rel @p0 .LBB2_9-.Ltmp3, $3  }
0x1eb: {  	_ = 	snop  }
0x1ec: {  	v10 =	vperm.xlane v10, v4;
	_ =	sdelay $0x1  }
0x1ed: {  	s0 =	sadd.s32 $0x10, s0;
	[tilespmem:v9+s1+$0x0 ss:$0x1] =	vst.idx.msk $0xffff, v10  }
0x1ee: {  	s31 =	sadd.s32 $0x1, s31  }
0x1ef: {  	p0 =	sne.s32 s31, $0x20  }
.Ltmp4:
0x1f0: {  	_ = 	snop;
	(pc) =	sbr.rel @p0 .LBB2_2-.Ltmp4, $1  }
0x1f1: {  	_ =	sdelay $0x3  }
0x1f2: {  	s30 =	sadd.s32 $0x1, s30  }
0x1f3: {  	p0 =	sne.s32 s30, s7  }
.Ltmp5:
0x1f4: {  	_ = 	snop;
	(pc) =	sbr.rel @p0 .LBB2_1-.Ltmp5, $4  }
0x1f5: {  	[hbm4b:s6+s2] =	stream.linear.scatter [tilespmem:s29], [sflag:$0x5], $0x6400, $0x38;
	[tilespmem:$0x1B000] =	vst v63  }
0x1f6: {  	_ =	swait.ge [sflag:s8], $0x6400  }
0x1f7: {  	[sflag:s8] =	ssyncset.done $0x0  }
0x1f8: {  	[sflag:s8] =	ssyncadd.s32 $0xFFFF9C00  }
0x1f9: {  	_ =	sfence.sel $0x180000  }
0x1fa: {  	[bflag:$0x0] =	sbarrier.arrive $0xFFFF  }
0x1fb: {  	_ =	strace $0x90000047  }
0x1fc: {  	s0 =	stileid.u32;
	[bflag:$0x2] =	sbarrier.arrive $0xFFFF  }
0x1fd: {  	p0 =	sne.s32 s0, $0x0;
	s0 =	rddreg [dreg:$0x2]  }
0x1fe: {  	s0 =	sadd.s32 @!p0 $0x100000, s0  }
0x1ff: {  	[sflag:s0] =	ssyncadd.tile.s32 @!p0 $0x1;
	_ =	shalt  }
.Lfunc_end2:
_tile_overlayer_lowered:
.L_overlay_start_2:
0x200: {  	(tag) =	ssettag $0x2  }
0x201: {  	s0 =	rddreg [dreg:$0x0];
	s2 =	stileid.u32  }
0x202: {  	s1 =	rddreg [dreg:$0x1];
	p0 =	sne.s32 s2, $0x0  }
0x203: {  	s3 =	rddreg [dreg:$0x2];
	[bflag:$0x3] =	sbarrier.arrive $0xFFFF;
	s2 =	simm.s32 @!p0 $0x1C05  }
0x204: {  	[timem:s3], [sflag:s2] =	dma.local @!p0 [hbm:s0], s1  }
0x205: {  	s0 =	simm.s32 @!p0 $0x5  }
0x206: {  	_ =	swait.ge @!p0 [sflag:s0], s1  }
0x207: {  	s1 =	ssub.s32 @!p0 $0x0, s1;
	[sflag:s0] =	ssyncset.done @!p0 $0x0  }
0x208: {  	[sflag:s0] =	ssyncadd.s32 @!p0 s1  }
0x209: {  	[bflag:$0x3] =	sbarrier.arrive $0xFFFF  }
0x20a: {  	_ =	shalt  }

</sc_bundles>
